<compile_context>
chip_gen: v7x
topology: tpu7x:2x2x1
jax: 0.10.2.dev20260603
libtpu: 0.0.44.dev20260713+nightly
codegen_flags: <defaults>
</compile_context>

<pallas_src>
import functools

import jax
import jax.numpy as jnp
from jax import lax
from jax.experimental import pallas as pl
from jax.experimental.pallas import tpu as pltpu
from jax.experimental.pallas import tpu_sc as plsc

N = 50000
E = 1600000
F = 32
NC = 2
NS = 16
NW = NC * NS
C = 640
CHUNKS = E // C
NBLK = N // C
NTAIL = N - NBLK * C


def _lk(v, s):
    return jnp.maximum(v, s * v)



def _ee_body(eat_ref, em1t_ref, v_ref, out_ref):
    eat = eat_ref[...]
    dn_c0 = (((1,), (0,)), ((), ()))
    for l in range(3):
        t = _lk(lax.dot_general(em1t_ref[l], eat, dn_c0,
                                preferred_element_type=jnp.float32,
                                precision=lax.Precision.HIGHEST), 0.01)
        out_ref[l:l + 1, :] = lax.dot_general(v_ref[l], t, dn_c0,
                                              preferred_element_type=jnp.float32,
                                              precision=lax.Precision.HIGHEST)


def _edge_bias(edge_attr_t, em1ts, vs):
    BE = 12800
    return pl.pallas_call(
        _ee_body,
        grid=(E // BE,),
        in_specs=[
            pl.BlockSpec((8, BE), lambda i: (0, i)),
            pl.BlockSpec((3, 6, 8), lambda i: (0, 0, 0)),
            pl.BlockSpec((3, 1, 6), lambda i: (0, 0, 0)),
        ],
        out_specs=pl.BlockSpec((3, BE), lambda i: (0, i)),
        out_shape=jax.ShapeDtypeStruct((3, E), jnp.float32),
    )(edge_attr_t, em1ts, vs)


def _prep_body(x_ref, w_ref, a2_ref, h_ref, sd_ref):
    h = jnp.dot(x_ref[...], w_ref[...], preferred_element_type=jnp.float32, precision=lax.Precision.HIGHEST)
    h_ref[...] = h
    sd_ref[...] = jnp.dot(h, a2_ref[...], preferred_element_type=jnp.float32, precision=lax.Precision.HIGHEST)


def _prep(x2, W, asrc, adst):
    a2 = jnp.stack([asrc, adst], axis=1)
    BN = 5000
    return pl.pallas_call(
        _prep_body,
        grid=(N // BN,),
        in_specs=[
            pl.BlockSpec((BN, F), lambda i: (i, 0)),
            pl.BlockSpec((F, F), lambda i: (0, 0)),
            pl.BlockSpec((F, 2), lambda i: (0, 0)),
        ],
        out_specs=[
            pl.BlockSpec((BN, F), lambda i: (i, 0)),
            pl.BlockSpec((BN, 2), lambda i: (i, 0)),
        ],
        out_shape=[
            jax.ShapeDtypeStruct((N, F), jnp.float32),
            jax.ShapeDtypeStruct((N, 2), jnp.float32),
        ],
    )(x2, W, a2)


def _post_body(acc_ref, den_ref, b_ref, x_ref, out_ref):
    r = 1.0 / (jnp.sum(den_ref[...], axis=1, keepdims=True) + 1e-16)
    o = (acc_ref[0] + acc_ref[1]) * r + b_ref[...]
    o = jnp.where(o > 0, o, jnp.exp(jnp.minimum(o, 0.0)) - 1.0)
    out_ref[...] = x_ref[...] + o


def _post(acc, den, b, x2):
    BN = 5000
    denT = den.T
    return pl.pallas_call(
        _post_body,
        grid=(N // BN,),
        in_specs=[
            pl.BlockSpec((NC, BN, F), lambda i: (0, i, 0)),
            pl.BlockSpec((BN, 2), lambda i: (i, 0)),
            pl.BlockSpec((1, F), lambda i: (0, 0)),
            pl.BlockSpec((BN, F), lambda i: (i, 0)),
        ],
        out_specs=pl.BlockSpec((BN, F), lambda i: (i, 0)),
        out_shape=jax.ShapeDtypeStruct((N, F), jnp.float32),
    )(acc, denT, b.reshape(1, F), x2)



def _sc_body(ei_hbm, ee_hbm, s_hbm, d_hbm, h_hbm,
             acc_out, den_out,
             acc_sp, den_sp,
             sidx, didx, eev, sv, dv, exv, rows, sem_a, sem_b):
    c = lax.axis_index("c")
    s_ = lax.axis_index("s")
    w = s_ * NC + c

    z16 = jnp.zeros((16,), jnp.float32)

    def _zrow(i, _):
        rows[i, pl.ds(0, 16)] = z16
        rows[i, pl.ds(16, 16)] = z16
        return 0
    lax.fori_loop(0, C, _zrow, 0)

    def _zvec(i, _):
        exv[pl.ds(i * 16, 16)] = z16
        return 0
    lax.fori_loop(0, C // 16, _zvec, 0)

    nblk = (NBLK - 1 - s_) // NS + 1

    def _zb(i, _):
        b = (s_ + i * NS) * C
        pltpu.sync_copy(rows, acc_sp.at[pl.ds(b, C)])
        pltpu.sync_copy(exv, den_sp.at[pl.ds(b, C)])
        return 0
    lax.fori_loop(0, nblk, _zb, 0)

    @pl.when(s_ == 1)
    def _():
        pltpu.sync_copy(rows.at[pl.ds(0, NTAIL)], acc_sp.at[pl.ds(NBLK * C, NTAIL)])
        pltpu.sync_copy(exv.at[pl.ds(0, NTAIL)], den_sp.at[pl.ds(NBLK * C, NTAIL)])

    plsc.subcore_barrier()

    def _chunk(t):
        base = t * C
        ca = pltpu.async_copy(ei_hbm.at[0, pl.ds(base, C)], sidx, sem_a)
        cb = pltpu.async_copy(ei_hbm.at[1, pl.ds(base, C)], didx, sem_a)
        cc = pltpu.async_copy(ee_hbm.at[pl.ds(base, C)], eev, sem_a)
        ca.wait()
        cb.wait()
        cc.wait()
        ch = pltpu.async_copy(h_hbm.at[sidx], rows, sem_b)
        cs = pltpu.async_copy(s_hbm.at[sidx], sv, sem_a)
        cd = pltpu.async_copy(d_hbm.at[didx], dv, sem_a)
        cs.wait()
        cd.wait()

        def _ex(v, _):
            ix = pl.ds(v * 16, 16)
            a = sv[ix] + dv[ix] + eev[ix]
            exv[ix] = jnp.exp(_lk(a, 0.2))
            return 0
        lax.fori_loop(0, C // 16, _ex, 0)

        ch.wait()
        iota = lax.iota(jnp.int32, 16)

        def _scale(g, _):
            erow = iota + g * 16
            ex16 = exv[pl.ds(g * 16, 16)]
            for j in range(F):
                cj = jnp.full((16,), j, jnp.int32)
                v = plsc.load_gather(rows, [erow, cj])
                plsc.store_scatter(rows, [erow, cj], v * ex16)
            return 0
        lax.fori_loop(0, C // 16, _scale, 0)

        cda = pltpu.async_copy(exv, den_sp.at[didx], sem_a, add=True)
        caa = pltpu.async_copy(rows, acc_sp.at[didx], sem_b, add=True)
        cda.wait()
        caa.wait()

    nchunks = (CHUNKS - 1 - w) // NW + 1

    def _loop(k, _):
        _chunk(w + k * NW)
        return 0
    lax.fori_loop(0, nchunks, _loop, 0)

    plsc.subcore_barrier()

    def _wb(i, _):
        b = (s_ + i * NS) * C
        pltpu.sync_copy(acc_sp.at[pl.ds(b, C)], acc_out.at[c, pl.ds(b, C)])
        pltpu.sync_copy(den_sp.at[pl.ds(b, C)], den_out.at[c, pl.ds(b, C)])
        return 0
    lax.fori_loop(0, nblk, _wb, 0)

    @pl.when(s_ == 1)
    def _():
        pltpu.sync_copy(acc_sp.at[pl.ds(NBLK * C, NTAIL)],
                        acc_out.at[c, pl.ds(NBLK * C, NTAIL)])
        pltpu.sync_copy(den_sp.at[pl.ds(NBLK * C, NTAIL)],
                        den_out.at[c, pl.ds(NBLK * C, NTAIL)])


@functools.partial(
    pl.kernel,
    out_type=[
        jax.ShapeDtypeStruct((NC, N, F), jnp.float32),
        jax.ShapeDtypeStruct((NC, N), jnp.float32),
    ],
    mesh=plsc.VectorSubcoreMesh(core_axis_name="c", subcore_axis_name="s"),
    compiler_params=pltpu.CompilerParams(use_tc_tiling_on_sc=False,
                                         needs_layout_passes=False),
    scratch_types=[
        pltpu.VMEM_SHARED((N, F), jnp.float32),
        pltpu.VMEM_SHARED((N,), jnp.float32),
        pltpu.VMEM((C,), jnp.int32),
        pltpu.VMEM((C,), jnp.int32),
        pltpu.VMEM((C,), jnp.float32),
        pltpu.VMEM((C,), jnp.float32),
        pltpu.VMEM((C,), jnp.float32),
        pltpu.VMEM((C,), jnp.float32),
        pltpu.VMEM((C, F), jnp.float32),
        pltpu.SemaphoreType.DMA,
        pltpu.SemaphoreType.DMA,
    ],
)
def _sc_edges(ei, ee, s, d, h, acc_out, den_out, *scratch):
    _sc_body(ei, ee, s, d, h, acc_out, den_out, *scratch)



def kernel(x, edge_index, edge_attr, params):
    ei = edge_index.astype(jnp.int32)

    em1ts = jnp.stack([p[0].T for p in params], 0)
    vs = jnp.stack([(p[1] @ p[6] @ p[5]).reshape(1, 6) for p in params], 0)
    ee_all = _edge_bias(edge_attr.T, em1ts, vs)

    xs = []
    for i in range(x.shape[0]):
        x2 = x[i]
        for l, p in enumerate(params):
            _, _, W, asrc, adst, _, _, b = p
            h, sd = _prep(x2, W, asrc, adst)
            s = sd[:, 0]
            d = sd[:, 1]
            ee = ee_all[l]
            acc, den = _sc_edges(ei, ee, s, d, h)
            x2 = _post(acc, den, b, x2)
        xs.append(x2)
    return jnp.stack(xs, 0)

# --- scband reference (transcript-rebuilt; emitter-appended) ---
"""Pipeline reference for scband-aspp-stgat-88184268521807 (READ-ONLY COPY).

The authoritative reference and input builder live on the scoring server;
editing this copy changes nothing except your own understanding.
"""

import jax, jax.numpy as jnp
import numpy as np

N = 50000
E = 1600000
F = 32
EF = 8
EH = 6
T = 1
L = 3

def _leaky(v, s):
    return jnp.where(v >= 0, v, s * v)

def _gat(h_in, src, dst, e, W, asrc, adst, aedge, leW, b):
    # PyG GATConv (heads=1, concat=False, edge_dim=EH): edge features enter attention only
    h = h_in @ W
    eh = e @ leW
    alpha = (h @ asrc)[src] + (h @ adst)[dst] + eh @ aedge
    alpha = _leaky(alpha, 0.2)
    m = jax.ops.segment_max(alpha, dst, num_segments=N)
    m = jnp.where(jnp.isfinite(m), m, 0.0)
    ex = jnp.exp(alpha - m[dst])
    den = jax.ops.segment_sum(ex, dst, num_segments=N)
    att = ex / (den[dst] + 1e-16)
    return jax.ops.segment_sum(h[src] * att[:, None], dst, num_segments=N) + b

def _spatio(x, src, dst, edge_attr, em1, em2, W, asrc, adst, aedge, leW, b):
    # edge_mlp: Linear(8,6,bias=False) -> LeakyReLU(0.01) -> Linear(6,6,bias=False)
    e = _leaky(edge_attr @ em1, 0.01) @ em2
    outs = [jax.nn.elu(_gat(x[i], src, dst, e, W, asrc, adst, aedge, leW, b)) for i in range(x.shape[0])]
    return jnp.stack(outs, 0)  # dropout p=0.5 is identity in eval mode

def setup_inputs(seed: int = 0):
    key = jax.random.key(seed)
    ks = jax.random.split(key, 3 + 8 * L)
    x = jax.random.normal(ks[0], (T, N, F), jnp.float32)
    edge_index = jax.random.randint(ks[1], (2, E), 0, N).astype(jnp.int64)
    edge_attr = jax.random.normal(ks[2], (E, EF), jnp.float32)
    params = []
    for i in range(L):
        kk = ks[3 + 8 * i:3 + 8 * (i + 1)]
        params.append([
            jax.random.normal(kk[0], (EF, EH), jnp.float32) * 0.3,
            jax.random.normal(kk[1], (EH, EH), jnp.float32) * 0.3,
            jax.random.normal(kk[2], (F, F), jnp.float32) * 0.1,
            jax.random.normal(kk[3], (F,), jnp.float32) * 0.1,
            jax.random.normal(kk[4], (F,), jnp.float32) * 0.1,
            jax.random.normal(kk[5], (F,), jnp.float32) * 0.1,
            jax.random.normal(kk[6], (EH, F), jnp.float32) * 0.1,
            jnp.zeros((F,), jnp.float32),
        ])
    return {"x": x, "edge_index": edge_index, "edge_attr": edge_attr, "params": params}

def reference(x, edge_index, edge_attr, params):
    src = edge_index[0]
    dst = edge_index[1]
    for p in params:
        x = x + _spatio(x, src, dst, edge_attr, *p)
    return x

if __name__ == "__main__":
    import jax
    _d = setup_inputs()
    print(jax.jit(kernel)(*tuple(_d.values())))

</pallas_src>

<mosaic_0001>
#map = affine_map<(d0, d1) -> (0, 0)>
#map1 = affine_map<(d0, d1) -> (0)>
#map2 = affine_map<(d0, d1) -> (0, 0, 0)>
module attributes {stable_mosaic.version = 14 : i64} {
  func.func @_sc_edges(%arg0: i32, %arg1: i32, %arg2: memref<2x1600000xi32, #tpu.memory_space<hbm>>, %arg3: memref<1600000xf32, #tpu.memory_space<hbm>>, %arg4: memref<50000xf32, #tpu.memory_space<hbm>>, %arg5: memref<50000xf32, #tpu.memory_space<hbm>>, %arg6: memref<50000x32xf32, #tpu.memory_space<hbm>>, %arg7: memref<2x50000x32xf32, #tpu.memory_space<hbm>>, %arg8: memref<2x50000xf32, #tpu.memory_space<hbm>>, %arg9: memref<50000x32xf32, #tpu.memory_space<vmem_shared>>, %arg10: memref<50000xf32, #tpu.memory_space<vmem_shared>>, %arg11: memref<640xi32, #tpu.memory_space<vmem>>, %arg12: memref<640xi32, #tpu.memory_space<vmem>>, %arg13: memref<640xf32, #tpu.memory_space<vmem>>, %arg14: memref<640xf32, #tpu.memory_space<vmem>>, %arg15: memref<640xf32, #tpu.memory_space<vmem>>, %arg16: memref<640xf32, #tpu.memory_space<vmem>>, %arg17: memref<640x32xf32, #tpu.memory_space<vmem>>, %arg18: memref<!tpu.dma_semaphore, #tpu.memory_space<semaphore_mem>>, %arg19: memref<!tpu.dma_semaphore, #tpu.memory_space<semaphore_mem>>) attributes {dimension_semantics = [#tpu.dimension_semantics<core_parallel>, #tpu.dimension_semantics<subcore_parallel>], iteration_bounds = array<i64: 2, 16>, scalar_prefetch = 0 : i64, scratch_operands = 11 : i64, tpu.core_type = #tpu.core_type<sc_vector_subcore>, window_params = [{transform_indices = #map}, {transform_indices = #map1}, {transform_indices = #map1}, {transform_indices = #map1}, {transform_indices = #map}, {transform_indices = #map2}, {transform_indices = #map}]} {
    %mul3A = arith.constant 2 : i32
    %mul3A_0 = arith.muli %arg1, %mul3A : i32
    %add3A = arith.addi %mul3A_0, %arg0 : i32
    %broadcast_in_dim3A = arith.constant 0.000000e+00 : f32
    %broadcast_in_dim3A_1 = vector.broadcast %broadcast_in_dim3A : f32 to vector<16xf32>
    %scan3A = arith.constant 0 : i32
    %scan3A_2 = arith.constant 0 : i32
    %scan3A_3 = arith.constant 640 : i32
    %scan3A_4 = arith.addi %scan3A_2, %scan3A_3 : i32
    %scan3A_5 = arith.constant 1 : i32
    %scan3A_6 = scf.for %scan3A_106 = %scan3A_2 to %scan3A_4 step %scan3A_5 iter_args(%scan3A_107 = %scan3A) -> (i32)  : i32 {
      %swap3A = arith.index_cast %scan3A_106 : i32 to index
      %swap3A_108 = arith.constant 0 : index
      %swap3A_109 = tpu.vector_load %arg17[%swap3A, %swap3A_108] {strides = array<i32>} : memref<640x32xf32, #tpu.memory_space<vmem>>, vector<16xf32>,
      tpu.vector_store %arg17[%swap3A, %swap3A_108], %broadcast_in_dim3A_1 {strides = array<i32>} : memref<640x32xf32, #tpu.memory_space<vmem>>, vector<16xf32>,
      %swap3A_110 = arith.index_cast %scan3A_106 : i32 to index
      %swap3A_111 = arith.constant 16 : index
      %swap3A_112 = tpu.vector_load %arg17[%swap3A_110, %swap3A_111] {strides = array<i32>} : memref<640x32xf32, #tpu.memory_space<vmem>>, vector<16xf32>,
      tpu.vector_store %arg17[%swap3A_110, %swap3A_111], %broadcast_in_dim3A_1 {strides = array<i32>} : memref<640x32xf32, #tpu.memory_space<vmem>>, vector<16xf32>,
      %scan3A_113 = arith.constant 0 : i32
      scf.yield %scan3A_113 : i32
    }
    %scan3A_7 = arith.constant 640 : i32
    %scan3A_8 = arith.constant 0 : i32
    %scan3A_9 = arith.constant 0 : i32
    %scan3A_10 = arith.constant 40 : i32
    %scan3A_11 = arith.addi %scan3A_9, %scan3A_10 : i32
    %scan3A_12 = arith.constant 1 : i32
    %scan3A_13 = scf.for %scan3A_106 = %scan3A_9 to %scan3A_11 step %scan3A_12 iter_args(%scan3A_107 = %scan3A_8) -> (i32)  : i32 {
      %mul3A_108 = arith.constant 16 : i32
      %mul3A_109 = arith.muli %scan3A_106, %mul3A_108 : i32
      %swap3A = arith.index_cast %mul3A_109 : i32 to index
      %swap3A_110 = tpu.vector_load %arg16[%swap3A] {strides = array<i32>} : memref<640xf32, #tpu.memory_space<vmem>>, vector<16xf32>,
      tpu.vector_store %arg16[%swap3A], %broadcast_in_dim3A_1 {strides = array<i32>} : memref<640xf32, #tpu.memory_space<vmem>>, vector<16xf32>,
      %scan3A_111 = arith.constant 0 : i32
      scf.yield %scan3A_111 : i32
    }
    %scan3A_14 = arith.constant 40 : i32
    %sub3A = arith.constant 77 : i32
    %sub3A_15 = arith.subi %sub3A, %arg1 : i32
    %jit3A = arith.constant 16 : i32
    %div3A = arith.divsi %sub3A_15, %jit3A : i32
    %sign3A = arith.constant 0 : i32
    %sign3A_16 = arith.cmpi sgt, %sub3A_15, %sign3A : i32
    %sign3A_17 = arith.extui %sign3A_16 : i1 to i32
    %sign3A_18 = arith.constant 0 : i32
    %sign3A_19 = arith.cmpi slt, %sub3A_15, %sign3A_18 : i32
    %sign3A_20 = arith.extui %sign3A_19 : i1 to i32
    %sign3A_21 = arith.subi %sign3A_17, %sign3A_20 : i32
    %sign3A_22 = arith.constant 0 : i32
    %sign3A_23 = arith.cmpi sgt, %jit3A, %sign3A_22 : i32
    %sign3A_24 = arith.extui %sign3A_23 : i1 to i32
    %sign3A_25 = arith.constant 0 : i32
    %sign3A_26 = arith.cmpi slt, %jit3A, %sign3A_25 : i32
    %sign3A_27 = arith.extui %sign3A_26 : i1 to i32
    %sign3A_28 = arith.subi %sign3A_24, %sign3A_27 : i32
    %ne3A = arith.cmpi ne, %sign3A_21, %sign3A_28 : i32
    %rem3A = arith.remsi %sub3A_15, %jit3A : i32
    %ne3A_29 = arith.constant 0 : i32
    %ne3A_30 = arith.cmpi ne, %rem3A, %ne3A_29 : i32
    %and3A = arith.andi %ne3A, %ne3A_30 : i1
    %sub3A_31 = arith.constant 1 : i32
    %sub3A_32 = arith.subi %div3A, %sub3A_31 : i32
    %select_n3A = arith.select %and3A, %sub3A_32, %div3A : i32
    %add3A_33 = arith.constant 1 : i32
    %add3A_34 = arith.addi %select_n3A, %add3A_33 : i32
    %while3A = arith.constant 0 : i32
    %while3A_35 = arith.constant 0 : i32
    %while3A_36 = arith.subi %add3A_34, %while3A : i32
    %while3A_37 = arith.addi %while3A, %while3A_36 : i32
    %while3A_38 = arith.constant 1 : i32
    %while3A_39 = arith.divsi %while3A_36, %while3A_38 : i32
    %while3A_40 = arith.muli %while3A_39, %while3A_38 : i32
    %while3A_41 = arith.addi %while3A, %while3A_40 : i32
    %while3A_42 = arith.constant 1 : i32
    %while3A_43 = scf.for %while3A_106 = %while3A to %while3A_41 step %while3A_42 iter_args(%while3A_107 = %while3A_35) -> (i32)  : i32 {
      %mul3A_108 = arith.constant 16 : i32
      %mul3A_109 = arith.muli %while3A_106, %mul3A_108 : i32
      %add3A_110 = arith.addi %arg1, %mul3A_109 : i32
      %mul3A_111 = arith.constant 640 : i32
      %mul3A_112 = arith.muli %add3A_110, %mul3A_111 : i32
      "tpu.region"() ({
        %run_scoped3A = tpu.sem_alloc : memref<!tpu.dma_semaphore, #tpu.memory_space<semaphore_mem>>
        %dma_start3A = arith.constant 0 : i32
        %dma_start3A_114 = tpu.memref_slice %arg9[%mul3A_112, %dma_start3A] : memref<50000x32xf32, #tpu.memory_space<vmem_shared>> -> memref<640x32xf32, #tpu.memory_space<vmem_shared>>
        %dma_start3A_115 = arith.constant 0 : i32
        %dma_start3A_116 = tpu.memref_slice %arg9[%mul3A_112, %dma_start3A_115] : memref<50000x32xf32, #tpu.memory_space<vmem_shared>> -> memref<640x32xf32, #tpu.memory_space<vmem_shared>>
        tpu.enqueue_dma source(%arg17 : memref<640x32xf32, #tpu.memory_space<vmem>>) target(%dma_start3A_116 : memref<640x32xf32, #tpu.memory_space<vmem_shared>>) target_semaphore(%run_scoped3A : memref<!tpu.dma_semaphore, #tpu.memory_space<semaphore_mem>>)
        %dma_wait3A = arith.constant 0 : i32
        %dma_wait3A_117 = tpu.memref_slice %arg9[%mul3A_112, %dma_wait3A] : memref<50000x32xf32, #tpu.memory_space<vmem_shared>> -> memref<640x32xf32, #tpu.memory_space<vmem_shared>>
        %dma_wait3A_118 = arith.constant 0 : i32
        %dma_wait3A_119 = tpu.memref_slice %arg9[%mul3A_112, %dma_wait3A_118] : memref<50000x32xf32, #tpu.memory_space<vmem_shared>> -> memref<640x32xf32, #tpu.memory_space<vmem_shared>>
        tpu.wait_dma2 semaphore(%run_scoped3A : memref<!tpu.dma_semaphore, #tpu.memory_space<semaphore_mem>>) src(%arg17 : memref<640x32xf32, #tpu.memory_space<vmem>>) dst(%dma_wait3A_119 : memref<640x32xf32, #tpu.memory_space<vmem_shared>>)
        tpu.yield
      }) : () -> ()
      "tpu.region"() ({
        %run_scoped3A = tpu.sem_alloc : memref<!tpu.dma_semaphore, #tpu.memory_space<semaphore_mem>>
        %dma_start3A = tpu.memref_slice %arg10[%mul3A_112] : memref<50000xf32, #tpu.memory_space<vmem_shared>> -> memref<640xf32, #tpu.memory_space<vmem_shared>>
        %dma_start3A_114 = tpu.memref_slice %arg10[%mul3A_112] : memref<50000xf32, #tpu.memory_space<vmem_shared>> -> memref<640xf32, #tpu.memory_space<vmem_shared>>
        tpu.enqueue_dma source(%arg16 : memref<640xf32, #tpu.memory_space<vmem>>) target(%dma_start3A_114 : memref<640xf32, #tpu.memory_space<vmem_shared>>) target_semaphore(%run_scoped3A : memref<!tpu.dma_semaphore, #tpu.memory_space<semaphore_mem>>)
        %dma_wait3A = tpu.memref_slice %arg10[%mul3A_112] : memref<50000xf32, #tpu.memory_space<vmem_shared>> -> memref<640xf32, #tpu.memory_space<vmem_shared>>
        %dma_wait3A_115 = tpu.memref_slice %arg10[%mul3A_112] : memref<50000xf32, #tpu.memory_space<vmem_shared>> -> memref<640xf32, #tpu.memory_space<vmem_shared>>
        tpu.wait_dma2 semaphore(%run_scoped3A : memref<!tpu.dma_semaphore, #tpu.memory_space<semaphore_mem>>) src(%arg16 : memref<640xf32, #tpu.memory_space<vmem>>) dst(%dma_wait3A_115 : memref<640xf32, #tpu.memory_space<vmem_shared>>)
        tpu.yield
      }) : () -> ()
      %while3A_113 = arith.constant 0 : i32
      scf.yield %while3A_113 : i32
    }
    %while3A_44 = arith.constant 1 : i32
    %while3A_45 = scf.for %while3A_106 = %while3A_41 to %while3A_37 step %while3A_44 iter_args(%while3A_107 = %while3A_43) -> (i32)  : i32 {
      %mul3A_108 = arith.constant 16 : i32
      %mul3A_109 = arith.muli %while3A_106, %mul3A_108 : i32
      %add3A_110 = arith.addi %arg1, %mul3A_109 : i32
      %mul3A_111 = arith.constant 640 : i32
      %mul3A_112 = arith.muli %add3A_110, %mul3A_111 : i32
      "tpu.region"() ({
        %run_scoped3A = tpu.sem_alloc : memref<!tpu.dma_semaphore, #tpu.memory_space<semaphore_mem>>
        %dma_start3A = arith.constant 0 : i32
        %dma_start3A_114 = tpu.memref_slice %arg9[%mul3A_112, %dma_start3A] : memref<50000x32xf32, #tpu.memory_space<vmem_shared>> -> memref<640x32xf32, #tpu.memory_space<vmem_shared>>
        %dma_start3A_115 = arith.constant 0 : i32
        %dma_start3A_116 = tpu.memref_slice %arg9[%mul3A_112, %dma_start3A_115] : memref<50000x32xf32, #tpu.memory_space<vmem_shared>> -> memref<640x32xf32, #tpu.memory_space<vmem_shared>>
        tpu.enqueue_dma source(%arg17 : memref<640x32xf32, #tpu.memory_space<vmem>>) target(%dma_start3A_116 : memref<640x32xf32, #tpu.memory_space<vmem_shared>>) target_semaphore(%run_scoped3A : memref<!tpu.dma_semaphore, #tpu.memory_space<semaphore_mem>>)
        %dma_wait3A = arith.constant 0 : i32
        %dma_wait3A_117 = tpu.memref_slice %arg9[%mul3A_112, %dma_wait3A] : memref<50000x32xf32, #tpu.memory_space<vmem_shared>> -> memref<640x32xf32, #tpu.memory_space<vmem_shared>>
        %dma_wait3A_118 = arith.constant 0 : i32
        %dma_wait3A_119 = tpu.memref_slice %arg9[%mul3A_112, %dma_wait3A_118] : memref<50000x32xf32, #tpu.memory_space<vmem_shared>> -> memref<640x32xf32, #tpu.memory_space<vmem_shared>>
        tpu.wait_dma2 semaphore(%run_scoped3A : memref<!tpu.dma_semaphore, #tpu.memory_space<semaphore_mem>>) src(%arg17 : memref<640x32xf32, #tpu.memory_space<vmem>>) dst(%dma_wait3A_119 : memref<640x32xf32, #tpu.memory_space<vmem_shared>>)
        tpu.yield
      }) : () -> ()
      "tpu.region"() ({
        %run_scoped3A = tpu.sem_alloc : memref<!tpu.dma_semaphore, #tpu.memory_space<semaphore_mem>>
        %dma_start3A = tpu.memref_slice %arg10[%mul3A_112] : memref<50000xf32, #tpu.memory_space<vmem_shared>> -> memref<640xf32, #tpu.memory_space<vmem_shared>>
        %dma_start3A_114 = tpu.memref_slice %arg10[%mul3A_112] : memref<50000xf32, #tpu.memory_space<vmem_shared>> -> memref<640xf32, #tpu.memory_space<vmem_shared>>
        tpu.enqueue_dma source(%arg16 : memref<640xf32, #tpu.memory_space<vmem>>) target(%dma_start3A_114 : memref<640xf32, #tpu.memory_space<vmem_shared>>) target_semaphore(%run_scoped3A : memref<!tpu.dma_semaphore, #tpu.memory_space<semaphore_mem>>)
        %dma_wait3A = tpu.memref_slice %arg10[%mul3A_112] : memref<50000xf32, #tpu.memory_space<vmem_shared>> -> memref<640xf32, #tpu.memory_space<vmem_shared>>
        %dma_wait3A_115 = tpu.memref_slice %arg10[%mul3A_112] : memref<50000xf32, #tpu.memory_space<vmem_shared>> -> memref<640xf32, #tpu.memory_space<vmem_shared>>
        tpu.wait_dma2 semaphore(%run_scoped3A : memref<!tpu.dma_semaphore, #tpu.memory_space<semaphore_mem>>) src(%arg16 : memref<640xf32, #tpu.memory_space<vmem>>) dst(%dma_wait3A_115 : memref<640xf32, #tpu.memory_space<vmem_shared>>)
        tpu.yield
      }) : () -> ()
      %while3A_113 = arith.constant 0 : i32
      scf.yield %while3A_113 : i32
    }
    %eq3A = arith.constant 1 : i32
    %eq3A_46 = arith.cmpi eq, %arg1, %eq3A : i32
    %convert_element_type3A = arith.extui %eq3A_46 : i1 to i32
    %cond3A = arith.constant 0 : i32
    %cond3A_47 = arith.cmpi ne, %convert_element_type3A, %cond3A : i32
    scf.if %cond3A_47 {
      "tpu.region"() ({
        %run_scoped3A = tpu.sem_alloc : memref<!tpu.dma_semaphore, #tpu.memory_space<semaphore_mem>>
        %dma_start3A = arith.constant 0 : i32
        %dma_start3A_106 = arith.constant 0 : i32
        %dma_start3A_107 = tpu.memref_slice %arg17[%dma_start3A, %dma_start3A_106] : memref<640x32xf32, #tpu.memory_space<vmem>> -> memref<80x32xf32, #tpu.memory_space<vmem>>
        %dma_start3A_108 = arith.constant 49920 : i32
        %dma_start3A_109 = arith.constant 0 : i32
        %dma_start3A_110 = tpu.memref_slice %arg9[%dma_start3A_108, %dma_start3A_109] : memref<50000x32xf32, #tpu.memory_space<vmem_shared>> -> memref<80x32xf32, #tpu.memory_space<vmem_shared>>
        %dma_start3A_111 = arith.constant 49920 : i32
        %dma_start3A_112 = arith.constant 0 : i32
        %dma_start3A_113 = tpu.memref_slice %arg9[%dma_start3A_111, %dma_start3A_112] : memref<50000x32xf32, #tpu.memory_space<vmem_shared>> -> memref<80x32xf32, #tpu.memory_space<vmem_shared>>
        %dma_start3A_114 = arith.constant 0 : i32
        %dma_start3A_115 = arith.constant 0 : i32
        %dma_start3A_116 = tpu.memref_slice %arg17[%dma_start3A_114, %dma_start3A_115] : memref<640x32xf32, #tpu.memory_space<vmem>> -> memref<80x32xf32, #tpu.memory_space<vmem>>
        tpu.enqueue_dma source(%dma_start3A_116 : memref<80x32xf32, #tpu.memory_space<vmem>>) target(%dma_start3A_113 : memref<80x32xf32, #tpu.memory_space<vmem_shared>>) target_semaphore(%run_scoped3A : memref<!tpu.dma_semaphore, #tpu.memory_space<semaphore_mem>>)
        %dma_wait3A = arith.constant 0 : i32
        %dma_wait3A_117 = arith.constant 0 : i32
        %dma_wait3A_118 = tpu.memref_slice %arg17[%dma_wait3A, %dma_wait3A_117] : memref<640x32xf32, #tpu.memory_space<vmem>> -> memref<80x32xf32, #tpu.memory_space<vmem>>
        %dma_wait3A_119 = arith.constant 49920 : i32
        %dma_wait3A_120 = arith.constant 0 : i32
        %dma_wait3A_121 = tpu.memref_slice %arg9[%dma_wait3A_119, %dma_wait3A_120] : memref<50000x32xf32, #tpu.memory_space<vmem_shared>> -> memref<80x32xf32, #tpu.memory_space<vmem_shared>>
        %dma_wait3A_122 = arith.constant 49920 : i32
        %dma_wait3A_123 = arith.constant 0 : i32
        %dma_wait3A_124 = tpu.memref_slice %arg9[%dma_wait3A_122, %dma_wait3A_123] : memref<50000x32xf32, #tpu.memory_space<vmem_shared>> -> memref<80x32xf32, #tpu.memory_space<vmem_shared>>
        %dma_wait3A_125 = arith.constant 0 : i32
        %dma_wait3A_126 = arith.constant 0 : i32
        %dma_wait3A_127 = tpu.memref_slice %arg17[%dma_wait3A_125, %dma_wait3A_126] : memref<640x32xf32, #tpu.memory_space<vmem>> -> memref<80x32xf32, #tpu.memory_space<vmem>>
        tpu.wait_dma2 semaphore(%run_scoped3A : memref<!tpu.dma_semaphore, #tpu.memory_space<semaphore_mem>>) src(%dma_wait3A_127 : memref<80x32xf32, #tpu.memory_space<vmem>>) dst(%dma_wait3A_124 : memref<80x32xf32, #tpu.memory_space<vmem_shared>>)
        tpu.yield
      }) : () -> ()
      "tpu.region"() ({
        %run_scoped3A = tpu.sem_alloc : memref<!tpu.dma_semaphore, #tpu.memory_space<semaphore_mem>>
        %dma_start3A = arith.constant 0 : i32
        %dma_start3A_106 = tpu.memref_slice %arg16[%dma_start3A] : memref<640xf32, #tpu.memory_space<vmem>> -> memref<80xf32, #tpu.memory_space<vmem>>
        %dma_start3A_107 = arith.constant 49920 : i32
        %dma_start3A_108 = tpu.memref_slice %arg10[%dma_start3A_107] : memref<50000xf32, #tpu.memory_space<vmem_shared>> -> memref<80xf32, #tpu.memory_space<vmem_shared>>
        %dma_start3A_109 = arith.constant 49920 : i32
        %dma_start3A_110 = tpu.memref_slice %arg10[%dma_start3A_109] : memref<50000xf32, #tpu.memory_space<vmem_shared>> -> memref<80xf32, #tpu.memory_space<vmem_shared>>
        %dma_start3A_111 = arith.constant 0 : i32
        %dma_start3A_112 = tpu.memref_slice %arg16[%dma_start3A_111] : memref<640xf32, #tpu.memory_space<vmem>> -> memref<80xf32, #tpu.memory_space<vmem>>
        tpu.enqueue_dma source(%dma_start3A_112 : memref<80xf32, #tpu.memory_space<vmem>>) target(%dma_start3A_110 : memref<80xf32, #tpu.memory_space<vmem_shared>>) target_semaphore(%run_scoped3A : memref<!tpu.dma_semaphore, #tpu.memory_space<semaphore_mem>>)
        %dma_wait3A = arith.constant 0 : i32
        %dma_wait3A_113 = tpu.memref_slice %arg16[%dma_wait3A] : memref<640xf32, #tpu.memory_space<vmem>> -> memref<80xf32, #tpu.memory_space<vmem>>
        %dma_wait3A_114 = arith.constant 49920 : i32
        %dma_wait3A_115 = tpu.memref_slice %arg10[%dma_wait3A_114] : memref<50000xf32, #tpu.memory_space<vmem_shared>> -> memref<80xf32, #tpu.memory_space<vmem_shared>>
        %dma_wait3A_116 = arith.constant 49920 : i32
        %dma_wait3A_117 = tpu.memref_slice %arg10[%dma_wait3A_116] : memref<50000xf32, #tpu.memory_space<vmem_shared>> -> memref<80xf32, #tpu.memory_space<vmem_shared>>
        %dma_wait3A_118 = arith.constant 0 : i32
        %dma_wait3A_119 = tpu.memref_slice %arg16[%dma_wait3A_118] : memref<640xf32, #tpu.memory_space<vmem>> -> memref<80xf32, #tpu.memory_space<vmem>>
        tpu.wait_dma2 semaphore(%run_scoped3A : memref<!tpu.dma_semaphore, #tpu.memory_space<semaphore_mem>>) src(%dma_wait3A_119 : memref<80xf32, #tpu.memory_space<vmem>>) dst(%dma_wait3A_117 : memref<80xf32, #tpu.memory_space<vmem_shared>>)
        tpu.yield
      }) : () -> ()
    } else {
    }
    %barrier3A = arith.constant 0 : index
    tpu.barrier barrier_id(%barrier3A)
    %sub3A_48 = arith.constant 2499 : i32
    %sub3A_49 = arith.subi %sub3A_48, %add3A : i32
    %jit3A_50 = arith.constant 32 : i32
    %div3A_51 = arith.divsi %sub3A_49, %jit3A_50 : i32
    %sign3A_52 = arith.constant 0 : i32
    %sign3A_53 = arith.cmpi sgt, %sub3A_49, %sign3A_52 : i32
    %sign3A_54 = arith.extui %sign3A_53 : i1 to i32
    %sign3A_55 = arith.constant 0 : i32
    %sign3A_56 = arith.cmpi slt, %sub3A_49, %sign3A_55 : i32
    %sign3A_57 = arith.extui %sign3A_56 : i1 to i32
    %sign3A_58 = arith.subi %sign3A_54, %sign3A_57 : i32
    %sign3A_59 = arith.constant 0 : i32
    %sign3A_60 = arith.cmpi sgt, %jit3A_50, %sign3A_59 : i32
    %sign3A_61 = arith.extui %sign3A_60 : i1 to i32
    %sign3A_62 = arith.constant 0 : i32
    %sign3A_63 = arith.cmpi slt, %jit3A_50, %sign3A_62 : i32
    %sign3A_64 = arith.extui %sign3A_63 : i1 to i32
    %sign3A_65 = arith.subi %sign3A_61, %sign3A_64 : i32
    %ne3A_66 = arith.cmpi ne, %sign3A_58, %sign3A_65 : i32
    %rem3A_67 = arith.remsi %sub3A_49, %jit3A_50 : i32
    %ne3A_68 = arith.constant 0 : i32
    %ne3A_69 = arith.cmpi ne, %rem3A_67, %ne3A_68 : i32
    %and3A_70 = arith.andi %ne3A_66, %ne3A_69 : i1
    %sub3A_71 = arith.constant 1 : i32
    %sub3A_72 = arith.subi %div3A_51, %sub3A_71 : i32
    %select_n3A_73 = arith.select %and3A_70, %sub3A_72, %div3A_51 : i32
    %add3A_74 = arith.constant 1 : i32
    %add3A_75 = arith.addi %select_n3A_73, %add3A_74 : i32
    %while3A_76 = arith.constant 0 : i32
    %while3A_77 = arith.constant 0 : i32
    %while3A_78 = arith.subi %add3A_75, %while3A_76 : i32
    %while3A_79 = arith.addi %while3A_76, %while3A_78 : i32
    %while3A_80 = arith.constant 1 : i32
    %while3A_81 = arith.divsi %while3A_78, %while3A_80 : i32
    %while3A_82 = arith.muli %while3A_81, %while3A_80 : i32
    %while3A_83 = arith.addi %while3A_76, %while3A_82 : i32
    %while3A_84 = arith.constant 1 : i32
    %while3A_85 = scf.for %while3A_106 = %while3A_76 to %while3A_83 step %while3A_84 iter_args(%while3A_107 = %while3A_77) -> (i32)  : i32 {
      %mul3A_108 = arith.constant 32 : i32
      %mul3A_109 = arith.muli %while3A_106, %mul3A_108 : i32
      %add3A_110 = arith.addi %add3A, %mul3A_109 : i32
      %mul3A_111 = arith.constant 640 : i32
      %mul3A_112 = arith.muli %add3A_110, %mul3A_111 : i32
      %dma_start3A = arith.constant 0 : i32
      %dma_start3A_113 = tpu.memref_slice %arg2[%dma_start3A, %mul3A_112] : memref<2x1600000xi32, #tpu.memory_space<hbm>> -> memref<1x640xi32, #tpu.memory_space<hbm>>
      %dma_start3A_114 = tpu.memref_squeeze %dma_start3A_113 : memref<1x640xi32, #tpu.memory_space<hbm>> -> memref<640xi32, #tpu.memory_space<hbm>>
      %dma_start3A_115 = tpu.memref_slice %arg2[%dma_start3A, %mul3A_112] : memref<2x1600000xi32, #tpu.memory_space<hbm>> -> memref<1x640xi32, #tpu.memory_space<hbm>>
      %dma_start3A_116 = tpu.memref_squeeze %dma_start3A_115 : memref<1x640xi32, #tpu.memory_space<hbm>> -> memref<640xi32, #tpu.memory_space<hbm>>
      tpu.enqueue_dma source(%dma_start3A_116 : memref<640xi32, #tpu.memory_space<hbm>>) target(%arg11 : memref<640xi32, #tpu.memory_space<vmem>>) target_semaphore(%arg18 : memref<!tpu.dma_semaphore, #tpu.memory_space<semaphore_mem>>)
      %dma_start3A_117 = arith.constant 1 : i32
      %dma_start3A_118 = tpu.memref_slice %arg2[%dma_start3A_117, %mul3A_112] : memref<2x1600000xi32, #tpu.memory_space<hbm>> -> memref<1x640xi32, #tpu.memory_space<hbm>>
      %dma_start3A_119 = tpu.memref_squeeze %dma_start3A_118 : memref<1x640xi32, #tpu.memory_space<hbm>> -> memref<640xi32, #tpu.memory_space<hbm>>
      %dma_start3A_120 = tpu.memref_slice %arg2[%dma_start3A_117, %mul3A_112] : memref<2x1600000xi32, #tpu.memory_space<hbm>> -> memref<1x640xi32, #tpu.memory_space<hbm>>
      %dma_start3A_121 = tpu.memref_squeeze %dma_start3A_120 : memref<1x640xi32, #tpu.memory_space<hbm>> -> memref<640xi32, #tpu.memory_space<hbm>>
      tpu.enqueue_dma source(%dma_start3A_121 : memref<640xi32, #tpu.memory_space<hbm>>) target(%arg12 : memref<640xi32, #tpu.memory_space<vmem>>) target_semaphore(%arg18 : memref<!tpu.dma_semaphore, #tpu.memory_space<semaphore_mem>>)
      %dma_start3A_122 = tpu.memref_slice %arg3[%mul3A_112] : memref<1600000xf32, #tpu.memory_space<hbm>> -> memref<640xf32, #tpu.memory_space<hbm>>
      %dma_start3A_123 = tpu.memref_slice %arg3[%mul3A_112] : memref<1600000xf32, #tpu.memory_space<hbm>> -> memref<640xf32, #tpu.memory_space<hbm>>
      tpu.enqueue_dma source(%dma_start3A_123 : memref<640xf32, #tpu.memory_space<hbm>>) target(%arg13 : memref<640xf32, #tpu.memory_space<vmem>>) target_semaphore(%arg18 : memref<!tpu.dma_semaphore, #tpu.memory_space<semaphore_mem>>)
      %dma_wait3A = arith.constant 0 : i32
      %dma_wait3A_124 = tpu.memref_slice %arg2[%dma_wait3A, %mul3A_112] : memref<2x1600000xi32, #tpu.memory_space<hbm>> -> memref<1x640xi32, #tpu.memory_space<hbm>>
      %dma_wait3A_125 = tpu.memref_squeeze %dma_wait3A_124 : memref<1x640xi32, #tpu.memory_space<hbm>> -> memref<640xi32, #tpu.memory_space<hbm>>
      %dma_wait3A_126 = tpu.memref_slice %arg2[%dma_wait3A, %mul3A_112] : memref<2x1600000xi32, #tpu.memory_space<hbm>> -> memref<1x640xi32, #tpu.memory_space<hbm>>
      %dma_wait3A_127 = tpu.memref_squeeze %dma_wait3A_126 : memref<1x640xi32, #tpu.memory_space<hbm>> -> memref<640xi32, #tpu.memory_space<hbm>>
      tpu.wait_dma2 semaphore(%arg18 : memref<!tpu.dma_semaphore, #tpu.memory_space<semaphore_mem>>) src(%dma_wait3A_127 : memref<640xi32, #tpu.memory_space<hbm>>) dst(%arg11 : memref<640xi32, #tpu.memory_space<vmem>>)
      %dma_wait3A_128 = arith.constant 1 : i32
      %dma_wait3A_129 = tpu.memref_slice %arg2[%dma_wait3A_128, %mul3A_112] : memref<2x1600000xi32, #tpu.memory_space<hbm>> -> memref<1x640xi32, #tpu.memory_space<hbm>>
      %dma_wait3A_130 = tpu.memref_squeeze %dma_wait3A_129 : memref<1x640xi32, #tpu.memory_space<hbm>> -> memref<640xi32, #tpu.memory_space<hbm>>
      %dma_wait3A_131 = tpu.memref_slice %arg2[%dma_wait3A_128, %mul3A_112] : memref<2x1600000xi32, #tpu.memory_space<hbm>> -> memref<1x640xi32, #tpu.memory_space<hbm>>
      %dma_wait3A_132 = tpu.memref_squeeze %dma_wait3A_131 : memref<1x640xi32, #tpu.memory_space<hbm>> -> memref<640xi32, #tpu.memory_space<hbm>>
      tpu.wait_dma2 semaphore(%arg18 : memref<!tpu.dma_semaphore, #tpu.memory_space<semaphore_mem>>) src(%dma_wait3A_132 : memref<640xi32, #tpu.memory_space<hbm>>) dst(%arg12 : memref<640xi32, #tpu.memory_space<vmem>>)
      %dma_wait3A_133 = tpu.memref_slice %arg3[%mul3A_112] : memref<1600000xf32, #tpu.memory_space<hbm>> -> memref<640xf32, #tpu.memory_space<hbm>>
      %dma_wait3A_134 = tpu.memref_slice %arg3[%mul3A_112] : memref<1600000xf32, #tpu.memory_space<hbm>> -> memref<640xf32, #tpu.memory_space<hbm>>
      tpu.wait_dma2 semaphore(%arg18 : memref<!tpu.dma_semaphore, #tpu.memory_space<semaphore_mem>>) src(%dma_wait3A_134 : memref<640xf32, #tpu.memory_space<hbm>>) dst(%arg13 : memref<640xf32, #tpu.memory_space<vmem>>)
      %dma_start3A_135 = arith.constant 0 : i32
      %dma_start3A_136 = arith.constant 0 : i32
      %dma_start3A_137 = tpu.memref_slice %arg6[%dma_start3A_135, %dma_start3A_136] : memref<50000x32xf32, #tpu.memory_space<hbm>> -> memref<50000x32xf32, #tpu.memory_space<hbm>>
      tpu.enqueue_indirect_dma source(%dma_start3A_137 : memref<50000x32xf32, #tpu.memory_space<hbm>>) target(%arg17 : memref<640x32xf32, #tpu.memory_space<vmem>>) offsets(%arg11 : memref<640xi32, #tpu.memory_space<vmem>>) semaphore(%arg19 : memref<!tpu.dma_semaphore, #tpu.memory_space<semaphore_mem>>)
      %dma_start3A_138 = arith.constant 0 : i32
      %dma_start3A_139 = tpu.memref_slice %arg4[%dma_start3A_138] : memref<50000xf32, #tpu.memory_space<hbm>> -> memref<50000xf32, #tpu.memory_space<hbm>>
      tpu.enqueue_indirect_dma source(%dma_start3A_139 : memref<50000xf32, #tpu.memory_space<hbm>>) target(%arg14 : memref<640xf32, #tpu.memory_space<vmem>>) offsets(%arg11 : memref<640xi32, #tpu.memory_space<vmem>>) semaphore(%arg18 : memref<!tpu.dma_semaphore, #tpu.memory_space<semaphore_mem>>)
      %dma_start3A_140 = arith.constant 0 : i32
      %dma_start3A_141 = tpu.memref_slice %arg5[%dma_start3A_140] : memref<50000xf32, #tpu.memory_space<hbm>> -> memref<50000xf32, #tpu.memory_space<hbm>>
      tpu.enqueue_indirect_dma source(%dma_start3A_141 : memref<50000xf32, #tpu.memory_space<hbm>>) target(%arg15 : memref<640xf32, #tpu.memory_space<vmem>>) offsets(%arg12 : memref<640xi32, #tpu.memory_space<vmem>>) semaphore(%arg18 : memref<!tpu.dma_semaphore, #tpu.memory_space<semaphore_mem>>)
      %dma_wait3A_142 = arith.constant 0 : i32
      %dma_wait3A_143 = tpu.memref_slice %arg4[%dma_wait3A_142] : memref<50000xf32, #tpu.memory_space<hbm>> -> memref<50000xf32, #tpu.memory_space<hbm>>
      tpu.wait_indirect_dma semaphore(%arg18 : memref<!tpu.dma_semaphore, #tpu.memory_space<semaphore_mem>>) src(%dma_wait3A_143 : memref<50000xf32, #tpu.memory_space<hbm>>) dst(%arg14 : memref<640xf32, #tpu.memory_space<vmem>>)
      %dma_wait3A_144 = arith.constant 0 : i32
      %dma_wait3A_145 = tpu.memref_slice %arg5[%dma_wait3A_144] : memref<50000xf32, #tpu.memory_space<hbm>> -> memref<50000xf32, #tpu.memory_space<hbm>>
      tpu.wait_indirect_dma semaphore(%arg18 : memref<!tpu.dma_semaphore, #tpu.memory_space<semaphore_mem>>) src(%dma_wait3A_145 : memref<50000xf32, #tpu.memory_space<hbm>>) dst(%arg15 : memref<640xf32, #tpu.memory_space<vmem>>)
      %scan3A_146 = arith.constant 0 : i32
      %scan3A_147 = arith.constant 0 : i32
      %scan3A_148 = arith.constant 40 : i32
      %scan3A_149 = arith.addi %scan3A_147, %scan3A_148 : i32
      %scan3A_150 = arith.constant 1 : i32
      %scan3A_151 = scf.for %scan3A_174 = %scan3A_147 to %scan3A_149 step %scan3A_150 iter_args(%scan3A_175 = %scan3A_146) -> (i32)  : i32 {
        %mul3A_176 = arith.constant 16 : i32
        %mul3A_177 = arith.muli %scan3A_174, %mul3A_176 : i32
        %get3A = arith.index_cast %mul3A_177 : i32 to index
        %get3A_178 = tpu.vector_load %arg14[%get3A] {strides = array<i32>} : memref<640xf32, #tpu.memory_space<vmem>>, vector<16xf32>,
        %get3A_179 = arith.index_cast %mul3A_177 : i32 to index
        %get3A_180 = tpu.vector_load %arg15[%get3A_179] {strides = array<i32>} : memref<640xf32, #tpu.memory_space<vmem>>, vector<16xf32>,
        %add3A_181 = arith.addf %get3A_178, %get3A_180 : vector<16xf32>
        %get3A_182 = arith.index_cast %mul3A_177 : i32 to index
        %get3A_183 = tpu.vector_load %arg13[%get3A_182] {strides = array<i32>} : memref<640xf32, #tpu.memory_space<vmem>>, vector<16xf32>,
        %add3A_184 = arith.addf %add3A_181, %get3A_183 : vector<16xf32>
        %mul3A_185 = arith.constant 2.000000e-01 : f32
        %mul3A_186 = vector.broadcast %mul3A_185 : f32 to vector<16xf32>
        %mul3A_187 = arith.mulf %mul3A_186, %add3A_184 : vector<16xf32>
        %max3A = arith.maximumf %add3A_184, %mul3A_187 : vector<16xf32>
        %exp3A = math.exp %max3A : vector<16xf32>
        %swap3A = arith.index_cast %mul3A_177 : i32 to index
        %swap3A_188 = tpu.vector_load %arg16[%swap3A] {strides = array<i32>} : memref<640xf32, #tpu.memory_space<vmem>>, vector<16xf32>,
        tpu.vector_store %arg16[%swap3A], %exp3A {strides = array<i32>} : memref<640xf32, #tpu.memory_space<vmem>>, vector<16xf32>,
        %scan3A_189 = arith.constant 0 : i32
        scf.yield %scan3A_189 : i32
      }
      %scan3A_152 = arith.constant 40 : i32
      %dma_wait3A_153 = arith.constant 0 : i32
      %dma_wait3A_154 = arith.constant 0 : i32
      %dma_wait3A_155 = tpu.memref_slice %arg6[%dma_wait3A_153, %dma_wait3A_154] : memref<50000x32xf32, #tpu.memory_space<hbm>> -> memref<50000x32xf32, #tpu.memory_space<hbm>>
      tpu.wait_indirect_dma semaphore(%arg19 : memref<!tpu.dma_semaphore, #tpu.memory_space<semaphore_mem>>) src(%dma_wait3A_155 : memref<50000x32xf32, #tpu.memory_space<hbm>>) dst(%arg17 : memref<640x32xf32, #tpu.memory_space<vmem>>)
      %iota3A = tpu.iota {dimensions = array<i32: 0>} : vector<16xi32>
      %scan3A_156 = arith.constant 0 : i32
      %scan3A_157 = arith.constant 0 : i32
      %scan3A_158 = arith.constant 40 : i32
      %scan3A_159 = arith.addi %scan3A_157, %scan3A_158 : i32
      %scan3A_160 = arith.constant 1 : i32
      %scan3A_161 = scf.for %scan3A_174 = %scan3A_157 to %scan3A_159 step %scan3A_160 iter_args(%scan3A_175 = %scan3A_156) -> (i32)  : i32 {
        %mul3A_176 = arith.constant 16 : i32
        %mul3A_177 = arith.muli %scan3A_174, %mul3A_176 : i32
        %add3A_178 = vector.broadcast %mul3A_177 : i32 to vector<16xi32>
        %add3A_179 = arith.addi %iota3A, %add3A_178 : vector<16xi32>
        %mul3A_180 = arith.constant 16 : i32
        %mul3A_181 = arith.muli %scan3A_174, %mul3A_180 : i32
        %get3A = arith.index_cast %mul3A_181 : i32 to index
        %get3A_182 = tpu.vector_load %arg16[%get3A] {strides = array<i32>} : memref<640xf32, #tpu.memory_space<vmem>>, vector<16xf32>,
        %broadcast_in_dim3A_183 = arith.constant 0 : i32
        %broadcast_in_dim3A_184 = vector.broadcast %broadcast_in_dim3A_183 : i32 to vector<16xi32>
        %gather3A = tpu.vector_load_idx %arg17[%add3A_179, %broadcast_in_dim3A_184] : memref<640x32xf32, #tpu.memory_space<vmem>>[vector<16xi32>, vector<16xi32>], vector<16xf32>,
        %mul3A_185 = arith.mulf %gather3A, %get3A_182 : vector<16xf32>
        tpu.vector_store_idx %arg17[%add3A_179, %broadcast_in_dim3A_184], %mul3A_185 : memref<640x32xf32, #tpu.memory_space<vmem>>[vector<16xi32>, vector<16xi32>], vector<16xf32>,
        %broadcast_in_dim3A_186 = arith.constant 1 : i32
        %broadcast_in_dim3A_187 = vector.broadcast %broadcast_in_dim3A_186 : i32 to vector<16xi32>
        %gather3A_188 = tpu.vector_load_idx %arg17[%add3A_179, %broadcast_in_dim3A_187] : memref<640x32xf32, #tpu.memory_space<vmem>>[vector<16xi32>, vector<16xi32>], vector<16xf32>,
        %mul3A_189 = arith.mulf %gather3A_188, %get3A_182 : vector<16xf32>
        tpu.vector_store_idx %arg17[%add3A_179, %broadcast_in_dim3A_187], %mul3A_189 : memref<640x32xf32, #tpu.memory_space<vmem>>[vector<16xi32>, vector<16xi32>], vector<16xf32>,
        %broadcast_in_dim3A_190 = arith.constant 2 : i32
        %broadcast_in_dim3A_191 = vector.broadcast %broadcast_in_dim3A_190 : i32 to vector<16xi32>
        %gather3A_192 = tpu.vector_load_idx %arg17[%add3A_179, %broadcast_in_dim3A_191] : memref<640x32xf32, #tpu.memory_space<vmem>>[vector<16xi32>, vector<16xi32>], vector<16xf32>,
        %mul3A_193 = arith.mulf %gather3A_192, %get3A_182 : vector<16xf32>
        tpu.vector_store_idx %arg17[%add3A_179, %broadcast_in_dim3A_191], %mul3A_193 : memref<640x32xf32, #tpu.memory_space<vmem>>[vector<16xi32>, vector<16xi32>], vector<16xf32>,
        %broadcast_in_dim3A_194 = arith.constant 3 : i32
        %broadcast_in_dim3A_195 = vector.broadcast %broadcast_in_dim3A_194 : i32 to vector<16xi32>
        %gather3A_196 = tpu.vector_load_idx %arg17[%add3A_179, %broadcast_in_dim3A_195] : memref<640x32xf32, #tpu.memory_space<vmem>>[vector<16xi32>, vector<16xi32>], vector<16xf32>,
        %mul3A_197 = arith.mulf %gather3A_196, %get3A_182 : vector<16xf32>
        tpu.vector_store_idx %arg17[%add3A_179, %broadcast_in_dim3A_195], %mul3A_197 : memref<640x32xf32, #tpu.memory_space<vmem>>[vector<16xi32>, vector<16xi32>], vector<16xf32>,
        %broadcast_in_dim3A_198 = arith.constant 4 : i32
        %broadcast_in_dim3A_199 = vector.broadcast %broadcast_in_dim3A_198 : i32 to vector<16xi32>
        %gather3A_200 = tpu.vector_load_idx %arg17[%add3A_179, %broadcast_in_dim3A_199] : memref<640x32xf32, #tpu.memory_space<vmem>>[vector<16xi32>, vector<16xi32>], vector<16xf32>,
        %mul3A_201 = arith.mulf %gather3A_200, %get3A_182 : vector<16xf32>
        tpu.vector_store_idx %arg17[%add3A_179, %broadcast_in_dim3A_199], %mul3A_201 : memref<640x32xf32, #tpu.memory_space<vmem>>[vector<16xi32>, vector<16xi32>], vector<16xf32>,
        %broadcast_in_dim3A_202 = arith.constant 5 : i32
        %broadcast_in_dim3A_203 = vector.broadcast %broadcast_in_dim3A_202 : i32 to vector<16xi32>
        %gather3A_204 = tpu.vector_load_idx %arg17[%add3A_179, %broadcast_in_dim3A_203] : memref<640x32xf32, #tpu.memory_space<vmem>>[vector<16xi32>, vector<16xi32>], vector<16xf32>,
        %mul3A_205 = arith.mulf %gather3A_204, %get3A_182 : vector<16xf32>
        tpu.vector_store_idx %arg17[%add3A_179, %broadcast_in_dim3A_203], %mul3A_205 : memref<640x32xf32, #tpu.memory_space<vmem>>[vector<16xi32>, vector<16xi32>], vector<16xf32>,
        %broadcast_in_dim3A_206 = arith.constant 6 : i32
        %broadcast_in_dim3A_207 = vector.broadcast %broadcast_in_dim3A_206 : i32 to vector<16xi32>
        %gather3A_208 = tpu.vector_load_idx %arg17[%add3A_179, %broadcast_in_dim3A_207] : memref<640x32xf32, #tpu.memory_space<vmem>>[vector<16xi32>, vector<16xi32>], vector<16xf32>,
        %mul3A_209 = arith.mulf %gather3A_208, %get3A_182 : vector<16xf32>
        tpu.vector_store_idx %arg17[%add3A_179, %broadcast_in_dim3A_207], %mul3A_209 : memref<640x32xf32, #tpu.memory_space<vmem>>[vector<16xi32>, vector<16xi32>], vector<16xf32>,
        %broadcast_in_dim3A_210 = arith.constant 7 : i32
        %broadcast_in_dim3A_211 = vector.broadcast %broadcast_in_dim3A_210 : i32 to vector<16xi32>
        %gather3A_212 = tpu.vector_load_idx %arg17[%add3A_179, %broadcast_in_dim3A_211] : memref<640x32xf32, #tpu.memory_space<vmem>>[vector<16xi32>, vector<16xi32>], vector<16xf32>,
        %mul3A_213 = arith.mulf %gather3A_212, %get3A_182 : vector<16xf32>
        tpu.vector_store_idx %arg17[%add3A_179, %broadcast_in_dim3A_211], %mul3A_213 : memref<640x32xf32, #tpu.memory_space<vmem>>[vector<16xi32>, vector<16xi32>], vector<16xf32>,
        %broadcast_in_dim3A_214 = arith.constant 8 : i32
        %broadcast_in_dim3A_215 = vector.broadcast %broadcast_in_dim3A_214 : i32 to vector<16xi32>
        %gather3A_216 = tpu.vector_load_idx %arg17[%add3A_179, %broadcast_in_dim3A_215] : memref<640x32xf32, #tpu.memory_space<vmem>>[vector<16xi32>, vector<16xi32>], vector<16xf32>,
        %mul3A_217 = arith.mulf %gather3A_216, %get3A_182 : vector<16xf32>
        tpu.vector_store_idx %arg17[%add3A_179, %broadcast_in_dim3A_215], %mul3A_217 : memref<640x32xf32, #tpu.memory_space<vmem>>[vector<16xi32>, vector<16xi32>], vector<16xf32>,
        %broadcast_in_dim3A_218 = arith.constant 9 : i32
        %broadcast_in_dim3A_219 = vector.broadcast %broadcast_in_dim3A_218 : i32 to vector<16xi32>
        %gather3A_220 = tpu.vector_load_idx %arg17[%add3A_179, %broadcast_in_dim3A_219] : memref<640x32xf32, #tpu.memory_space<vmem>>[vector<16xi32>, vector<16xi32>], vector<16xf32>,
        %mul3A_221 = arith.mulf %gather3A_220, %get3A_182 : vector<16xf32>
        tpu.vector_store_idx %arg17[%add3A_179, %broadcast_in_dim3A_219], %mul3A_221 : memref<640x32xf32, #tpu.memory_space<vmem>>[vector<16xi32>, vector<16xi32>], vector<16xf32>,
        %broadcast_in_dim3A_222 = arith.constant 10 : i32
        %broadcast_in_dim3A_223 = vector.broadcast %broadcast_in_dim3A_222 : i32 to vector<16xi32>
        %gather3A_224 = tpu.vector_load_idx %arg17[%add3A_179, %broadcast_in_dim3A_223] : memref<640x32xf32, #tpu.memory_space<vmem>>[vector<16xi32>, vector<16xi32>], vector<16xf32>,
        %mul3A_225 = arith.mulf %gather3A_224, %get3A_182 : vector<16xf32>
        tpu.vector_store_idx %arg17[%add3A_179, %broadcast_in_dim3A_223], %mul3A_225 : memref<640x32xf32, #tpu.memory_space<vmem>>[vector<16xi32>, vector<16xi32>], vector<16xf32>,
        %broadcast_in_dim3A_226 = arith.constant 11 : i32
        %broadcast_in_dim3A_227 = vector.broadcast %broadcast_in_dim3A_226 : i32 to vector<16xi32>
        %gather3A_228 = tpu.vector_load_idx %arg17[%add3A_179, %broadcast_in_dim3A_227] : memref<640x32xf32, #tpu.memory_space<vmem>>[vector<16xi32>, vector<16xi32>], vector<16xf32>,
        %mul3A_229 = arith.mulf %gather3A_228, %get3A_182 : vector<16xf32>
        tpu.vector_store_idx %arg17[%add3A_179, %broadcast_in_dim3A_227], %mul3A_229 : memref<640x32xf32, #tpu.memory_space<vmem>>[vector<16xi32>, vector<16xi32>], vector<16xf32>,
        %broadcast_in_dim3A_230 = arith.constant 12 : i32
        %broadcast_in_dim3A_231 = vector.broadcast %broadcast_in_dim3A_230 : i32 to vector<16xi32>
        %gather3A_232 = tpu.vector_load_idx %arg17[%add3A_179, %broadcast_in_dim3A_231] : memref<640x32xf32, #tpu.memory_space<vmem>>[vector<16xi32>, vector<16xi32>], vector<16xf32>,
        %mul3A_233 = arith.mulf %gather3A_232, %get3A_182 : vector<16xf32>
        tpu.vector_store_idx %arg17[%add3A_179, %broadcast_in_dim3A_231], %mul3A_233 : memref<640x32xf32, #tpu.memory_space<vmem>>[vector<16xi32>, vector<16xi32>], vector<16xf32>,
        %broadcast_in_dim3A_234 = arith.constant 13 : i32
        %broadcast_in_dim3A_235 = vector.broadcast %broadcast_in_dim3A_234 : i32 to vector<16xi32>
        %gather3A_236 = tpu.vector_load_idx %arg17[%add3A_179, %broadcast_in_dim3A_235] : memref<640x32xf32, #tpu.memory_space<vmem>>[vector<16xi32>, vector<16xi32>], vector<16xf32>,
        %mul3A_237 = arith.mulf %gather3A_236, %get3A_182 : vector<16xf32>
        tpu.vector_store_idx %arg17[%add3A_179, %broadcast_in_dim3A_235], %mul3A_237 : memref<640x32xf32, #tpu.memory_space<vmem>>[vector<16xi32>, vector<16xi32>], vector<16xf32>,
        %broadcast_in_dim3A_238 = arith.constant 14 : i32
        %broadcast_in_dim3A_239 = vector.broadcast %broadcast_in_dim3A_238 : i32 to vector<16xi32>
        %gather3A_240 = tpu.vector_load_idx %arg17[%add3A_179, %broadcast_in_dim3A_239] : memref<640x32xf32, #tpu.memory_space<vmem>>[vector<16xi32>, vector<16xi32>], vector<16xf32>,
        %mul3A_241 = arith.mulf %gather3A_240, %get3A_182 : vector<16xf32>
        tpu.vector_store_idx %arg17[%add3A_179, %broadcast_in_dim3A_239], %mul3A_241 : memref<640x32xf32, #tpu.memory_space<vmem>>[vector<16xi32>, vector<16xi32>], vector<16xf32>,
        %broadcast_in_dim3A_242 = arith.constant 15 : i32
        %broadcast_in_dim3A_243 = vector.broadcast %broadcast_in_dim3A_242 : i32 to vector<16xi32>
        %gather3A_244 = tpu.vector_load_idx %arg17[%add3A_179, %broadcast_in_dim3A_243] : memref<640x32xf32, #tpu.memory_space<vmem>>[vector<16xi32>, vector<16xi32>], vector<16xf32>,
        %mul3A_245 = arith.mulf %gather3A_244, %get3A_182 : vector<16xf32>
        tpu.vector_store_idx %arg17[%add3A_179, %broadcast_in_dim3A_243], %mul3A_245 : memref<640x32xf32, #tpu.memory_space<vmem>>[vector<16xi32>, vector<16xi32>], vector<16xf32>,
        %broadcast_in_dim3A_246 = arith.constant 16 : i32
        %broadcast_in_dim3A_247 = vector.broadcast %broadcast_in_dim3A_246 : i32 to vector<16xi32>
        %gather3A_248 = tpu.vector_load_idx %arg17[%add3A_179, %broadcast_in_dim3A_247] : memref<640x32xf32, #tpu.memory_space<vmem>>[vector<16xi32>, vector<16xi32>], vector<16xf32>,
        %mul3A_249 = arith.mulf %gather3A_248, %get3A_182 : vector<16xf32>
        tpu.vector_store_idx %arg17[%add3A_179, %broadcast_in_dim3A_247], %mul3A_249 : memref<640x32xf32, #tpu.memory_space<vmem>>[vector<16xi32>, vector<16xi32>], vector<16xf32>,
        %broadcast_in_dim3A_250 = arith.constant 17 : i32
        %broadcast_in_dim3A_251 = vector.broadcast %broadcast_in_dim3A_250 : i32 to vector<16xi32>
        %gather3A_252 = tpu.vector_load_idx %arg17[%add3A_179, %broadcast_in_dim3A_251] : memref<640x32xf32, #tpu.memory_space<vmem>>[vector<16xi32>, vector<16xi32>], vector<16xf32>,
        %mul3A_253 = arith.mulf %gather3A_252, %get3A_182 : vector<16xf32>
        tpu.vector_store_idx %arg17[%add3A_179, %broadcast_in_dim3A_251], %mul3A_253 : memref<640x32xf32, #tpu.memory_space<vmem>>[vector<16xi32>, vector<16xi32>], vector<16xf32>,
        %broadcast_in_dim3A_254 = arith.constant 18 : i32
        %broadcast_in_dim3A_255 = vector.broadcast %broadcast_in_dim3A_254 : i32 to vector<16xi32>
        %gather3A_256 = tpu.vector_load_idx %arg17[%add3A_179, %broadcast_in_dim3A_255] : memref<640x32xf32, #tpu.memory_space<vmem>>[vector<16xi32>, vector<16xi32>], vector<16xf32>,
        %mul3A_257 = arith.mulf %gather3A_256, %get3A_182 : vector<16xf32>
        tpu.vector_store_idx %arg17[%add3A_179, %broadcast_in_dim3A_255], %mul3A_257 : memref<640x32xf32, #tpu.memory_space<vmem>>[vector<16xi32>, vector<16xi32>], vector<16xf32>,
        %broadcast_in_dim3A_258 = arith.constant 19 : i32
        %broadcast_in_dim3A_259 = vector.broadcast %broadcast_in_dim3A_258 : i32 to vector<16xi32>
        %gather3A_260 = tpu.vector_load_idx %arg17[%add3A_179, %broadcast_in_dim3A_259] : memref<640x32xf32, #tpu.memory_space<vmem>>[vector<16xi32>, vector<16xi32>], vector<16xf32>,
        %mul3A_261 = arith.mulf %gather3A_260, %get3A_182 : vector<16xf32>
        tpu.vector_store_idx %arg17[%add3A_179, %broadcast_in_dim3A_259], %mul3A_261 : memref<640x32xf32, #tpu.memory_space<vmem>>[vector<16xi32>, vector<16xi32>], vector<16xf32>,
        %broadcast_in_dim3A_262 = arith.constant 20 : i32
        %broadcast_in_dim3A_263 = vector.broadcast %broadcast_in_dim3A_262 : i32 to vector<16xi32>
        %gather3A_264 = tpu.vector_load_idx %arg17[%add3A_179, %broadcast_in_dim3A_263] : memref<640x32xf32, #tpu.memory_space<vmem>>[vector<16xi32>, vector<16xi32>], vector<16xf32>,
        %mul3A_265 = arith.mulf %gather3A_264, %get3A_182 : vector<16xf32>
        tpu.vector_store_idx %arg17[%add3A_179, %broadcast_in_dim3A_263], %mul3A_265 : memref<640x32xf32, #tpu.memory_space<vmem>>[vector<16xi32>, vector<16xi32>], vector<16xf32>,
        %broadcast_in_dim3A_266 = arith.constant 21 : i32
        %broadcast_in_dim3A_267 = vector.broadcast %broadcast_in_dim3A_266 : i32 to vector<16xi32>
        %gather3A_268 = tpu.vector_load_idx %arg17[%add3A_179, %broadcast_in_dim3A_267] : memref<640x32xf32, #tpu.memory_space<vmem>>[vector<16xi32>, vector<16xi32>], vector<16xf32>,
        %mul3A_269 = arith.mulf %gather3A_268, %get3A_182 : vector<16xf32>
        tpu.vector_store_idx %arg17[%add3A_179, %broadcast_in_dim3A_267], %mul3A_269 : memref<640x32xf32, #tpu.memory_space<vmem>>[vector<16xi32>, vector<16xi32>], vector<16xf32>,
        %broadcast_in_dim3A_270 = arith.constant 22 : i32
        %broadcast_in_dim3A_271 = vector.broadcast %broadcast_in_dim3A_270 : i32 to vector<16xi32>
        %gather3A_272 = tpu.vector_load_idx %arg17[%add3A_179, %broadcast_in_dim3A_271] : memref<640x32xf32, #tpu.memory_space<vmem>>[vector<16xi32>, vector<16xi32>], vector<16xf32>,
        %mul3A_273 = arith.mulf %gather3A_272, %get3A_182 : vector<16xf32>
        tpu.vector_store_idx %arg17[%add3A_179, %broadcast_in_dim3A_271], %mul3A_273 : memref<640x32xf32, #tpu.memory_space<vmem>>[vector<16xi32>, vector<16xi32>], vector<16xf32>,
        %broadcast_in_dim3A_274 = arith.constant 23 : i32
        %broadcast_in_dim3A_275 = vector.broadcast %broadcast_in_dim3A_274 : i32 to vector<16xi32>
        %gather3A_276 = tpu.vector_load_idx %arg17[%add3A_179, %broadcast_in_dim3A_275] : memref<640x32xf32, #tpu.memory_space<vmem>>[vector<16xi32>, vector<16xi32>], vector<16xf32>,
        %mul3A_277 = arith.mulf %gather3A_276, %get3A_182 : vector<16xf32>
        tpu.vector_store_idx %arg17[%add3A_179, %broadcast_in_dim3A_275], %mul3A_277 : memref<640x32xf32, #tpu.memory_space<vmem>>[vector<16xi32>, vector<16xi32>], vector<16xf32>,
        %broadcast_in_dim3A_278 = arith.constant 24 : i32
        %broadcast_in_dim3A_279 = vector.broadcast %broadcast_in_dim3A_278 : i32 to vector<16xi32>
        %gather3A_280 = tpu.vector_load_idx %arg17[%add3A_179, %broadcast_in_dim3A_279] : memref<640x32xf32, #tpu.memory_space<vmem>>[vector<16xi32>, vector<16xi32>], vector<16xf32>,
        %mul3A_281 = arith.mulf %gather3A_280, %get3A_182 : vector<16xf32>
        tpu.vector_store_idx %arg17[%add3A_179, %broadcast_in_dim3A_279], %mul3A_281 : memref<640x32xf32, #tpu.memory_space<vmem>>[vector<16xi32>, vector<16xi32>], vector<16xf32>,
        %broadcast_in_dim3A_282 = arith.constant 25 : i32
        %broadcast_in_dim3A_283 = vector.broadcast %broadcast_in_dim3A_282 : i32 to vector<16xi32>
        %gather3A_284 = tpu.vector_load_idx %arg17[%add3A_179, %broadcast_in_dim3A_283] : memref<640x32xf32, #tpu.memory_space<vmem>>[vector<16xi32>, vector<16xi32>], vector<16xf32>,
        %mul3A_285 = arith.mulf %gather3A_284, %get3A_182 : vector<16xf32>
        tpu.vector_store_idx %arg17[%add3A_179, %broadcast_in_dim3A_283], %mul3A_285 : memref<640x32xf32, #tpu.memory_space<vmem>>[vector<16xi32>, vector<16xi32>], vector<16xf32>,
        %broadcast_in_dim3A_286 = arith.constant 26 : i32
        %broadcast_in_dim3A_287 = vector.broadcast %broadcast_in_dim3A_286 : i32 to vector<16xi32>
        %gather3A_288 = tpu.vector_load_idx %arg17[%add3A_179, %broadcast_in_dim3A_287] : memref<640x32xf32, #tpu.memory_space<vmem>>[vector<16xi32>, vector<16xi32>], vector<16xf32>,
        %mul3A_289 = arith.mulf %gather3A_288, %get3A_182 : vector<16xf32>
        tpu.vector_store_idx %arg17[%add3A_179, %broadcast_in_dim3A_287], %mul3A_289 : memref<640x32xf32, #tpu.memory_space<vmem>>[vector<16xi32>, vector<16xi32>], vector<16xf32>,
        %broadcast_in_dim3A_290 = arith.constant 27 : i32
        %broadcast_in_dim3A_291 = vector.broadcast %broadcast_in_dim3A_290 : i32 to vector<16xi32>
        %gather3A_292 = tpu.vector_load_idx %arg17[%add3A_179, %broadcast_in_dim3A_291] : memref<640x32xf32, #tpu.memory_space<vmem>>[vector<16xi32>, vector<16xi32>], vector<16xf32>,
        %mul3A_293 = arith.mulf %gather3A_292, %get3A_182 : vector<16xf32>
        tpu.vector_store_idx %arg17[%add3A_179, %broadcast_in_dim3A_291], %mul3A_293 : memref<640x32xf32, #tpu.memory_space<vmem>>[vector<16xi32>, vector<16xi32>], vector<16xf32>,
        %broadcast_in_dim3A_294 = arith.constant 28 : i32
        %broadcast_in_dim3A_295 = vector.broadcast %broadcast_in_dim3A_294 : i32 to vector<16xi32>
        %gather3A_296 = tpu.vector_load_idx %arg17[%add3A_179, %broadcast_in_dim3A_295] : memref<640x32xf32, #tpu.memory_space<vmem>>[vector<16xi32>, vector<16xi32>], vector<16xf32>,
        %mul3A_297 = arith.mulf %gather3A_296, %get3A_182 : vector<16xf32>
        tpu.vector_store_idx %arg17[%add3A_179, %broadcast_in_dim3A_295], %mul3A_297 : memref<640x32xf32, #tpu.memory_space<vmem>>[vector<16xi32>, vector<16xi32>], vector<16xf32>,
        %broadcast_in_dim3A_298 = arith.constant 29 : i32
        %broadcast_in_dim3A_299 = vector.broadcast %broadcast_in_dim3A_298 : i32 to vector<16xi32>
        %gather3A_300 = tpu.vector_load_idx %arg17[%add3A_179, %broadcast_in_dim3A_299] : memref<640x32xf32, #tpu.memory_space<vmem>>[vector<16xi32>, vector<16xi32>], vector<16xf32>,
        %mul3A_301 = arith.mulf %gather3A_300, %get3A_182 : vector<16xf32>
        tpu.vector_store_idx %arg17[%add3A_179, %broadcast_in_dim3A_299], %mul3A_301 : memref<640x32xf32, #tpu.memory_space<vmem>>[vector<16xi32>, vector<16xi32>], vector<16xf32>,
        %broadcast_in_dim3A_302 = arith.constant 30 : i32
        %broadcast_in_dim3A_303 = vector.broadcast %broadcast_in_dim3A_302 : i32 to vector<16xi32>
        %gather3A_304 = tpu.vector_load_idx %arg17[%add3A_179, %broadcast_in_dim3A_303] : memref<640x32xf32, #tpu.memory_space<vmem>>[vector<16xi32>, vector<16xi32>], vector<16xf32>,
        %mul3A_305 = arith.mulf %gather3A_304, %get3A_182 : vector<16xf32>
        tpu.vector_store_idx %arg17[%add3A_179, %broadcast_in_dim3A_303], %mul3A_305 : memref<640x32xf32, #tpu.memory_space<vmem>>[vector<16xi32>, vector<16xi32>], vector<16xf32>,
        %broadcast_in_dim3A_306 = arith.constant 31 : i32
        %broadcast_in_dim3A_307 = vector.broadcast %broadcast_in_dim3A_306 : i32 to vector<16xi32>
        %gather3A_308 = tpu.vector_load_idx %arg17[%add3A_179, %broadcast_in_dim3A_307] : memref<640x32xf32, #tpu.memory_space<vmem>>[vector<16xi32>, vector<16xi32>], vector<16xf32>,
        %mul3A_309 = arith.mulf %gather3A_308, %get3A_182 : vector<16xf32>
        tpu.vector_store_idx %arg17[%add3A_179, %broadcast_in_dim3A_307], %mul3A_309 : memref<640x32xf32, #tpu.memory_space<vmem>>[vector<16xi32>, vector<16xi32>], vector<16xf32>,
        %scan3A_310 = arith.constant 0 : i32
        scf.yield %scan3A_310 : i32
      }
      %scan3A_162 = arith.constant 40 : i32
      %dma_start3A_163 = arith.constant 0 : i32
      %dma_start3A_164 = tpu.memref_slice %arg10[%dma_start3A_163] : memref<50000xf32, #tpu.memory_space<vmem_shared>> -> memref<50000xf32, #tpu.memory_space<vmem_shared>>
      tpu.enqueue_indirect_dma source(%arg16 : memref<640xf32, #tpu.memory_space<vmem>>) target(%dma_start3A_164 : memref<50000xf32, #tpu.memory_space<vmem_shared>>) offsets(%arg12 : memref<640xi32, #tpu.memory_space<vmem>>) semaphore(%arg18 : memref<!tpu.dma_semaphore, #tpu.memory_space<semaphore_mem>>) {add = true}
      %dma_start3A_165 = arith.constant 0 : i32
      %dma_start3A_166 = arith.constant 0 : i32
      %dma_start3A_167 = tpu.memref_slice %arg9[%dma_start3A_165, %dma_start3A_166] : memref<50000x32xf32, #tpu.memory_space<vmem_shared>> -> memref<50000x32xf32, #tpu.memory_space<vmem_shared>>
      tpu.enqueue_indirect_dma source(%arg17 : memref<640x32xf32, #tpu.memory_space<vmem>>) target(%dma_start3A_167 : memref<50000x32xf32, #tpu.memory_space<vmem_shared>>) offsets(%arg12 : memref<640xi32, #tpu.memory_space<vmem>>) semaphore(%arg19 : memref<!tpu.dma_semaphore, #tpu.memory_space<semaphore_mem>>) {add = true}
      %dma_wait3A_168 = arith.constant 0 : i32
      %dma_wait3A_169 = tpu.memref_slice %arg10[%dma_wait3A_168] : memref<50000xf32, #tpu.memory_space<vmem_shared>> -> memref<50000xf32, #tpu.memory_space<vmem_shared>>
      tpu.wait_indirect_dma semaphore(%arg18 : memref<!tpu.dma_semaphore, #tpu.memory_space<semaphore_mem>>) src(%arg16 : memref<640xf32, #tpu.memory_space<vmem>>) dst(%dma_wait3A_169 : memref<50000xf32, #tpu.memory_space<vmem_shared>>)
      %dma_wait3A_170 = arith.constant 0 : i32
      %dma_wait3A_171 = arith.constant 0 : i32
      %dma_wait3A_172 = tpu.memref_slice %arg9[%dma_wait3A_170, %dma_wait3A_171] : memref<50000x32xf32, #tpu.memory_space<vmem_shared>> -> memref<50000x32xf32, #tpu.memory_space<vmem_shared>>
      tpu.wait_indirect_dma semaphore(%arg19 : memref<!tpu.dma_semaphore, #tpu.memory_space<semaphore_mem>>) src(%arg17 : memref<640x32xf32, #tpu.memory_space<vmem>>) dst(%dma_wait3A_172 : memref<50000x32xf32, #tpu.memory_space<vmem_shared>>)
      %while3A_173 = arith.constant 0 : i32
      scf.yield %while3A_173 : i32
    }
    %while3A_86 = arith.constant 1 : i32
    %while3A_87 = scf.for %while3A_106 = %while3A_83 to %while3A_79 step %while3A_86 iter_args(%while3A_107 = %while3A_85) -> (i32)  : i32 {
      %mul3A_108 = arith.constant 32 : i32
      %mul3A_109 = arith.muli %while3A_106, %mul3A_108 : i32
      %add3A_110 = arith.addi %add3A, %mul3A_109 : i32
      %mul3A_111 = arith.constant 640 : i32
      %mul3A_112 = arith.muli %add3A_110, %mul3A_111 : i32
      %dma_start3A = arith.constant 0 : i32
      %dma_start3A_113 = tpu.memref_slice %arg2[%dma_start3A, %mul3A_112] : memref<2x1600000xi32, #tpu.memory_space<hbm>> -> memref<1x640xi32, #tpu.memory_space<hbm>>
      %dma_start3A_114 = tpu.memref_squeeze %dma_start3A_113 : memref<1x640xi32, #tpu.memory_space<hbm>> -> memref<640xi32, #tpu.memory_space<hbm>>
      %dma_start3A_115 = tpu.memref_slice %arg2[%dma_start3A, %mul3A_112] : memref<2x1600000xi32, #tpu.memory_space<hbm>> -> memref<1x640xi32, #tpu.memory_space<hbm>>
      %dma_start3A_116 = tpu.memref_squeeze %dma_start3A_115 : memref<1x640xi32, #tpu.memory_space<hbm>> -> memref<640xi32, #tpu.memory_space<hbm>>
      tpu.enqueue_dma source(%dma_start3A_116 : memref<640xi32, #tpu.memory_space<hbm>>) target(%arg11 : memref<640xi32, #tpu.memory_space<vmem>>) target_semaphore(%arg18 : memref<!tpu.dma_semaphore, #tpu.memory_space<semaphore_mem>>)
      %dma_start3A_117 = arith.constant 1 : i32
      %dma_start3A_118 = tpu.memref_slice %arg2[%dma_start3A_117, %mul3A_112] : memref<2x1600000xi32, #tpu.memory_space<hbm>> -> memref<1x640xi32, #tpu.memory_space<hbm>>
      %dma_start3A_119 = tpu.memref_squeeze %dma_start3A_118 : memref<1x640xi32, #tpu.memory_space<hbm>> -> memref<640xi32, #tpu.memory_space<hbm>>
      %dma_start3A_120 = tpu.memref_slice %arg2[%dma_start3A_117, %mul3A_112] : memref<2x1600000xi32, #tpu.memory_space<hbm>> -> memref<1x640xi32, #tpu.memory_space<hbm>>
      %dma_start3A_121 = tpu.memref_squeeze %dma_start3A_120 : memref<1x640xi32, #tpu.memory_space<hbm>> -> memref<640xi32, #tpu.memory_space<hbm>>
      tpu.enqueue_dma source(%dma_start3A_121 : memref<640xi32, #tpu.memory_space<hbm>>) target(%arg12 : memref<640xi32, #tpu.memory_space<vmem>>) target_semaphore(%arg18 : memref<!tpu.dma_semaphore, #tpu.memory_space<semaphore_mem>>)
      %dma_start3A_122 = tpu.memref_slice %arg3[%mul3A_112] : memref<1600000xf32, #tpu.memory_space<hbm>> -> memref<640xf32, #tpu.memory_space<hbm>>
      %dma_start3A_123 = tpu.memref_slice %arg3[%mul3A_112] : memref<1600000xf32, #tpu.memory_space<hbm>> -> memref<640xf32, #tpu.memory_space<hbm>>
      tpu.enqueue_dma source(%dma_start3A_123 : memref<640xf32, #tpu.memory_space<hbm>>) target(%arg13 : memref<640xf32, #tpu.memory_space<vmem>>) target_semaphore(%arg18 : memref<!tpu.dma_semaphore, #tpu.memory_space<semaphore_mem>>)
      %dma_wait3A = arith.constant 0 : i32
      %dma_wait3A_124 = tpu.memref_slice %arg2[%dma_wait3A, %mul3A_112] : memref<2x1600000xi32, #tpu.memory_space<hbm>> -> memref<1x640xi32, #tpu.memory_space<hbm>>
      %dma_wait3A_125 = tpu.memref_squeeze %dma_wait3A_124 : memref<1x640xi32, #tpu.memory_space<hbm>> -> memref<640xi32, #tpu.memory_space<hbm>>
      %dma_wait3A_126 = tpu.memref_slice %arg2[%dma_wait3A, %mul3A_112] : memref<2x1600000xi32, #tpu.memory_space<hbm>> -> memref<1x640xi32, #tpu.memory_space<hbm>>
      %dma_wait3A_127 = tpu.memref_squeeze %dma_wait3A_126 : memref<1x640xi32, #tpu.memory_space<hbm>> -> memref<640xi32, #tpu.memory_space<hbm>>
      tpu.wait_dma2 semaphore(%arg18 : memref<!tpu.dma_semaphore, #tpu.memory_space<semaphore_mem>>) src(%dma_wait3A_127 : memref<640xi32, #tpu.memory_space<hbm>>) dst(%arg11 : memref<640xi32, #tpu.memory_space<vmem>>)
      %dma_wait3A_128 = arith.constant 1 : i32
      %dma_wait3A_129 = tpu.memref_slice %arg2[%dma_wait3A_128, %mul3A_112] : memref<2x1600000xi32, #tpu.memory_space<hbm>> -> memref<1x640xi32, #tpu.memory_space<hbm>>
      %dma_wait3A_130 = tpu.memref_squeeze %dma_wait3A_129 : memref<1x640xi32, #tpu.memory_space<hbm>> -> memref<640xi32, #tpu.memory_space<hbm>>
      %dma_wait3A_131 = tpu.memref_slice %arg2[%dma_wait3A_128, %mul3A_112] : memref<2x1600000xi32, #tpu.memory_space<hbm>> -> memref<1x640xi32, #tpu.memory_space<hbm>>
      %dma_wait3A_132 = tpu.memref_squeeze %dma_wait3A_131 : memref<1x640xi32, #tpu.memory_space<hbm>> -> memref<640xi32, #tpu.memory_space<hbm>>
      tpu.wait_dma2 semaphore(%arg18 : memref<!tpu.dma_semaphore, #tpu.memory_space<semaphore_mem>>) src(%dma_wait3A_132 : memref<640xi32, #tpu.memory_space<hbm>>) dst(%arg12 : memref<640xi32, #tpu.memory_space<vmem>>)
      %dma_wait3A_133 = tpu.memref_slice %arg3[%mul3A_112] : memref<1600000xf32, #tpu.memory_space<hbm>> -> memref<640xf32, #tpu.memory_space<hbm>>
      %dma_wait3A_134 = tpu.memref_slice %arg3[%mul3A_112] : memref<1600000xf32, #tpu.memory_space<hbm>> -> memref<640xf32, #tpu.memory_space<hbm>>
      tpu.wait_dma2 semaphore(%arg18 : memref<!tpu.dma_semaphore, #tpu.memory_space<semaphore_mem>>) src(%dma_wait3A_134 : memref<640xf32, #tpu.memory_space<hbm>>) dst(%arg13 : memref<640xf32, #tpu.memory_space<vmem>>)
      %dma_start3A_135 = arith.constant 0 : i32
      %dma_start3A_136 = arith.constant 0 : i32
      %dma_start3A_137 = tpu.memref_slice %arg6[%dma_start3A_135, %dma_start3A_136] : memref<50000x32xf32, #tpu.memory_space<hbm>> -> memref<50000x32xf32, #tpu.memory_space<hbm>>
      tpu.enqueue_indirect_dma source(%dma_start3A_137 : memref<50000x32xf32, #tpu.memory_space<hbm>>) target(%arg17 : memref<640x32xf32, #tpu.memory_space<vmem>>) offsets(%arg11 : memref<640xi32, #tpu.memory_space<vmem>>) semaphore(%arg19 : memref<!tpu.dma_semaphore, #tpu.memory_space<semaphore_mem>>)
      %dma_start3A_138 = arith.constant 0 : i32
      %dma_start3A_139 = tpu.memref_slice %arg4[%dma_start3A_138] : memref<50000xf32, #tpu.memory_space<hbm>> -> memref<50000xf32, #tpu.memory_space<hbm>>
      tpu.enqueue_indirect_dma source(%dma_start3A_139 : memref<50000xf32, #tpu.memory_space<hbm>>) target(%arg14 : memref<640xf32, #tpu.memory_space<vmem>>) offsets(%arg11 : memref<640xi32, #tpu.memory_space<vmem>>) semaphore(%arg18 : memref<!tpu.dma_semaphore, #tpu.memory_space<semaphore_mem>>)
      %dma_start3A_140 = arith.constant 0 : i32
      %dma_start3A_141 = tpu.memref_slice %arg5[%dma_start3A_140] : memref<50000xf32, #tpu.memory_space<hbm>> -> memref<50000xf32, #tpu.memory_space<hbm>>
      tpu.enqueue_indirect_dma source(%dma_start3A_141 : memref<50000xf32, #tpu.memory_space<hbm>>) target(%arg15 : memref<640xf32, #tpu.memory_space<vmem>>) offsets(%arg12 : memref<640xi32, #tpu.memory_space<vmem>>) semaphore(%arg18 : memref<!tpu.dma_semaphore, #tpu.memory_space<semaphore_mem>>)
      %dma_wait3A_142 = arith.constant 0 : i32
      %dma_wait3A_143 = tpu.memref_slice %arg4[%dma_wait3A_142] : memref<50000xf32, #tpu.memory_space<hbm>> -> memref<50000xf32, #tpu.memory_space<hbm>>
      tpu.wait_indirect_dma semaphore(%arg18 : memref<!tpu.dma_semaphore, #tpu.memory_space<semaphore_mem>>) src(%dma_wait3A_143 : memref<50000xf32, #tpu.memory_space<hbm>>) dst(%arg14 : memref<640xf32, #tpu.memory_space<vmem>>)
      %dma_wait3A_144 = arith.constant 0 : i32
      %dma_wait3A_145 = tpu.memref_slice %arg5[%dma_wait3A_144] : memref<50000xf32, #tpu.memory_space<hbm>> -> memref<50000xf32, #tpu.memory_space<hbm>>
      tpu.wait_indirect_dma semaphore(%arg18 : memref<!tpu.dma_semaphore, #tpu.memory_space<semaphore_mem>>) src(%dma_wait3A_145 : memref<50000xf32, #tpu.memory_space<hbm>>) dst(%arg15 : memref<640xf32, #tpu.memory_space<vmem>>)
      %scan3A_146 = arith.constant 0 : i32
      %scan3A_147 = arith.constant 0 : i32
      %scan3A_148 = arith.constant 40 : i32
      %scan3A_149 = arith.addi %scan3A_147, %scan3A_148 : i32
      %scan3A_150 = arith.constant 1 : i32
      %scan3A_151 = scf.for %scan3A_174 = %scan3A_147 to %scan3A_149 step %scan3A_150 iter_args(%scan3A_175 = %scan3A_146) -> (i32)  : i32 {
        %mul3A_176 = arith.constant 16 : i32
        %mul3A_177 = arith.muli %scan3A_174, %mul3A_176 : i32
        %get3A = arith.index_cast %mul3A_177 : i32 to index
        %get3A_178 = tpu.vector_load %arg14[%get3A] {strides = array<i32>} : memref<640xf32, #tpu.memory_space<vmem>>, vector<16xf32>,
        %get3A_179 = arith.index_cast %mul3A_177 : i32 to index
        %get3A_180 = tpu.vector_load %arg15[%get3A_179] {strides = array<i32>} : memref<640xf32, #tpu.memory_space<vmem>>, vector<16xf32>,
        %add3A_181 = arith.addf %get3A_178, %get3A_180 : vector<16xf32>
        %get3A_182 = arith.index_cast %mul3A_177 : i32 to index
        %get3A_183 = tpu.vector_load %arg13[%get3A_182] {strides = array<i32>} : memref<640xf32, #tpu.memory_space<vmem>>, vector<16xf32>,
        %add3A_184 = arith.addf %add3A_181, %get3A_183 : vector<16xf32>
        %mul3A_185 = arith.constant 2.000000e-01 : f32
        %mul3A_186 = vector.broadcast %mul3A_185 : f32 to vector<16xf32>
        %mul3A_187 = arith.mulf %mul3A_186, %add3A_184 : vector<16xf32>
        %max3A = arith.maximumf %add3A_184, %mul3A_187 : vector<16xf32>
        %exp3A = math.exp %max3A : vector<16xf32>
        %swap3A = arith.index_cast %mul3A_177 : i32 to index
        %swap3A_188 = tpu.vector_load %arg16[%swap3A] {strides = array<i32>} : memref<640xf32, #tpu.memory_space<vmem>>, vector<16xf32>,
        tpu.vector_store %arg16[%swap3A], %exp3A {strides = array<i32>} : memref<640xf32, #tpu.memory_space<vmem>>, vector<16xf32>,
        %scan3A_189 = arith.constant 0 : i32
        scf.yield %scan3A_189 : i32
      }
      %scan3A_152 = arith.constant 40 : i32
      %dma_wait3A_153 = arith.constant 0 : i32
      %dma_wait3A_154 = arith.constant 0 : i32
      %dma_wait3A_155 = tpu.memref_slice %arg6[%dma_wait3A_153, %dma_wait3A_154] : memref<50000x32xf32, #tpu.memory_space<hbm>> -> memref<50000x32xf32, #tpu.memory_space<hbm>>
      tpu.wait_indirect_dma semaphore(%arg19 : memref<!tpu.dma_semaphore, #tpu.memory_space<semaphore_mem>>) src(%dma_wait3A_155 : memref<50000x32xf32, #tpu.memory_space<hbm>>) dst(%arg17 : memref<640x32xf32, #tpu.memory_space<vmem>>)
      %iota3A = tpu.iota {dimensions = array<i32: 0>} : vector<16xi32>
      %scan3A_156 = arith.constant 0 : i32
      %scan3A_157 = arith.constant 0 : i32
      %scan3A_158 = arith.constant 40 : i32
      %scan3A_159 = arith.addi %scan3A_157, %scan3A_158 : i32
      %scan3A_160 = arith.constant 1 : i32
      %scan3A_161 = scf.for %scan3A_174 = %scan3A_157 to %scan3A_159 step %scan3A_160 iter_args(%scan3A_175 = %scan3A_156) -> (i32)  : i32 {
        %mul3A_176 = arith.constant 16 : i32
        %mul3A_177 = arith.muli %scan3A_174, %mul3A_176 : i32
        %add3A_178 = vector.broadcast %mul3A_177 : i32 to vector<16xi32>
        %add3A_179 = arith.addi %iota3A, %add3A_178 : vector<16xi32>
        %mul3A_180 = arith.constant 16 : i32
        %mul3A_181 = arith.muli %scan3A_174, %mul3A_180 : i32
        %get3A = arith.index_cast %mul3A_181 : i32 to index
        %get3A_182 = tpu.vector_load %arg16[%get3A] {strides = array<i32>} : memref<640xf32, #tpu.memory_space<vmem>>, vector<16xf32>,
        %broadcast_in_dim3A_183 = arith.constant 0 : i32
        %broadcast_in_dim3A_184 = vector.broadcast %broadcast_in_dim3A_183 : i32 to vector<16xi32>
        %gather3A = tpu.vector_load_idx %arg17[%add3A_179, %broadcast_in_dim3A_184] : memref<640x32xf32, #tpu.memory_space<vmem>>[vector<16xi32>, vector<16xi32>], vector<16xf32>,
        %mul3A_185 = arith.mulf %gather3A, %get3A_182 : vector<16xf32>
        tpu.vector_store_idx %arg17[%add3A_179, %broadcast_in_dim3A_184], %mul3A_185 : memref<640x32xf32, #tpu.memory_space<vmem>>[vector<16xi32>, vector<16xi32>], vector<16xf32>,
        %broadcast_in_dim3A_186 = arith.constant 1 : i32
        %broadcast_in_dim3A_187 = vector.broadcast %broadcast_in_dim3A_186 : i32 to vector<16xi32>
        %gather3A_188 = tpu.vector_load_idx %arg17[%add3A_179, %broadcast_in_dim3A_187] : memref<640x32xf32, #tpu.memory_space<vmem>>[vector<16xi32>, vector<16xi32>], vector<16xf32>,
        %mul3A_189 = arith.mulf %gather3A_188, %get3A_182 : vector<16xf32>
        tpu.vector_store_idx %arg17[%add3A_179, %broadcast_in_dim3A_187], %mul3A_189 : memref<640x32xf32, #tpu.memory_space<vmem>>[vector<16xi32>, vector<16xi32>], vector<16xf32>,
        %broadcast_in_dim3A_190 = arith.constant 2 : i32
        %broadcast_in_dim3A_191 = vector.broadcast %broadcast_in_dim3A_190 : i32 to vector<16xi32>
        %gather3A_192 = tpu.vector_load_idx %arg17[%add3A_179, %broadcast_in_dim3A_191] : memref<640x32xf32, #tpu.memory_space<vmem>>[vector<16xi32>, vector<16xi32>], vector<16xf32>,
        %mul3A_193 = arith.mulf %gather3A_192, %get3A_182 : vector<16xf32>
        tpu.vector_store_idx %arg17[%add3A_179, %broadcast_in_dim3A_191], %mul3A_193 : memref<640x32xf32, #tpu.memory_space<vmem>>[vector<16xi32>, vector<16xi32>], vector<16xf32>,
        %broadcast_in_dim3A_194 = arith.constant 3 : i32
        %broadcast_in_dim3A_195 = vector.broadcast %broadcast_in_dim3A_194 : i32 to vector<16xi32>
        %gather3A_196 = tpu.vector_load_idx %arg17[%add3A_179, %broadcast_in_dim3A_195] : memref<640x32xf32, #tpu.memory_space<vmem>>[vector<16xi32>, vector<16xi32>], vector<16xf32>,
        %mul3A_197 = arith.mulf %gather3A_196, %get3A_182 : vector<16xf32>
        tpu.vector_store_idx %arg17[%add3A_179, %broadcast_in_dim3A_195], %mul3A_197 : memref<640x32xf32, #tpu.memory_space<vmem>>[vector<16xi32>, vector<16xi32>], vector<16xf32>,
        %broadcast_in_dim3A_198 = arith.constant 4 : i32
        %broadcast_in_dim3A_199 = vector.broadcast %broadcast_in_dim3A_198 : i32 to vector<16xi32>
        %gather3A_200 = tpu.vector_load_idx %arg17[%add3A_179, %broadcast_in_dim3A_199] : memref<640x32xf32, #tpu.memory_space<vmem>>[vector<16xi32>, vector<16xi32>], vector<16xf32>,
        %mul3A_201 = arith.mulf %gather3A_200, %get3A_182 : vector<16xf32>
        tpu.vector_store_idx %arg17[%add3A_179, %broadcast_in_dim3A_199], %mul3A_201 : memref<640x32xf32, #tpu.memory_space<vmem>>[vector<16xi32>, vector<16xi32>], vector<16xf32>,
        %broadcast_in_dim3A_202 = arith.constant 5 : i32
        %broadcast_in_dim3A_203 = vector.broadcast %broadcast_in_dim3A_202 : i32 to vector<16xi32>
        %gather3A_204 = tpu.vector_load_idx %arg17[%add3A_179, %broadcast_in_dim3A_203] : memref<640x32xf32, #tpu.memory_space<vmem>>[vector<16xi32>, vector<16xi32>], vector<16xf32>,
        %mul3A_205 = arith.mulf %gather3A_204, %get3A_182 : vector<16xf32>
        tpu.vector_store_idx %arg17[%add3A_179, %broadcast_in_dim3A_203], %mul3A_205 : memref<640x32xf32, #tpu.memory_space<vmem>>[vector<16xi32>, vector<16xi32>], vector<16xf32>,
        %broadcast_in_dim3A_206 = arith.constant 6 : i32
        %broadcast_in_dim3A_207 = vector.broadcast %broadcast_in_dim3A_206 : i32 to vector<16xi32>
        %gather3A_208 = tpu.vector_load_idx %arg17[%add3A_179, %broadcast_in_dim3A_207] : memref<640x32xf32, #tpu.memory_space<vmem>>[vector<16xi32>, vector<16xi32>], vector<16xf32>,
        %mul3A_209 = arith.mulf %gather3A_208, %get3A_182 : vector<16xf32>
        tpu.vector_store_idx %arg17[%add3A_179, %broadcast_in_dim3A_207], %mul3A_209 : memref<640x32xf32, #tpu.memory_space<vmem>>[vector<16xi32>, vector<16xi32>], vector<16xf32>,
        %broadcast_in_dim3A_210 = arith.constant 7 : i32
        %broadcast_in_dim3A_211 = vector.broadcast %broadcast_in_dim3A_210 : i32 to vector<16xi32>
        %gather3A_212 = tpu.vector_load_idx %arg17[%add3A_179, %broadcast_in_dim3A_211] : memref<640x32xf32, #tpu.memory_space<vmem>>[vector<16xi32>, vector<16xi32>], vector<16xf32>,
        %mul3A_213 = arith.mulf %gather3A_212, %get3A_182 : vector<16xf32>
        tpu.vector_store_idx %arg17[%add3A_179, %broadcast_in_dim3A_211], %mul3A_213 : memref<640x32xf32, #tpu.memory_space<vmem>>[vector<16xi32>, vector<16xi32>], vector<16xf32>,
        %broadcast_in_dim3A_214 = arith.constant 8 : i32
        %broadcast_in_dim3A_215 = vector.broadcast %broadcast_in_dim3A_214 : i32 to vector<16xi32>
        %gather3A_216 = tpu.vector_load_idx %arg17[%add3A_179, %broadcast_in_dim3A_215] : memref<640x32xf32, #tpu.memory_space<vmem>>[vector<16xi32>, vector<16xi32>], vector<16xf32>,
        %mul3A_217 = arith.mulf %gather3A_216, %get3A_182 : vector<16xf32>
        tpu.vector_store_idx %arg17[%add3A_179, %broadcast_in_dim3A_215], %mul3A_217 : memref<640x32xf32, #tpu.memory_space<vmem>>[vector<16xi32>, vector<16xi32>], vector<16xf32>,
        %broadcast_in_dim3A_218 = arith.constant 9 : i32
        %broadcast_in_dim3A_219 = vector.broadcast %broadcast_in_dim3A_218 : i32 to vector<16xi32>
        %gather3A_220 = tpu.vector_load_idx %arg17[%add3A_179, %broadcast_in_dim3A_219] : memref<640x32xf32, #tpu.memory_space<vmem>>[vector<16xi32>, vector<16xi32>], vector<16xf32>,
        %mul3A_221 = arith.mulf %gather3A_220, %get3A_182 : vector<16xf32>
        tpu.vector_store_idx %arg17[%add3A_179, %broadcast_in_dim3A_219], %mul3A_221 : memref<640x32xf32, #tpu.memory_space<vmem>>[vector<16xi32>, vector<16xi32>], vector<16xf32>,
        %broadcast_in_dim3A_222 = arith.constant 10 : i32
        %broadcast_in_dim3A_223 = vector.broadcast %broadcast_in_dim3A_222 : i32 to vector<16xi32>
        %gather3A_224 = tpu.vector_load_idx %arg17[%add3A_179, %broadcast_in_dim3A_223] : memref<640x32xf32, #tpu.memory_space<vmem>>[vector<16xi32>, vector<16xi32>], vector<16xf32>,
        %mul3A_225 = arith.mulf %gather3A_224, %get3A_182 : vector<16xf32>
        tpu.vector_store_idx %arg17[%add3A_179, %broadcast_in_dim3A_223], %mul3A_225 : memref<640x32xf32, #tpu.memory_space<vmem>>[vector<16xi32>, vector<16xi32>], vector<16xf32>,
        %broadcast_in_dim3A_226 = arith.constant 11 : i32
        %broadcast_in_dim3A_227 = vector.broadcast %broadcast_in_dim3A_226 : i32 to vector<16xi32>
        %gather3A_228 = tpu.vector_load_idx %arg17[%add3A_179, %broadcast_in_dim3A_227] : memref<640x32xf32, #tpu.memory_space<vmem>>[vector<16xi32>, vector<16xi32>], vector<16xf32>,
        %mul3A_229 = arith.mulf %gather3A_228, %get3A_182 : vector<16xf32>
        tpu.vector_store_idx %arg17[%add3A_179, %broadcast_in_dim3A_227], %mul3A_229 : memref<640x32xf32, #tpu.memory_space<vmem>>[vector<16xi32>, vector<16xi32>], vector<16xf32>,
        %broadcast_in_dim3A_230 = arith.constant 12 : i32
        %broadcast_in_dim3A_231 = vector.broadcast %broadcast_in_dim3A_230 : i32 to vector<16xi32>
        %gather3A_232 = tpu.vector_load_idx %arg17[%add3A_179, %broadcast_in_dim3A_231] : memref<640x32xf32, #tpu.memory_space<vmem>>[vector<16xi32>, vector<16xi32>], vector<16xf32>,
        %mul3A_233 = arith.mulf %gather3A_232, %get3A_182 : vector<16xf32>
        tpu.vector_store_idx %arg17[%add3A_179, %broadcast_in_dim3A_231], %mul3A_233 : memref<640x32xf32, #tpu.memory_space<vmem>>[vector<16xi32>, vector<16xi32>], vector<16xf32>,
        %broadcast_in_dim3A_234 = arith.constant 13 : i32
        %broadcast_in_dim3A_235 = vector.broadcast %broadcast_in_dim3A_234 : i32 to vector<16xi32>
        %gather3A_236 = tpu.vector_load_idx %arg17[%add3A_179, %broadcast_in_dim3A_235] : memref<640x32xf32, #tpu.memory_space<vmem>>[vector<16xi32>, vector<16xi32>], vector<16xf32>,
        %mul3A_237 = arith.mulf %gather3A_236, %get3A_182 : vector<16xf32>
        tpu.vector_store_idx %arg17[%add3A_179, %broadcast_in_dim3A_235], %mul3A_237 : memref<640x32xf32, #tpu.memory_space<vmem>>[vector<16xi32>, vector<16xi32>], vector<16xf32>,
        %broadcast_in_dim3A_238 = arith.constant 14 : i32
        %broadcast_in_dim3A_239 = vector.broadcast %broadcast_in_dim3A_238 : i32 to vector<16xi32>
        %gather3A_240 = tpu.vector_load_idx %arg17[%add3A_179, %broadcast_in_dim3A_239] : memref<640x32xf32, #tpu.memory_space<vmem>>[vector<16xi32>, vector<16xi32>], vector<16xf32>,
        %mul3A_241 = arith.mulf %gather3A_240, %get3A_182 : vector<16xf32>
        tpu.vector_store_idx %arg17[%add3A_179, %broadcast_in_dim3A_239], %mul3A_241 : memref<640x32xf32, #tpu.memory_space<vmem>>[vector<16xi32>, vector<16xi32>], vector<16xf32>,
        %broadcast_in_dim3A_242 = arith.constant 15 : i32
        %broadcast_in_dim3A_243 = vector.broadcast %broadcast_in_dim3A_242 : i32 to vector<16xi32>
        %gather3A_244 = tpu.vector_load_idx %arg17[%add3A_179, %broadcast_in_dim3A_243] : memref<640x32xf32, #tpu.memory_space<vmem>>[vector<16xi32>, vector<16xi32>], vector<16xf32>,
        %mul3A_245 = arith.mulf %gather3A_244, %get3A_182 : vector<16xf32>
        tpu.vector_store_idx %arg17[%add3A_179, %broadcast_in_dim3A_243], %mul3A_245 : memref<640x32xf32, #tpu.memory_space<vmem>>[vector<16xi32>, vector<16xi32>], vector<16xf32>,
        %broadcast_in_dim3A_246 = arith.constant 16 : i32
        %broadcast_in_dim3A_247 = vector.broadcast %broadcast_in_dim3A_246 : i32 to vector<16xi32>
        %gather3A_248 = tpu.vector_load_idx %arg17[%add3A_179, %broadcast_in_dim3A_247] : memref<640x32xf32, #tpu.memory_space<vmem>>[vector<16xi32>, vector<16xi32>], vector<16xf32>,
        %mul3A_249 = arith.mulf %gather3A_248, %get3A_182 : vector<16xf32>
        tpu.vector_store_idx %arg17[%add3A_179, %broadcast_in_dim3A_247], %mul3A_249 : memref<640x32xf32, #tpu.memory_space<vmem>>[vector<16xi32>, vector<16xi32>], vector<16xf32>,
        %broadcast_in_dim3A_250 = arith.constant 17 : i32
        %broadcast_in_dim3A_251 = vector.broadcast %broadcast_in_dim3A_250 : i32 to vector<16xi32>
        %gather3A_252 = tpu.vector_load_idx %arg17[%add3A_179, %broadcast_in_dim3A_251] : memref<640x32xf32, #tpu.memory_space<vmem>>[vector<16xi32>, vector<16xi32>], vector<16xf32>,
        %mul3A_253 = arith.mulf %gather3A_252, %get3A_182 : vector<16xf32>
        tpu.vector_store_idx %arg17[%add3A_179, %broadcast_in_dim3A_251], %mul3A_253 : memref<640x32xf32, #tpu.memory_space<vmem>>[vector<16xi32>, vector<16xi32>], vector<16xf32>,
        %broadcast_in_dim3A_254 = arith.constant 18 : i32
        %broadcast_in_dim3A_255 = vector.broadcast %broadcast_in_dim3A_254 : i32 to vector<16xi32>
        %gather3A_256 = tpu.vector_load_idx %arg17[%add3A_179, %broadcast_in_dim3A_255] : memref<640x32xf32, #tpu.memory_space<vmem>>[vector<16xi32>, vector<16xi32>], vector<16xf32>,
        %mul3A_257 = arith.mulf %gather3A_256, %get3A_182 : vector<16xf32>
        tpu.vector_store_idx %arg17[%add3A_179, %broadcast_in_dim3A_255], %mul3A_257 : memref<640x32xf32, #tpu.memory_space<vmem>>[vector<16xi32>, vector<16xi32>], vector<16xf32>,
        %broadcast_in_dim3A_258 = arith.constant 19 : i32
        %broadcast_in_dim3A_259 = vector.broadcast %broadcast_in_dim3A_258 : i32 to vector<16xi32>
        %gather3A_260 = tpu.vector_load_idx %arg17[%add3A_179, %broadcast_in_dim3A_259] : memref<640x32xf32, #tpu.memory_space<vmem>>[vector<16xi32>, vector<16xi32>], vector<16xf32>,
        %mul3A_261 = arith.mulf %gather3A_260, %get3A_182 : vector<16xf32>
        tpu.vector_store_idx %arg17[%add3A_179, %broadcast_in_dim3A_259], %mul3A_261 : memref<640x32xf32, #tpu.memory_space<vmem>>[vector<16xi32>, vector<16xi32>], vector<16xf32>,
        %broadcast_in_dim3A_262 = arith.constant 20 : i32
        %broadcast_in_dim3A_263 = vector.broadcast %broadcast_in_dim3A_262 : i32 to vector<16xi32>
        %gather3A_264 = tpu.vector_load_idx %arg17[%add3A_179, %broadcast_in_dim3A_263] : memref<640x32xf32, #tpu.memory_space<vmem>>[vector<16xi32>, vector<16xi32>], vector<16xf32>,
        %mul3A_265 = arith.mulf %gather3A_264, %get3A_182 : vector<16xf32>
        tpu.vector_store_idx %arg17[%add3A_179, %broadcast_in_dim3A_263], %mul3A_265 : memref<640x32xf32, #tpu.memory_space<vmem>>[vector<16xi32>, vector<16xi32>], vector<16xf32>,
        %broadcast_in_dim3A_266 = arith.constant 21 : i32
        %broadcast_in_dim3A_267 = vector.broadcast %broadcast_in_dim3A_266 : i32 to vector<16xi32>
        %gather3A_268 = tpu.vector_load_idx %arg17[%add3A_179, %broadcast_in_dim3A_267] : memref<640x32xf32, #tpu.memory_space<vmem>>[vector<16xi32>, vector<16xi32>], vector<16xf32>,
        %mul3A_269 = arith.mulf %gather3A_268, %get3A_182 : vector<16xf32>
        tpu.vector_store_idx %arg17[%add3A_179, %broadcast_in_dim3A_267], %mul3A_269 : memref<640x32xf32, #tpu.memory_space<vmem>>[vector<16xi32>, vector<16xi32>], vector<16xf32>,
        %broadcast_in_dim3A_270 = arith.constant 22 : i32
        %broadcast_in_dim3A_271 = vector.broadcast %broadcast_in_dim3A_270 : i32 to vector<16xi32>
        %gather3A_272 = tpu.vector_load_idx %arg17[%add3A_179, %broadcast_in_dim3A_271] : memref<640x32xf32, #tpu.memory_space<vmem>>[vector<16xi32>, vector<16xi32>], vector<16xf32>,
        %mul3A_273 = arith.mulf %gather3A_272, %get3A_182 : vector<16xf32>
        tpu.vector_store_idx %arg17[%add3A_179, %broadcast_in_dim3A_271], %mul3A_273 : memref<640x32xf32, #tpu.memory_space<vmem>>[vector<16xi32>, vector<16xi32>], vector<16xf32>,
        %broadcast_in_dim3A_274 = arith.constant 23 : i32
        %broadcast_in_dim3A_275 = vector.broadcast %broadcast_in_dim3A_274 : i32 to vector<16xi32>
        %gather3A_276 = tpu.vector_load_idx %arg17[%add3A_179, %broadcast_in_dim3A_275] : memref<640x32xf32, #tpu.memory_space<vmem>>[vector<16xi32>, vector<16xi32>], vector<16xf32>,
        %mul3A_277 = arith.mulf %gather3A_276, %get3A_182 : vector<16xf32>
        tpu.vector_store_idx %arg17[%add3A_179, %broadcast_in_dim3A_275], %mul3A_277 : memref<640x32xf32, #tpu.memory_space<vmem>>[vector<16xi32>, vector<16xi32>], vector<16xf32>,
        %broadcast_in_dim3A_278 = arith.constant 24 : i32
        %broadcast_in_dim3A_279 = vector.broadcast %broadcast_in_dim3A_278 : i32 to vector<16xi32>
        %gather3A_280 = tpu.vector_load_idx %arg17[%add3A_179, %broadcast_in_dim3A_279] : memref<640x32xf32, #tpu.memory_space<vmem>>[vector<16xi32>, vector<16xi32>], vector<16xf32>,
        %mul3A_281 = arith.mulf %gather3A_280, %get3A_182 : vector<16xf32>
        tpu.vector_store_idx %arg17[%add3A_179, %broadcast_in_dim3A_279], %mul3A_281 : memref<640x32xf32, #tpu.memory_space<vmem>>[vector<16xi32>, vector<16xi32>], vector<16xf32>,
        %broadcast_in_dim3A_282 = arith.constant 25 : i32
        %broadcast_in_dim3A_283 = vector.broadcast %broadcast_in_dim3A_282 : i32 to vector<16xi32>
        %gather3A_284 = tpu.vector_load_idx %arg17[%add3A_179, %broadcast_in_dim3A_283] : memref<640x32xf32, #tpu.memory_space<vmem>>[vector<16xi32>, vector<16xi32>], vector<16xf32>,
        %mul3A_285 = arith.mulf %gather3A_284, %get3A_182 : vector<16xf32>
        tpu.vector_store_idx %arg17[%add3A_179, %broadcast_in_dim3A_283], %mul3A_285 : memref<640x32xf32, #tpu.memory_space<vmem>>[vector<16xi32>, vector<16xi32>], vector<16xf32>,
        %broadcast_in_dim3A_286 = arith.constant 26 : i32
        %broadcast_in_dim3A_287 = vector.broadcast %broadcast_in_dim3A_286 : i32 to vector<16xi32>
        %gather3A_288 = tpu.vector_load_idx %arg17[%add3A_179, %broadcast_in_dim3A_287] : memref<640x32xf32, #tpu.memory_space<vmem>>[vector<16xi32>, vector<16xi32>], vector<16xf32>,
        %mul3A_289 = arith.mulf %gather3A_288, %get3A_182 : vector<16xf32>
        tpu.vector_store_idx %arg17[%add3A_179, %broadcast_in_dim3A_287], %mul3A_289 : memref<640x32xf32, #tpu.memory_space<vmem>>[vector<16xi32>, vector<16xi32>], vector<16xf32>,
        %broadcast_in_dim3A_290 = arith.constant 27 : i32
        %broadcast_in_dim3A_291 = vector.broadcast %broadcast_in_dim3A_290 : i32 to vector<16xi32>
        %gather3A_292 = tpu.vector_load_idx %arg17[%add3A_179, %broadcast_in_dim3A_291] : memref<640x32xf32, #tpu.memory_space<vmem>>[vector<16xi32>, vector<16xi32>], vector<16xf32>,
        %mul3A_293 = arith.mulf %gather3A_292, %get3A_182 : vector<16xf32>
        tpu.vector_store_idx %arg17[%add3A_179, %broadcast_in_dim3A_291], %mul3A_293 : memref<640x32xf32, #tpu.memory_space<vmem>>[vector<16xi32>, vector<16xi32>], vector<16xf32>,
        %broadcast_in_dim3A_294 = arith.constant 28 : i32
        %broadcast_in_dim3A_295 = vector.broadcast %broadcast_in_dim3A_294 : i32 to vector<16xi32>
        %gather3A_296 = tpu.vector_load_idx %arg17[%add3A_179, %broadcast_in_dim3A_295] : memref<640x32xf32, #tpu.memory_space<vmem>>[vector<16xi32>, vector<16xi32>], vector<16xf32>,
        %mul3A_297 = arith.mulf %gather3A_296, %get3A_182 : vector<16xf32>
        tpu.vector_store_idx %arg17[%add3A_179, %broadcast_in_dim3A_295], %mul3A_297 : memref<640x32xf32, #tpu.memory_space<vmem>>[vector<16xi32>, vector<16xi32>], vector<16xf32>,
        %broadcast_in_dim3A_298 = arith.constant 29 : i32
        %broadcast_in_dim3A_299 = vector.broadcast %broadcast_in_dim3A_298 : i32 to vector<16xi32>
        %gather3A_300 = tpu.vector_load_idx %arg17[%add3A_179, %broadcast_in_dim3A_299] : memref<640x32xf32, #tpu.memory_space<vmem>>[vector<16xi32>, vector<16xi32>], vector<16xf32>,
        %mul3A_301 = arith.mulf %gather3A_300, %get3A_182 : vector<16xf32>
        tpu.vector_store_idx %arg17[%add3A_179, %broadcast_in_dim3A_299], %mul3A_301 : memref<640x32xf32, #tpu.memory_space<vmem>>[vector<16xi32>, vector<16xi32>], vector<16xf32>,
        %broadcast_in_dim3A_302 = arith.constant 30 : i32
        %broadcast_in_dim3A_303 = vector.broadcast %broadcast_in_dim3A_302 : i32 to vector<16xi32>
        %gather3A_304 = tpu.vector_load_idx %arg17[%add3A_179, %broadcast_in_dim3A_303] : memref<640x32xf32, #tpu.memory_space<vmem>>[vector<16xi32>, vector<16xi32>], vector<16xf32>,
        %mul3A_305 = arith.mulf %gather3A_304, %get3A_182 : vector<16xf32>
        tpu.vector_store_idx %arg17[%add3A_179, %broadcast_in_dim3A_303], %mul3A_305 : memref<640x32xf32, #tpu.memory_space<vmem>>[vector<16xi32>, vector<16xi32>], vector<16xf32>,
        %broadcast_in_dim3A_306 = arith.constant 31 : i32
        %broadcast_in_dim3A_307 = vector.broadcast %broadcast_in_dim3A_306 : i32 to vector<16xi32>
        %gather3A_308 = tpu.vector_load_idx %arg17[%add3A_179, %broadcast_in_dim3A_307] : memref<640x32xf32, #tpu.memory_space<vmem>>[vector<16xi32>, vector<16xi32>], vector<16xf32>,
        %mul3A_309 = arith.mulf %gather3A_308, %get3A_182 : vector<16xf32>
        tpu.vector_store_idx %arg17[%add3A_179, %broadcast_in_dim3A_307], %mul3A_309 : memref<640x32xf32, #tpu.memory_space<vmem>>[vector<16xi32>, vector<16xi32>], vector<16xf32>,
        %scan3A_310 = arith.constant 0 : i32
        scf.yield %scan3A_310 : i32
      }
      %scan3A_162 = arith.constant 40 : i32
      %dma_start3A_163 = arith.constant 0 : i32
      %dma_start3A_164 = tpu.memref_slice %arg10[%dma_start3A_163] : memref<50000xf32, #tpu.memory_space<vmem_shared>> -> memref<50000xf32, #tpu.memory_space<vmem_shared>>
      tpu.enqueue_indirect_dma source(%arg16 : memref<640xf32, #tpu.memory_space<vmem>>) target(%dma_start3A_164 : memref<50000xf32, #tpu.memory_space<vmem_shared>>) offsets(%arg12 : memref<640xi32, #tpu.memory_space<vmem>>) semaphore(%arg18 : memref<!tpu.dma_semaphore, #tpu.memory_space<semaphore_mem>>) {add = true}
      %dma_start3A_165 = arith.constant 0 : i32
      %dma_start3A_166 = arith.constant 0 : i32
      %dma_start3A_167 = tpu.memref_slice %arg9[%dma_start3A_165, %dma_start3A_166] : memref<50000x32xf32, #tpu.memory_space<vmem_shared>> -> memref<50000x32xf32, #tpu.memory_space<vmem_shared>>
      tpu.enqueue_indirect_dma source(%arg17 : memref<640x32xf32, #tpu.memory_space<vmem>>) target(%dma_start3A_167 : memref<50000x32xf32, #tpu.memory_space<vmem_shared>>) offsets(%arg12 : memref<640xi32, #tpu.memory_space<vmem>>) semaphore(%arg19 : memref<!tpu.dma_semaphore, #tpu.memory_space<semaphore_mem>>) {add = true}
      %dma_wait3A_168 = arith.constant 0 : i32
      %dma_wait3A_169 = tpu.memref_slice %arg10[%dma_wait3A_168] : memref<50000xf32, #tpu.memory_space<vmem_shared>> -> memref<50000xf32, #tpu.memory_space<vmem_shared>>
      tpu.wait_indirect_dma semaphore(%arg18 : memref<!tpu.dma_semaphore, #tpu.memory_space<semaphore_mem>>) src(%arg16 : memref<640xf32, #tpu.memory_space<vmem>>) dst(%dma_wait3A_169 : memref<50000xf32, #tpu.memory_space<vmem_shared>>)
      %dma_wait3A_170 = arith.constant 0 : i32
      %dma_wait3A_171 = arith.constant 0 : i32
      %dma_wait3A_172 = tpu.memref_slice %arg9[%dma_wait3A_170, %dma_wait3A_171] : memref<50000x32xf32, #tpu.memory_space<vmem_shared>> -> memref<50000x32xf32, #tpu.memory_space<vmem_shared>>
      tpu.wait_indirect_dma semaphore(%arg19 : memref<!tpu.dma_semaphore, #tpu.memory_space<semaphore_mem>>) src(%arg17 : memref<640x32xf32, #tpu.memory_space<vmem>>) dst(%dma_wait3A_172 : memref<50000x32xf32, #tpu.memory_space<vmem_shared>>)
      %while3A_173 = arith.constant 0 : i32
      scf.yield %while3A_173 : i32
    }
    %barrier3A_88 = arith.constant 0 : index
    tpu.barrier barrier_id(%barrier3A_88)
    %while3A_89 = arith.constant 0 : i32
    %while3A_90 = arith.constant 0 : i32
    %while3A_91 = arith.subi %add3A_34, %while3A_89 : i32
    %while3A_92 = arith.addi %while3A_89, %while3A_91 : i32
    %while3A_93 = arith.constant 1 : i32
    %while3A_94 = arith.divsi %while3A_91, %while3A_93 : i32
    %while3A_95 = arith.muli %while3A_94, %while3A_93 : i32
    %while3A_96 = arith.addi %while3A_89, %while3A_95 : i32
    %while3A_97 = arith.constant 1 : i32
    %while3A_98 = scf.for %while3A_106 = %while3A_89 to %while3A_96 step %while3A_97 iter_args(%while3A_107 = %while3A_90) -> (i32)  : i32 {
      %mul3A_108 = arith.constant 16 : i32
      %mul3A_109 = arith.muli %while3A_106, %mul3A_108 : i32
      %add3A_110 = arith.addi %arg1, %mul3A_109 : i32
      %mul3A_111 = arith.constant 640 : i32
      %mul3A_112 = arith.muli %add3A_110, %mul3A_111 : i32
      "tpu.region"() ({
        %run_scoped3A = tpu.sem_alloc : memref<!tpu.dma_semaphore, #tpu.memory_space<semaphore_mem>>
        %dma_start3A = arith.constant 0 : i32
        %dma_start3A_114 = tpu.memref_slice %arg7[%arg0, %mul3A_112, %dma_start3A] : memref<2x50000x32xf32, #tpu.memory_space<hbm>> -> memref<1x640x32xf32, #tpu.memory_space<hbm>>
        %dma_start3A_115 = tpu.memref_squeeze %dma_start3A_114 : memref<1x640x32xf32, #tpu.memory_space<hbm>> -> memref<640x32xf32, #tpu.memory_space<hbm>>
        %dma_start3A_116 = arith.constant 0 : i32
        %dma_start3A_117 = tpu.memref_slice %arg9[%mul3A_112, %dma_start3A_116] : memref<50000x32xf32, #tpu.memory_space<vmem_shared>> -> memref<640x32xf32, #tpu.memory_space<vmem_shared>>
        tpu.enqueue_dma source(%dma_start3A_117 : memref<640x32xf32, #tpu.memory_space<vmem_shared>>) target(%dma_start3A_115 : memref<640x32xf32, #tpu.memory_space<hbm>>) target_semaphore(%run_scoped3A : memref<!tpu.dma_semaphore, #tpu.memory_space<semaphore_mem>>)
        %dma_wait3A = arith.constant 0 : i32
        %dma_wait3A_118 = tpu.memref_slice %arg7[%arg0, %mul3A_112, %dma_wait3A] : memref<2x50000x32xf32, #tpu.memory_space<hbm>> -> memref<1x640x32xf32, #tpu.memory_space<hbm>>
        %dma_wait3A_119 = tpu.memref_squeeze %dma_wait3A_118 : memref<1x640x32xf32, #tpu.memory_space<hbm>> -> memref<640x32xf32, #tpu.memory_space<hbm>>
        %dma_wait3A_120 = arith.constant 0 : i32
        %dma_wait3A_121 = tpu.memref_slice %arg9[%mul3A_112, %dma_wait3A_120] : memref<50000x32xf32, #tpu.memory_space<vmem_shared>> -> memref<640x32xf32, #tpu.memory_space<vmem_shared>>
        tpu.wait_dma2 semaphore(%run_scoped3A : memref<!tpu.dma_semaphore, #tpu.memory_space<semaphore_mem>>) src(%dma_wait3A_121 : memref<640x32xf32, #tpu.memory_space<vmem_shared>>) dst(%dma_wait3A_119 : memref<640x32xf32, #tpu.memory_space<hbm>>)
        tpu.yield
      }) : () -> ()
      "tpu.region"() ({
        %run_scoped3A = tpu.sem_alloc : memref<!tpu.dma_semaphore, #tpu.memory_space<semaphore_mem>>
        %dma_start3A = tpu.memref_slice %arg8[%arg0, %mul3A_112] : memref<2x50000xf32, #tpu.memory_space<hbm>> -> memref<1x640xf32, #tpu.memory_space<hbm>>
        %dma_start3A_114 = tpu.memref_squeeze %dma_start3A : memref<1x640xf32, #tpu.memory_space<hbm>> -> memref<640xf32, #tpu.memory_space<hbm>>
        %dma_start3A_115 = tpu.memref_slice %arg10[%mul3A_112] : memref<50000xf32, #tpu.memory_space<vmem_shared>> -> memref<640xf32, #tpu.memory_space<vmem_shared>>
        tpu.enqueue_dma source(%dma_start3A_115 : memref<640xf32, #tpu.memory_space<vmem_shared>>) target(%dma_start3A_114 : memref<640xf32, #tpu.memory_space<hbm>>) target_semaphore(%run_scoped3A : memref<!tpu.dma_semaphore, #tpu.memory_space<semaphore_mem>>)
        %dma_wait3A = tpu.memref_slice %arg8[%arg0, %mul3A_112] : memref<2x50000xf32, #tpu.memory_space<hbm>> -> memref<1x640xf32, #tpu.memory_space<hbm>>
        %dma_wait3A_116 = tpu.memref_squeeze %dma_wait3A : memref<1x640xf32, #tpu.memory_space<hbm>> -> memref<640xf32, #tpu.memory_space<hbm>>
        %dma_wait3A_117 = tpu.memref_slice %arg10[%mul3A_112] : memref<50000xf32, #tpu.memory_space<vmem_shared>> -> memref<640xf32, #tpu.memory_space<vmem_shared>>
        tpu.wait_dma2 semaphore(%run_scoped3A : memref<!tpu.dma_semaphore, #tpu.memory_space<semaphore_mem>>) src(%dma_wait3A_117 : memref<640xf32, #tpu.memory_space<vmem_shared>>) dst(%dma_wait3A_116 : memref<640xf32, #tpu.memory_space<hbm>>)
        tpu.yield
      }) : () -> ()
      %while3A_113 = arith.constant 0 : i32
      scf.yield %while3A_113 : i32
    }
    %while3A_99 = arith.constant 1 : i32
    %while3A_100 = scf.for %while3A_106 = %while3A_96 to %while3A_92 step %while3A_99 iter_args(%while3A_107 = %while3A_98) -> (i32)  : i32 {
      %mul3A_108 = arith.constant 16 : i32
      %mul3A_109 = arith.muli %while3A_106, %mul3A_108 : i32
      %add3A_110 = arith.addi %arg1, %mul3A_109 : i32
      %mul3A_111 = arith.constant 640 : i32
      %mul3A_112 = arith.muli %add3A_110, %mul3A_111 : i32
      "tpu.region"() ({
        %run_scoped3A = tpu.sem_alloc : memref<!tpu.dma_semaphore, #tpu.memory_space<semaphore_mem>>
        %dma_start3A = arith.constant 0 : i32
        %dma_start3A_114 = tpu.memref_slice %arg7[%arg0, %mul3A_112, %dma_start3A] : memref<2x50000x32xf32, #tpu.memory_space<hbm>> -> memref<1x640x32xf32, #tpu.memory_space<hbm>>
        %dma_start3A_115 = tpu.memref_squeeze %dma_start3A_114 : memref<1x640x32xf32, #tpu.memory_space<hbm>> -> memref<640x32xf32, #tpu.memory_space<hbm>>
        %dma_start3A_116 = arith.constant 0 : i32
        %dma_start3A_117 = tpu.memref_slice %arg9[%mul3A_112, %dma_start3A_116] : memref<50000x32xf32, #tpu.memory_space<vmem_shared>> -> memref<640x32xf32, #tpu.memory_space<vmem_shared>>
        tpu.enqueue_dma source(%dma_start3A_117 : memref<640x32xf32, #tpu.memory_space<vmem_shared>>) target(%dma_start3A_115 : memref<640x32xf32, #tpu.memory_space<hbm>>) target_semaphore(%run_scoped3A : memref<!tpu.dma_semaphore, #tpu.memory_space<semaphore_mem>>)
        %dma_wait3A = arith.constant 0 : i32
        %dma_wait3A_118 = tpu.memref_slice %arg7[%arg0, %mul3A_112, %dma_wait3A] : memref<2x50000x32xf32, #tpu.memory_space<hbm>> -> memref<1x640x32xf32, #tpu.memory_space<hbm>>
        %dma_wait3A_119 = tpu.memref_squeeze %dma_wait3A_118 : memref<1x640x32xf32, #tpu.memory_space<hbm>> -> memref<640x32xf32, #tpu.memory_space<hbm>>
        %dma_wait3A_120 = arith.constant 0 : i32
        %dma_wait3A_121 = tpu.memref_slice %arg9[%mul3A_112, %dma_wait3A_120] : memref<50000x32xf32, #tpu.memory_space<vmem_shared>> -> memref<640x32xf32, #tpu.memory_space<vmem_shared>>
        tpu.wait_dma2 semaphore(%run_scoped3A : memref<!tpu.dma_semaphore, #tpu.memory_space<semaphore_mem>>) src(%dma_wait3A_121 : memref<640x32xf32, #tpu.memory_space<vmem_shared>>) dst(%dma_wait3A_119 : memref<640x32xf32, #tpu.memory_space<hbm>>)
        tpu.yield
      }) : () -> ()
      "tpu.region"() ({
        %run_scoped3A = tpu.sem_alloc : memref<!tpu.dma_semaphore, #tpu.memory_space<semaphore_mem>>
        %dma_start3A = tpu.memref_slice %arg8[%arg0, %mul3A_112] : memref<2x50000xf32, #tpu.memory_space<hbm>> -> memref<1x640xf32, #tpu.memory_space<hbm>>
        %dma_start3A_114 = tpu.memref_squeeze %dma_start3A : memref<1x640xf32, #tpu.memory_space<hbm>> -> memref<640xf32, #tpu.memory_space<hbm>>
        %dma_start3A_115 = tpu.memref_slice %arg10[%mul3A_112] : memref<50000xf32, #tpu.memory_space<vmem_shared>> -> memref<640xf32, #tpu.memory_space<vmem_shared>>
        tpu.enqueue_dma source(%dma_start3A_115 : memref<640xf32, #tpu.memory_space<vmem_shared>>) target(%dma_start3A_114 : memref<640xf32, #tpu.memory_space<hbm>>) target_semaphore(%run_scoped3A : memref<!tpu.dma_semaphore, #tpu.memory_space<semaphore_mem>>)
        %dma_wait3A = tpu.memref_slice %arg8[%arg0, %mul3A_112] : memref<2x50000xf32, #tpu.memory_space<hbm>> -> memref<1x640xf32, #tpu.memory_space<hbm>>
        %dma_wait3A_116 = tpu.memref_squeeze %dma_wait3A : memref<1x640xf32, #tpu.memory_space<hbm>> -> memref<640xf32, #tpu.memory_space<hbm>>
        %dma_wait3A_117 = tpu.memref_slice %arg10[%mul3A_112] : memref<50000xf32, #tpu.memory_space<vmem_shared>> -> memref<640xf32, #tpu.memory_space<vmem_shared>>
        tpu.wait_dma2 semaphore(%run_scoped3A : memref<!tpu.dma_semaphore, #tpu.memory_space<semaphore_mem>>) src(%dma_wait3A_117 : memref<640xf32, #tpu.memory_space<vmem_shared>>) dst(%dma_wait3A_116 : memref<640xf32, #tpu.memory_space<hbm>>)
        tpu.yield
      }) : () -> ()
      %while3A_113 = arith.constant 0 : i32
      scf.yield %while3A_113 : i32
    }
    %eq3A_101 = arith.constant 1 : i32
    %eq3A_102 = arith.cmpi eq, %arg1, %eq3A_101 : i32
    %convert_element_type3A_103 = arith.extui %eq3A_102 : i1 to i32
    %cond3A_104 = arith.constant 0 : i32
    %cond3A_105 = arith.cmpi ne, %convert_element_type3A_103, %cond3A_104 : i32
    scf.if %cond3A_105 {
      "tpu.region"() ({
        %run_scoped3A = tpu.sem_alloc : memref<!tpu.dma_semaphore, #tpu.memory_space<semaphore_mem>>
        %dma_start3A = arith.constant 49920 : i32
        %dma_start3A_106 = arith.constant 0 : i32
        %dma_start3A_107 = tpu.memref_slice %arg7[%arg0, %dma_start3A, %dma_start3A_106] : memref<2x50000x32xf32, #tpu.memory_space<hbm>> -> memref<1x80x32xf32, #tpu.memory_space<hbm>>
        %dma_start3A_108 = tpu.memref_squeeze %dma_start3A_107 : memref<1x80x32xf32, #tpu.memory_space<hbm>> -> memref<80x32xf32, #tpu.memory_space<hbm>>
        %dma_start3A_109 = arith.constant 49920 : i32
        %dma_start3A_110 = arith.constant 0 : i32
        %dma_start3A_111 = tpu.memref_slice %arg9[%dma_start3A_109, %dma_start3A_110] : memref<50000x32xf32, #tpu.memory_space<vmem_shared>> -> memref<80x32xf32, #tpu.memory_space<vmem_shared>>
        tpu.enqueue_dma source(%dma_start3A_111 : memref<80x32xf32, #tpu.memory_space<vmem_shared>>) target(%dma_start3A_108 : memref<80x32xf32, #tpu.memory_space<hbm>>) target_semaphore(%run_scoped3A : memref<!tpu.dma_semaphore, #tpu.memory_space<semaphore_mem>>)
        %dma_wait3A = arith.constant 49920 : i32
        %dma_wait3A_112 = arith.constant 0 : i32
        %dma_wait3A_113 = tpu.memref_slice %arg7[%arg0, %dma_wait3A, %dma_wait3A_112] : memref<2x50000x32xf32, #tpu.memory_space<hbm>> -> memref<1x80x32xf32, #tpu.memory_space<hbm>>
        %dma_wait3A_114 = tpu.memref_squeeze %dma_wait3A_113 : memref<1x80x32xf32, #tpu.memory_space<hbm>> -> memref<80x32xf32, #tpu.memory_space<hbm>>
        %dma_wait3A_115 = arith.constant 49920 : i32
        %dma_wait3A_116 = arith.constant 0 : i32
        %dma_wait3A_117 = tpu.memref_slice %arg9[%dma_wait3A_115, %dma_wait3A_116] : memref<50000x32xf32, #tpu.memory_space<vmem_shared>> -> memref<80x32xf32, #tpu.memory_space<vmem_shared>>
        tpu.wait_dma2 semaphore(%run_scoped3A : memref<!tpu.dma_semaphore, #tpu.memory_space<semaphore_mem>>) src(%dma_wait3A_117 : memref<80x32xf32, #tpu.memory_space<vmem_shared>>) dst(%dma_wait3A_114 : memref<80x32xf32, #tpu.memory_space<hbm>>)
        tpu.yield
      }) : () -> ()
      "tpu.region"() ({
        %run_scoped3A = tpu.sem_alloc : memref<!tpu.dma_semaphore, #tpu.memory_space<semaphore_mem>>
        %dma_start3A = arith.constant 49920 : i32
        %dma_start3A_106 = tpu.memref_slice %arg8[%arg0, %dma_start3A] : memref<2x50000xf32, #tpu.memory_space<hbm>> -> memref<1x80xf32, #tpu.memory_space<hbm>>
        %dma_start3A_107 = tpu.memref_squeeze %dma_start3A_106 : memref<1x80xf32, #tpu.memory_space<hbm>> -> memref<80xf32, #tpu.memory_space<hbm>>
        %dma_start3A_108 = arith.constant 49920 : i32
        %dma_start3A_109 = tpu.memref_slice %arg10[%dma_start3A_108] : memref<50000xf32, #tpu.memory_space<vmem_shared>> -> memref<80xf32, #tpu.memory_space<vmem_shared>>
        tpu.enqueue_dma source(%dma_start3A_109 : memref<80xf32, #tpu.memory_space<vmem_shared>>) target(%dma_start3A_107 : memref<80xf32, #tpu.memory_space<hbm>>) target_semaphore(%run_scoped3A : memref<!tpu.dma_semaphore, #tpu.memory_space<semaphore_mem>>)
        %dma_wait3A = arith.constant 49920 : i32
        %dma_wait3A_110 = tpu.memref_slice %arg8[%arg0, %dma_wait3A] : memref<2x50000xf32, #tpu.memory_space<hbm>> -> memref<1x80xf32, #tpu.memory_space<hbm>>
        %dma_wait3A_111 = tpu.memref_squeeze %dma_wait3A_110 : memref<1x80xf32, #tpu.memory_space<hbm>> -> memref<80xf32, #tpu.memory_space<hbm>>
        %dma_wait3A_112 = arith.constant 49920 : i32
        %dma_wait3A_113 = tpu.memref_slice %arg10[%dma_wait3A_112] : memref<50000xf32, #tpu.memory_space<vmem_shared>> -> memref<80xf32, #tpu.memory_space<vmem_shared>>
        tpu.wait_dma2 semaphore(%run_scoped3A : memref<!tpu.dma_semaphore, #tpu.memory_space<semaphore_mem>>) src(%dma_wait3A_113 : memref<80xf32, #tpu.memory_space<vmem_shared>>) dst(%dma_wait3A_111 : memref<80xf32, #tpu.memory_space<hbm>>)
        tpu.yield
      }) : () -> ()
    } else {
    }
    return
  }
}

#map = affine_map<(d0, d1) -> (0, 0)>
#map1 = affine_map<(d0, d1) -> (0)>
#map2 = affine_map<(d0, d1) -> (0, 0, 0)>
module attributes {stable_mosaic.version = 14 : i64} {
  func.func @_sc_edges(%arg0: i32, %arg1: i32, %arg2: memref<2x1600000xi32, #tpu.memory_space<hbm>>, %arg3: memref<1600000xf32, #tpu.memory_space<hbm>>, %arg4: memref<50000xf32, #tpu.memory_space<hbm>>, %arg5: memref<50000xf32, #tpu.memory_space<hbm>>, %arg6: memref<50000x32xf32, #tpu.memory_space<hbm>>, %arg7: memref<2x50000x32xf32, #tpu.memory_space<hbm>>, %arg8: memref<2x50000xf32, #tpu.memory_space<hbm>>, %arg9: memref<50000x32xf32, #tpu.memory_space<vmem_shared>>, %arg10: memref<50000xf32, #tpu.memory_space<vmem_shared>>, %arg11: memref<640xi32, #tpu.memory_space<vmem>>, %arg12: memref<640xi32, #tpu.memory_space<vmem>>, %arg13: memref<640xf32, #tpu.memory_space<vmem>>, %arg14: memref<640xf32, #tpu.memory_space<vmem>>, %arg15: memref<640xf32, #tpu.memory_space<vmem>>, %arg16: memref<640xf32, #tpu.memory_space<vmem>>, %arg17: memref<640x32xf32, #tpu.memory_space<vmem>>, %arg18: memref<!tpu.dma_semaphore, #tpu.memory_space<semaphore_mem>>, %arg19: memref<!tpu.dma_semaphore, #tpu.memory_space<semaphore_mem>>) attributes {dimension_semantics = [#tpu.dimension_semantics<core_parallel>, #tpu.dimension_semantics<subcore_parallel>], iteration_bounds = array<i64: 2, 16>, scalar_prefetch = 0 : i64, scratch_operands = 11 : i64, tpu.core_type = #tpu.core_type<sc_vector_subcore>, window_params = [{transform_indices = #map}, {transform_indices = #map1}, {transform_indices = #map1}, {transform_indices = #map1}, {transform_indices = #map}, {transform_indices = #map2}, {transform_indices = #map}]} {
    %mul3A = arith.constant 2 : i32
    %mul3A_0 = arith.muli %arg1, %mul3A : i32
    %add3A = arith.addi %mul3A_0, %arg0 : i32
    %broadcast_in_dim3A = arith.constant 0.000000e+00 : f32
    %broadcast_in_dim3A_1 = vector.broadcast %broadcast_in_dim3A : f32 to vector<16xf32>
    %scan3A = arith.constant 0 : i32
    %scan3A_2 = arith.constant 0 : i32
    %scan3A_3 = arith.constant 640 : i32
    %scan3A_4 = arith.addi %scan3A_2, %scan3A_3 : i32
    %scan3A_5 = arith.constant 1 : i32
    %scan3A_6 = scf.for %scan3A_106 = %scan3A_2 to %scan3A_4 step %scan3A_5 iter_args(%scan3A_107 = %scan3A) -> (i32)  : i32 {
      %swap3A = arith.index_cast %scan3A_106 : i32 to index
      %swap3A_108 = arith.constant 0 : index
      %swap3A_109 = tpu.vector_load %arg17[%swap3A, %swap3A_108] {strides = array<i32>} : memref<640x32xf32, #tpu.memory_space<vmem>>, vector<16xf32>,
      tpu.vector_store %arg17[%swap3A, %swap3A_108], %broadcast_in_dim3A_1 {strides = array<i32>} : memref<640x32xf32, #tpu.memory_space<vmem>>, vector<16xf32>,
      %swap3A_110 = arith.index_cast %scan3A_106 : i32 to index
      %swap3A_111 = arith.constant 16 : index
      %swap3A_112 = tpu.vector_load %arg17[%swap3A_110, %swap3A_111] {strides = array<i32>} : memref<640x32xf32, #tpu.memory_space<vmem>>, vector<16xf32>,
      tpu.vector_store %arg17[%swap3A_110, %swap3A_111], %broadcast_in_dim3A_1 {strides = array<i32>} : memref<640x32xf32, #tpu.memory_space<vmem>>, vector<16xf32>,
      %scan3A_113 = arith.constant 0 : i32
      scf.yield %scan3A_113 : i32
    }
    %scan3A_7 = arith.constant 640 : i32
    %scan3A_8 = arith.constant 0 : i32
    %scan3A_9 = arith.constant 0 : i32
    %scan3A_10 = arith.constant 40 : i32
    %scan3A_11 = arith.addi %scan3A_9, %scan3A_10 : i32
    %scan3A_12 = arith.constant 1 : i32
    %scan3A_13 = scf.for %scan3A_106 = %scan3A_9 to %scan3A_11 step %scan3A_12 iter_args(%scan3A_107 = %scan3A_8) -> (i32)  : i32 {
      %mul3A_108 = arith.constant 16 : i32
      %mul3A_109 = arith.muli %scan3A_106, %mul3A_108 : i32
      %swap3A = arith.index_cast %mul3A_109 : i32 to index
      %swap3A_110 = tpu.vector_load %arg16[%swap3A] {strides = array<i32>} : memref<640xf32, #tpu.memory_space<vmem>>, vector<16xf32>,
      tpu.vector_store %arg16[%swap3A], %broadcast_in_dim3A_1 {strides = array<i32>} : memref<640xf32, #tpu.memory_space<vmem>>, vector<16xf32>,
      %scan3A_111 = arith.constant 0 : i32
      scf.yield %scan3A_111 : i32
    }
    %scan3A_14 = arith.constant 40 : i32
    %sub3A = arith.constant 77 : i32
    %sub3A_15 = arith.subi %sub3A, %arg1 : i32
    %jit3A = arith.constant 16 : i32
    %div3A = arith.divsi %sub3A_15, %jit3A : i32
    %sign3A = arith.constant 0 : i32
    %sign3A_16 = arith.cmpi sgt, %sub3A_15, %sign3A : i32
    %sign3A_17 = arith.extui %sign3A_16 : i1 to i32
    %sign3A_18 = arith.constant 0 : i32
    %sign3A_19 = arith.cmpi slt, %sub3A_15, %sign3A_18 : i32
    %sign3A_20 = arith.extui %sign3A_19 : i1 to i32
    %sign3A_21 = arith.subi %sign3A_17, %sign3A_20 : i32
    %sign3A_22 = arith.constant 0 : i32
    %sign3A_23 = arith.cmpi sgt, %jit3A, %sign3A_22 : i32
    %sign3A_24 = arith.extui %sign3A_23 : i1 to i32
    %sign3A_25 = arith.constant 0 : i32
    %sign3A_26 = arith.cmpi slt, %jit3A, %sign3A_25 : i32
    %sign3A_27 = arith.extui %sign3A_26 : i1 to i32
    %sign3A_28 = arith.subi %sign3A_24, %sign3A_27 : i32
    %ne3A = arith.cmpi ne, %sign3A_21, %sign3A_28 : i32
    %rem3A = arith.remsi %sub3A_15, %jit3A : i32
    %ne3A_29 = arith.constant 0 : i32
    %ne3A_30 = arith.cmpi ne, %rem3A, %ne3A_29 : i32
    %and3A = arith.andi %ne3A, %ne3A_30 : i1
    %sub3A_31 = arith.constant 1 : i32
    %sub3A_32 = arith.subi %div3A, %sub3A_31 : i32
    %select_n3A = arith.select %and3A, %sub3A_32, %div3A : i32
    %add3A_33 = arith.constant 1 : i32
    %add3A_34 = arith.addi %select_n3A, %add3A_33 : i32
    %while3A = arith.constant 0 : i32
    %while3A_35 = arith.constant 0 : i32
    %while3A_36 = arith.subi %add3A_34, %while3A : i32
    %while3A_37 = arith.addi %while3A, %while3A_36 : i32
    %while3A_38 = arith.constant 1 : i32
    %while3A_39 = arith.divsi %while3A_36, %while3A_38 : i32
    %while3A_40 = arith.muli %while3A_39, %while3A_38 : i32
    %while3A_41 = arith.addi %while3A, %while3A_40 : i32
    %while3A_42 = arith.constant 1 : i32
    %while3A_43 = scf.for %while3A_106 = %while3A to %while3A_41 step %while3A_42 iter_args(%while3A_107 = %while3A_35) -> (i32)  : i32 {
      %mul3A_108 = arith.constant 16 : i32
      %mul3A_109 = arith.muli %while3A_106, %mul3A_108 : i32
      %add3A_110 = arith.addi %arg1, %mul3A_109 : i32
      %mul3A_111 = arith.constant 640 : i32
      %mul3A_112 = arith.muli %add3A_110, %mul3A_111 : i32
      "tpu.region"() ({
        %run_scoped3A = tpu.sem_alloc : memref<!tpu.dma_semaphore, #tpu.memory_space<semaphore_mem>>
        %dma_start3A = arith.constant 0 : i32
        %dma_start3A_114 = tpu.memref_slice %arg9[%mul3A_112, %dma_start3A] : memref<50000x32xf32, #tpu.memory_space<vmem_shared>> -> memref<640x32xf32, #tpu.memory_space<vmem_shared>>
        %dma_start3A_115 = arith.constant 0 : i32
        %dma_start3A_116 = tpu.memref_slice %arg9[%mul3A_112, %dma_start3A_115] : memref<50000x32xf32, #tpu.memory_space<vmem_shared>> -> memref<640x32xf32, #tpu.memory_space<vmem_shared>>
        tpu.enqueue_dma source(%arg17 : memref<640x32xf32, #tpu.memory_space<vmem>>) target(%dma_start3A_116 : memref<640x32xf32, #tpu.memory_space<vmem_shared>>) target_semaphore(%run_scoped3A : memref<!tpu.dma_semaphore, #tpu.memory_space<semaphore_mem>>)
        %dma_wait3A = arith.constant 0 : i32
        %dma_wait3A_117 = tpu.memref_slice %arg9[%mul3A_112, %dma_wait3A] : memref<50000x32xf32, #tpu.memory_space<vmem_shared>> -> memref<640x32xf32, #tpu.memory_space<vmem_shared>>
        %dma_wait3A_118 = arith.constant 0 : i32
        %dma_wait3A_119 = tpu.memref_slice %arg9[%mul3A_112, %dma_wait3A_118] : memref<50000x32xf32, #tpu.memory_space<vmem_shared>> -> memref<640x32xf32, #tpu.memory_space<vmem_shared>>
        tpu.wait_dma2 semaphore(%run_scoped3A : memref<!tpu.dma_semaphore, #tpu.memory_space<semaphore_mem>>) src(%arg17 : memref<640x32xf32, #tpu.memory_space<vmem>>) dst(%dma_wait3A_119 : memref<640x32xf32, #tpu.memory_space<vmem_shared>>)
        tpu.yield
      }) : () -> ()
      "tpu.region"() ({
        %run_scoped3A = tpu.sem_alloc : memref<!tpu.dma_semaphore, #tpu.memory_space<semaphore_mem>>
        %dma_start3A = tpu.memref_slice %arg10[%mul3A_112] : memref<50000xf32, #tpu.memory_space<vmem_shared>> -> memref<640xf32, #tpu.memory_space<vmem_shared>>
        %dma_start3A_114 = tpu.memref_slice %arg10[%mul3A_112] : memref<50000xf32, #tpu.memory_space<vmem_shared>> -> memref<640xf32, #tpu.memory_space<vmem_shared>>
        tpu.enqueue_dma source(%arg16 : memref<640xf32, #tpu.memory_space<vmem>>) target(%dma_start3A_114 : memref<640xf32, #tpu.memory_space<vmem_shared>>) target_semaphore(%run_scoped3A : memref<!tpu.dma_semaphore, #tpu.memory_space<semaphore_mem>>)
        %dma_wait3A = tpu.memref_slice %arg10[%mul3A_112] : memref<50000xf32, #tpu.memory_space<vmem_shared>> -> memref<640xf32, #tpu.memory_space<vmem_shared>>
        %dma_wait3A_115 = tpu.memref_slice %arg10[%mul3A_112] : memref<50000xf32, #tpu.memory_space<vmem_shared>> -> memref<640xf32, #tpu.memory_space<vmem_shared>>
        tpu.wait_dma2 semaphore(%run_scoped3A : memref<!tpu.dma_semaphore, #tpu.memory_space<semaphore_mem>>) src(%arg16 : memref<640xf32, #tpu.memory_space<vmem>>) dst(%dma_wait3A_115 : memref<640xf32, #tpu.memory_space<vmem_shared>>)
        tpu.yield
      }) : () -> ()
      %while3A_113 = arith.constant 0 : i32
      scf.yield %while3A_113 : i32
    }
    %while3A_44 = arith.constant 1 : i32
    %while3A_45 = scf.for %while3A_106 = %while3A_41 to %while3A_37 step %while3A_44 iter_args(%while3A_107 = %while3A_43) -> (i32)  : i32 {
      %mul3A_108 = arith.constant 16 : i32
      %mul3A_109 = arith.muli %while3A_106, %mul3A_108 : i32
      %add3A_110 = arith.addi %arg1, %mul3A_109 : i32
      %mul3A_111 = arith.constant 640 : i32
      %mul3A_112 = arith.muli %add3A_110, %mul3A_111 : i32
      "tpu.region"() ({
        %run_scoped3A = tpu.sem_alloc : memref<!tpu.dma_semaphore, #tpu.memory_space<semaphore_mem>>
        %dma_start3A = arith.constant 0 : i32
        %dma_start3A_114 = tpu.memref_slice %arg9[%mul3A_112, %dma_start3A] : memref<50000x32xf32, #tpu.memory_space<vmem_shared>> -> memref<640x32xf32, #tpu.memory_space<vmem_shared>>
        %dma_start3A_115 = arith.constant 0 : i32
        %dma_start3A_116 = tpu.memref_slice %arg9[%mul3A_112, %dma_start3A_115] : memref<50000x32xf32, #tpu.memory_space<vmem_shared>> -> memref<640x32xf32, #tpu.memory_space<vmem_shared>>
        tpu.enqueue_dma source(%arg17 : memref<640x32xf32, #tpu.memory_space<vmem>>) target(%dma_start3A_116 : memref<640x32xf32, #tpu.memory_space<vmem_shared>>) target_semaphore(%run_scoped3A : memref<!tpu.dma_semaphore, #tpu.memory_space<semaphore_mem>>)
        %dma_wait3A = arith.constant 0 : i32
        %dma_wait3A_117 = tpu.memref_slice %arg9[%mul3A_112, %dma_wait3A] : memref<50000x32xf32, #tpu.memory_space<vmem_shared>> -> memref<640x32xf32, #tpu.memory_space<vmem_shared>>
        %dma_wait3A_118 = arith.constant 0 : i32
        %dma_wait3A_119 = tpu.memref_slice %arg9[%mul3A_112, %dma_wait3A_118] : memref<50000x32xf32, #tpu.memory_space<vmem_shared>> -> memref<640x32xf32, #tpu.memory_space<vmem_shared>>
        tpu.wait_dma2 semaphore(%run_scoped3A : memref<!tpu.dma_semaphore, #tpu.memory_space<semaphore_mem>>) src(%arg17 : memref<640x32xf32, #tpu.memory_space<vmem>>) dst(%dma_wait3A_119 : memref<640x32xf32, #tpu.memory_space<vmem_shared>>)
        tpu.yield
      }) : () -> ()
      "tpu.region"() ({
        %run_scoped3A = tpu.sem_alloc : memref<!tpu.dma_semaphore, #tpu.memory_space<semaphore_mem>>
        %dma_start3A = tpu.memref_slice %arg10[%mul3A_112] : memref<50000xf32, #tpu.memory_space<vmem_shared>> -> memref<640xf32, #tpu.memory_space<vmem_shared>>
        %dma_start3A_114 = tpu.memref_slice %arg10[%mul3A_112] : memref<50000xf32, #tpu.memory_space<vmem_shared>> -> memref<640xf32, #tpu.memory_space<vmem_shared>>
        tpu.enqueue_dma source(%arg16 : memref<640xf32, #tpu.memory_space<vmem>>) target(%dma_start3A_114 : memref<640xf32, #tpu.memory_space<vmem_shared>>) target_semaphore(%run_scoped3A : memref<!tpu.dma_semaphore, #tpu.memory_space<semaphore_mem>>)
        %dma_wait3A = tpu.memref_slice %arg10[%mul3A_112] : memref<50000xf32, #tpu.memory_space<vmem_shared>> -> memref<640xf32, #tpu.memory_space<vmem_shared>>
        %dma_wait3A_115 = tpu.memref_slice %arg10[%mul3A_112] : memref<50000xf32, #tpu.memory_space<vmem_shared>> -> memref<640xf32, #tpu.memory_space<vmem_shared>>
        tpu.wait_dma2 semaphore(%run_scoped3A : memref<!tpu.dma_semaphore, #tpu.memory_space<semaphore_mem>>) src(%arg16 : memref<640xf32, #tpu.memory_space<vmem>>) dst(%dma_wait3A_115 : memref<640xf32, #tpu.memory_space<vmem_shared>>)
        tpu.yield
      }) : () -> ()
      %while3A_113 = arith.constant 0 : i32
      scf.yield %while3A_113 : i32
    }
    %eq3A = arith.constant 1 : i32
    %eq3A_46 = arith.cmpi eq, %arg1, %eq3A : i32
    %convert_element_type3A = arith.extui %eq3A_46 : i1 to i32
    %cond3A = arith.constant 0 : i32
    %cond3A_47 = arith.cmpi ne, %convert_element_type3A, %cond3A : i32
    scf.if %cond3A_47 {
      "tpu.region"() ({
        %run_scoped3A = tpu.sem_alloc : memref<!tpu.dma_semaphore, #tpu.memory_space<semaphore_mem>>
        %dma_start3A = arith.constant 0 : i32
        %dma_start3A_106 = arith.constant 0 : i32
        %dma_start3A_107 = tpu.memref_slice %arg17[%dma_start3A, %dma_start3A_106] : memref<640x32xf32, #tpu.memory_space<vmem>> -> memref<80x32xf32, #tpu.memory_space<vmem>>
        %dma_start3A_108 = arith.constant 49920 : i32
        %dma_start3A_109 = arith.constant 0 : i32
        %dma_start3A_110 = tpu.memref_slice %arg9[%dma_start3A_108, %dma_start3A_109] : memref<50000x32xf32, #tpu.memory_space<vmem_shared>> -> memref<80x32xf32, #tpu.memory_space<vmem_shared>>
        %dma_start3A_111 = arith.constant 49920 : i32
        %dma_start3A_112 = arith.constant 0 : i32
        %dma_start3A_113 = tpu.memref_slice %arg9[%dma_start3A_111, %dma_start3A_112] : memref<50000x32xf32, #tpu.memory_space<vmem_shared>> -> memref<80x32xf32, #tpu.memory_space<vmem_shared>>
        %dma_start3A_114 = arith.constant 0 : i32
        %dma_start3A_115 = arith.constant 0 : i32
        %dma_start3A_116 = tpu.memref_slice %arg17[%dma_start3A_114, %dma_start3A_115] : memref<640x32xf32, #tpu.memory_space<vmem>> -> memref<80x32xf32, #tpu.memory_space<vmem>>
        tpu.enqueue_dma source(%dma_start3A_116 : memref<80x32xf32, #tpu.memory_space<vmem>>) target(%dma_start3A_113 : memref<80x32xf32, #tpu.memory_space<vmem_shared>>) target_semaphore(%run_scoped3A : memref<!tpu.dma_semaphore, #tpu.memory_space<semaphore_mem>>)
        %dma_wait3A = arith.constant 0 : i32
        %dma_wait3A_117 = arith.constant 0 : i32
        %dma_wait3A_118 = tpu.memref_slice %arg17[%dma_wait3A, %dma_wait3A_117] : memref<640x32xf32, #tpu.memory_space<vmem>> -> memref<80x32xf32, #tpu.memory_space<vmem>>
        %dma_wait3A_119 = arith.constant 49920 : i32
        %dma_wait3A_120 = arith.constant 0 : i32
        %dma_wait3A_121 = tpu.memref_slice %arg9[%dma_wait3A_119, %dma_wait3A_120] : memref<50000x32xf32, #tpu.memory_space<vmem_shared>> -> memref<80x32xf32, #tpu.memory_space<vmem_shared>>
        %dma_wait3A_122 = arith.constant 49920 : i32
        %dma_wait3A_123 = arith.constant 0 : i32
        %dma_wait3A_124 = tpu.memref_slice %arg9[%dma_wait3A_122, %dma_wait3A_123] : memref<50000x32xf32, #tpu.memory_space<vmem_shared>> -> memref<80x32xf32, #tpu.memory_space<vmem_shared>>
        %dma_wait3A_125 = arith.constant 0 : i32
        %dma_wait3A_126 = arith.constant 0 : i32
        %dma_wait3A_127 = tpu.memref_slice %arg17[%dma_wait3A_125, %dma_wait3A_126] : memref<640x32xf32, #tpu.memory_space<vmem>> -> memref<80x32xf32, #tpu.memory_space<vmem>>
        tpu.wait_dma2 semaphore(%run_scoped3A : memref<!tpu.dma_semaphore, #tpu.memory_space<semaphore_mem>>) src(%dma_wait3A_127 : memref<80x32xf32, #tpu.memory_space<vmem>>) dst(%dma_wait3A_124 : memref<80x32xf32, #tpu.memory_space<vmem_shared>>)
        tpu.yield
      }) : () -> ()
      "tpu.region"() ({
        %run_scoped3A = tpu.sem_alloc : memref<!tpu.dma_semaphore, #tpu.memory_space<semaphore_mem>>
        %dma_start3A = arith.constant 0 : i32
        %dma_start3A_106 = tpu.memref_slice %arg16[%dma_start3A] : memref<640xf32, #tpu.memory_space<vmem>> -> memref<80xf32, #tpu.memory_space<vmem>>
        %dma_start3A_107 = arith.constant 49920 : i32
        %dma_start3A_108 = tpu.memref_slice %arg10[%dma_start3A_107] : memref<50000xf32, #tpu.memory_space<vmem_shared>> -> memref<80xf32, #tpu.memory_space<vmem_shared>>
        %dma_start3A_109 = arith.constant 49920 : i32
        %dma_start3A_110 = tpu.memref_slice %arg10[%dma_start3A_109] : memref<50000xf32, #tpu.memory_space<vmem_shared>> -> memref<80xf32, #tpu.memory_space<vmem_shared>>
        %dma_start3A_111 = arith.constant 0 : i32
        %dma_start3A_112 = tpu.memref_slice %arg16[%dma_start3A_111] : memref<640xf32, #tpu.memory_space<vmem>> -> memref<80xf32, #tpu.memory_space<vmem>>
        tpu.enqueue_dma source(%dma_start3A_112 : memref<80xf32, #tpu.memory_space<vmem>>) target(%dma_start3A_110 : memref<80xf32, #tpu.memory_space<vmem_shared>>) target_semaphore(%run_scoped3A : memref<!tpu.dma_semaphore, #tpu.memory_space<semaphore_mem>>)
        %dma_wait3A = arith.constant 0 : i32
        %dma_wait3A_113 = tpu.memref_slice %arg16[%dma_wait3A] : memref<640xf32, #tpu.memory_space<vmem>> -> memref<80xf32, #tpu.memory_space<vmem>>
        %dma_wait3A_114 = arith.constant 49920 : i32
        %dma_wait3A_115 = tpu.memref_slice %arg10[%dma_wait3A_114] : memref<50000xf32, #tpu.memory_space<vmem_shared>> -> memref<80xf32, #tpu.memory_space<vmem_shared>>
        %dma_wait3A_116 = arith.constant 49920 : i32
        %dma_wait3A_117 = tpu.memref_slice %arg10[%dma_wait3A_116] : memref<50000xf32, #tpu.memory_space<vmem_shared>> -> memref<80xf32, #tpu.memory_space<vmem_shared>>
        %dma_wait3A_118 = arith.constant 0 : i32
        %dma_wait3A_119 = tpu.memref_slice %arg16[%dma_wait3A_118] : memref<640xf32, #tpu.memory_space<vmem>> -> memref<80xf32, #tpu.memory_space<vmem>>
        tpu.wait_dma2 semaphore(%run_scoped3A : memref<!tpu.dma_semaphore, #tpu.memory_space<semaphore_mem>>) src(%dma_wait3A_119 : memref<80xf32, #tpu.memory_space<vmem>>) dst(%dma_wait3A_117 : memref<80xf32, #tpu.memory_space<vmem_shared>>)
        tpu.yield
      }) : () -> ()
    } else {
    }
    %barrier3A = arith.constant 0 : index
    tpu.barrier barrier_id(%barrier3A)
    %sub3A_48 = arith.constant 2499 : i32
    %sub3A_49 = arith.subi %sub3A_48, %add3A : i32
    %jit3A_50 = arith.constant 32 : i32
    %div3A_51 = arith.divsi %sub3A_49, %jit3A_50 : i32
    %sign3A_52 = arith.constant 0 : i32
    %sign3A_53 = arith.cmpi sgt, %sub3A_49, %sign3A_52 : i32
    %sign3A_54 = arith.extui %sign3A_53 : i1 to i32
    %sign3A_55 = arith.constant 0 : i32
    %sign3A_56 = arith.cmpi slt, %sub3A_49, %sign3A_55 : i32
    %sign3A_57 = arith.extui %sign3A_56 : i1 to i32
    %sign3A_58 = arith.subi %sign3A_54, %sign3A_57 : i32
    %sign3A_59 = arith.constant 0 : i32
    %sign3A_60 = arith.cmpi sgt, %jit3A_50, %sign3A_59 : i32
    %sign3A_61 = arith.extui %sign3A_60 : i1 to i32
    %sign3A_62 = arith.constant 0 : i32
    %sign3A_63 = arith.cmpi slt, %jit3A_50, %sign3A_62 : i32
    %sign3A_64 = arith.extui %sign3A_63 : i1 to i32
    %sign3A_65 = arith.subi %sign3A_61, %sign3A_64 : i32
    %ne3A_66 = arith.cmpi ne, %sign3A_58, %sign3A_65 : i32
    %rem3A_67 = arith.remsi %sub3A_49, %jit3A_50 : i32
    %ne3A_68 = arith.constant 0 : i32
    %ne3A_69 = arith.cmpi ne, %rem3A_67, %ne3A_68 : i32
    %and3A_70 = arith.andi %ne3A_66, %ne3A_69 : i1
    %sub3A_71 = arith.constant 1 : i32
    %sub3A_72 = arith.subi %div3A_51, %sub3A_71 : i32
    %select_n3A_73 = arith.select %and3A_70, %sub3A_72, %div3A_51 : i32
    %add3A_74 = arith.constant 1 : i32
    %add3A_75 = arith.addi %select_n3A_73, %add3A_74 : i32
    %while3A_76 = arith.constant 0 : i32
    %while3A_77 = arith.constant 0 : i32
    %while3A_78 = arith.subi %add3A_75, %while3A_76 : i32
    %while3A_79 = arith.addi %while3A_76, %while3A_78 : i32
    %while3A_80 = arith.constant 1 : i32
    %while3A_81 = arith.divsi %while3A_78, %while3A_80 : i32
    %while3A_82 = arith.muli %while3A_81, %while3A_80 : i32
    %while3A_83 = arith.addi %while3A_76, %while3A_82 : i32
    %while3A_84 = arith.constant 1 : i32
    %while3A_85 = scf.for %while3A_106 = %while3A_76 to %while3A_83 step %while3A_84 iter_args(%while3A_107 = %while3A_77) -> (i32)  : i32 {
      %mul3A_108 = arith.constant 32 : i32
      %mul3A_109 = arith.muli %while3A_106, %mul3A_108 : i32
      %add3A_110 = arith.addi %add3A, %mul3A_109 : i32
      %mul3A_111 = arith.constant 640 : i32
      %mul3A_112 = arith.muli %add3A_110, %mul3A_111 : i32
      %dma_start3A = arith.constant 0 : i32
      %dma_start3A_113 = tpu.memref_slice %arg2[%dma_start3A, %mul3A_112] : memref<2x1600000xi32, #tpu.memory_space<hbm>> -> memref<1x640xi32, #tpu.memory_space<hbm>>
      %dma_start3A_114 = tpu.memref_squeeze %dma_start3A_113 : memref<1x640xi32, #tpu.memory_space<hbm>> -> memref<640xi32, #tpu.memory_space<hbm>>
      %dma_start3A_115 = tpu.memref_slice %arg2[%dma_start3A, %mul3A_112] : memref<2x1600000xi32, #tpu.memory_space<hbm>> -> memref<1x640xi32, #tpu.memory_space<hbm>>
      %dma_start3A_116 = tpu.memref_squeeze %dma_start3A_115 : memref<1x640xi32, #tpu.memory_space<hbm>> -> memref<640xi32, #tpu.memory_space<hbm>>
      tpu.enqueue_dma source(%dma_start3A_116 : memref<640xi32, #tpu.memory_space<hbm>>) target(%arg11 : memref<640xi32, #tpu.memory_space<vmem>>) target_semaphore(%arg18 : memref<!tpu.dma_semaphore, #tpu.memory_space<semaphore_mem>>)
      %dma_start3A_117 = arith.constant 1 : i32
      %dma_start3A_118 = tpu.memref_slice %arg2[%dma_start3A_117, %mul3A_112] : memref<2x1600000xi32, #tpu.memory_space<hbm>> -> memref<1x640xi32, #tpu.memory_space<hbm>>
      %dma_start3A_119 = tpu.memref_squeeze %dma_start3A_118 : memref<1x640xi32, #tpu.memory_space<hbm>> -> memref<640xi32, #tpu.memory_space<hbm>>
      %dma_start3A_120 = tpu.memref_slice %arg2[%dma_start3A_117, %mul3A_112] : memref<2x1600000xi32, #tpu.memory_space<hbm>> -> memref<1x640xi32, #tpu.memory_space<hbm>>
      %dma_start3A_121 = tpu.memref_squeeze %dma_start3A_120 : memref<1x640xi32, #tpu.memory_space<hbm>> -> memref<640xi32, #tpu.memory_space<hbm>>
      tpu.enqueue_dma source(%dma_start3A_121 : memref<640xi32, #tpu.memory_space<hbm>>) target(%arg12 : memref<640xi32, #tpu.memory_space<vmem>>) target_semaphore(%arg18 : memref<!tpu.dma_semaphore, #tpu.memory_space<semaphore_mem>>)
      %dma_start3A_122 = tpu.memref_slice %arg3[%mul3A_112] : memref<1600000xf32, #tpu.memory_space<hbm>> -> memref<640xf32, #tpu.memory_space<hbm>>
      %dma_start3A_123 = tpu.memref_slice %arg3[%mul3A_112] : memref<1600000xf32, #tpu.memory_space<hbm>> -> memref<640xf32, #tpu.memory_space<hbm>>
      tpu.enqueue_dma source(%dma_start3A_123 : memref<640xf32, #tpu.memory_space<hbm>>) target(%arg13 : memref<640xf32, #tpu.memory_space<vmem>>) target_semaphore(%arg18 : memref<!tpu.dma_semaphore, #tpu.memory_space<semaphore_mem>>)
      %dma_wait3A = arith.constant 0 : i32
      %dma_wait3A_124 = tpu.memref_slice %arg2[%dma_wait3A, %mul3A_112] : memref<2x1600000xi32, #tpu.memory_space<hbm>> -> memref<1x640xi32, #tpu.memory_space<hbm>>
      %dma_wait3A_125 = tpu.memref_squeeze %dma_wait3A_124 : memref<1x640xi32, #tpu.memory_space<hbm>> -> memref<640xi32, #tpu.memory_space<hbm>>
      %dma_wait3A_126 = tpu.memref_slice %arg2[%dma_wait3A, %mul3A_112] : memref<2x1600000xi32, #tpu.memory_space<hbm>> -> memref<1x640xi32, #tpu.memory_space<hbm>>
      %dma_wait3A_127 = tpu.memref_squeeze %dma_wait3A_126 : memref<1x640xi32, #tpu.memory_space<hbm>> -> memref<640xi32, #tpu.memory_space<hbm>>
      tpu.wait_dma2 semaphore(%arg18 : memref<!tpu.dma_semaphore, #tpu.memory_space<semaphore_mem>>) src(%dma_wait3A_127 : memref<640xi32, #tpu.memory_space<hbm>>) dst(%arg11 : memref<640xi32, #tpu.memory_space<vmem>>)
      %dma_wait3A_128 = arith.constant 1 : i32
      %dma_wait3A_129 = tpu.memref_slice %arg2[%dma_wait3A_128, %mul3A_112] : memref<2x1600000xi32, #tpu.memory_space<hbm>> -> memref<1x640xi32, #tpu.memory_space<hbm>>
      %dma_wait3A_130 = tpu.memref_squeeze %dma_wait3A_129 : memref<1x640xi32, #tpu.memory_space<hbm>> -> memref<640xi32, #tpu.memory_space<hbm>>
      %dma_wait3A_131 = tpu.memref_slice %arg2[%dma_wait3A_128, %mul3A_112] : memref<2x1600000xi32, #tpu.memory_space<hbm>> -> memref<1x640xi32, #tpu.memory_space<hbm>>
      %dma_wait3A_132 = tpu.memref_squeeze %dma_wait3A_131 : memref<1x640xi32, #tpu.memory_space<hbm>> -> memref<640xi32, #tpu.memory_space<hbm>>
      tpu.wait_dma2 semaphore(%arg18 : memref<!tpu.dma_semaphore, #tpu.memory_space<semaphore_mem>>) src(%dma_wait3A_132 : memref<640xi32, #tpu.memory_space<hbm>>) dst(%arg12 : memref<640xi32, #tpu.memory_space<vmem>>)
      %dma_wait3A_133 = tpu.memref_slice %arg3[%mul3A_112] : memref<1600000xf32, #tpu.memory_space<hbm>> -> memref<640xf32, #tpu.memory_space<hbm>>
      %dma_wait3A_134 = tpu.memref_slice %arg3[%mul3A_112] : memref<1600000xf32, #tpu.memory_space<hbm>> -> memref<640xf32, #tpu.memory_space<hbm>>
      tpu.wait_dma2 semaphore(%arg18 : memref<!tpu.dma_semaphore, #tpu.memory_space<semaphore_mem>>) src(%dma_wait3A_134 : memref<640xf32, #tpu.memory_space<hbm>>) dst(%arg13 : memref<640xf32, #tpu.memory_space<vmem>>)
      %dma_start3A_135 = arith.constant 0 : i32
      %dma_start3A_136 = arith.constant 0 : i32
      %dma_start3A_137 = tpu.memref_slice %arg6[%dma_start3A_135, %dma_start3A_136] : memref<50000x32xf32, #tpu.memory_space<hbm>> -> memref<50000x32xf32, #tpu.memory_space<hbm>>
      tpu.enqueue_indirect_dma source(%dma_start3A_137 : memref<50000x32xf32, #tpu.memory_space<hbm>>) target(%arg17 : memref<640x32xf32, #tpu.memory_space<vmem>>) offsets(%arg11 : memref<640xi32, #tpu.memory_space<vmem>>) semaphore(%arg19 : memref<!tpu.dma_semaphore, #tpu.memory_space<semaphore_mem>>)
      %dma_start3A_138 = arith.constant 0 : i32
      %dma_start3A_139 = tpu.memref_slice %arg4[%dma_start3A_138] : memref<50000xf32, #tpu.memory_space<hbm>> -> memref<50000xf32, #tpu.memory_space<hbm>>
      tpu.enqueue_indirect_dma source(%dma_start3A_139 : memref<50000xf32, #tpu.memory_space<hbm>>) target(%arg14 : memref<640xf32, #tpu.memory_space<vmem>>) offsets(%arg11 : memref<640xi32, #tpu.memory_space<vmem>>) semaphore(%arg18 : memref<!tpu.dma_semaphore, #tpu.memory_space<semaphore_mem>>)
      %dma_start3A_140 = arith.constant 0 : i32
      %dma_start3A_141 = tpu.memref_slice %arg5[%dma_start3A_140] : memref<50000xf32, #tpu.memory_space<hbm>> -> memref<50000xf32, #tpu.memory_space<hbm>>
      tpu.enqueue_indirect_dma source(%dma_start3A_141 : memref<50000xf32, #tpu.memory_space<hbm>>) target(%arg15 : memref<640xf32, #tpu.memory_space<vmem>>) offsets(%arg12 : memref<640xi32, #tpu.memory_space<vmem>>) semaphore(%arg18 : memref<!tpu.dma_semaphore, #tpu.memory_space<semaphore_mem>>)
      %dma_wait3A_142 = arith.constant 0 : i32
      %dma_wait3A_143 = tpu.memref_slice %arg4[%dma_wait3A_142] : memref<50000xf32, #tpu.memory_space<hbm>> -> memref<50000xf32, #tpu.memory_space<hbm>>
      tpu.wait_indirect_dma semaphore(%arg18 : memref<!tpu.dma_semaphore, #tpu.memory_space<semaphore_mem>>) src(%dma_wait3A_143 : memref<50000xf32, #tpu.memory_space<hbm>>) dst(%arg14 : memref<640xf32, #tpu.memory_space<vmem>>)
      %dma_wait3A_144 = arith.constant 0 : i32
      %dma_wait3A_145 = tpu.memref_slice %arg5[%dma_wait3A_144] : memref<50000xf32, #tpu.memory_space<hbm>> -> memref<50000xf32, #tpu.memory_space<hbm>>
      tpu.wait_indirect_dma semaphore(%arg18 : memref<!tpu.dma_semaphore, #tpu.memory_space<semaphore_mem>>) src(%dma_wait3A_145 : memref<50000xf32, #tpu.memory_space<hbm>>) dst(%arg15 : memref<640xf32, #tpu.memory_space<vmem>>)
      %scan3A_146 = arith.constant 0 : i32
      %scan3A_147 = arith.constant 0 : i32
      %scan3A_148 = arith.constant 40 : i32
      %scan3A_149 = arith.addi %scan3A_147, %scan3A_148 : i32
      %scan3A_150 = arith.constant 1 : i32
      %scan3A_151 = scf.for %scan3A_174 = %scan3A_147 to %scan3A_149 step %scan3A_150 iter_args(%scan3A_175 = %scan3A_146) -> (i32)  : i32 {
        %mul3A_176 = arith.constant 16 : i32
        %mul3A_177 = arith.muli %scan3A_174, %mul3A_176 : i32
        %get3A = arith.index_cast %mul3A_177 : i32 to index
        %get3A_178 = tpu.vector_load %arg14[%get3A] {strides = array<i32>} : memref<640xf32, #tpu.memory_space<vmem>>, vector<16xf32>,
        %get3A_179 = arith.index_cast %mul3A_177 : i32 to index
        %get3A_180 = tpu.vector_load %arg15[%get3A_179] {strides = array<i32>} : memref<640xf32, #tpu.memory_space<vmem>>, vector<16xf32>,
        %add3A_181 = arith.addf %get3A_178, %get3A_180 : vector<16xf32>
        %get3A_182 = arith.index_cast %mul3A_177 : i32 to index
        %get3A_183 = tpu.vector_load %arg13[%get3A_182] {strides = array<i32>} : memref<640xf32, #tpu.memory_space<vmem>>, vector<16xf32>,
        %add3A_184 = arith.addf %add3A_181, %get3A_183 : vector<16xf32>
        %mul3A_185 = arith.constant 2.000000e-01 : f32
        %mul3A_186 = vector.broadcast %mul3A_185 : f32 to vector<16xf32>
        %mul3A_187 = arith.mulf %mul3A_186, %add3A_184 : vector<16xf32>
        %max3A = arith.maximumf %add3A_184, %mul3A_187 : vector<16xf32>
        %exp3A = math.exp %max3A : vector<16xf32>
        %swap3A = arith.index_cast %mul3A_177 : i32 to index
        %swap3A_188 = tpu.vector_load %arg16[%swap3A] {strides = array<i32>} : memref<640xf32, #tpu.memory_space<vmem>>, vector<16xf32>,
        tpu.vector_store %arg16[%swap3A], %exp3A {strides = array<i32>} : memref<640xf32, #tpu.memory_space<vmem>>, vector<16xf32>,
        %scan3A_189 = arith.constant 0 : i32
        scf.yield %scan3A_189 : i32
      }
      %scan3A_152 = arith.constant 40 : i32
      %dma_wait3A_153 = arith.constant 0 : i32
      %dma_wait3A_154 = arith.constant 0 : i32
      %dma_wait3A_155 = tpu.memref_slice %arg6[%dma_wait3A_153, %dma_wait3A_154] : memref<50000x32xf32, #tpu.memory_space<hbm>> -> memref<50000x32xf32, #tpu.memory_space<hbm>>
      tpu.wait_indirect_dma semaphore(%arg19 : memref<!tpu.dma_semaphore, #tpu.memory_space<semaphore_mem>>) src(%dma_wait3A_155 : memref<50000x32xf32, #tpu.memory_space<hbm>>) dst(%arg17 : memref<640x32xf32, #tpu.memory_space<vmem>>)
      %iota3A = tpu.iota {dimensions = array<i32: 0>} : vector<16xi32>
      %scan3A_156 = arith.constant 0 : i32
      %scan3A_157 = arith.constant 0 : i32
      %scan3A_158 = arith.constant 40 : i32
      %scan3A_159 = arith.addi %scan3A_157, %scan3A_158 : i32
      %scan3A_160 = arith.constant 1 : i32
      %scan3A_161 = scf.for %scan3A_174 = %scan3A_157 to %scan3A_159 step %scan3A_160 iter_args(%scan3A_175 = %scan3A_156) -> (i32)  : i32 {
        %mul3A_176 = arith.constant 16 : i32
        %mul3A_177 = arith.muli %scan3A_174, %mul3A_176 : i32
        %add3A_178 = vector.broadcast %mul3A_177 : i32 to vector<16xi32>
        %add3A_179 = arith.addi %iota3A, %add3A_178 : vector<16xi32>
        %mul3A_180 = arith.constant 16 : i32
        %mul3A_181 = arith.muli %scan3A_174, %mul3A_180 : i32
        %get3A = arith.index_cast %mul3A_181 : i32 to index
        %get3A_182 = tpu.vector_load %arg16[%get3A] {strides = array<i32>} : memref<640xf32, #tpu.memory_space<vmem>>, vector<16xf32>,
        %broadcast_in_dim3A_183 = arith.constant 0 : i32
        %broadcast_in_dim3A_184 = vector.broadcast %broadcast_in_dim3A_183 : i32 to vector<16xi32>
        %gather3A = tpu.vector_load_idx %arg17[%add3A_179, %broadcast_in_dim3A_184] : memref<640x32xf32, #tpu.memory_space<vmem>>[vector<16xi32>, vector<16xi32>], vector<16xf32>,
        %mul3A_185 = arith.mulf %gather3A, %get3A_182 : vector<16xf32>
        tpu.vector_store_idx %arg17[%add3A_179, %broadcast_in_dim3A_184], %mul3A_185 : memref<640x32xf32, #tpu.memory_space<vmem>>[vector<16xi32>, vector<16xi32>], vector<16xf32>,
        %broadcast_in_dim3A_186 = arith.constant 1 : i32
        %broadcast_in_dim3A_187 = vector.broadcast %broadcast_in_dim3A_186 : i32 to vector<16xi32>
        %gather3A_188 = tpu.vector_load_idx %arg17[%add3A_179, %broadcast_in_dim3A_187] : memref<640x32xf32, #tpu.memory_space<vmem>>[vector<16xi32>, vector<16xi32>], vector<16xf32>,
        %mul3A_189 = arith.mulf %gather3A_188, %get3A_182 : vector<16xf32>
        tpu.vector_store_idx %arg17[%add3A_179, %broadcast_in_dim3A_187], %mul3A_189 : memref<640x32xf32, #tpu.memory_space<vmem>>[vector<16xi32>, vector<16xi32>], vector<16xf32>,
        %broadcast_in_dim3A_190 = arith.constant 2 : i32
        %broadcast_in_dim3A_191 = vector.broadcast %broadcast_in_dim3A_190 : i32 to vector<16xi32>
        %gather3A_192 = tpu.vector_load_idx %arg17[%add3A_179, %broadcast_in_dim3A_191] : memref<640x32xf32, #tpu.memory_space<vmem>>[vector<16xi32>, vector<16xi32>], vector<16xf32>,
        %mul3A_193 = arith.mulf %gather3A_192, %get3A_182 : vector<16xf32>
        tpu.vector_store_idx %arg17[%add3A_179, %broadcast_in_dim3A_191], %mul3A_193 : memref<640x32xf32, #tpu.memory_space<vmem>>[vector<16xi32>, vector<16xi32>], vector<16xf32>,
        %broadcast_in_dim3A_194 = arith.constant 3 : i32
        %broadcast_in_dim3A_195 = vector.broadcast %broadcast_in_dim3A_194 : i32 to vector<16xi32>
        %gather3A_196 = tpu.vector_load_idx %arg17[%add3A_179, %broadcast_in_dim3A_195] : memref<640x32xf32, #tpu.memory_space<vmem>>[vector<16xi32>, vector<16xi32>], vector<16xf32>,
        %mul3A_197 = arith.mulf %gather3A_196, %get3A_182 : vector<16xf32>
        tpu.vector_store_idx %arg17[%add3A_179, %broadcast_in_dim3A_195], %mul3A_197 : memref<640x32xf32, #tpu.memory_space<vmem>>[vector<16xi32>, vector<16xi32>], vector<16xf32>,
        %broadcast_in_dim3A_198 = arith.constant 4 : i32
        %broadcast_in_dim3A_199 = vector.broadcast %broadcast_in_dim3A_198 : i32 to vector<16xi32>
        %gather3A_200 = tpu.vector_load_idx %arg17[%add3A_179, %broadcast_in_dim3A_199] : memref<640x32xf32, #tpu.memory_space<vmem>>[vector<16xi32>, vector<16xi32>], vector<16xf32>,
        %mul3A_201 = arith.mulf %gather3A_200, %get3A_182 : vector<16xf32>
        tpu.vector_store_idx %arg17[%add3A_179, %broadcast_in_dim3A_199], %mul3A_201 : memref<640x32xf32, #tpu.memory_space<vmem>>[vector<16xi32>, vector<16xi32>], vector<16xf32>,
        %broadcast_in_dim3A_202 = arith.constant 5 : i32
        %broadcast_in_dim3A_203 = vector.broadcast %broadcast_in_dim3A_202 : i32 to vector<16xi32>
        %gather3A_204 = tpu.vector_load_idx %arg17[%add3A_179, %broadcast_in_dim3A_203] : memref<640x32xf32, #tpu.memory_space<vmem>>[vector<16xi32>, vector<16xi32>], vector<16xf32>,
        %mul3A_205 = arith.mulf %gather3A_204, %get3A_182 : vector<16xf32>
        tpu.vector_store_idx %arg17[%add3A_179, %broadcast_in_dim3A_203], %mul3A_205 : memref<640x32xf32, #tpu.memory_space<vmem>>[vector<16xi32>, vector<16xi32>], vector<16xf32>,
        %broadcast_in_dim3A_206 = arith.constant 6 : i32
        %broadcast_in_dim3A_207 = vector.broadcast %broadcast_in_dim3A_206 : i32 to vector<16xi32>
        %gather3A_208 = tpu.vector_load_idx %arg17[%add3A_179, %broadcast_in_dim3A_207] : memref<640x32xf32, #tpu.memory_space<vmem>>[vector<16xi32>, vector<16xi32>], vector<16xf32>,
        %mul3A_209 = arith.mulf %gather3A_208, %get3A_182 : vector<16xf32>
        tpu.vector_store_idx %arg17[%add3A_179, %broadcast_in_dim3A_207], %mul3A_209 : memref<640x32xf32, #tpu.memory_space<vmem>>[vector<16xi32>, vector<16xi32>], vector<16xf32>,
        %broadcast_in_dim3A_210 = arith.constant 7 : i32
        %broadcast_in_dim3A_211 = vector.broadcast %broadcast_in_dim3A_210 : i32 to vector<16xi32>
        %gather3A_212 = tpu.vector_load_idx %arg17[%add3A_179, %broadcast_in_dim3A_211] : memref<640x32xf32, #tpu.memory_space<vmem>>[vector<16xi32>, vector<16xi32>], vector<16xf32>,
        %mul3A_213 = arith.mulf %gather3A_212, %get3A_182 : vector<16xf32>
        tpu.vector_store_idx %arg17[%add3A_179, %broadcast_in_dim3A_211], %mul3A_213 : memref<640x32xf32, #tpu.memory_space<vmem>>[vector<16xi32>, vector<16xi32>], vector<16xf32>,
        %broadcast_in_dim3A_214 = arith.constant 8 : i32
        %broadcast_in_dim3A_215 = vector.broadcast %broadcast_in_dim3A_214 : i32 to vector<16xi32>
        %gather3A_216 = tpu.vector_load_idx %arg17[%add3A_179, %broadcast_in_dim3A_215] : memref<640x32xf32, #tpu.memory_space<vmem>>[vector<16xi32>, vector<16xi32>], vector<16xf32>,
        %mul3A_217 = arith.mulf %gather3A_216, %get3A_182 : vector<16xf32>
        tpu.vector_store_idx %arg17[%add3A_179, %broadcast_in_dim3A_215], %mul3A_217 : memref<640x32xf32, #tpu.memory_space<vmem>>[vector<16xi32>, vector<16xi32>], vector<16xf32>,
        %broadcast_in_dim3A_218 = arith.constant 9 : i32
        %broadcast_in_dim3A_219 = vector.broadcast %broadcast_in_dim3A_218 : i32 to vector<16xi32>
        %gather3A_220 = tpu.vector_load_idx %arg17[%add3A_179, %broadcast_in_dim3A_219] : memref<640x32xf32, #tpu.memory_space<vmem>>[vector<16xi32>, vector<16xi32>], vector<16xf32>,
        %mul3A_221 = arith.mulf %gather3A_220, %get3A_182 : vector<16xf32>
        tpu.vector_store_idx %arg17[%add3A_179, %broadcast_in_dim3A_219], %mul3A_221 : memref<640x32xf32, #tpu.memory_space<vmem>>[vector<16xi32>, vector<16xi32>], vector<16xf32>,
        %broadcast_in_dim3A_222 = arith.constant 10 : i32
        %broadcast_in_dim3A_223 = vector.broadcast %broadcast_in_dim3A_222 : i32 to vector<16xi32>
        %gather3A_224 = tpu.vector_load_idx %arg17[%add3A_179, %broadcast_in_dim3A_223] : memref<640x32xf32, #tpu.memory_space<vmem>>[vector<16xi32>, vector<16xi32>], vector<16xf32>,
        %mul3A_225 = arith.mulf %gather3A_224, %get3A_182 : vector<16xf32>
        tpu.vector_store_idx %arg17[%add3A_179, %broadcast_in_dim3A_223], %mul3A_225 : memref<640x32xf32, #tpu.memory_space<vmem>>[vector<16xi32>, vector<16xi32>], vector<16xf32>,
        %broadcast_in_dim3A_226 = arith.constant 11 : i32
        %broadcast_in_dim3A_227 = vector.broadcast %broadcast_in_dim3A_226 : i32 to vector<16xi32>
        %gather3A_228 = tpu.vector_load_idx %arg17[%add3A_179, %broadcast_in_dim3A_227] : memref<640x32xf32, #tpu.memory_space<vmem>>[vector<16xi32>, vector<16xi32>], vector<16xf32>,
        %mul3A_229 = arith.mulf %gather3A_228, %get3A_182 : vector<16xf32>
        tpu.vector_store_idx %arg17[%add3A_179, %broadcast_in_dim3A_227], %mul3A_229 : memref<640x32xf32, #tpu.memory_space<vmem>>[vector<16xi32>, vector<16xi32>], vector<16xf32>,
        %broadcast_in_dim3A_230 = arith.constant 12 : i32
        %broadcast_in_dim3A_231 = vector.broadcast %broadcast_in_dim3A_230 : i32 to vector<16xi32>
        %gather3A_232 = tpu.vector_load_idx %arg17[%add3A_179, %broadcast_in_dim3A_231] : memref<640x32xf32, #tpu.memory_space<vmem>>[vector<16xi32>, vector<16xi32>], vector<16xf32>,
        %mul3A_233 = arith.mulf %gather3A_232, %get3A_182 : vector<16xf32>
        tpu.vector_store_idx %arg17[%add3A_179, %broadcast_in_dim3A_231], %mul3A_233 : memref<640x32xf32, #tpu.memory_space<vmem>>[vector<16xi32>, vector<16xi32>], vector<16xf32>,
        %broadcast_in_dim3A_234 = arith.constant 13 : i32
        %broadcast_in_dim3A_235 = vector.broadcast %broadcast_in_dim3A_234 : i32 to vector<16xi32>
        %gather3A_236 = tpu.vector_load_idx %arg17[%add3A_179, %broadcast_in_dim3A_235] : memref<640x32xf32, #tpu.memory_space<vmem>>[vector<16xi32>, vector<16xi32>], vector<16xf32>,
        %mul3A_237 = arith.mulf %gather3A_236, %get3A_182 : vector<16xf32>
        tpu.vector_store_idx %arg17[%add3A_179, %broadcast_in_dim3A_235], %mul3A_237 : memref<640x32xf32, #tpu.memory_space<vmem>>[vector<16xi32>, vector<16xi32>], vector<16xf32>,
        %broadcast_in_dim3A_238 = arith.constant 14 : i32
        %broadcast_in_dim3A_239 = vector.broadcast %broadcast_in_dim3A_238 : i32 to vector<16xi32>
        %gather3A_240 = tpu.vector_load_idx %arg17[%add3A_179, %broadcast_in_dim3A_239] : memref<640x32xf32, #tpu.memory_space<vmem>>[vector<16xi32>, vector<16xi32>], vector<16xf32>,
        %mul3A_241 = arith.mulf %gather3A_240, %get3A_182 : vector<16xf32>
        tpu.vector_store_idx %arg17[%add3A_179, %broadcast_in_dim3A_239], %mul3A_241 : memref<640x32xf32, #tpu.memory_space<vmem>>[vector<16xi32>, vector<16xi32>], vector<16xf32>,
        %broadcast_in_dim3A_242 = arith.constant 15 : i32
        %broadcast_in_dim3A_243 = vector.broadcast %broadcast_in_dim3A_242 : i32 to vector<16xi32>
        %gather3A_244 = tpu.vector_load_idx %arg17[%add3A_179, %broadcast_in_dim3A_243] : memref<640x32xf32, #tpu.memory_space<vmem>>[vector<16xi32>, vector<16xi32>], vector<16xf32>,
        %mul3A_245 = arith.mulf %gather3A_244, %get3A_182 : vector<16xf32>
        tpu.vector_store_idx %arg17[%add3A_179, %broadcast_in_dim3A_243], %mul3A_245 : memref<640x32xf32, #tpu.memory_space<vmem>>[vector<16xi32>, vector<16xi32>], vector<16xf32>,
        %broadcast_in_dim3A_246 = arith.constant 16 : i32
        %broadcast_in_dim3A_247 = vector.broadcast %broadcast_in_dim3A_246 : i32 to vector<16xi32>
        %gather3A_248 = tpu.vector_load_idx %arg17[%add3A_179, %broadcast_in_dim3A_247] : memref<640x32xf32, #tpu.memory_space<vmem>>[vector<16xi32>, vector<16xi32>], vector<16xf32>,
        %mul3A_249 = arith.mulf %gather3A_248, %get3A_182 : vector<16xf32>
        tpu.vector_store_idx %arg17[%add3A_179, %broadcast_in_dim3A_247], %mul3A_249 : memref<640x32xf32, #tpu.memory_space<vmem>>[vector<16xi32>, vector<16xi32>], vector<16xf32>,
        %broadcast_in_dim3A_250 = arith.constant 17 : i32
        %broadcast_in_dim3A_251 = vector.broadcast %broadcast_in_dim3A_250 : i32 to vector<16xi32>
        %gather3A_252 = tpu.vector_load_idx %arg17[%add3A_179, %broadcast_in_dim3A_251] : memref<640x32xf32, #tpu.memory_space<vmem>>[vector<16xi32>, vector<16xi32>], vector<16xf32>,
        %mul3A_253 = arith.mulf %gather3A_252, %get3A_182 : vector<16xf32>
        tpu.vector_store_idx %arg17[%add3A_179, %broadcast_in_dim3A_251], %mul3A_253 : memref<640x32xf32, #tpu.memory_space<vmem>>[vector<16xi32>, vector<16xi32>], vector<16xf32>,
        %broadcast_in_dim3A_254 = arith.constant 18 : i32
        %broadcast_in_dim3A_255 = vector.broadcast %broadcast_in_dim3A_254 : i32 to vector<16xi32>
        %gather3A_256 = tpu.vector_load_idx %arg17[%add3A_179, %broadcast_in_dim3A_255] : memref<640x32xf32, #tpu.memory_space<vmem>>[vector<16xi32>, vector<16xi32>], vector<16xf32>,
        %mul3A_257 = arith.mulf %gather3A_256, %get3A_182 : vector<16xf32>
        tpu.vector_store_idx %arg17[%add3A_179, %broadcast_in_dim3A_255], %mul3A_257 : memref<640x32xf32, #tpu.memory_space<vmem>>[vector<16xi32>, vector<16xi32>], vector<16xf32>,
        %broadcast_in_dim3A_258 = arith.constant 19 : i32
        %broadcast_in_dim3A_259 = vector.broadcast %broadcast_in_dim3A_258 : i32 to vector<16xi32>
        %gather3A_260 = tpu.vector_load_idx %arg17[%add3A_179, %broadcast_in_dim3A_259] : memref<640x32xf32, #tpu.memory_space<vmem>>[vector<16xi32>, vector<16xi32>], vector<16xf32>,
        %mul3A_261 = arith.mulf %gather3A_260, %get3A_182 : vector<16xf32>
        tpu.vector_store_idx %arg17[%add3A_179, %broadcast_in_dim3A_259], %mul3A_261 : memref<640x32xf32, #tpu.memory_space<vmem>>[vector<16xi32>, vector<16xi32>], vector<16xf32>,
        %broadcast_in_dim3A_262 = arith.constant 20 : i32
        %broadcast_in_dim3A_263 = vector.broadcast %broadcast_in_dim3A_262 : i32 to vector<16xi32>
        %gather3A_264 = tpu.vector_load_idx %arg17[%add3A_179, %broadcast_in_dim3A_263] : memref<640x32xf32, #tpu.memory_space<vmem>>[vector<16xi32>, vector<16xi32>], vector<16xf32>,
        %mul3A_265 = arith.mulf %gather3A_264, %get3A_182 : vector<16xf32>
        tpu.vector_store_idx %arg17[%add3A_179, %broadcast_in_dim3A_263], %mul3A_265 : memref<640x32xf32, #tpu.memory_space<vmem>>[vector<16xi32>, vector<16xi32>], vector<16xf32>,
        %broadcast_in_dim3A_266 = arith.constant 21 : i32
        %broadcast_in_dim3A_267 = vector.broadcast %broadcast_in_dim3A_266 : i32 to vector<16xi32>
        %gather3A_268 = tpu.vector_load_idx %arg17[%add3A_179, %broadcast_in_dim3A_267] : memref<640x32xf32, #tpu.memory_space<vmem>>[vector<16xi32>, vector<16xi32>], vector<16xf32>,
        %mul3A_269 = arith.mulf %gather3A_268, %get3A_182 : vector<16xf32>
        tpu.vector_store_idx %arg17[%add3A_179, %broadcast_in_dim3A_267], %mul3A_269 : memref<640x32xf32, #tpu.memory_space<vmem>>[vector<16xi32>, vector<16xi32>], vector<16xf32>,
        %broadcast_in_dim3A_270 = arith.constant 22 : i32
        %broadcast_in_dim3A_271 = vector.broadcast %broadcast_in_dim3A_270 : i32 to vector<16xi32>
        %gather3A_272 = tpu.vector_load_idx %arg17[%add3A_179, %broadcast_in_dim3A_271] : memref<640x32xf32, #tpu.memory_space<vmem>>[vector<16xi32>, vector<16xi32>], vector<16xf32>,
        %mul3A_273 = arith.mulf %gather3A_272, %get3A_182 : vector<16xf32>
        tpu.vector_store_idx %arg17[%add3A_179, %broadcast_in_dim3A_271], %mul3A_273 : memref<640x32xf32, #tpu.memory_space<vmem>>[vector<16xi32>, vector<16xi32>], vector<16xf32>,
        %broadcast_in_dim3A_274 = arith.constant 23 : i32
        %broadcast_in_dim3A_275 = vector.broadcast %broadcast_in_dim3A_274 : i32 to vector<16xi32>
        %gather3A_276 = tpu.vector_load_idx %arg17[%add3A_179, %broadcast_in_dim3A_275] : memref<640x32xf32, #tpu.memory_space<vmem>>[vector<16xi32>, vector<16xi32>], vector<16xf32>,
        %mul3A_277 = arith.mulf %gather3A_276, %get3A_182 : vector<16xf32>
        tpu.vector_store_idx %arg17[%add3A_179, %broadcast_in_dim3A_275], %mul3A_277 : memref<640x32xf32, #tpu.memory_space<vmem>>[vector<16xi32>, vector<16xi32>], vector<16xf32>,
        %broadcast_in_dim3A_278 = arith.constant 24 : i32
        %broadcast_in_dim3A_279 = vector.broadcast %broadcast_in_dim3A_278 : i32 to vector<16xi32>
        %gather3A_280 = tpu.vector_load_idx %arg17[%add3A_179, %broadcast_in_dim3A_279] : memref<640x32xf32, #tpu.memory_space<vmem>>[vector<16xi32>, vector<16xi32>], vector<16xf32>,
        %mul3A_281 = arith.mulf %gather3A_280, %get3A_182 : vector<16xf32>
        tpu.vector_store_idx %arg17[%add3A_179, %broadcast_in_dim3A_279], %mul3A_281 : memref<640x32xf32, #tpu.memory_space<vmem>>[vector<16xi32>, vector<16xi32>], vector<16xf32>,
        %broadcast_in_dim3A_282 = arith.constant 25 : i32
        %broadcast_in_dim3A_283 = vector.broadcast %broadcast_in_dim3A_282 : i32 to vector<16xi32>
        %gather3A_284 = tpu.vector_load_idx %arg17[%add3A_179, %broadcast_in_dim3A_283] : memref<640x32xf32, #tpu.memory_space<vmem>>[vector<16xi32>, vector<16xi32>], vector<16xf32>,
        %mul3A_285 = arith.mulf %gather3A_284, %get3A_182 : vector<16xf32>
        tpu.vector_store_idx %arg17[%add3A_179, %broadcast_in_dim3A_283], %mul3A_285 : memref<640x32xf32, #tpu.memory_space<vmem>>[vector<16xi32>, vector<16xi32>], vector<16xf32>,
        %broadcast_in_dim3A_286 = arith.constant 26 : i32
        %broadcast_in_dim3A_287 = vector.broadcast %broadcast_in_dim3A_286 : i32 to vector<16xi32>
        %gather3A_288 = tpu.vector_load_idx %arg17[%add3A_179, %broadcast_in_dim3A_287] : memref<640x32xf32, #tpu.memory_space<vmem>>[vector<16xi32>, vector<16xi32>], vector<16xf32>,
        %mul3A_289 = arith.mulf %gather3A_288, %get3A_182 : vector<16xf32>
        tpu.vector_store_idx %arg17[%add3A_179, %broadcast_in_dim3A_287], %mul3A_289 : memref<640x32xf32, #tpu.memory_space<vmem>>[vector<16xi32>, vector<16xi32>], vector<16xf32>,
        %broadcast_in_dim3A_290 = arith.constant 27 : i32
        %broadcast_in_dim3A_291 = vector.broadcast %broadcast_in_dim3A_290 : i32 to vector<16xi32>
        %gather3A_292 = tpu.vector_load_idx %arg17[%add3A_179, %broadcast_in_dim3A_291] : memref<640x32xf32, #tpu.memory_space<vmem>>[vector<16xi32>, vector<16xi32>], vector<16xf32>,
        %mul3A_293 = arith.mulf %gather3A_292, %get3A_182 : vector<16xf32>
        tpu.vector_store_idx %arg17[%add3A_179, %broadcast_in_dim3A_291], %mul3A_293 : memref<640x32xf32, #tpu.memory_space<vmem>>[vector<16xi32>, vector<16xi32>], vector<16xf32>,
        %broadcast_in_dim3A_294 = arith.constant 28 : i32
        %broadcast_in_dim3A_295 = vector.broadcast %broadcast_in_dim3A_294 : i32 to vector<16xi32>
        %gather3A_296 = tpu.vector_load_idx %arg17[%add3A_179, %broadcast_in_dim3A_295] : memref<640x32xf32, #tpu.memory_space<vmem>>[vector<16xi32>, vector<16xi32>], vector<16xf32>,
        %mul3A_297 = arith.mulf %gather3A_296, %get3A_182 : vector<16xf32>
        tpu.vector_store_idx %arg17[%add3A_179, %broadcast_in_dim3A_295], %mul3A_297 : memref<640x32xf32, #tpu.memory_space<vmem>>[vector<16xi32>, vector<16xi32>], vector<16xf32>,
        %broadcast_in_dim3A_298 = arith.constant 29 : i32
        %broadcast_in_dim3A_299 = vector.broadcast %broadcast_in_dim3A_298 : i32 to vector<16xi32>
        %gather3A_300 = tpu.vector_load_idx %arg17[%add3A_179, %broadcast_in_dim3A_299] : memref<640x32xf32, #tpu.memory_space<vmem>>[vector<16xi32>, vector<16xi32>], vector<16xf32>,
        %mul3A_301 = arith.mulf %gather3A_300, %get3A_182 : vector<16xf32>
        tpu.vector_store_idx %arg17[%add3A_179, %broadcast_in_dim3A_299], %mul3A_301 : memref<640x32xf32, #tpu.memory_space<vmem>>[vector<16xi32>, vector<16xi32>], vector<16xf32>,
        %broadcast_in_dim3A_302 = arith.constant 30 : i32
        %broadcast_in_dim3A_303 = vector.broadcast %broadcast_in_dim3A_302 : i32 to vector<16xi32>
        %gather3A_304 = tpu.vector_load_idx %arg17[%add3A_179, %broadcast_in_dim3A_303] : memref<640x32xf32, #tpu.memory_space<vmem>>[vector<16xi32>, vector<16xi32>], vector<16xf32>,
        %mul3A_305 = arith.mulf %gather3A_304, %get3A_182 : vector<16xf32>
        tpu.vector_store_idx %arg17[%add3A_179, %broadcast_in_dim3A_303], %mul3A_305 : memref<640x32xf32, #tpu.memory_space<vmem>>[vector<16xi32>, vector<16xi32>], vector<16xf32>,
        %broadcast_in_dim3A_306 = arith.constant 31 : i32
        %broadcast_in_dim3A_307 = vector.broadcast %broadcast_in_dim3A_306 : i32 to vector<16xi32>
        %gather3A_308 = tpu.vector_load_idx %arg17[%add3A_179, %broadcast_in_dim3A_307] : memref<640x32xf32, #tpu.memory_space<vmem>>[vector<16xi32>, vector<16xi32>], vector<16xf32>,
        %mul3A_309 = arith.mulf %gather3A_308, %get3A_182 : vector<16xf32>
        tpu.vector_store_idx %arg17[%add3A_179, %broadcast_in_dim3A_307], %mul3A_309 : memref<640x32xf32, #tpu.memory_space<vmem>>[vector<16xi32>, vector<16xi32>], vector<16xf32>,
        %scan3A_310 = arith.constant 0 : i32
        scf.yield %scan3A_310 : i32
      }
      %scan3A_162 = arith.constant 40 : i32
      %dma_start3A_163 = arith.constant 0 : i32
      %dma_start3A_164 = tpu.memref_slice %arg10[%dma_start3A_163] : memref<50000xf32, #tpu.memory_space<vmem_shared>> -> memref<50000xf32, #tpu.memory_space<vmem_shared>>
      tpu.enqueue_indirect_dma source(%arg16 : memref<640xf32, #tpu.memory_space<vmem>>) target(%dma_start3A_164 : memref<50000xf32, #tpu.memory_space<vmem_shared>>) offsets(%arg12 : memref<640xi32, #tpu.memory_space<vmem>>) semaphore(%arg18 : memref<!tpu.dma_semaphore, #tpu.memory_space<semaphore_mem>>) {add = true}
      %dma_start3A_165 = arith.constant 0 : i32
      %dma_start3A_166 = arith.constant 0 : i32
      %dma_start3A_167 = tpu.memref_slice %arg9[%dma_start3A_165, %dma_start3A_166] : memref<50000x32xf32, #tpu.memory_space<vmem_shared>> -> memref<50000x32xf32, #tpu.memory_space<vmem_shared>>
      tpu.enqueue_indirect_dma source(%arg17 : memref<640x32xf32, #tpu.memory_space<vmem>>) target(%dma_start3A_167 : memref<50000x32xf32, #tpu.memory_space<vmem_shared>>) offsets(%arg12 : memref<640xi32, #tpu.memory_space<vmem>>) semaphore(%arg19 : memref<!tpu.dma_semaphore, #tpu.memory_space<semaphore_mem>>) {add = true}
      %dma_wait3A_168 = arith.constant 0 : i32
      %dma_wait3A_169 = tpu.memref_slice %arg10[%dma_wait3A_168] : memref<50000xf32, #tpu.memory_space<vmem_shared>> -> memref<50000xf32, #tpu.memory_space<vmem_shared>>
      tpu.wait_indirect_dma semaphore(%arg18 : memref<!tpu.dma_semaphore, #tpu.memory_space<semaphore_mem>>) src(%arg16 : memref<640xf32, #tpu.memory_space<vmem>>) dst(%dma_wait3A_169 : memref<50000xf32, #tpu.memory_space<vmem_shared>>)
      %dma_wait3A_170 = arith.constant 0 : i32
      %dma_wait3A_171 = arith.constant 0 : i32
      %dma_wait3A_172 = tpu.memref_slice %arg9[%dma_wait3A_170, %dma_wait3A_171] : memref<50000x32xf32, #tpu.memory_space<vmem_shared>> -> memref<50000x32xf32, #tpu.memory_space<vmem_shared>>
      tpu.wait_indirect_dma semaphore(%arg19 : memref<!tpu.dma_semaphore, #tpu.memory_space<semaphore_mem>>) src(%arg17 : memref<640x32xf32, #tpu.memory_space<vmem>>) dst(%dma_wait3A_172 : memref<50000x32xf32, #tpu.memory_space<vmem_shared>>)
      %while3A_173 = arith.constant 0 : i32
      scf.yield %while3A_173 : i32
    }
    %while3A_86 = arith.constant 1 : i32
    %while3A_87 = scf.for %while3A_106 = %while3A_83 to %while3A_79 step %while3A_86 iter_args(%while3A_107 = %while3A_85) -> (i32)  : i32 {
      %mul3A_108 = arith.constant 32 : i32
      %mul3A_109 = arith.muli %while3A_106, %mul3A_108 : i32
      %add3A_110 = arith.addi %add3A, %mul3A_109 : i32
      %mul3A_111 = arith.constant 640 : i32
      %mul3A_112 = arith.muli %add3A_110, %mul3A_111 : i32
      %dma_start3A = arith.constant 0 : i32
      %dma_start3A_113 = tpu.memref_slice %arg2[%dma_start3A, %mul3A_112] : memref<2x1600000xi32, #tpu.memory_space<hbm>> -> memref<1x640xi32, #tpu.memory_space<hbm>>
      %dma_start3A_114 = tpu.memref_squeeze %dma_start3A_113 : memref<1x640xi32, #tpu.memory_space<hbm>> -> memref<640xi32, #tpu.memory_space<hbm>>
      %dma_start3A_115 = tpu.memref_slice %arg2[%dma_start3A, %mul3A_112] : memref<2x1600000xi32, #tpu.memory_space<hbm>> -> memref<1x640xi32, #tpu.memory_space<hbm>>
      %dma_start3A_116 = tpu.memref_squeeze %dma_start3A_115 : memref<1x640xi32, #tpu.memory_space<hbm>> -> memref<640xi32, #tpu.memory_space<hbm>>
      tpu.enqueue_dma source(%dma_start3A_116 : memref<640xi32, #tpu.memory_space<hbm>>) target(%arg11 : memref<640xi32, #tpu.memory_space<vmem>>) target_semaphore(%arg18 : memref<!tpu.dma_semaphore, #tpu.memory_space<semaphore_mem>>)
      %dma_start3A_117 = arith.constant 1 : i32
      %dma_start3A_118 = tpu.memref_slice %arg2[%dma_start3A_117, %mul3A_112] : memref<2x1600000xi32, #tpu.memory_space<hbm>> -> memref<1x640xi32, #tpu.memory_space<hbm>>
      %dma_start3A_119 = tpu.memref_squeeze %dma_start3A_118 : memref<1x640xi32, #tpu.memory_space<hbm>> -> memref<640xi32, #tpu.memory_space<hbm>>
      %dma_start3A_120 = tpu.memref_slice %arg2[%dma_start3A_117, %mul3A_112] : memref<2x1600000xi32, #tpu.memory_space<hbm>> -> memref<1x640xi32, #tpu.memory_space<hbm>>
      %dma_start3A_121 = tpu.memref_squeeze %dma_start3A_120 : memref<1x640xi32, #tpu.memory_space<hbm>> -> memref<640xi32, #tpu.memory_space<hbm>>
      tpu.enqueue_dma source(%dma_start3A_121 : memref<640xi32, #tpu.memory_space<hbm>>) target(%arg12 : memref<640xi32, #tpu.memory_space<vmem>>) target_semaphore(%arg18 : memref<!tpu.dma_semaphore, #tpu.memory_space<semaphore_mem>>)
      %dma_start3A_122 = tpu.memref_slice %arg3[%mul3A_112] : memref<1600000xf32, #tpu.memory_space<hbm>> -> memref<640xf32, #tpu.memory_space<hbm>>
      %dma_start3A_123 = tpu.memref_slice %arg3[%mul3A_112] : memref<1600000xf32, #tpu.memory_space<hbm>> -> memref<640xf32, #tpu.memory_space<hbm>>
      tpu.enqueue_dma source(%dma_start3A_123 : memref<640xf32, #tpu.memory_space<hbm>>) target(%arg13 : memref<640xf32, #tpu.memory_space<vmem>>) target_semaphore(%arg18 : memref<!tpu.dma_semaphore, #tpu.memory_space<semaphore_mem>>)
      %dma_wait3A = arith.constant 0 : i32
      %dma_wait3A_124 = tpu.memref_slice %arg2[%dma_wait3A, %mul3A_112] : memref<2x1600000xi32, #tpu.memory_space<hbm>> -> memref<1x640xi32, #tpu.memory_space<hbm>>
      %dma_wait3A_125 = tpu.memref_squeeze %dma_wait3A_124 : memref<1x640xi32, #tpu.memory_space<hbm>> -> memref<640xi32, #tpu.memory_space<hbm>>
      %dma_wait3A_126 = tpu.memref_slice %arg2[%dma_wait3A, %mul3A_112] : memref<2x1600000xi32, #tpu.memory_space<hbm>> -> memref<1x640xi32, #tpu.memory_space<hbm>>
      %dma_wait3A_127 = tpu.memref_squeeze %dma_wait3A_126 : memref<1x640xi32, #tpu.memory_space<hbm>> -> memref<640xi32, #tpu.memory_space<hbm>>
      tpu.wait_dma2 semaphore(%arg18 : memref<!tpu.dma_semaphore, #tpu.memory_space<semaphore_mem>>) src(%dma_wait3A_127 : memref<640xi32, #tpu.memory_space<hbm>>) dst(%arg11 : memref<640xi32, #tpu.memory_space<vmem>>)
      %dma_wait3A_128 = arith.constant 1 : i32
      %dma_wait3A_129 = tpu.memref_slice %arg2[%dma_wait3A_128, %mul3A_112] : memref<2x1600000xi32, #tpu.memory_space<hbm>> -> memref<1x640xi32, #tpu.memory_space<hbm>>
      %dma_wait3A_130 = tpu.memref_squeeze %dma_wait3A_129 : memref<1x640xi32, #tpu.memory_space<hbm>> -> memref<640xi32, #tpu.memory_space<hbm>>
      %dma_wait3A_131 = tpu.memref_slice %arg2[%dma_wait3A_128, %mul3A_112] : memref<2x1600000xi32, #tpu.memory_space<hbm>> -> memref<1x640xi32, #tpu.memory_space<hbm>>
      %dma_wait3A_132 = tpu.memref_squeeze %dma_wait3A_131 : memref<1x640xi32, #tpu.memory_space<hbm>> -> memref<640xi32, #tpu.memory_space<hbm>>
      tpu.wait_dma2 semaphore(%arg18 : memref<!tpu.dma_semaphore, #tpu.memory_space<semaphore_mem>>) src(%dma_wait3A_132 : memref<640xi32, #tpu.memory_space<hbm>>) dst(%arg12 : memref<640xi32, #tpu.memory_space<vmem>>)
      %dma_wait3A_133 = tpu.memref_slice %arg3[%mul3A_112] : memref<1600000xf32, #tpu.memory_space<hbm>> -> memref<640xf32, #tpu.memory_space<hbm>>
      %dma_wait3A_134 = tpu.memref_slice %arg3[%mul3A_112] : memref<1600000xf32, #tpu.memory_space<hbm>> -> memref<640xf32, #tpu.memory_space<hbm>>
      tpu.wait_dma2 semaphore(%arg18 : memref<!tpu.dma_semaphore, #tpu.memory_space<semaphore_mem>>) src(%dma_wait3A_134 : memref<640xf32, #tpu.memory_space<hbm>>) dst(%arg13 : memref<640xf32, #tpu.memory_space<vmem>>)
      %dma_start3A_135 = arith.constant 0 : i32
      %dma_start3A_136 = arith.constant 0 : i32
      %dma_start3A_137 = tpu.memref_slice %arg6[%dma_start3A_135, %dma_start3A_136] : memref<50000x32xf32, #tpu.memory_space<hbm>> -> memref<50000x32xf32, #tpu.memory_space<hbm>>
      tpu.enqueue_indirect_dma source(%dma_start3A_137 : memref<50000x32xf32, #tpu.memory_space<hbm>>) target(%arg17 : memref<640x32xf32, #tpu.memory_space<vmem>>) offsets(%arg11 : memref<640xi32, #tpu.memory_space<vmem>>) semaphore(%arg19 : memref<!tpu.dma_semaphore, #tpu.memory_space<semaphore_mem>>)
      %dma_start3A_138 = arith.constant 0 : i32
      %dma_start3A_139 = tpu.memref_slice %arg4[%dma_start3A_138] : memref<50000xf32, #tpu.memory_space<hbm>> -> memref<50000xf32, #tpu.memory_space<hbm>>
      tpu.enqueue_indirect_dma source(%dma_start3A_139 : memref<50000xf32, #tpu.memory_space<hbm>>) target(%arg14 : memref<640xf32, #tpu.memory_space<vmem>>) offsets(%arg11 : memref<640xi32, #tpu.memory_space<vmem>>) semaphore(%arg18 : memref<!tpu.dma_semaphore, #tpu.memory_space<semaphore_mem>>)
      %dma_start3A_140 = arith.constant 0 : i32
      %dma_start3A_141 = tpu.memref_slice %arg5[%dma_start3A_140] : memref<50000xf32, #tpu.memory_space<hbm>> -> memref<50000xf32, #tpu.memory_space<hbm>>
      tpu.enqueue_indirect_dma source(%dma_start3A_141 : memref<50000xf32, #tpu.memory_space<hbm>>) target(%arg15 : memref<640xf32, #tpu.memory_space<vmem>>) offsets(%arg12 : memref<640xi32, #tpu.memory_space<vmem>>) semaphore(%arg18 : memref<!tpu.dma_semaphore, #tpu.memory_space<semaphore_mem>>)
      %dma_wait3A_142 = arith.constant 0 : i32
      %dma_wait3A_143 = tpu.memref_slice %arg4[%dma_wait3A_142] : memref<50000xf32, #tpu.memory_space<hbm>> -> memref<50000xf32, #tpu.memory_space<hbm>>
      tpu.wait_indirect_dma semaphore(%arg18 : memref<!tpu.dma_semaphore, #tpu.memory_space<semaphore_mem>>) src(%dma_wait3A_143 : memref<50000xf32, #tpu.memory_space<hbm>>) dst(%arg14 : memref<640xf32, #tpu.memory_space<vmem>>)
      %dma_wait3A_144 = arith.constant 0 : i32
      %dma_wait3A_145 = tpu.memref_slice %arg5[%dma_wait3A_144] : memref<50000xf32, #tpu.memory_space<hbm>> -> memref<50000xf32, #tpu.memory_space<hbm>>
      tpu.wait_indirect_dma semaphore(%arg18 : memref<!tpu.dma_semaphore, #tpu.memory_space<semaphore_mem>>) src(%dma_wait3A_145 : memref<50000xf32, #tpu.memory_space<hbm>>) dst(%arg15 : memref<640xf32, #tpu.memory_space<vmem>>)
      %scan3A_146 = arith.constant 0 : i32
      %scan3A_147 = arith.constant 0 : i32
      %scan3A_148 = arith.constant 40 : i32
      %scan3A_149 = arith.addi %scan3A_147, %scan3A_148 : i32
      %scan3A_150 = arith.constant 1 : i32
      %scan3A_151 = scf.for %scan3A_174 = %scan3A_147 to %scan3A_149 step %scan3A_150 iter_args(%scan3A_175 = %scan3A_146) -> (i32)  : i32 {
        %mul3A_176 = arith.constant 16 : i32
        %mul3A_177 = arith.muli %scan3A_174, %mul3A_176 : i32
        %get3A = arith.index_cast %mul3A_177 : i32 to index
        %get3A_178 = tpu.vector_load %arg14[%get3A] {strides = array<i32>} : memref<640xf32, #tpu.memory_space<vmem>>, vector<16xf32>,
        %get3A_179 = arith.index_cast %mul3A_177 : i32 to index
        %get3A_180 = tpu.vector_load %arg15[%get3A_179] {strides = array<i32>} : memref<640xf32, #tpu.memory_space<vmem>>, vector<16xf32>,
        %add3A_181 = arith.addf %get3A_178, %get3A_180 : vector<16xf32>
        %get3A_182 = arith.index_cast %mul3A_177 : i32 to index
        %get3A_183 = tpu.vector_load %arg13[%get3A_182] {strides = array<i32>} : memref<640xf32, #tpu.memory_space<vmem>>, vector<16xf32>,
        %add3A_184 = arith.addf %add3A_181, %get3A_183 : vector<16xf32>
        %mul3A_185 = arith.constant 2.000000e-01 : f32
        %mul3A_186 = vector.broadcast %mul3A_185 : f32 to vector<16xf32>
        %mul3A_187 = arith.mulf %mul3A_186, %add3A_184 : vector<16xf32>
        %max3A = arith.maximumf %add3A_184, %mul3A_187 : vector<16xf32>
        %exp3A = math.exp %max3A : vector<16xf32>
        %swap3A = arith.index_cast %mul3A_177 : i32 to index
        %swap3A_188 = tpu.vector_load %arg16[%swap3A] {strides = array<i32>} : memref<640xf32, #tpu.memory_space<vmem>>, vector<16xf32>,
        tpu.vector_store %arg16[%swap3A], %exp3A {strides = array<i32>} : memref<640xf32, #tpu.memory_space<vmem>>, vector<16xf32>,
        %scan3A_189 = arith.constant 0 : i32
        scf.yield %scan3A_189 : i32
      }
      %scan3A_152 = arith.constant 40 : i32
      %dma_wait3A_153 = arith.constant 0 : i32
      %dma_wait3A_154 = arith.constant 0 : i32
      %dma_wait3A_155 = tpu.memref_slice %arg6[%dma_wait3A_153, %dma_wait3A_154] : memref<50000x32xf32, #tpu.memory_space<hbm>> -> memref<50000x32xf32, #tpu.memory_space<hbm>>
      tpu.wait_indirect_dma semaphore(%arg19 : memref<!tpu.dma_semaphore, #tpu.memory_space<semaphore_mem>>) src(%dma_wait3A_155 : memref<50000x32xf32, #tpu.memory_space<hbm>>) dst(%arg17 : memref<640x32xf32, #tpu.memory_space<vmem>>)
      %iota3A = tpu.iota {dimensions = array<i32: 0>} : vector<16xi32>
      %scan3A_156 = arith.constant 0 : i32
      %scan3A_157 = arith.constant 0 : i32
      %scan3A_158 = arith.constant 40 : i32
      %scan3A_159 = arith.addi %scan3A_157, %scan3A_158 : i32
      %scan3A_160 = arith.constant 1 : i32
      %scan3A_161 = scf.for %scan3A_174 = %scan3A_157 to %scan3A_159 step %scan3A_160 iter_args(%scan3A_175 = %scan3A_156) -> (i32)  : i32 {
        %mul3A_176 = arith.constant 16 : i32
        %mul3A_177 = arith.muli %scan3A_174, %mul3A_176 : i32
        %add3A_178 = vector.broadcast %mul3A_177 : i32 to vector<16xi32>
        %add3A_179 = arith.addi %iota3A, %add3A_178 : vector<16xi32>
        %mul3A_180 = arith.constant 16 : i32
        %mul3A_181 = arith.muli %scan3A_174, %mul3A_180 : i32
        %get3A = arith.index_cast %mul3A_181 : i32 to index
        %get3A_182 = tpu.vector_load %arg16[%get3A] {strides = array<i32>} : memref<640xf32, #tpu.memory_space<vmem>>, vector<16xf32>,
        %broadcast_in_dim3A_183 = arith.constant 0 : i32
        %broadcast_in_dim3A_184 = vector.broadcast %broadcast_in_dim3A_183 : i32 to vector<16xi32>
        %gather3A = tpu.vector_load_idx %arg17[%add3A_179, %broadcast_in_dim3A_184] : memref<640x32xf32, #tpu.memory_space<vmem>>[vector<16xi32>, vector<16xi32>], vector<16xf32>,
        %mul3A_185 = arith.mulf %gather3A, %get3A_182 : vector<16xf32>
        tpu.vector_store_idx %arg17[%add3A_179, %broadcast_in_dim3A_184], %mul3A_185 : memref<640x32xf32, #tpu.memory_space<vmem>>[vector<16xi32>, vector<16xi32>], vector<16xf32>,
        %broadcast_in_dim3A_186 = arith.constant 1 : i32
        %broadcast_in_dim3A_187 = vector.broadcast %broadcast_in_dim3A_186 : i32 to vector<16xi32>
        %gather3A_188 = tpu.vector_load_idx %arg17[%add3A_179, %broadcast_in_dim3A_187] : memref<640x32xf32, #tpu.memory_space<vmem>>[vector<16xi32>, vector<16xi32>], vector<16xf32>,
        %mul3A_189 = arith.mulf %gather3A_188, %get3A_182 : vector<16xf32>
        tpu.vector_store_idx %arg17[%add3A_179, %broadcast_in_dim3A_187], %mul3A_189 : memref<640x32xf32, #tpu.memory_space<vmem>>[vector<16xi32>, vector<16xi32>], vector<16xf32>,
        %broadcast_in_dim3A_190 = arith.constant 2 : i32
        %broadcast_in_dim3A_191 = vector.broadcast %broadcast_in_dim3A_190 : i32 to vector<16xi32>
        %gather3A_192 = tpu.vector_load_idx %arg17[%add3A_179, %broadcast_in_dim3A_191] : memref<640x32xf32, #tpu.memory_space<vmem>>[vector<16xi32>, vector<16xi32>], vector<16xf32>,
        %mul3A_193 = arith.mulf %gather3A_192, %get3A_182 : vector<16xf32>
        tpu.vector_store_idx %arg17[%add3A_179, %broadcast_in_dim3A_191], %mul3A_193 : memref<640x32xf32, #tpu.memory_space<vmem>>[vector<16xi32>, vector<16xi32>], vector<16xf32>,
        %broadcast_in_dim3A_194 = arith.constant 3 : i32
        %broadcast_in_dim3A_195 = vector.broadcast %broadcast_in_dim3A_194 : i32 to vector<16xi32>
        %gather3A_196 = tpu.vector_load_idx %arg17[%add3A_179, %broadcast_in_dim3A_195] : memref<640x32xf32, #tpu.memory_space<vmem>>[vector<16xi32>, vector<16xi32>], vector<16xf32>,
        %mul3A_197 = arith.mulf %gather3A_196, %get3A_182 : vector<16xf32>
        tpu.vector_store_idx %arg17[%add3A_179, %broadcast_in_dim3A_195], %mul3A_197 : memref<640x32xf32, #tpu.memory_space<vmem>>[vector<16xi32>, vector<16xi32>], vector<16xf32>,
        %broadcast_in_dim3A_198 = arith.constant 4 : i32
        %broadcast_in_dim3A_199 = vector.broadcast %broadcast_in_dim3A_198 : i32 to vector<16xi32>
        %gather3A_200 = tpu.vector_load_idx %arg17[%add3A_179, %broadcast_in_dim3A_199] : memref<640x32xf32, #tpu.memory_space<vmem>>[vector<16xi32>, vector<16xi32>], vector<16xf32>,
        %mul3A_201 = arith.mulf %gather3A_200, %get3A_182 : vector<16xf32>
        tpu.vector_store_idx %arg17[%add3A_179, %broadcast_in_dim3A_199], %mul3A_201 : memref<640x32xf32, #tpu.memory_space<vmem>>[vector<16xi32>, vector<16xi32>], vector<16xf32>,
        %broadcast_in_dim3A_202 = arith.constant 5 : i32
        %broadcast_in_dim3A_203 = vector.broadcast %broadcast_in_dim3A_202 : i32 to vector<16xi32>
        %gather3A_204 = tpu.vector_load_idx %arg17[%add3A_179, %broadcast_in_dim3A_203] : memref<640x32xf32, #tpu.memory_space<vmem>>[vector<16xi32>, vector<16xi32>], vector<16xf32>,
        %mul3A_205 = arith.mulf %gather3A_204, %get3A_182 : vector<16xf32>
        tpu.vector_store_idx %arg17[%add3A_179, %broadcast_in_dim3A_203], %mul3A_205 : memref<640x32xf32, #tpu.memory_space<vmem>>[vector<16xi32>, vector<16xi32>], vector<16xf32>,
        %broadcast_in_dim3A_206 = arith.constant 6 : i32
        %broadcast_in_dim3A_207 = vector.broadcast %broadcast_in_dim3A_206 : i32 to vector<16xi32>
        %gather3A_208 = tpu.vector_load_idx %arg17[%add3A_179, %broadcast_in_dim3A_207] : memref<640x32xf32, #tpu.memory_space<vmem>>[vector<16xi32>, vector<16xi32>], vector<16xf32>,
        %mul3A_209 = arith.mulf %gather3A_208, %get3A_182 : vector<16xf32>
        tpu.vector_store_idx %arg17[%add3A_179, %broadcast_in_dim3A_207], %mul3A_209 : memref<640x32xf32, #tpu.memory_space<vmem>>[vector<16xi32>, vector<16xi32>], vector<16xf32>,
        %broadcast_in_dim3A_210 = arith.constant 7 : i32
        %broadcast_in_dim3A_211 = vector.broadcast %broadcast_in_dim3A_210 : i32 to vector<16xi32>
        %gather3A_212 = tpu.vector_load_idx %arg17[%add3A_179, %broadcast_in_dim3A_211] : memref<640x32xf32, #tpu.memory_space<vmem>>[vector<16xi32>, vector<16xi32>], vector<16xf32>,
        %mul3A_213 = arith.mulf %gather3A_212, %get3A_182 : vector<16xf32>
        tpu.vector_store_idx %arg17[%add3A_179, %broadcast_in_dim3A_211], %mul3A_213 : memref<640x32xf32, #tpu.memory_space<vmem>>[vector<16xi32>, vector<16xi32>], vector<16xf32>,
        %broadcast_in_dim3A_214 = arith.constant 8 : i32
        %broadcast_in_dim3A_215 = vector.broadcast %broadcast_in_dim3A_214 : i32 to vector<16xi32>
        %gather3A_216 = tpu.vector_load_idx %arg17[%add3A_179, %broadcast_in_dim3A_215] : memref<640x32xf32, #tpu.memory_space<vmem>>[vector<16xi32>, vector<16xi32>], vector<16xf32>,
        %mul3A_217 = arith.mulf %gather3A_216, %get3A_182 : vector<16xf32>
        tpu.vector_store_idx %arg17[%add3A_179, %broadcast_in_dim3A_215], %mul3A_217 : memref<640x32xf32, #tpu.memory_space<vmem>>[vector<16xi32>, vector<16xi32>], vector<16xf32>,
        %broadcast_in_dim3A_218 = arith.constant 9 : i32
        %broadcast_in_dim3A_219 = vector.broadcast %broadcast_in_dim3A_218 : i32 to vector<16xi32>
        %gather3A_220 = tpu.vector_load_idx %arg17[%add3A_179, %broadcast_in_dim3A_219] : memref<640x32xf32, #tpu.memory_space<vmem>>[vector<16xi32>, vector<16xi32>], vector<16xf32>,
        %mul3A_221 = arith.mulf %gather3A_220, %get3A_182 : vector<16xf32>
        tpu.vector_store_idx %arg17[%add3A_179, %broadcast_in_dim3A_219], %mul3A_221 : memref<640x32xf32, #tpu.memory_space<vmem>>[vector<16xi32>, vector<16xi32>], vector<16xf32>,
        %broadcast_in_dim3A_222 = arith.constant 10 : i32
        %broadcast_in_dim3A_223 = vector.broadcast %broadcast_in_dim3A_222 : i32 to vector<16xi32>
        %gather3A_224 = tpu.vector_load_idx %arg17[%add3A_179, %broadcast_in_dim3A_223] : memref<640x32xf32, #tpu.memory_space<vmem>>[vector<16xi32>, vector<16xi32>], vector<16xf32>,
        %mul3A_225 = arith.mulf %gather3A_224, %get3A_182 : vector<16xf32>
        tpu.vector_store_idx %arg17[%add3A_179, %broadcast_in_dim3A_223], %mul3A_225 : memref<640x32xf32, #tpu.memory_space<vmem>>[vector<16xi32>, vector<16xi32>], vector<16xf32>,
        %broadcast_in_dim3A_226 = arith.constant 11 : i32
        %broadcast_in_dim3A_227 = vector.broadcast %broadcast_in_dim3A_226 : i32 to vector<16xi32>
        %gather3A_228 = tpu.vector_load_idx %arg17[%add3A_179, %broadcast_in_dim3A_227] : memref<640x32xf32, #tpu.memory_space<vmem>>[vector<16xi32>, vector<16xi32>], vector<16xf32>,
        %mul3A_229 = arith.mulf %gather3A_228, %get3A_182 : vector<16xf32>
        tpu.vector_store_idx %arg17[%add3A_179, %broadcast_in_dim3A_227], %mul3A_229 : memref<640x32xf32, #tpu.memory_space<vmem>>[vector<16xi32>, vector<16xi32>], vector<16xf32>,
        %broadcast_in_dim3A_230 = arith.constant 12 : i32
        %broadcast_in_dim3A_231 = vector.broadcast %broadcast_in_dim3A_230 : i32 to vector<16xi32>
        %gather3A_232 = tpu.vector_load_idx %arg17[%add3A_179, %broadcast_in_dim3A_231] : memref<640x32xf32, #tpu.memory_space<vmem>>[vector<16xi32>, vector<16xi32>], vector<16xf32>,
        %mul3A_233 = arith.mulf %gather3A_232, %get3A_182 : vector<16xf32>
        tpu.vector_store_idx %arg17[%add3A_179, %broadcast_in_dim3A_231], %mul3A_233 : memref<640x32xf32, #tpu.memory_space<vmem>>[vector<16xi32>, vector<16xi32>], vector<16xf32>,
        %broadcast_in_dim3A_234 = arith.constant 13 : i32
        %broadcast_in_dim3A_235 = vector.broadcast %broadcast_in_dim3A_234 : i32 to vector<16xi32>
        %gather3A_236 = tpu.vector_load_idx %arg17[%add3A_179, %broadcast_in_dim3A_235] : memref<640x32xf32, #tpu.memory_space<vmem>>[vector<16xi32>, vector<16xi32>], vector<16xf32>,
        %mul3A_237 = arith.mulf %gather3A_236, %get3A_182 : vector<16xf32>
        tpu.vector_store_idx %arg17[%add3A_179, %broadcast_in_dim3A_235], %mul3A_237 : memref<640x32xf32, #tpu.memory_space<vmem>>[vector<16xi32>, vector<16xi32>], vector<16xf32>,
        %broadcast_in_dim3A_238 = arith.constant 14 : i32
        %broadcast_in_dim3A_239 = vector.broadcast %broadcast_in_dim3A_238 : i32 to vector<16xi32>
        %gather3A_240 = tpu.vector_load_idx %arg17[%add3A_179, %broadcast_in_dim3A_239] : memref<640x32xf32, #tpu.memory_space<vmem>>[vector<16xi32>, vector<16xi32>], vector<16xf32>,
        %mul3A_241 = arith.mulf %gather3A_240, %get3A_182 : vector<16xf32>
        tpu.vector_store_idx %arg17[%add3A_179, %broadcast_in_dim3A_239], %mul3A_241 : memref<640x32xf32, #tpu.memory_space<vmem>>[vector<16xi32>, vector<16xi32>], vector<16xf32>,
        %broadcast_in_dim3A_242 = arith.constant 15 : i32
        %broadcast_in_dim3A_243 = vector.broadcast %broadcast_in_dim3A_242 : i32 to vector<16xi32>
        %gather3A_244 = tpu.vector_load_idx %arg17[%add3A_179, %broadcast_in_dim3A_243] : memref<640x32xf32, #tpu.memory_space<vmem>>[vector<16xi32>, vector<16xi32>], vector<16xf32>,
        %mul3A_245 = arith.mulf %gather3A_244, %get3A_182 : vector<16xf32>
        tpu.vector_store_idx %arg17[%add3A_179, %broadcast_in_dim3A_243], %mul3A_245 : memref<640x32xf32, #tpu.memory_space<vmem>>[vector<16xi32>, vector<16xi32>], vector<16xf32>,
        %broadcast_in_dim3A_246 = arith.constant 16 : i32
        %broadcast_in_dim3A_247 = vector.broadcast %broadcast_in_dim3A_246 : i32 to vector<16xi32>
        %gather3A_248 = tpu.vector_load_idx %arg17[%add3A_179, %broadcast_in_dim3A_247] : memref<640x32xf32, #tpu.memory_space<vmem>>[vector<16xi32>, vector<16xi32>], vector<16xf32>,
        %mul3A_249 = arith.mulf %gather3A_248, %get3A_182 : vector<16xf32>
        tpu.vector_store_idx %arg17[%add3A_179, %broadcast_in_dim3A_247], %mul3A_249 : memref<640x32xf32, #tpu.memory_space<vmem>>[vector<16xi32>, vector<16xi32>], vector<16xf32>,
        %broadcast_in_dim3A_250 = arith.constant 17 : i32
        %broadcast_in_dim3A_251 = vector.broadcast %broadcast_in_dim3A_250 : i32 to vector<16xi32>
        %gather3A_252 = tpu.vector_load_idx %arg17[%add3A_179, %broadcast_in_dim3A_251] : memref<640x32xf32, #tpu.memory_space<vmem>>[vector<16xi32>, vector<16xi32>], vector<16xf32>,
        %mul3A_253 = arith.mulf %gather3A_252, %get3A_182 : vector<16xf32>
        tpu.vector_store_idx %arg17[%add3A_179, %broadcast_in_dim3A_251], %mul3A_253 : memref<640x32xf32, #tpu.memory_space<vmem>>[vector<16xi32>, vector<16xi32>], vector<16xf32>,
        %broadcast_in_dim3A_254 = arith.constant 18 : i32
        %broadcast_in_dim3A_255 = vector.broadcast %broadcast_in_dim3A_254 : i32 to vector<16xi32>
        %gather3A_256 = tpu.vector_load_idx %arg17[%add3A_179, %broadcast_in_dim3A_255] : memref<640x32xf32, #tpu.memory_space<vmem>>[vector<16xi32>, vector<16xi32>], vector<16xf32>,
        %mul3A_257 = arith.mulf %gather3A_256, %get3A_182 : vector<16xf32>
        tpu.vector_store_idx %arg17[%add3A_179, %broadcast_in_dim3A_255], %mul3A_257 : memref<640x32xf32, #tpu.memory_space<vmem>>[vector<16xi32>, vector<16xi32>], vector<16xf32>,
        %broadcast_in_dim3A_258 = arith.constant 19 : i32
        %broadcast_in_dim3A_259 = vector.broadcast %broadcast_in_dim3A_258 : i32 to vector<16xi32>
        %gather3A_260 = tpu.vector_load_idx %arg17[%add3A_179, %broadcast_in_dim3A_259] : memref<640x32xf32, #tpu.memory_space<vmem>>[vector<16xi32>, vector<16xi32>], vector<16xf32>,
        %mul3A_261 = arith.mulf %gather3A_260, %get3A_182 : vector<16xf32>
        tpu.vector_store_idx %arg17[%add3A_179, %broadcast_in_dim3A_259], %mul3A_261 : memref<640x32xf32, #tpu.memory_space<vmem>>[vector<16xi32>, vector<16xi32>], vector<16xf32>,
        %broadcast_in_dim3A_262 = arith.constant 20 : i32
        %broadcast_in_dim3A_263 = vector.broadcast %broadcast_in_dim3A_262 : i32 to vector<16xi32>
        %gather3A_264 = tpu.vector_load_idx %arg17[%add3A_179, %broadcast_in_dim3A_263] : memref<640x32xf32, #tpu.memory_space<vmem>>[vector<16xi32>, vector<16xi32>], vector<16xf32>,
        %mul3A_265 = arith.mulf %gather3A_264, %get3A_182 : vector<16xf32>
        tpu.vector_store_idx %arg17[%add3A_179, %broadcast_in_dim3A_263], %mul3A_265 : memref<640x32xf32, #tpu.memory_space<vmem>>[vector<16xi32>, vector<16xi32>], vector<16xf32>,
        %broadcast_in_dim3A_266 = arith.constant 21 : i32
        %broadcast_in_dim3A_267 = vector.broadcast %broadcast_in_dim3A_266 : i32 to vector<16xi32>
        %gather3A_268 = tpu.vector_load_idx %arg17[%add3A_179, %broadcast_in_dim3A_267] : memref<640x32xf32, #tpu.memory_space<vmem>>[vector<16xi32>, vector<16xi32>], vector<16xf32>,
        %mul3A_269 = arith.mulf %gather3A_268, %get3A_182 : vector<16xf32>
        tpu.vector_store_idx %arg17[%add3A_179, %broadcast_in_dim3A_267], %mul3A_269 : memref<640x32xf32, #tpu.memory_space<vmem>>[vector<16xi32>, vector<16xi32>], vector<16xf32>,
        %broadcast_in_dim3A_270 = arith.constant 22 : i32
        %broadcast_in_dim3A_271 = vector.broadcast %broadcast_in_dim3A_270 : i32 to vector<16xi32>
        %gather3A_272 = tpu.vector_load_idx %arg17[%add3A_179, %broadcast_in_dim3A_271] : memref<640x32xf32, #tpu.memory_space<vmem>>[vector<16xi32>, vector<16xi32>], vector<16xf32>,
        %mul3A_273 = arith.mulf %gather3A_272, %get3A_182 : vector<16xf32>
        tpu.vector_store_idx %arg17[%add3A_179, %broadcast_in_dim3A_271], %mul3A_273 : memref<640x32xf32, #tpu.memory_space<vmem>>[vector<16xi32>, vector<16xi32>], vector<16xf32>,
        %broadcast_in_dim3A_274 = arith.constant 23 : i32
        %broadcast_in_dim3A_275 = vector.broadcast %broadcast_in_dim3A_274 : i32 to vector<16xi32>
        %gather3A_276 = tpu.vector_load_idx %arg17[%add3A_179, %broadcast_in_dim3A_275] : memref<640x32xf32, #tpu.memory_space<vmem>>[vector<16xi32>, vector<16xi32>], vector<16xf32>,
        %mul3A_277 = arith.mulf %gather3A_276, %get3A_182 : vector<16xf32>
        tpu.vector_store_idx %arg17[%add3A_179, %broadcast_in_dim3A_275], %mul3A_277 : memref<640x32xf32, #tpu.memory_space<vmem>>[vector<16xi32>, vector<16xi32>], vector<16xf32>,
        %broadcast_in_dim3A_278 = arith.constant 24 : i32
        %broadcast_in_dim3A_279 = vector.broadcast %broadcast_in_dim3A_278 : i32 to vector<16xi32>
        %gather3A_280 = tpu.vector_load_idx %arg17[%add3A_179, %broadcast_in_dim3A_279] : memref<640x32xf32, #tpu.memory_space<vmem>>[vector<16xi32>, vector<16xi32>], vector<16xf32>,
        %mul3A_281 = arith.mulf %gather3A_280, %get3A_182 : vector<16xf32>
        tpu.vector_store_idx %arg17[%add3A_179, %broadcast_in_dim3A_279], %mul3A_281 : memref<640x32xf32, #tpu.memory_space<vmem>>[vector<16xi32>, vector<16xi32>], vector<16xf32>,
        %broadcast_in_dim3A_282 = arith.constant 25 : i32
        %broadcast_in_dim3A_283 = vector.broadcast %broadcast_in_dim3A_282 : i32 to vector<16xi32>
        %gather3A_284 = tpu.vector_load_idx %arg17[%add3A_179, %broadcast_in_dim3A_283] : memref<640x32xf32, #tpu.memory_space<vmem>>[vector<16xi32>, vector<16xi32>], vector<16xf32>,
        %mul3A_285 = arith.mulf %gather3A_284, %get3A_182 : vector<16xf32>
        tpu.vector_store_idx %arg17[%add3A_179, %broadcast_in_dim3A_283], %mul3A_285 : memref<640x32xf32, #tpu.memory_space<vmem>>[vector<16xi32>, vector<16xi32>], vector<16xf32>,
        %broadcast_in_dim3A_286 = arith.constant 26 : i32
        %broadcast_in_dim3A_287 = vector.broadcast %broadcast_in_dim3A_286 : i32 to vector<16xi32>
        %gather3A_288 = tpu.vector_load_idx %arg17[%add3A_179, %broadcast_in_dim3A_287] : memref<640x32xf32, #tpu.memory_space<vmem>>[vector<16xi32>, vector<16xi32>], vector<16xf32>,
        %mul3A_289 = arith.mulf %gather3A_288, %get3A_182 : vector<16xf32>
        tpu.vector_store_idx %arg17[%add3A_179, %broadcast_in_dim3A_287], %mul3A_289 : memref<640x32xf32, #tpu.memory_space<vmem>>[vector<16xi32>, vector<16xi32>], vector<16xf32>,
        %broadcast_in_dim3A_290 = arith.constant 27 : i32
        %broadcast_in_dim3A_291 = vector.broadcast %broadcast_in_dim3A_290 : i32 to vector<16xi32>
        %gather3A_292 = tpu.vector_load_idx %arg17[%add3A_179, %broadcast_in_dim3A_291] : memref<640x32xf32, #tpu.memory_space<vmem>>[vector<16xi32>, vector<16xi32>], vector<16xf32>,
        %mul3A_293 = arith.mulf %gather3A_292, %get3A_182 : vector<16xf32>
        tpu.vector_store_idx %arg17[%add3A_179, %broadcast_in_dim3A_291], %mul3A_293 : memref<640x32xf32, #tpu.memory_space<vmem>>[vector<16xi32>, vector<16xi32>], vector<16xf32>,
        %broadcast_in_dim3A_294 = arith.constant 28 : i32
        %broadcast_in_dim3A_295 = vector.broadcast %broadcast_in_dim3A_294 : i32 to vector<16xi32>
        %gather3A_296 = tpu.vector_load_idx %arg17[%add3A_179, %broadcast_in_dim3A_295] : memref<640x32xf32, #tpu.memory_space<vmem>>[vector<16xi32>, vector<16xi32>], vector<16xf32>,
        %mul3A_297 = arith.mulf %gather3A_296, %get3A_182 : vector<16xf32>
        tpu.vector_store_idx %arg17[%add3A_179, %broadcast_in_dim3A_295], %mul3A_297 : memref<640x32xf32, #tpu.memory_space<vmem>>[vector<16xi32>, vector<16xi32>], vector<16xf32>,
        %broadcast_in_dim3A_298 = arith.constant 29 : i32
        %broadcast_in_dim3A_299 = vector.broadcast %broadcast_in_dim3A_298 : i32 to vector<16xi32>
        %gather3A_300 = tpu.vector_load_idx %arg17[%add3A_179, %broadcast_in_dim3A_299] : memref<640x32xf32, #tpu.memory_space<vmem>>[vector<16xi32>, vector<16xi32>], vector<16xf32>,
        %mul3A_301 = arith.mulf %gather3A_300, %get3A_182 : vector<16xf32>
        tpu.vector_store_idx %arg17[%add3A_179, %broadcast_in_dim3A_299], %mul3A_301 : memref<640x32xf32, #tpu.memory_space<vmem>>[vector<16xi32>, vector<16xi32>], vector<16xf32>,
        %broadcast_in_dim3A_302 = arith.constant 30 : i32
        %broadcast_in_dim3A_303 = vector.broadcast %broadcast_in_dim3A_302 : i32 to vector<16xi32>
        %gather3A_304 = tpu.vector_load_idx %arg17[%add3A_179, %broadcast_in_dim3A_303] : memref<640x32xf32, #tpu.memory_space<vmem>>[vector<16xi32>, vector<16xi32>], vector<16xf32>,
        %mul3A_305 = arith.mulf %gather3A_304, %get3A_182 : vector<16xf32>
        tpu.vector_store_idx %arg17[%add3A_179, %broadcast_in_dim3A_303], %mul3A_305 : memref<640x32xf32, #tpu.memory_space<vmem>>[vector<16xi32>, vector<16xi32>], vector<16xf32>,
        %broadcast_in_dim3A_306 = arith.constant 31 : i32
        %broadcast_in_dim3A_307 = vector.broadcast %broadcast_in_dim3A_306 : i32 to vector<16xi32>
        %gather3A_308 = tpu.vector_load_idx %arg17[%add3A_179, %broadcast_in_dim3A_307] : memref<640x32xf32, #tpu.memory_space<vmem>>[vector<16xi32>, vector<16xi32>], vector<16xf32>,
        %mul3A_309 = arith.mulf %gather3A_308, %get3A_182 : vector<16xf32>
        tpu.vector_store_idx %arg17[%add3A_179, %broadcast_in_dim3A_307], %mul3A_309 : memref<640x32xf32, #tpu.memory_space<vmem>>[vector<16xi32>, vector<16xi32>], vector<16xf32>,
        %scan3A_310 = arith.constant 0 : i32
        scf.yield %scan3A_310 : i32
      }
      %scan3A_162 = arith.constant 40 : i32
      %dma_start3A_163 = arith.constant 0 : i32
      %dma_start3A_164 = tpu.memref_slice %arg10[%dma_start3A_163] : memref<50000xf32, #tpu.memory_space<vmem_shared>> -> memref<50000xf32, #tpu.memory_space<vmem_shared>>
      tpu.enqueue_indirect_dma source(%arg16 : memref<640xf32, #tpu.memory_space<vmem>>) target(%dma_start3A_164 : memref<50000xf32, #tpu.memory_space<vmem_shared>>) offsets(%arg12 : memref<640xi32, #tpu.memory_space<vmem>>) semaphore(%arg18 : memref<!tpu.dma_semaphore, #tpu.memory_space<semaphore_mem>>) {add = true}
      %dma_start3A_165 = arith.constant 0 : i32
      %dma_start3A_166 = arith.constant 0 : i32
      %dma_start3A_167 = tpu.memref_slice %arg9[%dma_start3A_165, %dma_start3A_166] : memref<50000x32xf32, #tpu.memory_space<vmem_shared>> -> memref<50000x32xf32, #tpu.memory_space<vmem_shared>>
      tpu.enqueue_indirect_dma source(%arg17 : memref<640x32xf32, #tpu.memory_space<vmem>>) target(%dma_start3A_167 : memref<50000x32xf32, #tpu.memory_space<vmem_shared>>) offsets(%arg12 : memref<640xi32, #tpu.memory_space<vmem>>) semaphore(%arg19 : memref<!tpu.dma_semaphore, #tpu.memory_space<semaphore_mem>>) {add = true}
      %dma_wait3A_168 = arith.constant 0 : i32
      %dma_wait3A_169 = tpu.memref_slice %arg10[%dma_wait3A_168] : memref<50000xf32, #tpu.memory_space<vmem_shared>> -> memref<50000xf32, #tpu.memory_space<vmem_shared>>
      tpu.wait_indirect_dma semaphore(%arg18 : memref<!tpu.dma_semaphore, #tpu.memory_space<semaphore_mem>>) src(%arg16 : memref<640xf32, #tpu.memory_space<vmem>>) dst(%dma_wait3A_169 : memref<50000xf32, #tpu.memory_space<vmem_shared>>)
      %dma_wait3A_170 = arith.constant 0 : i32
      %dma_wait3A_171 = arith.constant 0 : i32
      %dma_wait3A_172 = tpu.memref_slice %arg9[%dma_wait3A_170, %dma_wait3A_171] : memref<50000x32xf32, #tpu.memory_space<vmem_shared>> -> memref<50000x32xf32, #tpu.memory_space<vmem_shared>>
      tpu.wait_indirect_dma semaphore(%arg19 : memref<!tpu.dma_semaphore, #tpu.memory_space<semaphore_mem>>) src(%arg17 : memref<640x32xf32, #tpu.memory_space<vmem>>) dst(%dma_wait3A_172 : memref<50000x32xf32, #tpu.memory_space<vmem_shared>>)
      %while3A_173 = arith.constant 0 : i32
      scf.yield %while3A_173 : i32
    }
    %barrier3A_88 = arith.constant 0 : index
    tpu.barrier barrier_id(%barrier3A_88)
    %while3A_89 = arith.constant 0 : i32
    %while3A_90 = arith.constant 0 : i32
    %while3A_91 = arith.subi %add3A_34, %while3A_89 : i32
    %while3A_92 = arith.addi %while3A_89, %while3A_91 : i32
    %while3A_93 = arith.constant 1 : i32
    %while3A_94 = arith.divsi %while3A_91, %while3A_93 : i32
    %while3A_95 = arith.muli %while3A_94, %while3A_93 : i32
    %while3A_96 = arith.addi %while3A_89, %while3A_95 : i32
    %while3A_97 = arith.constant 1 : i32
    %while3A_98 = scf.for %while3A_106 = %while3A_89 to %while3A_96 step %while3A_97 iter_args(%while3A_107 = %while3A_90) -> (i32)  : i32 {
      %mul3A_108 = arith.constant 16 : i32
      %mul3A_109 = arith.muli %while3A_106, %mul3A_108 : i32
      %add3A_110 = arith.addi %arg1, %mul3A_109 : i32
      %mul3A_111 = arith.constant 640 : i32
      %mul3A_112 = arith.muli %add3A_110, %mul3A_111 : i32
      "tpu.region"() ({
        %run_scoped3A = tpu.sem_alloc : memref<!tpu.dma_semaphore, #tpu.memory_space<semaphore_mem>>
        %dma_start3A = arith.constant 0 : i32
        %dma_start3A_114 = tpu.memref_slice %arg7[%arg0, %mul3A_112, %dma_start3A] : memref<2x50000x32xf32, #tpu.memory_space<hbm>> -> memref<1x640x32xf32, #tpu.memory_space<hbm>>
        %dma_start3A_115 = tpu.memref_squeeze %dma_start3A_114 : memref<1x640x32xf32, #tpu.memory_space<hbm>> -> memref<640x32xf32, #tpu.memory_space<hbm>>
        %dma_start3A_116 = arith.constant 0 : i32
        %dma_start3A_117 = tpu.memref_slice %arg9[%mul3A_112, %dma_start3A_116] : memref<50000x32xf32, #tpu.memory_space<vmem_shared>> -> memref<640x32xf32, #tpu.memory_space<vmem_shared>>
        tpu.enqueue_dma source(%dma_start3A_117 : memref<640x32xf32, #tpu.memory_space<vmem_shared>>) target(%dma_start3A_115 : memref<640x32xf32, #tpu.memory_space<hbm>>) target_semaphore(%run_scoped3A : memref<!tpu.dma_semaphore, #tpu.memory_space<semaphore_mem>>)
        %dma_wait3A = arith.constant 0 : i32
        %dma_wait3A_118 = tpu.memref_slice %arg7[%arg0, %mul3A_112, %dma_wait3A] : memref<2x50000x32xf32, #tpu.memory_space<hbm>> -> memref<1x640x32xf32, #tpu.memory_space<hbm>>
        %dma_wait3A_119 = tpu.memref_squeeze %dma_wait3A_118 : memref<1x640x32xf32, #tpu.memory_space<hbm>> -> memref<640x32xf32, #tpu.memory_space<hbm>>
        %dma_wait3A_120 = arith.constant 0 : i32
        %dma_wait3A_121 = tpu.memref_slice %arg9[%mul3A_112, %dma_wait3A_120] : memref<50000x32xf32, #tpu.memory_space<vmem_shared>> -> memref<640x32xf32, #tpu.memory_space<vmem_shared>>
        tpu.wait_dma2 semaphore(%run_scoped3A : memref<!tpu.dma_semaphore, #tpu.memory_space<semaphore_mem>>) src(%dma_wait3A_121 : memref<640x32xf32, #tpu.memory_space<vmem_shared>>) dst(%dma_wait3A_119 : memref<640x32xf32, #tpu.memory_space<hbm>>)
        tpu.yield
      }) : () -> ()
      "tpu.region"() ({
        %run_scoped3A = tpu.sem_alloc : memref<!tpu.dma_semaphore, #tpu.memory_space<semaphore_mem>>
        %dma_start3A = tpu.memref_slice %arg8[%arg0, %mul3A_112] : memref<2x50000xf32, #tpu.memory_space<hbm>> -> memref<1x640xf32, #tpu.memory_space<hbm>>
        %dma_start3A_114 = tpu.memref_squeeze %dma_start3A : memref<1x640xf32, #tpu.memory_space<hbm>> -> memref<640xf32, #tpu.memory_space<hbm>>
        %dma_start3A_115 = tpu.memref_slice %arg10[%mul3A_112] : memref<50000xf32, #tpu.memory_space<vmem_shared>> -> memref<640xf32, #tpu.memory_space<vmem_shared>>
        tpu.enqueue_dma source(%dma_start3A_115 : memref<640xf32, #tpu.memory_space<vmem_shared>>) target(%dma_start3A_114 : memref<640xf32, #tpu.memory_space<hbm>>) target_semaphore(%run_scoped3A : memref<!tpu.dma_semaphore, #tpu.memory_space<semaphore_mem>>)
        %dma_wait3A = tpu.memref_slice %arg8[%arg0, %mul3A_112] : memref<2x50000xf32, #tpu.memory_space<hbm>> -> memref<1x640xf32, #tpu.memory_space<hbm>>
        %dma_wait3A_116 = tpu.memref_squeeze %dma_wait3A : memref<1x640xf32, #tpu.memory_space<hbm>> -> memref<640xf32, #tpu.memory_space<hbm>>
        %dma_wait3A_117 = tpu.memref_slice %arg10[%mul3A_112] : memref<50000xf32, #tpu.memory_space<vmem_shared>> -> memref<640xf32, #tpu.memory_space<vmem_shared>>
        tpu.wait_dma2 semaphore(%run_scoped3A : memref<!tpu.dma_semaphore, #tpu.memory_space<semaphore_mem>>) src(%dma_wait3A_117 : memref<640xf32, #tpu.memory_space<vmem_shared>>) dst(%dma_wait3A_116 : memref<640xf32, #tpu.memory_space<hbm>>)
        tpu.yield
      }) : () -> ()
      %while3A_113 = arith.constant 0 : i32
      scf.yield %while3A_113 : i32
    }
    %while3A_99 = arith.constant 1 : i32
    %while3A_100 = scf.for %while3A_106 = %while3A_96 to %while3A_92 step %while3A_99 iter_args(%while3A_107 = %while3A_98) -> (i32)  : i32 {
      %mul3A_108 = arith.constant 16 : i32
      %mul3A_109 = arith.muli %while3A_106, %mul3A_108 : i32
      %add3A_110 = arith.addi %arg1, %mul3A_109 : i32
      %mul3A_111 = arith.constant 640 : i32
      %mul3A_112 = arith.muli %add3A_110, %mul3A_111 : i32
      "tpu.region"() ({
        %run_scoped3A = tpu.sem_alloc : memref<!tpu.dma_semaphore, #tpu.memory_space<semaphore_mem>>
        %dma_start3A = arith.constant 0 : i32
        %dma_start3A_114 = tpu.memref_slice %arg7[%arg0, %mul3A_112, %dma_start3A] : memref<2x50000x32xf32, #tpu.memory_space<hbm>> -> memref<1x640x32xf32, #tpu.memory_space<hbm>>
        %dma_start3A_115 = tpu.memref_squeeze %dma_start3A_114 : memref<1x640x32xf32, #tpu.memory_space<hbm>> -> memref<640x32xf32, #tpu.memory_space<hbm>>
        %dma_start3A_116 = arith.constant 0 : i32
        %dma_start3A_117 = tpu.memref_slice %arg9[%mul3A_112, %dma_start3A_116] : memref<50000x32xf32, #tpu.memory_space<vmem_shared>> -> memref<640x32xf32, #tpu.memory_space<vmem_shared>>
        tpu.enqueue_dma source(%dma_start3A_117 : memref<640x32xf32, #tpu.memory_space<vmem_shared>>) target(%dma_start3A_115 : memref<640x32xf32, #tpu.memory_space<hbm>>) target_semaphore(%run_scoped3A : memref<!tpu.dma_semaphore, #tpu.memory_space<semaphore_mem>>)
        %dma_wait3A = arith.constant 0 : i32
        %dma_wait3A_118 = tpu.memref_slice %arg7[%arg0, %mul3A_112, %dma_wait3A] : memref<2x50000x32xf32, #tpu.memory_space<hbm>> -> memref<1x640x32xf32, #tpu.memory_space<hbm>>
        %dma_wait3A_119 = tpu.memref_squeeze %dma_wait3A_118 : memref<1x640x32xf32, #tpu.memory_space<hbm>> -> memref<640x32xf32, #tpu.memory_space<hbm>>
        %dma_wait3A_120 = arith.constant 0 : i32
        %dma_wait3A_121 = tpu.memref_slice %arg9[%mul3A_112, %dma_wait3A_120] : memref<50000x32xf32, #tpu.memory_space<vmem_shared>> -> memref<640x32xf32, #tpu.memory_space<vmem_shared>>
        tpu.wait_dma2 semaphore(%run_scoped3A : memref<!tpu.dma_semaphore, #tpu.memory_space<semaphore_mem>>) src(%dma_wait3A_121 : memref<640x32xf32, #tpu.memory_space<vmem_shared>>) dst(%dma_wait3A_119 : memref<640x32xf32, #tpu.memory_space<hbm>>)
        tpu.yield
      }) : () -> ()
      "tpu.region"() ({
        %run_scoped3A = tpu.sem_alloc : memref<!tpu.dma_semaphore, #tpu.memory_space<semaphore_mem>>
        %dma_start3A = tpu.memref_slice %arg8[%arg0, %mul3A_112] : memref<2x50000xf32, #tpu.memory_space<hbm>> -> memref<1x640xf32, #tpu.memory_space<hbm>>
        %dma_start3A_114 = tpu.memref_squeeze %dma_start3A : memref<1x640xf32, #tpu.memory_space<hbm>> -> memref<640xf32, #tpu.memory_space<hbm>>
        %dma_start3A_115 = tpu.memref_slice %arg10[%mul3A_112] : memref<50000xf32, #tpu.memory_space<vmem_shared>> -> memref<640xf32, #tpu.memory_space<vmem_shared>>
        tpu.enqueue_dma source(%dma_start3A_115 : memref<640xf32, #tpu.memory_space<vmem_shared>>) target(%dma_start3A_114 : memref<640xf32, #tpu.memory_space<hbm>>) target_semaphore(%run_scoped3A : memref<!tpu.dma_semaphore, #tpu.memory_space<semaphore_mem>>)
        %dma_wait3A = tpu.memref_slice %arg8[%arg0, %mul3A_112] : memref<2x50000xf32, #tpu.memory_space<hbm>> -> memref<1x640xf32, #tpu.memory_space<hbm>>
        %dma_wait3A_116 = tpu.memref_squeeze %dma_wait3A : memref<1x640xf32, #tpu.memory_space<hbm>> -> memref<640xf32, #tpu.memory_space<hbm>>
        %dma_wait3A_117 = tpu.memref_slice %arg10[%mul3A_112] : memref<50000xf32, #tpu.memory_space<vmem_shared>> -> memref<640xf32, #tpu.memory_space<vmem_shared>>
        tpu.wait_dma2 semaphore(%run_scoped3A : memref<!tpu.dma_semaphore, #tpu.memory_space<semaphore_mem>>) src(%dma_wait3A_117 : memref<640xf32, #tpu.memory_space<vmem_shared>>) dst(%dma_wait3A_116 : memref<640xf32, #tpu.memory_space<hbm>>)
        tpu.yield
      }) : () -> ()
      %while3A_113 = arith.constant 0 : i32
      scf.yield %while3A_113 : i32
    }
    %eq3A_101 = arith.constant 1 : i32
    %eq3A_102 = arith.cmpi eq, %arg1, %eq3A_101 : i32
    %convert_element_type3A_103 = arith.extui %eq3A_102 : i1 to i32
    %cond3A_104 = arith.constant 0 : i32
    %cond3A_105 = arith.cmpi ne, %convert_element_type3A_103, %cond3A_104 : i32
    scf.if %cond3A_105 {
      "tpu.region"() ({
        %run_scoped3A = tpu.sem_alloc : memref<!tpu.dma_semaphore, #tpu.memory_space<semaphore_mem>>
        %dma_start3A = arith.constant 49920 : i32
        %dma_start3A_106 = arith.constant 0 : i32
        %dma_start3A_107 = tpu.memref_slice %arg7[%arg0, %dma_start3A, %dma_start3A_106] : memref<2x50000x32xf32, #tpu.memory_space<hbm>> -> memref<1x80x32xf32, #tpu.memory_space<hbm>>
        %dma_start3A_108 = tpu.memref_squeeze %dma_start3A_107 : memref<1x80x32xf32, #tpu.memory_space<hbm>> -> memref<80x32xf32, #tpu.memory_space<hbm>>
        %dma_start3A_109 = arith.constant 49920 : i32
        %dma_start3A_110 = arith.constant 0 : i32
        %dma_start3A_111 = tpu.memref_slice %arg9[%dma_start3A_109, %dma_start3A_110] : memref<50000x32xf32, #tpu.memory_space<vmem_shared>> -> memref<80x32xf32, #tpu.memory_space<vmem_shared>>
        tpu.enqueue_dma source(%dma_start3A_111 : memref<80x32xf32, #tpu.memory_space<vmem_shared>>) target(%dma_start3A_108 : memref<80x32xf32, #tpu.memory_space<hbm>>) target_semaphore(%run_scoped3A : memref<!tpu.dma_semaphore, #tpu.memory_space<semaphore_mem>>)
        %dma_wait3A = arith.constant 49920 : i32
        %dma_wait3A_112 = arith.constant 0 : i32
        %dma_wait3A_113 = tpu.memref_slice %arg7[%arg0, %dma_wait3A, %dma_wait3A_112] : memref<2x50000x32xf32, #tpu.memory_space<hbm>> -> memref<1x80x32xf32, #tpu.memory_space<hbm>>
        %dma_wait3A_114 = tpu.memref_squeeze %dma_wait3A_113 : memref<1x80x32xf32, #tpu.memory_space<hbm>> -> memref<80x32xf32, #tpu.memory_space<hbm>>
        %dma_wait3A_115 = arith.constant 49920 : i32
        %dma_wait3A_116 = arith.constant 0 : i32
        %dma_wait3A_117 = tpu.memref_slice %arg9[%dma_wait3A_115, %dma_wait3A_116] : memref<50000x32xf32, #tpu.memory_space<vmem_shared>> -> memref<80x32xf32, #tpu.memory_space<vmem_shared>>
        tpu.wait_dma2 semaphore(%run_scoped3A : memref<!tpu.dma_semaphore, #tpu.memory_space<semaphore_mem>>) src(%dma_wait3A_117 : memref<80x32xf32, #tpu.memory_space<vmem_shared>>) dst(%dma_wait3A_114 : memref<80x32xf32, #tpu.memory_space<hbm>>)
        tpu.yield
      }) : () -> ()
      "tpu.region"() ({
        %run_scoped3A = tpu.sem_alloc : memref<!tpu.dma_semaphore, #tpu.memory_space<semaphore_mem>>
        %dma_start3A = arith.constant 49920 : i32
        %dma_start3A_106 = tpu.memref_slice %arg8[%arg0, %dma_start3A] : memref<2x50000xf32, #tpu.memory_space<hbm>> -> memref<1x80xf32, #tpu.memory_space<hbm>>
        %dma_start3A_107 = tpu.memref_squeeze %dma_start3A_106 : memref<1x80xf32, #tpu.memory_space<hbm>> -> memref<80xf32, #tpu.memory_space<hbm>>
        %dma_start3A_108 = arith.constant 49920 : i32
        %dma_start3A_109 = tpu.memref_slice %arg10[%dma_start3A_108] : memref<50000xf32, #tpu.memory_space<vmem_shared>> -> memref<80xf32, #tpu.memory_space<vmem_shared>>
        tpu.enqueue_dma source(%dma_start3A_109 : memref<80xf32, #tpu.memory_space<vmem_shared>>) target(%dma_start3A_107 : memref<80xf32, #tpu.memory_space<hbm>>) target_semaphore(%run_scoped3A : memref<!tpu.dma_semaphore, #tpu.memory_space<semaphore_mem>>)
        %dma_wait3A = arith.constant 49920 : i32
        %dma_wait3A_110 = tpu.memref_slice %arg8[%arg0, %dma_wait3A] : memref<2x50000xf32, #tpu.memory_space<hbm>> -> memref<1x80xf32, #tpu.memory_space<hbm>>
        %dma_wait3A_111 = tpu.memref_squeeze %dma_wait3A_110 : memref<1x80xf32, #tpu.memory_space<hbm>> -> memref<80xf32, #tpu.memory_space<hbm>>
        %dma_wait3A_112 = arith.constant 49920 : i32
        %dma_wait3A_113 = tpu.memref_slice %arg10[%dma_wait3A_112] : memref<50000xf32, #tpu.memory_space<vmem_shared>> -> memref<80xf32, #tpu.memory_space<vmem_shared>>
        tpu.wait_dma2 semaphore(%run_scoped3A : memref<!tpu.dma_semaphore, #tpu.memory_space<semaphore_mem>>) src(%dma_wait3A_113 : memref<80xf32, #tpu.memory_space<vmem_shared>>) dst(%dma_wait3A_111 : memref<80xf32, #tpu.memory_space<hbm>>)
        tpu.yield
      }) : () -> ()
    } else {
    }
    return
  }
}

#map = affine_map<(d0, d1) -> (0, 0)>
#map1 = affine_map<(d0, d1) -> (0)>
#map2 = affine_map<(d0, d1) -> (0, 0, 0)>
module attributes {stable_mosaic.version = 14 : i64} {
  func.func @_sc_edges(%arg0: i32, %arg1: i32, %arg2: memref<2x1600000xi32, #tpu.memory_space<hbm>>, %arg3: memref<1600000xf32, #tpu.memory_space<hbm>>, %arg4: memref<50000xf32, #tpu.memory_space<hbm>>, %arg5: memref<50000xf32, #tpu.memory_space<hbm>>, %arg6: memref<50000x32xf32, #tpu.memory_space<hbm>>, %arg7: memref<2x50000x32xf32, #tpu.memory_space<hbm>>, %arg8: memref<2x50000xf32, #tpu.memory_space<hbm>>, %arg9: memref<50000x32xf32, #tpu.memory_space<vmem_shared>>, %arg10: memref<50000xf32, #tpu.memory_space<vmem_shared>>, %arg11: memref<640xi32, #tpu.memory_space<vmem>>, %arg12: memref<640xi32, #tpu.memory_space<vmem>>, %arg13: memref<640xf32, #tpu.memory_space<vmem>>, %arg14: memref<640xf32, #tpu.memory_space<vmem>>, %arg15: memref<640xf32, #tpu.memory_space<vmem>>, %arg16: memref<640xf32, #tpu.memory_space<vmem>>, %arg17: memref<640x32xf32, #tpu.memory_space<vmem>>, %arg18: memref<!tpu.dma_semaphore, #tpu.memory_space<semaphore_mem>>, %arg19: memref<!tpu.dma_semaphore, #tpu.memory_space<semaphore_mem>>) attributes {dimension_semantics = [#tpu.dimension_semantics<core_parallel>, #tpu.dimension_semantics<subcore_parallel>], iteration_bounds = array<i64: 2, 16>, scalar_prefetch = 0 : i64, scratch_operands = 11 : i64, tpu.core_type = #tpu.core_type<sc_vector_subcore>, window_params = [{transform_indices = #map}, {transform_indices = #map1}, {transform_indices = #map1}, {transform_indices = #map1}, {transform_indices = #map}, {transform_indices = #map2}, {transform_indices = #map}]} {
    %mul3A = arith.constant 2 : i32
    %mul3A_0 = arith.muli %arg1, %mul3A : i32
    %add3A = arith.addi %mul3A_0, %arg0 : i32
    %broadcast_in_dim3A = arith.constant 0.000000e+00 : f32
    %broadcast_in_dim3A_1 = vector.broadcast %broadcast_in_dim3A : f32 to vector<16xf32>
    %scan3A = arith.constant 0 : i32
    %scan3A_2 = arith.constant 0 : i32
    %scan3A_3 = arith.constant 640 : i32
    %scan3A_4 = arith.addi %scan3A_2, %scan3A_3 : i32
    %scan3A_5 = arith.constant 1 : i32
    %scan3A_6 = scf.for %scan3A_106 = %scan3A_2 to %scan3A_4 step %scan3A_5 iter_args(%scan3A_107 = %scan3A) -> (i32)  : i32 {
      %swap3A = arith.index_cast %scan3A_106 : i32 to index
      %swap3A_108 = arith.constant 0 : index
      %swap3A_109 = tpu.vector_load %arg17[%swap3A, %swap3A_108] {strides = array<i32>} : memref<640x32xf32, #tpu.memory_space<vmem>>, vector<16xf32>,
      tpu.vector_store %arg17[%swap3A, %swap3A_108], %broadcast_in_dim3A_1 {strides = array<i32>} : memref<640x32xf32, #tpu.memory_space<vmem>>, vector<16xf32>,
      %swap3A_110 = arith.index_cast %scan3A_106 : i32 to index
      %swap3A_111 = arith.constant 16 : index
      %swap3A_112 = tpu.vector_load %arg17[%swap3A_110, %swap3A_111] {strides = array<i32>} : memref<640x32xf32, #tpu.memory_space<vmem>>, vector<16xf32>,
      tpu.vector_store %arg17[%swap3A_110, %swap3A_111], %broadcast_in_dim3A_1 {strides = array<i32>} : memref<640x32xf32, #tpu.memory_space<vmem>>, vector<16xf32>,
      %scan3A_113 = arith.constant 0 : i32
      scf.yield %scan3A_113 : i32
    }
    %scan3A_7 = arith.constant 640 : i32
    %scan3A_8 = arith.constant 0 : i32
    %scan3A_9 = arith.constant 0 : i32
    %scan3A_10 = arith.constant 40 : i32
    %scan3A_11 = arith.addi %scan3A_9, %scan3A_10 : i32
    %scan3A_12 = arith.constant 1 : i32
    %scan3A_13 = scf.for %scan3A_106 = %scan3A_9 to %scan3A_11 step %scan3A_12 iter_args(%scan3A_107 = %scan3A_8) -> (i32)  : i32 {
      %mul3A_108 = arith.constant 16 : i32
      %mul3A_109 = arith.muli %scan3A_106, %mul3A_108 : i32
      %swap3A = arith.index_cast %mul3A_109 : i32 to index
      %swap3A_110 = tpu.vector_load %arg16[%swap3A] {strides = array<i32>} : memref<640xf32, #tpu.memory_space<vmem>>, vector<16xf32>,
      tpu.vector_store %arg16[%swap3A], %broadcast_in_dim3A_1 {strides = array<i32>} : memref<640xf32, #tpu.memory_space<vmem>>, vector<16xf32>,
      %scan3A_111 = arith.constant 0 : i32
      scf.yield %scan3A_111 : i32
    }
    %scan3A_14 = arith.constant 40 : i32
    %sub3A = arith.constant 77 : i32
    %sub3A_15 = arith.subi %sub3A, %arg1 : i32
    %jit3A = arith.constant 16 : i32
    %div3A = arith.divsi %sub3A_15, %jit3A : i32
    %sign3A = arith.constant 0 : i32
    %sign3A_16 = arith.cmpi sgt, %sub3A_15, %sign3A : i32
    %sign3A_17 = arith.extui %sign3A_16 : i1 to i32
    %sign3A_18 = arith.constant 0 : i32
    %sign3A_19 = arith.cmpi slt, %sub3A_15, %sign3A_18 : i32
    %sign3A_20 = arith.extui %sign3A_19 : i1 to i32
    %sign3A_21 = arith.subi %sign3A_17, %sign3A_20 : i32
    %sign3A_22 = arith.constant 0 : i32
    %sign3A_23 = arith.cmpi sgt, %jit3A, %sign3A_22 : i32
    %sign3A_24 = arith.extui %sign3A_23 : i1 to i32
    %sign3A_25 = arith.constant 0 : i32
    %sign3A_26 = arith.cmpi slt, %jit3A, %sign3A_25 : i32
    %sign3A_27 = arith.extui %sign3A_26 : i1 to i32
    %sign3A_28 = arith.subi %sign3A_24, %sign3A_27 : i32
    %ne3A = arith.cmpi ne, %sign3A_21, %sign3A_28 : i32
    %rem3A = arith.remsi %sub3A_15, %jit3A : i32
    %ne3A_29 = arith.constant 0 : i32
    %ne3A_30 = arith.cmpi ne, %rem3A, %ne3A_29 : i32
    %and3A = arith.andi %ne3A, %ne3A_30 : i1
    %sub3A_31 = arith.constant 1 : i32
    %sub3A_32 = arith.subi %div3A, %sub3A_31 : i32
    %select_n3A = arith.select %and3A, %sub3A_32, %div3A : i32
    %add3A_33 = arith.constant 1 : i32
    %add3A_34 = arith.addi %select_n3A, %add3A_33 : i32
    %while3A = arith.constant 0 : i32
    %while3A_35 = arith.constant 0 : i32
    %while3A_36 = arith.subi %add3A_34, %while3A : i32
    %while3A_37 = arith.addi %while3A, %while3A_36 : i32
    %while3A_38 = arith.constant 1 : i32
    %while3A_39 = arith.divsi %while3A_36, %while3A_38 : i32
    %while3A_40 = arith.muli %while3A_39, %while3A_38 : i32
    %while3A_41 = arith.addi %while3A, %while3A_40 : i32
    %while3A_42 = arith.constant 1 : i32
    %while3A_43 = scf.for %while3A_106 = %while3A to %while3A_41 step %while3A_42 iter_args(%while3A_107 = %while3A_35) -> (i32)  : i32 {
      %mul3A_108 = arith.constant 16 : i32
      %mul3A_109 = arith.muli %while3A_106, %mul3A_108 : i32
      %add3A_110 = arith.addi %arg1, %mul3A_109 : i32
      %mul3A_111 = arith.constant 640 : i32
      %mul3A_112 = arith.muli %add3A_110, %mul3A_111 : i32
      "tpu.region"() ({
        %run_scoped3A = tpu.sem_alloc : memref<!tpu.dma_semaphore, #tpu.memory_space<semaphore_mem>>
        %dma_start3A = arith.constant 0 : i32
        %dma_start3A_114 = tpu.memref_slice %arg9[%mul3A_112, %dma_start3A] : memref<50000x32xf32, #tpu.memory_space<vmem_shared>> -> memref<640x32xf32, #tpu.memory_space<vmem_shared>>
        %dma_start3A_115 = arith.constant 0 : i32
        %dma_start3A_116 = tpu.memref_slice %arg9[%mul3A_112, %dma_start3A_115] : memref<50000x32xf32, #tpu.memory_space<vmem_shared>> -> memref<640x32xf32, #tpu.memory_space<vmem_shared>>
        tpu.enqueue_dma source(%arg17 : memref<640x32xf32, #tpu.memory_space<vmem>>) target(%dma_start3A_116 : memref<640x32xf32, #tpu.memory_space<vmem_shared>>) target_semaphore(%run_scoped3A : memref<!tpu.dma_semaphore, #tpu.memory_space<semaphore_mem>>)
        %dma_wait3A = arith.constant 0 : i32
        %dma_wait3A_117 = tpu.memref_slice %arg9[%mul3A_112, %dma_wait3A] : memref<50000x32xf32, #tpu.memory_space<vmem_shared>> -> memref<640x32xf32, #tpu.memory_space<vmem_shared>>
        %dma_wait3A_118 = arith.constant 0 : i32
        %dma_wait3A_119 = tpu.memref_slice %arg9[%mul3A_112, %dma_wait3A_118] : memref<50000x32xf32, #tpu.memory_space<vmem_shared>> -> memref<640x32xf32, #tpu.memory_space<vmem_shared>>
        tpu.wait_dma2 semaphore(%run_scoped3A : memref<!tpu.dma_semaphore, #tpu.memory_space<semaphore_mem>>) src(%arg17 : memref<640x32xf32, #tpu.memory_space<vmem>>) dst(%dma_wait3A_119 : memref<640x32xf32, #tpu.memory_space<vmem_shared>>)
        tpu.yield
      }) : () -> ()
      "tpu.region"() ({
        %run_scoped3A = tpu.sem_alloc : memref<!tpu.dma_semaphore, #tpu.memory_space<semaphore_mem>>
        %dma_start3A = tpu.memref_slice %arg10[%mul3A_112] : memref<50000xf32, #tpu.memory_space<vmem_shared>> -> memref<640xf32, #tpu.memory_space<vmem_shared>>
        %dma_start3A_114 = tpu.memref_slice %arg10[%mul3A_112] : memref<50000xf32, #tpu.memory_space<vmem_shared>> -> memref<640xf32, #tpu.memory_space<vmem_shared>>
        tpu.enqueue_dma source(%arg16 : memref<640xf32, #tpu.memory_space<vmem>>) target(%dma_start3A_114 : memref<640xf32, #tpu.memory_space<vmem_shared>>) target_semaphore(%run_scoped3A : memref<!tpu.dma_semaphore, #tpu.memory_space<semaphore_mem>>)
        %dma_wait3A = tpu.memref_slice %arg10[%mul3A_112] : memref<50000xf32, #tpu.memory_space<vmem_shared>> -> memref<640xf32, #tpu.memory_space<vmem_shared>>
        %dma_wait3A_115 = tpu.memref_slice %arg10[%mul3A_112] : memref<50000xf32, #tpu.memory_space<vmem_shared>> -> memref<640xf32, #tpu.memory_space<vmem_shared>>
        tpu.wait_dma2 semaphore(%run_scoped3A : memref<!tpu.dma_semaphore, #tpu.memory_space<semaphore_mem>>) src(%arg16 : memref<640xf32, #tpu.memory_space<vmem>>) dst(%dma_wait3A_115 : memref<640xf32, #tpu.memory_space<vmem_shared>>)
        tpu.yield
      }) : () -> ()
      %while3A_113 = arith.constant 0 : i32
      scf.yield %while3A_113 : i32
    }
    %while3A_44 = arith.constant 1 : i32
    %while3A_45 = scf.for %while3A_106 = %while3A_41 to %while3A_37 step %while3A_44 iter_args(%while3A_107 = %while3A_43) -> (i32)  : i32 {
      %mul3A_108 = arith.constant 16 : i32
      %mul3A_109 = arith.muli %while3A_106, %mul3A_108 : i32
      %add3A_110 = arith.addi %arg1, %mul3A_109 : i32
      %mul3A_111 = arith.constant 640 : i32
      %mul3A_112 = arith.muli %add3A_110, %mul3A_111 : i32
      "tpu.region"() ({
        %run_scoped3A = tpu.sem_alloc : memref<!tpu.dma_semaphore, #tpu.memory_space<semaphore_mem>>
        %dma_start3A = arith.constant 0 : i32
        %dma_start3A_114 = tpu.memref_slice %arg9[%mul3A_112, %dma_start3A] : memref<50000x32xf32, #tpu.memory_space<vmem_shared>> -> memref<640x32xf32, #tpu.memory_space<vmem_shared>>
        %dma_start3A_115 = arith.constant 0 : i32
        %dma_start3A_116 = tpu.memref_slice %arg9[%mul3A_112, %dma_start3A_115] : memref<50000x32xf32, #tpu.memory_space<vmem_shared>> -> memref<640x32xf32, #tpu.memory_space<vmem_shared>>
        tpu.enqueue_dma source(%arg17 : memref<640x32xf32, #tpu.memory_space<vmem>>) target(%dma_start3A_116 : memref<640x32xf32, #tpu.memory_space<vmem_shared>>) target_semaphore(%run_scoped3A : memref<!tpu.dma_semaphore, #tpu.memory_space<semaphore_mem>>)
        %dma_wait3A = arith.constant 0 : i32
        %dma_wait3A_117 = tpu.memref_slice %arg9[%mul3A_112, %dma_wait3A] : memref<50000x32xf32, #tpu.memory_space<vmem_shared>> -> memref<640x32xf32, #tpu.memory_space<vmem_shared>>
        %dma_wait3A_118 = arith.constant 0 : i32
        %dma_wait3A_119 = tpu.memref_slice %arg9[%mul3A_112, %dma_wait3A_118] : memref<50000x32xf32, #tpu.memory_space<vmem_shared>> -> memref<640x32xf32, #tpu.memory_space<vmem_shared>>
        tpu.wait_dma2 semaphore(%run_scoped3A : memref<!tpu.dma_semaphore, #tpu.memory_space<semaphore_mem>>) src(%arg17 : memref<640x32xf32, #tpu.memory_space<vmem>>) dst(%dma_wait3A_119 : memref<640x32xf32, #tpu.memory_space<vmem_shared>>)
        tpu.yield
      }) : () -> ()
      "tpu.region"() ({
        %run_scoped3A = tpu.sem_alloc : memref<!tpu.dma_semaphore, #tpu.memory_space<semaphore_mem>>
        %dma_start3A = tpu.memref_slice %arg10[%mul3A_112] : memref<50000xf32, #tpu.memory_space<vmem_shared>> -> memref<640xf32, #tpu.memory_space<vmem_shared>>
        %dma_start3A_114 = tpu.memref_slice %arg10[%mul3A_112] : memref<50000xf32, #tpu.memory_space<vmem_shared>> -> memref<640xf32, #tpu.memory_space<vmem_shared>>
        tpu.enqueue_dma source(%arg16 : memref<640xf32, #tpu.memory_space<vmem>>) target(%dma_start3A_114 : memref<640xf32, #tpu.memory_space<vmem_shared>>) target_semaphore(%run_scoped3A : memref<!tpu.dma_semaphore, #tpu.memory_space<semaphore_mem>>)
        %dma_wait3A = tpu.memref_slice %arg10[%mul3A_112] : memref<50000xf32, #tpu.memory_space<vmem_shared>> -> memref<640xf32, #tpu.memory_space<vmem_shared>>
        %dma_wait3A_115 = tpu.memref_slice %arg10[%mul3A_112] : memref<50000xf32, #tpu.memory_space<vmem_shared>> -> memref<640xf32, #tpu.memory_space<vmem_shared>>
        tpu.wait_dma2 semaphore(%run_scoped3A : memref<!tpu.dma_semaphore, #tpu.memory_space<semaphore_mem>>) src(%arg16 : memref<640xf32, #tpu.memory_space<vmem>>) dst(%dma_wait3A_115 : memref<640xf32, #tpu.memory_space<vmem_shared>>)
        tpu.yield
      }) : () -> ()
      %while3A_113 = arith.constant 0 : i32
      scf.yield %while3A_113 : i32
    }
    %eq3A = arith.constant 1 : i32
    %eq3A_46 = arith.cmpi eq, %arg1, %eq3A : i32
    %convert_element_type3A = arith.extui %eq3A_46 : i1 to i32
    %cond3A = arith.constant 0 : i32
    %cond3A_47 = arith.cmpi ne, %convert_element_type3A, %cond3A : i32
    scf.if %cond3A_47 {
      "tpu.region"() ({
        %run_scoped3A = tpu.sem_alloc : memref<!tpu.dma_semaphore, #tpu.memory_space<semaphore_mem>>
        %dma_start3A = arith.constant 0 : i32
        %dma_start3A_106 = arith.constant 0 : i32
        %dma_start3A_107 = tpu.memref_slice %arg17[%dma_start3A, %dma_start3A_106] : memref<640x32xf32, #tpu.memory_space<vmem>> -> memref<80x32xf32, #tpu.memory_space<vmem>>
        %dma_start3A_108 = arith.constant 49920 : i32
        %dma_start3A_109 = arith.constant 0 : i32
        %dma_start3A_110 = tpu.memref_slice %arg9[%dma_start3A_108, %dma_start3A_109] : memref<50000x32xf32, #tpu.memory_space<vmem_shared>> -> memref<80x32xf32, #tpu.memory_space<vmem_shared>>
        %dma_start3A_111 = arith.constant 49920 : i32
        %dma_start3A_112 = arith.constant 0 : i32
        %dma_start3A_113 = tpu.memref_slice %arg9[%dma_start3A_111, %dma_start3A_112] : memref<50000x32xf32, #tpu.memory_space<vmem_shared>> -> memref<80x32xf32, #tpu.memory_space<vmem_shared>>
        %dma_start3A_114 = arith.constant 0 : i32
        %dma_start3A_115 = arith.constant 0 : i32
        %dma_start3A_116 = tpu.memref_slice %arg17[%dma_start3A_114, %dma_start3A_115] : memref<640x32xf32, #tpu.memory_space<vmem>> -> memref<80x32xf32, #tpu.memory_space<vmem>>
        tpu.enqueue_dma source(%dma_start3A_116 : memref<80x32xf32, #tpu.memory_space<vmem>>) target(%dma_start3A_113 : memref<80x32xf32, #tpu.memory_space<vmem_shared>>) target_semaphore(%run_scoped3A : memref<!tpu.dma_semaphore, #tpu.memory_space<semaphore_mem>>)
        %dma_wait3A = arith.constant 0 : i32
        %dma_wait3A_117 = arith.constant 0 : i32
        %dma_wait3A_118 = tpu.memref_slice %arg17[%dma_wait3A, %dma_wait3A_117] : memref<640x32xf32, #tpu.memory_space<vmem>> -> memref<80x32xf32, #tpu.memory_space<vmem>>
        %dma_wait3A_119 = arith.constant 49920 : i32
        %dma_wait3A_120 = arith.constant 0 : i32
        %dma_wait3A_121 = tpu.memref_slice %arg9[%dma_wait3A_119, %dma_wait3A_120] : memref<50000x32xf32, #tpu.memory_space<vmem_shared>> -> memref<80x32xf32, #tpu.memory_space<vmem_shared>>
        %dma_wait3A_122 = arith.constant 49920 : i32
        %dma_wait3A_123 = arith.constant 0 : i32
        %dma_wait3A_124 = tpu.memref_slice %arg9[%dma_wait3A_122, %dma_wait3A_123] : memref<50000x32xf32, #tpu.memory_space<vmem_shared>> -> memref<80x32xf32, #tpu.memory_space<vmem_shared>>
        %dma_wait3A_125 = arith.constant 0 : i32
        %dma_wait3A_126 = arith.constant 0 : i32
        %dma_wait3A_127 = tpu.memref_slice %arg17[%dma_wait3A_125, %dma_wait3A_126] : memref<640x32xf32, #tpu.memory_space<vmem>> -> memref<80x32xf32, #tpu.memory_space<vmem>>
        tpu.wait_dma2 semaphore(%run_scoped3A : memref<!tpu.dma_semaphore, #tpu.memory_space<semaphore_mem>>) src(%dma_wait3A_127 : memref<80x32xf32, #tpu.memory_space<vmem>>) dst(%dma_wait3A_124 : memref<80x32xf32, #tpu.memory_space<vmem_shared>>)
        tpu.yield
      }) : () -> ()
      "tpu.region"() ({
        %run_scoped3A = tpu.sem_alloc : memref<!tpu.dma_semaphore, #tpu.memory_space<semaphore_mem>>
        %dma_start3A = arith.constant 0 : i32
        %dma_start3A_106 = tpu.memref_slice %arg16[%dma_start3A] : memref<640xf32, #tpu.memory_space<vmem>> -> memref<80xf32, #tpu.memory_space<vmem>>
        %dma_start3A_107 = arith.constant 49920 : i32
        %dma_start3A_108 = tpu.memref_slice %arg10[%dma_start3A_107] : memref<50000xf32, #tpu.memory_space<vmem_shared>> -> memref<80xf32, #tpu.memory_space<vmem_shared>>
        %dma_start3A_109 = arith.constant 49920 : i32
        %dma_start3A_110 = tpu.memref_slice %arg10[%dma_start3A_109] : memref<50000xf32, #tpu.memory_space<vmem_shared>> -> memref<80xf32, #tpu.memory_space<vmem_shared>>
        %dma_start3A_111 = arith.constant 0 : i32
        %dma_start3A_112 = tpu.memref_slice %arg16[%dma_start3A_111] : memref<640xf32, #tpu.memory_space<vmem>> -> memref<80xf32, #tpu.memory_space<vmem>>
        tpu.enqueue_dma source(%dma_start3A_112 : memref<80xf32, #tpu.memory_space<vmem>>) target(%dma_start3A_110 : memref<80xf32, #tpu.memory_space<vmem_shared>>) target_semaphore(%run_scoped3A : memref<!tpu.dma_semaphore, #tpu.memory_space<semaphore_mem>>)
        %dma_wait3A = arith.constant 0 : i32
        %dma_wait3A_113 = tpu.memref_slice %arg16[%dma_wait3A] : memref<640xf32, #tpu.memory_space<vmem>> -> memref<80xf32, #tpu.memory_space<vmem>>
        %dma_wait3A_114 = arith.constant 49920 : i32
        %dma_wait3A_115 = tpu.memref_slice %arg10[%dma_wait3A_114] : memref<50000xf32, #tpu.memory_space<vmem_shared>> -> memref<80xf32, #tpu.memory_space<vmem_shared>>
        %dma_wait3A_116 = arith.constant 49920 : i32
        %dma_wait3A_117 = tpu.memref_slice %arg10[%dma_wait3A_116] : memref<50000xf32, #tpu.memory_space<vmem_shared>> -> memref<80xf32, #tpu.memory_space<vmem_shared>>
        %dma_wait3A_118 = arith.constant 0 : i32
        %dma_wait3A_119 = tpu.memref_slice %arg16[%dma_wait3A_118] : memref<640xf32, #tpu.memory_space<vmem>> -> memref<80xf32, #tpu.memory_space<vmem>>
        tpu.wait_dma2 semaphore(%run_scoped3A : memref<!tpu.dma_semaphore, #tpu.memory_space<semaphore_mem>>) src(%dma_wait3A_119 : memref<80xf32, #tpu.memory_space<vmem>>) dst(%dma_wait3A_117 : memref<80xf32, #tpu.memory_space<vmem_shared>>)
        tpu.yield
      }) : () -> ()
    } else {
    }
    %barrier3A = arith.constant 0 : index
    tpu.barrier barrier_id(%barrier3A)
    %sub3A_48 = arith.constant 2499 : i32
    %sub3A_49 = arith.subi %sub3A_48, %add3A : i32
    %jit3A_50 = arith.constant 32 : i32
    %div3A_51 = arith.divsi %sub3A_49, %jit3A_50 : i32
    %sign3A_52 = arith.constant 0 : i32
    %sign3A_53 = arith.cmpi sgt, %sub3A_49, %sign3A_52 : i32
    %sign3A_54 = arith.extui %sign3A_53 : i1 to i32
    %sign3A_55 = arith.constant 0 : i32
    %sign3A_56 = arith.cmpi slt, %sub3A_49, %sign3A_55 : i32
    %sign3A_57 = arith.extui %sign3A_56 : i1 to i32
    %sign3A_58 = arith.subi %sign3A_54, %sign3A_57 : i32
    %sign3A_59 = arith.constant 0 : i32
    %sign3A_60 = arith.cmpi sgt, %jit3A_50, %sign3A_59 : i32
    %sign3A_61 = arith.extui %sign3A_60 : i1 to i32
    %sign3A_62 = arith.constant 0 : i32
    %sign3A_63 = arith.cmpi slt, %jit3A_50, %sign3A_62 : i32
    %sign3A_64 = arith.extui %sign3A_63 : i1 to i32
    %sign3A_65 = arith.subi %sign3A_61, %sign3A_64 : i32
    %ne3A_66 = arith.cmpi ne, %sign3A_58, %sign3A_65 : i32
    %rem3A_67 = arith.remsi %sub3A_49, %jit3A_50 : i32
    %ne3A_68 = arith.constant 0 : i32
    %ne3A_69 = arith.cmpi ne, %rem3A_67, %ne3A_68 : i32
    %and3A_70 = arith.andi %ne3A_66, %ne3A_69 : i1
    %sub3A_71 = arith.constant 1 : i32
    %sub3A_72 = arith.subi %div3A_51, %sub3A_71 : i32
    %select_n3A_73 = arith.select %and3A_70, %sub3A_72, %div3A_51 : i32
    %add3A_74 = arith.constant 1 : i32
    %add3A_75 = arith.addi %select_n3A_73, %add3A_74 : i32
    %while3A_76 = arith.constant 0 : i32
    %while3A_77 = arith.constant 0 : i32
    %while3A_78 = arith.subi %add3A_75, %while3A_76 : i32
    %while3A_79 = arith.addi %while3A_76, %while3A_78 : i32
    %while3A_80 = arith.constant 1 : i32
    %while3A_81 = arith.divsi %while3A_78, %while3A_80 : i32
    %while3A_82 = arith.muli %while3A_81, %while3A_80 : i32
    %while3A_83 = arith.addi %while3A_76, %while3A_82 : i32
    %while3A_84 = arith.constant 1 : i32
    %while3A_85 = scf.for %while3A_106 = %while3A_76 to %while3A_83 step %while3A_84 iter_args(%while3A_107 = %while3A_77) -> (i32)  : i32 {
      %mul3A_108 = arith.constant 32 : i32
      %mul3A_109 = arith.muli %while3A_106, %mul3A_108 : i32
      %add3A_110 = arith.addi %add3A, %mul3A_109 : i32
      %mul3A_111 = arith.constant 640 : i32
      %mul3A_112 = arith.muli %add3A_110, %mul3A_111 : i32
      %dma_start3A = arith.constant 0 : i32
      %dma_start3A_113 = tpu.memref_slice %arg2[%dma_start3A, %mul3A_112] : memref<2x1600000xi32, #tpu.memory_space<hbm>> -> memref<1x640xi32, #tpu.memory_space<hbm>>
      %dma_start3A_114 = tpu.memref_squeeze %dma_start3A_113 : memref<1x640xi32, #tpu.memory_space<hbm>> -> memref<640xi32, #tpu.memory_space<hbm>>
      %dma_start3A_115 = tpu.memref_slice %arg2[%dma_start3A, %mul3A_112] : memref<2x1600000xi32, #tpu.memory_space<hbm>> -> memref<1x640xi32, #tpu.memory_space<hbm>>
      %dma_start3A_116 = tpu.memref_squeeze %dma_start3A_115 : memref<1x640xi32, #tpu.memory_space<hbm>> -> memref<640xi32, #tpu.memory_space<hbm>>
      tpu.enqueue_dma source(%dma_start3A_116 : memref<640xi32, #tpu.memory_space<hbm>>) target(%arg11 : memref<640xi32, #tpu.memory_space<vmem>>) target_semaphore(%arg18 : memref<!tpu.dma_semaphore, #tpu.memory_space<semaphore_mem>>)
      %dma_start3A_117 = arith.constant 1 : i32
      %dma_start3A_118 = tpu.memref_slice %arg2[%dma_start3A_117, %mul3A_112] : memref<2x1600000xi32, #tpu.memory_space<hbm>> -> memref<1x640xi32, #tpu.memory_space<hbm>>
      %dma_start3A_119 = tpu.memref_squeeze %dma_start3A_118 : memref<1x640xi32, #tpu.memory_space<hbm>> -> memref<640xi32, #tpu.memory_space<hbm>>
      %dma_start3A_120 = tpu.memref_slice %arg2[%dma_start3A_117, %mul3A_112] : memref<2x1600000xi32, #tpu.memory_space<hbm>> -> memref<1x640xi32, #tpu.memory_space<hbm>>
      %dma_start3A_121 = tpu.memref_squeeze %dma_start3A_120 : memref<1x640xi32, #tpu.memory_space<hbm>> -> memref<640xi32, #tpu.memory_space<hbm>>
      tpu.enqueue_dma source(%dma_start3A_121 : memref<640xi32, #tpu.memory_space<hbm>>) target(%arg12 : memref<640xi32, #tpu.memory_space<vmem>>) target_semaphore(%arg18 : memref<!tpu.dma_semaphore, #tpu.memory_space<semaphore_mem>>)
      %dma_start3A_122 = tpu.memref_slice %arg3[%mul3A_112] : memref<1600000xf32, #tpu.memory_space<hbm>> -> memref<640xf32, #tpu.memory_space<hbm>>
      %dma_start3A_123 = tpu.memref_slice %arg3[%mul3A_112] : memref<1600000xf32, #tpu.memory_space<hbm>> -> memref<640xf32, #tpu.memory_space<hbm>>
      tpu.enqueue_dma source(%dma_start3A_123 : memref<640xf32, #tpu.memory_space<hbm>>) target(%arg13 : memref<640xf32, #tpu.memory_space<vmem>>) target_semaphore(%arg18 : memref<!tpu.dma_semaphore, #tpu.memory_space<semaphore_mem>>)
      %dma_wait3A = arith.constant 0 : i32
      %dma_wait3A_124 = tpu.memref_slice %arg2[%dma_wait3A, %mul3A_112] : memref<2x1600000xi32, #tpu.memory_space<hbm>> -> memref<1x640xi32, #tpu.memory_space<hbm>>
      %dma_wait3A_125 = tpu.memref_squeeze %dma_wait3A_124 : memref<1x640xi32, #tpu.memory_space<hbm>> -> memref<640xi32, #tpu.memory_space<hbm>>
      %dma_wait3A_126 = tpu.memref_slice %arg2[%dma_wait3A, %mul3A_112] : memref<2x1600000xi32, #tpu.memory_space<hbm>> -> memref<1x640xi32, #tpu.memory_space<hbm>>
      %dma_wait3A_127 = tpu.memref_squeeze %dma_wait3A_126 : memref<1x640xi32, #tpu.memory_space<hbm>> -> memref<640xi32, #tpu.memory_space<hbm>>
      tpu.wait_dma2 semaphore(%arg18 : memref<!tpu.dma_semaphore, #tpu.memory_space<semaphore_mem>>) src(%dma_wait3A_127 : memref<640xi32, #tpu.memory_space<hbm>>) dst(%arg11 : memref<640xi32, #tpu.memory_space<vmem>>)
      %dma_wait3A_128 = arith.constant 1 : i32
      %dma_wait3A_129 = tpu.memref_slice %arg2[%dma_wait3A_128, %mul3A_112] : memref<2x1600000xi32, #tpu.memory_space<hbm>> -> memref<1x640xi32, #tpu.memory_space<hbm>>
      %dma_wait3A_130 = tpu.memref_squeeze %dma_wait3A_129 : memref<1x640xi32, #tpu.memory_space<hbm>> -> memref<640xi32, #tpu.memory_space<hbm>>
      %dma_wait3A_131 = tpu.memref_slice %arg2[%dma_wait3A_128, %mul3A_112] : memref<2x1600000xi32, #tpu.memory_space<hbm>> -> memref<1x640xi32, #tpu.memory_space<hbm>>
      %dma_wait3A_132 = tpu.memref_squeeze %dma_wait3A_131 : memref<1x640xi32, #tpu.memory_space<hbm>> -> memref<640xi32, #tpu.memory_space<hbm>>
      tpu.wait_dma2 semaphore(%arg18 : memref<!tpu.dma_semaphore, #tpu.memory_space<semaphore_mem>>) src(%dma_wait3A_132 : memref<640xi32, #tpu.memory_space<hbm>>) dst(%arg12 : memref<640xi32, #tpu.memory_space<vmem>>)
      %dma_wait3A_133 = tpu.memref_slice %arg3[%mul3A_112] : memref<1600000xf32, #tpu.memory_space<hbm>> -> memref<640xf32, #tpu.memory_space<hbm>>
      %dma_wait3A_134 = tpu.memref_slice %arg3[%mul3A_112] : memref<1600000xf32, #tpu.memory_space<hbm>> -> memref<640xf32, #tpu.memory_space<hbm>>
      tpu.wait_dma2 semaphore(%arg18 : memref<!tpu.dma_semaphore, #tpu.memory_space<semaphore_mem>>) src(%dma_wait3A_134 : memref<640xf32, #tpu.memory_space<hbm>>) dst(%arg13 : memref<640xf32, #tpu.memory_space<vmem>>)
      %dma_start3A_135 = arith.constant 0 : i32
      %dma_start3A_136 = arith.constant 0 : i32
      %dma_start3A_137 = tpu.memref_slice %arg6[%dma_start3A_135, %dma_start3A_136] : memref<50000x32xf32, #tpu.memory_space<hbm>> -> memref<50000x32xf32, #tpu.memory_space<hbm>>
      tpu.enqueue_indirect_dma source(%dma_start3A_137 : memref<50000x32xf32, #tpu.memory_space<hbm>>) target(%arg17 : memref<640x32xf32, #tpu.memory_space<vmem>>) offsets(%arg11 : memref<640xi32, #tpu.memory_space<vmem>>) semaphore(%arg19 : memref<!tpu.dma_semaphore, #tpu.memory_space<semaphore_mem>>)
      %dma_start3A_138 = arith.constant 0 : i32
      %dma_start3A_139 = tpu.memref_slice %arg4[%dma_start3A_138] : memref<50000xf32, #tpu.memory_space<hbm>> -> memref<50000xf32, #tpu.memory_space<hbm>>
      tpu.enqueue_indirect_dma source(%dma_start3A_139 : memref<50000xf32, #tpu.memory_space<hbm>>) target(%arg14 : memref<640xf32, #tpu.memory_space<vmem>>) offsets(%arg11 : memref<640xi32, #tpu.memory_space<vmem>>) semaphore(%arg18 : memref<!tpu.dma_semaphore, #tpu.memory_space<semaphore_mem>>)
      %dma_start3A_140 = arith.constant 0 : i32
      %dma_start3A_141 = tpu.memref_slice %arg5[%dma_start3A_140] : memref<50000xf32, #tpu.memory_space<hbm>> -> memref<50000xf32, #tpu.memory_space<hbm>>
      tpu.enqueue_indirect_dma source(%dma_start3A_141 : memref<50000xf32, #tpu.memory_space<hbm>>) target(%arg15 : memref<640xf32, #tpu.memory_space<vmem>>) offsets(%arg12 : memref<640xi32, #tpu.memory_space<vmem>>) semaphore(%arg18 : memref<!tpu.dma_semaphore, #tpu.memory_space<semaphore_mem>>)
      %dma_wait3A_142 = arith.constant 0 : i32
      %dma_wait3A_143 = tpu.memref_slice %arg4[%dma_wait3A_142] : memref<50000xf32, #tpu.memory_space<hbm>> -> memref<50000xf32, #tpu.memory_space<hbm>>
      tpu.wait_indirect_dma semaphore(%arg18 : memref<!tpu.dma_semaphore, #tpu.memory_space<semaphore_mem>>) src(%dma_wait3A_143 : memref<50000xf32, #tpu.memory_space<hbm>>) dst(%arg14 : memref<640xf32, #tpu.memory_space<vmem>>)
      %dma_wait3A_144 = arith.constant 0 : i32
      %dma_wait3A_145 = tpu.memref_slice %arg5[%dma_wait3A_144] : memref<50000xf32, #tpu.memory_space<hbm>> -> memref<50000xf32, #tpu.memory_space<hbm>>
      tpu.wait_indirect_dma semaphore(%arg18 : memref<!tpu.dma_semaphore, #tpu.memory_space<semaphore_mem>>) src(%dma_wait3A_145 : memref<50000xf32, #tpu.memory_space<hbm>>) dst(%arg15 : memref<640xf32, #tpu.memory_space<vmem>>)
      %scan3A_146 = arith.constant 0 : i32
      %scan3A_147 = arith.constant 0 : i32
      %scan3A_148 = arith.constant 40 : i32
      %scan3A_149 = arith.addi %scan3A_147, %scan3A_148 : i32
      %scan3A_150 = arith.constant 1 : i32
      %scan3A_151 = scf.for %scan3A_174 = %scan3A_147 to %scan3A_149 step %scan3A_150 iter_args(%scan3A_175 = %scan3A_146) -> (i32)  : i32 {
        %mul3A_176 = arith.constant 16 : i32
        %mul3A_177 = arith.muli %scan3A_174, %mul3A_176 : i32
        %get3A = arith.index_cast %mul3A_177 : i32 to index
        %get3A_178 = tpu.vector_load %arg14[%get3A] {strides = array<i32>} : memref<640xf32, #tpu.memory_space<vmem>>, vector<16xf32>,
        %get3A_179 = arith.index_cast %mul3A_177 : i32 to index
        %get3A_180 = tpu.vector_load %arg15[%get3A_179] {strides = array<i32>} : memref<640xf32, #tpu.memory_space<vmem>>, vector<16xf32>,
        %add3A_181 = arith.addf %get3A_178, %get3A_180 : vector<16xf32>
        %get3A_182 = arith.index_cast %mul3A_177 : i32 to index
        %get3A_183 = tpu.vector_load %arg13[%get3A_182] {strides = array<i32>} : memref<640xf32, #tpu.memory_space<vmem>>, vector<16xf32>,
        %add3A_184 = arith.addf %add3A_181, %get3A_183 : vector<16xf32>
        %mul3A_185 = arith.constant 2.000000e-01 : f32
        %mul3A_186 = vector.broadcast %mul3A_185 : f32 to vector<16xf32>
        %mul3A_187 = arith.mulf %mul3A_186, %add3A_184 : vector<16xf32>
        %max3A = arith.maximumf %add3A_184, %mul3A_187 : vector<16xf32>
        %exp3A = math.exp %max3A : vector<16xf32>
        %swap3A = arith.index_cast %mul3A_177 : i32 to index
        %swap3A_188 = tpu.vector_load %arg16[%swap3A] {strides = array<i32>} : memref<640xf32, #tpu.memory_space<vmem>>, vector<16xf32>,
        tpu.vector_store %arg16[%swap3A], %exp3A {strides = array<i32>} : memref<640xf32, #tpu.memory_space<vmem>>, vector<16xf32>,
        %scan3A_189 = arith.constant 0 : i32
        scf.yield %scan3A_189 : i32
      }
      %scan3A_152 = arith.constant 40 : i32
      %dma_wait3A_153 = arith.constant 0 : i32
      %dma_wait3A_154 = arith.constant 0 : i32
      %dma_wait3A_155 = tpu.memref_slice %arg6[%dma_wait3A_153, %dma_wait3A_154] : memref<50000x32xf32, #tpu.memory_space<hbm>> -> memref<50000x32xf32, #tpu.memory_space<hbm>>
      tpu.wait_indirect_dma semaphore(%arg19 : memref<!tpu.dma_semaphore, #tpu.memory_space<semaphore_mem>>) src(%dma_wait3A_155 : memref<50000x32xf32, #tpu.memory_space<hbm>>) dst(%arg17 : memref<640x32xf32, #tpu.memory_space<vmem>>)
      %iota3A = tpu.iota {dimensions = array<i32: 0>} : vector<16xi32>
      %scan3A_156 = arith.constant 0 : i32
      %scan3A_157 = arith.constant 0 : i32
      %scan3A_158 = arith.constant 40 : i32
      %scan3A_159 = arith.addi %scan3A_157, %scan3A_158 : i32
      %scan3A_160 = arith.constant 1 : i32
      %scan3A_161 = scf.for %scan3A_174 = %scan3A_157 to %scan3A_159 step %scan3A_160 iter_args(%scan3A_175 = %scan3A_156) -> (i32)  : i32 {
        %mul3A_176 = arith.constant 16 : i32
        %mul3A_177 = arith.muli %scan3A_174, %mul3A_176 : i32
        %add3A_178 = vector.broadcast %mul3A_177 : i32 to vector<16xi32>
        %add3A_179 = arith.addi %iota3A, %add3A_178 : vector<16xi32>
        %mul3A_180 = arith.constant 16 : i32
        %mul3A_181 = arith.muli %scan3A_174, %mul3A_180 : i32
        %get3A = arith.index_cast %mul3A_181 : i32 to index
        %get3A_182 = tpu.vector_load %arg16[%get3A] {strides = array<i32>} : memref<640xf32, #tpu.memory_space<vmem>>, vector<16xf32>,
        %broadcast_in_dim3A_183 = arith.constant 0 : i32
        %broadcast_in_dim3A_184 = vector.broadcast %broadcast_in_dim3A_183 : i32 to vector<16xi32>
        %gather3A = tpu.vector_load_idx %arg17[%add3A_179, %broadcast_in_dim3A_184] : memref<640x32xf32, #tpu.memory_space<vmem>>[vector<16xi32>, vector<16xi32>], vector<16xf32>,
        %mul3A_185 = arith.mulf %gather3A, %get3A_182 : vector<16xf32>
        tpu.vector_store_idx %arg17[%add3A_179, %broadcast_in_dim3A_184], %mul3A_185 : memref<640x32xf32, #tpu.memory_space<vmem>>[vector<16xi32>, vector<16xi32>], vector<16xf32>,
        %broadcast_in_dim3A_186 = arith.constant 1 : i32
        %broadcast_in_dim3A_187 = vector.broadcast %broadcast_in_dim3A_186 : i32 to vector<16xi32>
        %gather3A_188 = tpu.vector_load_idx %arg17[%add3A_179, %broadcast_in_dim3A_187] : memref<640x32xf32, #tpu.memory_space<vmem>>[vector<16xi32>, vector<16xi32>], vector<16xf32>,
        %mul3A_189 = arith.mulf %gather3A_188, %get3A_182 : vector<16xf32>
        tpu.vector_store_idx %arg17[%add3A_179, %broadcast_in_dim3A_187], %mul3A_189 : memref<640x32xf32, #tpu.memory_space<vmem>>[vector<16xi32>, vector<16xi32>], vector<16xf32>,
        %broadcast_in_dim3A_190 = arith.constant 2 : i32
        %broadcast_in_dim3A_191 = vector.broadcast %broadcast_in_dim3A_190 : i32 to vector<16xi32>
        %gather3A_192 = tpu.vector_load_idx %arg17[%add3A_179, %broadcast_in_dim3A_191] : memref<640x32xf32, #tpu.memory_space<vmem>>[vector<16xi32>, vector<16xi32>], vector<16xf32>,
        %mul3A_193 = arith.mulf %gather3A_192, %get3A_182 : vector<16xf32>
        tpu.vector_store_idx %arg17[%add3A_179, %broadcast_in_dim3A_191], %mul3A_193 : memref<640x32xf32, #tpu.memory_space<vmem>>[vector<16xi32>, vector<16xi32>], vector<16xf32>,
        %broadcast_in_dim3A_194 = arith.constant 3 : i32
        %broadcast_in_dim3A_195 = vector.broadcast %broadcast_in_dim3A_194 : i32 to vector<16xi32>
        %gather3A_196 = tpu.vector_load_idx %arg17[%add3A_179, %broadcast_in_dim3A_195] : memref<640x32xf32, #tpu.memory_space<vmem>>[vector<16xi32>, vector<16xi32>], vector<16xf32>,
        %mul3A_197 = arith.mulf %gather3A_196, %get3A_182 : vector<16xf32>
        tpu.vector_store_idx %arg17[%add3A_179, %broadcast_in_dim3A_195], %mul3A_197 : memref<640x32xf32, #tpu.memory_space<vmem>>[vector<16xi32>, vector<16xi32>], vector<16xf32>,
        %broadcast_in_dim3A_198 = arith.constant 4 : i32
        %broadcast_in_dim3A_199 = vector.broadcast %broadcast_in_dim3A_198 : i32 to vector<16xi32>
        %gather3A_200 = tpu.vector_load_idx %arg17[%add3A_179, %broadcast_in_dim3A_199] : memref<640x32xf32, #tpu.memory_space<vmem>>[vector<16xi32>, vector<16xi32>], vector<16xf32>,
        %mul3A_201 = arith.mulf %gather3A_200, %get3A_182 : vector<16xf32>
        tpu.vector_store_idx %arg17[%add3A_179, %broadcast_in_dim3A_199], %mul3A_201 : memref<640x32xf32, #tpu.memory_space<vmem>>[vector<16xi32>, vector<16xi32>], vector<16xf32>,
        %broadcast_in_dim3A_202 = arith.constant 5 : i32
        %broadcast_in_dim3A_203 = vector.broadcast %broadcast_in_dim3A_202 : i32 to vector<16xi32>
        %gather3A_204 = tpu.vector_load_idx %arg17[%add3A_179, %broadcast_in_dim3A_203] : memref<640x32xf32, #tpu.memory_space<vmem>>[vector<16xi32>, vector<16xi32>], vector<16xf32>,
        %mul3A_205 = arith.mulf %gather3A_204, %get3A_182 : vector<16xf32>
        tpu.vector_store_idx %arg17[%add3A_179, %broadcast_in_dim3A_203], %mul3A_205 : memref<640x32xf32, #tpu.memory_space<vmem>>[vector<16xi32>, vector<16xi32>], vector<16xf32>,
        %broadcast_in_dim3A_206 = arith.constant 6 : i32
        %broadcast_in_dim3A_207 = vector.broadcast %broadcast_in_dim3A_206 : i32 to vector<16xi32>
        %gather3A_208 = tpu.vector_load_idx %arg17[%add3A_179, %broadcast_in_dim3A_207] : memref<640x32xf32, #tpu.memory_space<vmem>>[vector<16xi32>, vector<16xi32>], vector<16xf32>,
        %mul3A_209 = arith.mulf %gather3A_208, %get3A_182 : vector<16xf32>
        tpu.vector_store_idx %arg17[%add3A_179, %broadcast_in_dim3A_207], %mul3A_209 : memref<640x32xf32, #tpu.memory_space<vmem>>[vector<16xi32>, vector<16xi32>], vector<16xf32>,
        %broadcast_in_dim3A_210 = arith.constant 7 : i32
        %broadcast_in_dim3A_211 = vector.broadcast %broadcast_in_dim3A_210 : i32 to vector<16xi32>
        %gather3A_212 = tpu.vector_load_idx %arg17[%add3A_179, %broadcast_in_dim3A_211] : memref<640x32xf32, #tpu.memory_space<vmem>>[vector<16xi32>, vector<16xi32>], vector<16xf32>,
        %mul3A_213 = arith.mulf %gather3A_212, %get3A_182 : vector<16xf32>
        tpu.vector_store_idx %arg17[%add3A_179, %broadcast_in_dim3A_211], %mul3A_213 : memref<640x32xf32, #tpu.memory_space<vmem>>[vector<16xi32>, vector<16xi32>], vector<16xf32>,
        %broadcast_in_dim3A_214 = arith.constant 8 : i32
        %broadcast_in_dim3A_215 = vector.broadcast %broadcast_in_dim3A_214 : i32 to vector<16xi32>
        %gather3A_216 = tpu.vector_load_idx %arg17[%add3A_179, %broadcast_in_dim3A_215] : memref<640x32xf32, #tpu.memory_space<vmem>>[vector<16xi32>, vector<16xi32>], vector<16xf32>,
        %mul3A_217 = arith.mulf %gather3A_216, %get3A_182 : vector<16xf32>
        tpu.vector_store_idx %arg17[%add3A_179, %broadcast_in_dim3A_215], %mul3A_217 : memref<640x32xf32, #tpu.memory_space<vmem>>[vector<16xi32>, vector<16xi32>], vector<16xf32>,
        %broadcast_in_dim3A_218 = arith.constant 9 : i32
        %broadcast_in_dim3A_219 = vector.broadcast %broadcast_in_dim3A_218 : i32 to vector<16xi32>
        %gather3A_220 = tpu.vector_load_idx %arg17[%add3A_179, %broadcast_in_dim3A_219] : memref<640x32xf32, #tpu.memory_space<vmem>>[vector<16xi32>, vector<16xi32>], vector<16xf32>,
        %mul3A_221 = arith.mulf %gather3A_220, %get3A_182 : vector<16xf32>
        tpu.vector_store_idx %arg17[%add3A_179, %broadcast_in_dim3A_219], %mul3A_221 : memref<640x32xf32, #tpu.memory_space<vmem>>[vector<16xi32>, vector<16xi32>], vector<16xf32>,
        %broadcast_in_dim3A_222 = arith.constant 10 : i32
        %broadcast_in_dim3A_223 = vector.broadcast %broadcast_in_dim3A_222 : i32 to vector<16xi32>
        %gather3A_224 = tpu.vector_load_idx %arg17[%add3A_179, %broadcast_in_dim3A_223] : memref<640x32xf32, #tpu.memory_space<vmem>>[vector<16xi32>, vector<16xi32>], vector<16xf32>,
        %mul3A_225 = arith.mulf %gather3A_224, %get3A_182 : vector<16xf32>
        tpu.vector_store_idx %arg17[%add3A_179, %broadcast_in_dim3A_223], %mul3A_225 : memref<640x32xf32, #tpu.memory_space<vmem>>[vector<16xi32>, vector<16xi32>], vector<16xf32>,
        %broadcast_in_dim3A_226 = arith.constant 11 : i32
        %broadcast_in_dim3A_227 = vector.broadcast %broadcast_in_dim3A_226 : i32 to vector<16xi32>
        %gather3A_228 = tpu.vector_load_idx %arg17[%add3A_179, %broadcast_in_dim3A_227] : memref<640x32xf32, #tpu.memory_space<vmem>>[vector<16xi32>, vector<16xi32>], vector<16xf32>,
        %mul3A_229 = arith.mulf %gather3A_228, %get3A_182 : vector<16xf32>
        tpu.vector_store_idx %arg17[%add3A_179, %broadcast_in_dim3A_227], %mul3A_229 : memref<640x32xf32, #tpu.memory_space<vmem>>[vector<16xi32>, vector<16xi32>], vector<16xf32>,
        %broadcast_in_dim3A_230 = arith.constant 12 : i32
        %broadcast_in_dim3A_231 = vector.broadcast %broadcast_in_dim3A_230 : i32 to vector<16xi32>
        %gather3A_232 = tpu.vector_load_idx %arg17[%add3A_179, %broadcast_in_dim3A_231] : memref<640x32xf32, #tpu.memory_space<vmem>>[vector<16xi32>, vector<16xi32>], vector<16xf32>,
        %mul3A_233 = arith.mulf %gather3A_232, %get3A_182 : vector<16xf32>
        tpu.vector_store_idx %arg17[%add3A_179, %broadcast_in_dim3A_231], %mul3A_233 : memref<640x32xf32, #tpu.memory_space<vmem>>[vector<16xi32>, vector<16xi32>], vector<16xf32>,
        %broadcast_in_dim3A_234 = arith.constant 13 : i32
        %broadcast_in_dim3A_235 = vector.broadcast %broadcast_in_dim3A_234 : i32 to vector<16xi32>
        %gather3A_236 = tpu.vector_load_idx %arg17[%add3A_179, %broadcast_in_dim3A_235] : memref<640x32xf32, #tpu.memory_space<vmem>>[vector<16xi32>, vector<16xi32>], vector<16xf32>,
        %mul3A_237 = arith.mulf %gather3A_236, %get3A_182 : vector<16xf32>
        tpu.vector_store_idx %arg17[%add3A_179, %broadcast_in_dim3A_235], %mul3A_237 : memref<640x32xf32, #tpu.memory_space<vmem>>[vector<16xi32>, vector<16xi32>], vector<16xf32>,
        %broadcast_in_dim3A_238 = arith.constant 14 : i32
        %broadcast_in_dim3A_239 = vector.broadcast %broadcast_in_dim3A_238 : i32 to vector<16xi32>
        %gather3A_240 = tpu.vector_load_idx %arg17[%add3A_179, %broadcast_in_dim3A_239] : memref<640x32xf32, #tpu.memory_space<vmem>>[vector<16xi32>, vector<16xi32>], vector<16xf32>,
        %mul3A_241 = arith.mulf %gather3A_240, %get3A_182 : vector<16xf32>
        tpu.vector_store_idx %arg17[%add3A_179, %broadcast_in_dim3A_239], %mul3A_241 : memref<640x32xf32, #tpu.memory_space<vmem>>[vector<16xi32>, vector<16xi32>], vector<16xf32>,
        %broadcast_in_dim3A_242 = arith.constant 15 : i32
        %broadcast_in_dim3A_243 = vector.broadcast %broadcast_in_dim3A_242 : i32 to vector<16xi32>
        %gather3A_244 = tpu.vector_load_idx %arg17[%add3A_179, %broadcast_in_dim3A_243] : memref<640x32xf32, #tpu.memory_space<vmem>>[vector<16xi32>, vector<16xi32>], vector<16xf32>,
        %mul3A_245 = arith.mulf %gather3A_244, %get3A_182 : vector<16xf32>
        tpu.vector_store_idx %arg17[%add3A_179, %broadcast_in_dim3A_243], %mul3A_245 : memref<640x32xf32, #tpu.memory_space<vmem>>[vector<16xi32>, vector<16xi32>], vector<16xf32>,
        %broadcast_in_dim3A_246 = arith.constant 16 : i32
        %broadcast_in_dim3A_247 = vector.broadcast %broadcast_in_dim3A_246 : i32 to vector<16xi32>
        %gather3A_248 = tpu.vector_load_idx %arg17[%add3A_179, %broadcast_in_dim3A_247] : memref<640x32xf32, #tpu.memory_space<vmem>>[vector<16xi32>, vector<16xi32>], vector<16xf32>,
        %mul3A_249 = arith.mulf %gather3A_248, %get3A_182 : vector<16xf32>
        tpu.vector_store_idx %arg17[%add3A_179, %broadcast_in_dim3A_247], %mul3A_249 : memref<640x32xf32, #tpu.memory_space<vmem>>[vector<16xi32>, vector<16xi32>], vector<16xf32>,
        %broadcast_in_dim3A_250 = arith.constant 17 : i32
        %broadcast_in_dim3A_251 = vector.broadcast %broadcast_in_dim3A_250 : i32 to vector<16xi32>
        %gather3A_252 = tpu.vector_load_idx %arg17[%add3A_179, %broadcast_in_dim3A_251] : memref<640x32xf32, #tpu.memory_space<vmem>>[vector<16xi32>, vector<16xi32>], vector<16xf32>,
        %mul3A_253 = arith.mulf %gather3A_252, %get3A_182 : vector<16xf32>
        tpu.vector_store_idx %arg17[%add3A_179, %broadcast_in_dim3A_251], %mul3A_253 : memref<640x32xf32, #tpu.memory_space<vmem>>[vector<16xi32>, vector<16xi32>], vector<16xf32>,
        %broadcast_in_dim3A_254 = arith.constant 18 : i32
        %broadcast_in_dim3A_255 = vector.broadcast %broadcast_in_dim3A_254 : i32 to vector<16xi32>
        %gather3A_256 = tpu.vector_load_idx %arg17[%add3A_179, %broadcast_in_dim3A_255] : memref<640x32xf32, #tpu.memory_space<vmem>>[vector<16xi32>, vector<16xi32>], vector<16xf32>,
        %mul3A_257 = arith.mulf %gather3A_256, %get3A_182 : vector<16xf32>
        tpu.vector_store_idx %arg17[%add3A_179, %broadcast_in_dim3A_255], %mul3A_257 : memref<640x32xf32, #tpu.memory_space<vmem>>[vector<16xi32>, vector<16xi32>], vector<16xf32>,
        %broadcast_in_dim3A_258 = arith.constant 19 : i32
        %broadcast_in_dim3A_259 = vector.broadcast %broadcast_in_dim3A_258 : i32 to vector<16xi32>
        %gather3A_260 = tpu.vector_load_idx %arg17[%add3A_179, %broadcast_in_dim3A_259] : memref<640x32xf32, #tpu.memory_space<vmem>>[vector<16xi32>, vector<16xi32>], vector<16xf32>,
        %mul3A_261 = arith.mulf %gather3A_260, %get3A_182 : vector<16xf32>
        tpu.vector_store_idx %arg17[%add3A_179, %broadcast_in_dim3A_259], %mul3A_261 : memref<640x32xf32, #tpu.memory_space<vmem>>[vector<16xi32>, vector<16xi32>], vector<16xf32>,
        %broadcast_in_dim3A_262 = arith.constant 20 : i32
        %broadcast_in_dim3A_263 = vector.broadcast %broadcast_in_dim3A_262 : i32 to vector<16xi32>
        %gather3A_264 = tpu.vector_load_idx %arg17[%add3A_179, %broadcast_in_dim3A_263] : memref<640x32xf32, #tpu.memory_space<vmem>>[vector<16xi32>, vector<16xi32>], vector<16xf32>,
        %mul3A_265 = arith.mulf %gather3A_264, %get3A_182 : vector<16xf32>
        tpu.vector_store_idx %arg17[%add3A_179, %broadcast_in_dim3A_263], %mul3A_265 : memref<640x32xf32, #tpu.memory_space<vmem>>[vector<16xi32>, vector<16xi32>], vector<16xf32>,
        %broadcast_in_dim3A_266 = arith.constant 21 : i32
        %broadcast_in_dim3A_267 = vector.broadcast %broadcast_in_dim3A_266 : i32 to vector<16xi32>
        %gather3A_268 = tpu.vector_load_idx %arg17[%add3A_179, %broadcast_in_dim3A_267] : memref<640x32xf32, #tpu.memory_space<vmem>>[vector<16xi32>, vector<16xi32>], vector<16xf32>,
        %mul3A_269 = arith.mulf %gather3A_268, %get3A_182 : vector<16xf32>
        tpu.vector_store_idx %arg17[%add3A_179, %broadcast_in_dim3A_267], %mul3A_269 : memref<640x32xf32, #tpu.memory_space<vmem>>[vector<16xi32>, vector<16xi32>], vector<16xf32>,
        %broadcast_in_dim3A_270 = arith.constant 22 : i32
        %broadcast_in_dim3A_271 = vector.broadcast %broadcast_in_dim3A_270 : i32 to vector<16xi32>
        %gather3A_272 = tpu.vector_load_idx %arg17[%add3A_179, %broadcast_in_dim3A_271] : memref<640x32xf32, #tpu.memory_space<vmem>>[vector<16xi32>, vector<16xi32>], vector<16xf32>,
        %mul3A_273 = arith.mulf %gather3A_272, %get3A_182 : vector<16xf32>
        tpu.vector_store_idx %arg17[%add3A_179, %broadcast_in_dim3A_271], %mul3A_273 : memref<640x32xf32, #tpu.memory_space<vmem>>[vector<16xi32>, vector<16xi32>], vector<16xf32>,
        %broadcast_in_dim3A_274 = arith.constant 23 : i32
        %broadcast_in_dim3A_275 = vector.broadcast %broadcast_in_dim3A_274 : i32 to vector<16xi32>
        %gather3A_276 = tpu.vector_load_idx %arg17[%add3A_179, %broadcast_in_dim3A_275] : memref<640x32xf32, #tpu.memory_space<vmem>>[vector<16xi32>, vector<16xi32>], vector<16xf32>,
        %mul3A_277 = arith.mulf %gather3A_276, %get3A_182 : vector<16xf32>
        tpu.vector_store_idx %arg17[%add3A_179, %broadcast_in_dim3A_275], %mul3A_277 : memref<640x32xf32, #tpu.memory_space<vmem>>[vector<16xi32>, vector<16xi32>], vector<16xf32>,
        %broadcast_in_dim3A_278 = arith.constant 24 : i32
        %broadcast_in_dim3A_279 = vector.broadcast %broadcast_in_dim3A_278 : i32 to vector<16xi32>
        %gather3A_280 = tpu.vector_load_idx %arg17[%add3A_179, %broadcast_in_dim3A_279] : memref<640x32xf32, #tpu.memory_space<vmem>>[vector<16xi32>, vector<16xi32>], vector<16xf32>,
        %mul3A_281 = arith.mulf %gather3A_280, %get3A_182 : vector<16xf32>
        tpu.vector_store_idx %arg17[%add3A_179, %broadcast_in_dim3A_279], %mul3A_281 : memref<640x32xf32, #tpu.memory_space<vmem>>[vector<16xi32>, vector<16xi32>], vector<16xf32>,
        %broadcast_in_dim3A_282 = arith.constant 25 : i32
        %broadcast_in_dim3A_283 = vector.broadcast %broadcast_in_dim3A_282 : i32 to vector<16xi32>
        %gather3A_284 = tpu.vector_load_idx %arg17[%add3A_179, %broadcast_in_dim3A_283] : memref<640x32xf32, #tpu.memory_space<vmem>>[vector<16xi32>, vector<16xi32>], vector<16xf32>,
        %mul3A_285 = arith.mulf %gather3A_284, %get3A_182 : vector<16xf32>
        tpu.vector_store_idx %arg17[%add3A_179, %broadcast_in_dim3A_283], %mul3A_285 : memref<640x32xf32, #tpu.memory_space<vmem>>[vector<16xi32>, vector<16xi32>], vector<16xf32>,
        %broadcast_in_dim3A_286 = arith.constant 26 : i32
        %broadcast_in_dim3A_287 = vector.broadcast %broadcast_in_dim3A_286 : i32 to vector<16xi32>
        %gather3A_288 = tpu.vector_load_idx %arg17[%add3A_179, %broadcast_in_dim3A_287] : memref<640x32xf32, #tpu.memory_space<vmem>>[vector<16xi32>, vector<16xi32>], vector<16xf32>,
        %mul3A_289 = arith.mulf %gather3A_288, %get3A_182 : vector<16xf32>
        tpu.vector_store_idx %arg17[%add3A_179, %broadcast_in_dim3A_287], %mul3A_289 : memref<640x32xf32, #tpu.memory_space<vmem>>[vector<16xi32>, vector<16xi32>], vector<16xf32>,
        %broadcast_in_dim3A_290 = arith.constant 27 : i32
        %broadcast_in_dim3A_291 = vector.broadcast %broadcast_in_dim3A_290 : i32 to vector<16xi32>
        %gather3A_292 = tpu.vector_load_idx %arg17[%add3A_179, %broadcast_in_dim3A_291] : memref<640x32xf32, #tpu.memory_space<vmem>>[vector<16xi32>, vector<16xi32>], vector<16xf32>,
        %mul3A_293 = arith.mulf %gather3A_292, %get3A_182 : vector<16xf32>
        tpu.vector_store_idx %arg17[%add3A_179, %broadcast_in_dim3A_291], %mul3A_293 : memref<640x32xf32, #tpu.memory_space<vmem>>[vector<16xi32>, vector<16xi32>], vector<16xf32>,
        %broadcast_in_dim3A_294 = arith.constant 28 : i32
        %broadcast_in_dim3A_295 = vector.broadcast %broadcast_in_dim3A_294 : i32 to vector<16xi32>
        %gather3A_296 = tpu.vector_load_idx %arg17[%add3A_179, %broadcast_in_dim3A_295] : memref<640x32xf32, #tpu.memory_space<vmem>>[vector<16xi32>, vector<16xi32>], vector<16xf32>,
        %mul3A_297 = arith.mulf %gather3A_296, %get3A_182 : vector<16xf32>
        tpu.vector_store_idx %arg17[%add3A_179, %broadcast_in_dim3A_295], %mul3A_297 : memref<640x32xf32, #tpu.memory_space<vmem>>[vector<16xi32>, vector<16xi32>], vector<16xf32>,
        %broadcast_in_dim3A_298 = arith.constant 29 : i32
        %broadcast_in_dim3A_299 = vector.broadcast %broadcast_in_dim3A_298 : i32 to vector<16xi32>
        %gather3A_300 = tpu.vector_load_idx %arg17[%add3A_179, %broadcast_in_dim3A_299] : memref<640x32xf32, #tpu.memory_space<vmem>>[vector<16xi32>, vector<16xi32>], vector<16xf32>,
        %mul3A_301 = arith.mulf %gather3A_300, %get3A_182 : vector<16xf32>
        tpu.vector_store_idx %arg17[%add3A_179, %broadcast_in_dim3A_299], %mul3A_301 : memref<640x32xf32, #tpu.memory_space<vmem>>[vector<16xi32>, vector<16xi32>], vector<16xf32>,
        %broadcast_in_dim3A_302 = arith.constant 30 : i32
        %broadcast_in_dim3A_303 = vector.broadcast %broadcast_in_dim3A_302 : i32 to vector<16xi32>
        %gather3A_304 = tpu.vector_load_idx %arg17[%add3A_179, %broadcast_in_dim3A_303] : memref<640x32xf32, #tpu.memory_space<vmem>>[vector<16xi32>, vector<16xi32>], vector<16xf32>,
        %mul3A_305 = arith.mulf %gather3A_304, %get3A_182 : vector<16xf32>
        tpu.vector_store_idx %arg17[%add3A_179, %broadcast_in_dim3A_303], %mul3A_305 : memref<640x32xf32, #tpu.memory_space<vmem>>[vector<16xi32>, vector<16xi32>], vector<16xf32>,
        %broadcast_in_dim3A_306 = arith.constant 31 : i32
        %broadcast_in_dim3A_307 = vector.broadcast %broadcast_in_dim3A_306 : i32 to vector<16xi32>
        %gather3A_308 = tpu.vector_load_idx %arg17[%add3A_179, %broadcast_in_dim3A_307] : memref<640x32xf32, #tpu.memory_space<vmem>>[vector<16xi32>, vector<16xi32>], vector<16xf32>,
        %mul3A_309 = arith.mulf %gather3A_308, %get3A_182 : vector<16xf32>
        tpu.vector_store_idx %arg17[%add3A_179, %broadcast_in_dim3A_307], %mul3A_309 : memref<640x32xf32, #tpu.memory_space<vmem>>[vector<16xi32>, vector<16xi32>], vector<16xf32>,
        %scan3A_310 = arith.constant 0 : i32
        scf.yield %scan3A_310 : i32
      }
      %scan3A_162 = arith.constant 40 : i32
      %dma_start3A_163 = arith.constant 0 : i32
      %dma_start3A_164 = tpu.memref_slice %arg10[%dma_start3A_163] : memref<50000xf32, #tpu.memory_space<vmem_shared>> -> memref<50000xf32, #tpu.memory_space<vmem_shared>>
      tpu.enqueue_indirect_dma source(%arg16 : memref<640xf32, #tpu.memory_space<vmem>>) target(%dma_start3A_164 : memref<50000xf32, #tpu.memory_space<vmem_shared>>) offsets(%arg12 : memref<640xi32, #tpu.memory_space<vmem>>) semaphore(%arg18 : memref<!tpu.dma_semaphore, #tpu.memory_space<semaphore_mem>>) {add = true}
      %dma_start3A_165 = arith.constant 0 : i32
      %dma_start3A_166 = arith.constant 0 : i32
      %dma_start3A_167 = tpu.memref_slice %arg9[%dma_start3A_165, %dma_start3A_166] : memref<50000x32xf32, #tpu.memory_space<vmem_shared>> -> memref<50000x32xf32, #tpu.memory_space<vmem_shared>>
      tpu.enqueue_indirect_dma source(%arg17 : memref<640x32xf32, #tpu.memory_space<vmem>>) target(%dma_start3A_167 : memref<50000x32xf32, #tpu.memory_space<vmem_shared>>) offsets(%arg12 : memref<640xi32, #tpu.memory_space<vmem>>) semaphore(%arg19 : memref<!tpu.dma_semaphore, #tpu.memory_space<semaphore_mem>>) {add = true}
      %dma_wait3A_168 = arith.constant 0 : i32
      %dma_wait3A_169 = tpu.memref_slice %arg10[%dma_wait3A_168] : memref<50000xf32, #tpu.memory_space<vmem_shared>> -> memref<50000xf32, #tpu.memory_space<vmem_shared>>
      tpu.wait_indirect_dma semaphore(%arg18 : memref<!tpu.dma_semaphore, #tpu.memory_space<semaphore_mem>>) src(%arg16 : memref<640xf32, #tpu.memory_space<vmem>>) dst(%dma_wait3A_169 : memref<50000xf32, #tpu.memory_space<vmem_shared>>)
      %dma_wait3A_170 = arith.constant 0 : i32
      %dma_wait3A_171 = arith.constant 0 : i32
      %dma_wait3A_172 = tpu.memref_slice %arg9[%dma_wait3A_170, %dma_wait3A_171] : memref<50000x32xf32, #tpu.memory_space<vmem_shared>> -> memref<50000x32xf32, #tpu.memory_space<vmem_shared>>
      tpu.wait_indirect_dma semaphore(%arg19 : memref<!tpu.dma_semaphore, #tpu.memory_space<semaphore_mem>>) src(%arg17 : memref<640x32xf32, #tpu.memory_space<vmem>>) dst(%dma_wait3A_172 : memref<50000x32xf32, #tpu.memory_space<vmem_shared>>)
      %while3A_173 = arith.constant 0 : i32
      scf.yield %while3A_173 : i32
    }
    %while3A_86 = arith.constant 1 : i32
    %while3A_87 = scf.for %while3A_106 = %while3A_83 to %while3A_79 step %while3A_86 iter_args(%while3A_107 = %while3A_85) -> (i32)  : i32 {
      %mul3A_108 = arith.constant 32 : i32
      %mul3A_109 = arith.muli %while3A_106, %mul3A_108 : i32
      %add3A_110 = arith.addi %add3A, %mul3A_109 : i32
      %mul3A_111 = arith.constant 640 : i32
      %mul3A_112 = arith.muli %add3A_110, %mul3A_111 : i32
      %dma_start3A = arith.constant 0 : i32
      %dma_start3A_113 = tpu.memref_slice %arg2[%dma_start3A, %mul3A_112] : memref<2x1600000xi32, #tpu.memory_space<hbm>> -> memref<1x640xi32, #tpu.memory_space<hbm>>
      %dma_start3A_114 = tpu.memref_squeeze %dma_start3A_113 : memref<1x640xi32, #tpu.memory_space<hbm>> -> memref<640xi32, #tpu.memory_space<hbm>>
      %dma_start3A_115 = tpu.memref_slice %arg2[%dma_start3A, %mul3A_112] : memref<2x1600000xi32, #tpu.memory_space<hbm>> -> memref<1x640xi32, #tpu.memory_space<hbm>>
      %dma_start3A_116 = tpu.memref_squeeze %dma_start3A_115 : memref<1x640xi32, #tpu.memory_space<hbm>> -> memref<640xi32, #tpu.memory_space<hbm>>
      tpu.enqueue_dma source(%dma_start3A_116 : memref<640xi32, #tpu.memory_space<hbm>>) target(%arg11 : memref<640xi32, #tpu.memory_space<vmem>>) target_semaphore(%arg18 : memref<!tpu.dma_semaphore, #tpu.memory_space<semaphore_mem>>)
      %dma_start3A_117 = arith.constant 1 : i32
      %dma_start3A_118 = tpu.memref_slice %arg2[%dma_start3A_117, %mul3A_112] : memref<2x1600000xi32, #tpu.memory_space<hbm>> -> memref<1x640xi32, #tpu.memory_space<hbm>>
      %dma_start3A_119 = tpu.memref_squeeze %dma_start3A_118 : memref<1x640xi32, #tpu.memory_space<hbm>> -> memref<640xi32, #tpu.memory_space<hbm>>
      %dma_start3A_120 = tpu.memref_slice %arg2[%dma_start3A_117, %mul3A_112] : memref<2x1600000xi32, #tpu.memory_space<hbm>> -> memref<1x640xi32, #tpu.memory_space<hbm>>
      %dma_start3A_121 = tpu.memref_squeeze %dma_start3A_120 : memref<1x640xi32, #tpu.memory_space<hbm>> -> memref<640xi32, #tpu.memory_space<hbm>>
      tpu.enqueue_dma source(%dma_start3A_121 : memref<640xi32, #tpu.memory_space<hbm>>) target(%arg12 : memref<640xi32, #tpu.memory_space<vmem>>) target_semaphore(%arg18 : memref<!tpu.dma_semaphore, #tpu.memory_space<semaphore_mem>>)
      %dma_start3A_122 = tpu.memref_slice %arg3[%mul3A_112] : memref<1600000xf32, #tpu.memory_space<hbm>> -> memref<640xf32, #tpu.memory_space<hbm>>
      %dma_start3A_123 = tpu.memref_slice %arg3[%mul3A_112] : memref<1600000xf32, #tpu.memory_space<hbm>> -> memref<640xf32, #tpu.memory_space<hbm>>
      tpu.enqueue_dma source(%dma_start3A_123 : memref<640xf32, #tpu.memory_space<hbm>>) target(%arg13 : memref<640xf32, #tpu.memory_space<vmem>>) target_semaphore(%arg18 : memref<!tpu.dma_semaphore, #tpu.memory_space<semaphore_mem>>)
      %dma_wait3A = arith.constant 0 : i32
      %dma_wait3A_124 = tpu.memref_slice %arg2[%dma_wait3A, %mul3A_112] : memref<2x1600000xi32, #tpu.memory_space<hbm>> -> memref<1x640xi32, #tpu.memory_space<hbm>>
      %dma_wait3A_125 = tpu.memref_squeeze %dma_wait3A_124 : memref<1x640xi32, #tpu.memory_space<hbm>> -> memref<640xi32, #tpu.memory_space<hbm>>
      %dma_wait3A_126 = tpu.memref_slice %arg2[%dma_wait3A, %mul3A_112] : memref<2x1600000xi32, #tpu.memory_space<hbm>> -> memref<1x640xi32, #tpu.memory_space<hbm>>
      %dma_wait3A_127 = tpu.memref_squeeze %dma_wait3A_126 : memref<1x640xi32, #tpu.memory_space<hbm>> -> memref<640xi32, #tpu.memory_space<hbm>>
      tpu.wait_dma2 semaphore(%arg18 : memref<!tpu.dma_semaphore, #tpu.memory_space<semaphore_mem>>) src(%dma_wait3A_127 : memref<640xi32, #tpu.memory_space<hbm>>) dst(%arg11 : memref<640xi32, #tpu.memory_space<vmem>>)
      %dma_wait3A_128 = arith.constant 1 : i32
      %dma_wait3A_129 = tpu.memref_slice %arg2[%dma_wait3A_128, %mul3A_112] : memref<2x1600000xi32, #tpu.memory_space<hbm>> -> memref<1x640xi32, #tpu.memory_space<hbm>>
      %dma_wait3A_130 = tpu.memref_squeeze %dma_wait3A_129 : memref<1x640xi32, #tpu.memory_space<hbm>> -> memref<640xi32, #tpu.memory_space<hbm>>
      %dma_wait3A_131 = tpu.memref_slice %arg2[%dma_wait3A_128, %mul3A_112] : memref<2x1600000xi32, #tpu.memory_space<hbm>> -> memref<1x640xi32, #tpu.memory_space<hbm>>
      %dma_wait3A_132 = tpu.memref_squeeze %dma_wait3A_131 : memref<1x640xi32, #tpu.memory_space<hbm>> -> memref<640xi32, #tpu.memory_space<hbm>>
      tpu.wait_dma2 semaphore(%arg18 : memref<!tpu.dma_semaphore, #tpu.memory_space<semaphore_mem>>) src(%dma_wait3A_132 : memref<640xi32, #tpu.memory_space<hbm>>) dst(%arg12 : memref<640xi32, #tpu.memory_space<vmem>>)
      %dma_wait3A_133 = tpu.memref_slice %arg3[%mul3A_112] : memref<1600000xf32, #tpu.memory_space<hbm>> -> memref<640xf32, #tpu.memory_space<hbm>>
      %dma_wait3A_134 = tpu.memref_slice %arg3[%mul3A_112] : memref<1600000xf32, #tpu.memory_space<hbm>> -> memref<640xf32, #tpu.memory_space<hbm>>
      tpu.wait_dma2 semaphore(%arg18 : memref<!tpu.dma_semaphore, #tpu.memory_space<semaphore_mem>>) src(%dma_wait3A_134 : memref<640xf32, #tpu.memory_space<hbm>>) dst(%arg13 : memref<640xf32, #tpu.memory_space<vmem>>)
      %dma_start3A_135 = arith.constant 0 : i32
      %dma_start3A_136 = arith.constant 0 : i32
      %dma_start3A_137 = tpu.memref_slice %arg6[%dma_start3A_135, %dma_start3A_136] : memref<50000x32xf32, #tpu.memory_space<hbm>> -> memref<50000x32xf32, #tpu.memory_space<hbm>>
      tpu.enqueue_indirect_dma source(%dma_start3A_137 : memref<50000x32xf32, #tpu.memory_space<hbm>>) target(%arg17 : memref<640x32xf32, #tpu.memory_space<vmem>>) offsets(%arg11 : memref<640xi32, #tpu.memory_space<vmem>>) semaphore(%arg19 : memref<!tpu.dma_semaphore, #tpu.memory_space<semaphore_mem>>)
      %dma_start3A_138 = arith.constant 0 : i32
      %dma_start3A_139 = tpu.memref_slice %arg4[%dma_start3A_138] : memref<50000xf32, #tpu.memory_space<hbm>> -> memref<50000xf32, #tpu.memory_space<hbm>>
      tpu.enqueue_indirect_dma source(%dma_start3A_139 : memref<50000xf32, #tpu.memory_space<hbm>>) target(%arg14 : memref<640xf32, #tpu.memory_space<vmem>>) offsets(%arg11 : memref<640xi32, #tpu.memory_space<vmem>>) semaphore(%arg18 : memref<!tpu.dma_semaphore, #tpu.memory_space<semaphore_mem>>)
      %dma_start3A_140 = arith.constant 0 : i32
      %dma_start3A_141 = tpu.memref_slice %arg5[%dma_start3A_140] : memref<50000xf32, #tpu.memory_space<hbm>> -> memref<50000xf32, #tpu.memory_space<hbm>>
      tpu.enqueue_indirect_dma source(%dma_start3A_141 : memref<50000xf32, #tpu.memory_space<hbm>>) target(%arg15 : memref<640xf32, #tpu.memory_space<vmem>>) offsets(%arg12 : memref<640xi32, #tpu.memory_space<vmem>>) semaphore(%arg18 : memref<!tpu.dma_semaphore, #tpu.memory_space<semaphore_mem>>)
      %dma_wait3A_142 = arith.constant 0 : i32
      %dma_wait3A_143 = tpu.memref_slice %arg4[%dma_wait3A_142] : memref<50000xf32, #tpu.memory_space<hbm>> -> memref<50000xf32, #tpu.memory_space<hbm>>
      tpu.wait_indirect_dma semaphore(%arg18 : memref<!tpu.dma_semaphore, #tpu.memory_space<semaphore_mem>>) src(%dma_wait3A_143 : memref<50000xf32, #tpu.memory_space<hbm>>) dst(%arg14 : memref<640xf32, #tpu.memory_space<vmem>>)
      %dma_wait3A_144 = arith.constant 0 : i32
      %dma_wait3A_145 = tpu.memref_slice %arg5[%dma_wait3A_144] : memref<50000xf32, #tpu.memory_space<hbm>> -> memref<50000xf32, #tpu.memory_space<hbm>>
      tpu.wait_indirect_dma semaphore(%arg18 : memref<!tpu.dma_semaphore, #tpu.memory_space<semaphore_mem>>) src(%dma_wait3A_145 : memref<50000xf32, #tpu.memory_space<hbm>>) dst(%arg15 : memref<640xf32, #tpu.memory_space<vmem>>)
      %scan3A_146 = arith.constant 0 : i32
      %scan3A_147 = arith.constant 0 : i32
      %scan3A_148 = arith.constant 40 : i32
      %scan3A_149 = arith.addi %scan3A_147, %scan3A_148 : i32
      %scan3A_150 = arith.constant 1 : i32
      %scan3A_151 = scf.for %scan3A_174 = %scan3A_147 to %scan3A_149 step %scan3A_150 iter_args(%scan3A_175 = %scan3A_146) -> (i32)  : i32 {
        %mul3A_176 = arith.constant 16 : i32
        %mul3A_177 = arith.muli %scan3A_174, %mul3A_176 : i32
        %get3A = arith.index_cast %mul3A_177 : i32 to index
        %get3A_178 = tpu.vector_load %arg14[%get3A] {strides = array<i32>} : memref<640xf32, #tpu.memory_space<vmem>>, vector<16xf32>,
        %get3A_179 = arith.index_cast %mul3A_177 : i32 to index
        %get3A_180 = tpu.vector_load %arg15[%get3A_179] {strides = array<i32>} : memref<640xf32, #tpu.memory_space<vmem>>, vector<16xf32>,
        %add3A_181 = arith.addf %get3A_178, %get3A_180 : vector<16xf32>
        %get3A_182 = arith.index_cast %mul3A_177 : i32 to index
        %get3A_183 = tpu.vector_load %arg13[%get3A_182] {strides = array<i32>} : memref<640xf32, #tpu.memory_space<vmem>>, vector<16xf32>,
        %add3A_184 = arith.addf %add3A_181, %get3A_183 : vector<16xf32>
        %mul3A_185 = arith.constant 2.000000e-01 : f32
        %mul3A_186 = vector.broadcast %mul3A_185 : f32 to vector<16xf32>
        %mul3A_187 = arith.mulf %mul3A_186, %add3A_184 : vector<16xf32>
        %max3A = arith.maximumf %add3A_184, %mul3A_187 : vector<16xf32>
        %exp3A = math.exp %max3A : vector<16xf32>
        %swap3A = arith.index_cast %mul3A_177 : i32 to index
        %swap3A_188 = tpu.vector_load %arg16[%swap3A] {strides = array<i32>} : memref<640xf32, #tpu.memory_space<vmem>>, vector<16xf32>,
        tpu.vector_store %arg16[%swap3A], %exp3A {strides = array<i32>} : memref<640xf32, #tpu.memory_space<vmem>>, vector<16xf32>,
        %scan3A_189 = arith.constant 0 : i32
        scf.yield %scan3A_189 : i32
      }
      %scan3A_152 = arith.constant 40 : i32
      %dma_wait3A_153 = arith.constant 0 : i32
      %dma_wait3A_154 = arith.constant 0 : i32
      %dma_wait3A_155 = tpu.memref_slice %arg6[%dma_wait3A_153, %dma_wait3A_154] : memref<50000x32xf32, #tpu.memory_space<hbm>> -> memref<50000x32xf32, #tpu.memory_space<hbm>>
      tpu.wait_indirect_dma semaphore(%arg19 : memref<!tpu.dma_semaphore, #tpu.memory_space<semaphore_mem>>) src(%dma_wait3A_155 : memref<50000x32xf32, #tpu.memory_space<hbm>>) dst(%arg17 : memref<640x32xf32, #tpu.memory_space<vmem>>)
      %iota3A = tpu.iota {dimensions = array<i32: 0>} : vector<16xi32>
      %scan3A_156 = arith.constant 0 : i32
      %scan3A_157 = arith.constant 0 : i32
      %scan3A_158 = arith.constant 40 : i32
      %scan3A_159 = arith.addi %scan3A_157, %scan3A_158 : i32
      %scan3A_160 = arith.constant 1 : i32
      %scan3A_161 = scf.for %scan3A_174 = %scan3A_157 to %scan3A_159 step %scan3A_160 iter_args(%scan3A_175 = %scan3A_156) -> (i32)  : i32 {
        %mul3A_176 = arith.constant 16 : i32
        %mul3A_177 = arith.muli %scan3A_174, %mul3A_176 : i32
        %add3A_178 = vector.broadcast %mul3A_177 : i32 to vector<16xi32>
        %add3A_179 = arith.addi %iota3A, %add3A_178 : vector<16xi32>
        %mul3A_180 = arith.constant 16 : i32
        %mul3A_181 = arith.muli %scan3A_174, %mul3A_180 : i32
        %get3A = arith.index_cast %mul3A_181 : i32 to index
        %get3A_182 = tpu.vector_load %arg16[%get3A] {strides = array<i32>} : memref<640xf32, #tpu.memory_space<vmem>>, vector<16xf32>,
        %broadcast_in_dim3A_183 = arith.constant 0 : i32
        %broadcast_in_dim3A_184 = vector.broadcast %broadcast_in_dim3A_183 : i32 to vector<16xi32>
        %gather3A = tpu.vector_load_idx %arg17[%add3A_179, %broadcast_in_dim3A_184] : memref<640x32xf32, #tpu.memory_space<vmem>>[vector<16xi32>, vector<16xi32>], vector<16xf32>,
        %mul3A_185 = arith.mulf %gather3A, %get3A_182 : vector<16xf32>
        tpu.vector_store_idx %arg17[%add3A_179, %broadcast_in_dim3A_184], %mul3A_185 : memref<640x32xf32, #tpu.memory_space<vmem>>[vector<16xi32>, vector<16xi32>], vector<16xf32>,
        %broadcast_in_dim3A_186 = arith.constant 1 : i32
        %broadcast_in_dim3A_187 = vector.broadcast %broadcast_in_dim3A_186 : i32 to vector<16xi32>
        %gather3A_188 = tpu.vector_load_idx %arg17[%add3A_179, %broadcast_in_dim3A_187] : memref<640x32xf32, #tpu.memory_space<vmem>>[vector<16xi32>, vector<16xi32>], vector<16xf32>,
        %mul3A_189 = arith.mulf %gather3A_188, %get3A_182 : vector<16xf32>
        tpu.vector_store_idx %arg17[%add3A_179, %broadcast_in_dim3A_187], %mul3A_189 : memref<640x32xf32, #tpu.memory_space<vmem>>[vector<16xi32>, vector<16xi32>], vector<16xf32>,
        %broadcast_in_dim3A_190 = arith.constant 2 : i32
        %broadcast_in_dim3A_191 = vector.broadcast %broadcast_in_dim3A_190 : i32 to vector<16xi32>
        %gather3A_192 = tpu.vector_load_idx %arg17[%add3A_179, %broadcast_in_dim3A_191] : memref<640x32xf32, #tpu.memory_space<vmem>>[vector<16xi32>, vector<16xi32>], vector<16xf32>,
        %mul3A_193 = arith.mulf %gather3A_192, %get3A_182 : vector<16xf32>
        tpu.vector_store_idx %arg17[%add3A_179, %broadcast_in_dim3A_191], %mul3A_193 : memref<640x32xf32, #tpu.memory_space<vmem>>[vector<16xi32>, vector<16xi32>], vector<16xf32>,
        %broadcast_in_dim3A_194 = arith.constant 3 : i32
        %broadcast_in_dim3A_195 = vector.broadcast %broadcast_in_dim3A_194 : i32 to vector<16xi32>
        %gather3A_196 = tpu.vector_load_idx %arg17[%add3A_179, %broadcast_in_dim3A_195] : memref<640x32xf32, #tpu.memory_space<vmem>>[vector<16xi32>, vector<16xi32>], vector<16xf32>,
        %mul3A_197 = arith.mulf %gather3A_196, %get3A_182 : vector<16xf32>
        tpu.vector_store_idx %arg17[%add3A_179, %broadcast_in_dim3A_195], %mul3A_197 : memref<640x32xf32, #tpu.memory_space<vmem>>[vector<16xi32>, vector<16xi32>], vector<16xf32>,
        %broadcast_in_dim3A_198 = arith.constant 4 : i32
        %broadcast_in_dim3A_199 = vector.broadcast %broadcast_in_dim3A_198 : i32 to vector<16xi32>
        %gather3A_200 = tpu.vector_load_idx %arg17[%add3A_179, %broadcast_in_dim3A_199] : memref<640x32xf32, #tpu.memory_space<vmem>>[vector<16xi32>, vector<16xi32>], vector<16xf32>,
        %mul3A_201 = arith.mulf %gather3A_200, %get3A_182 : vector<16xf32>
        tpu.vector_store_idx %arg17[%add3A_179, %broadcast_in_dim3A_199], %mul3A_201 : memref<640x32xf32, #tpu.memory_space<vmem>>[vector<16xi32>, vector<16xi32>], vector<16xf32>,
        %broadcast_in_dim3A_202 = arith.constant 5 : i32
        %broadcast_in_dim3A_203 = vector.broadcast %broadcast_in_dim3A_202 : i32 to vector<16xi32>
        %gather3A_204 = tpu.vector_load_idx %arg17[%add3A_179, %broadcast_in_dim3A_203] : memref<640x32xf32, #tpu.memory_space<vmem>>[vector<16xi32>, vector<16xi32>], vector<16xf32>,
        %mul3A_205 = arith.mulf %gather3A_204, %get3A_182 : vector<16xf32>
        tpu.vector_store_idx %arg17[%add3A_179, %broadcast_in_dim3A_203], %mul3A_205 : memref<640x32xf32, #tpu.memory_space<vmem>>[vector<16xi32>, vector<16xi32>], vector<16xf32>,
        %broadcast_in_dim3A_206 = arith.constant 6 : i32
        %broadcast_in_dim3A_207 = vector.broadcast %broadcast_in_dim3A_206 : i32 to vector<16xi32>
        %gather3A_208 = tpu.vector_load_idx %arg17[%add3A_179, %broadcast_in_dim3A_207] : memref<640x32xf32, #tpu.memory_space<vmem>>[vector<16xi32>, vector<16xi32>], vector<16xf32>,
        %mul3A_209 = arith.mulf %gather3A_208, %get3A_182 : vector<16xf32>
        tpu.vector_store_idx %arg17[%add3A_179, %broadcast_in_dim3A_207], %mul3A_209 : memref<640x32xf32, #tpu.memory_space<vmem>>[vector<16xi32>, vector<16xi32>], vector<16xf32>,
        %broadcast_in_dim3A_210 = arith.constant 7 : i32
        %broadcast_in_dim3A_211 = vector.broadcast %broadcast_in_dim3A_210 : i32 to vector<16xi32>
        %gather3A_212 = tpu.vector_load_idx %arg17[%add3A_179, %broadcast_in_dim3A_211] : memref<640x32xf32, #tpu.memory_space<vmem>>[vector<16xi32>, vector<16xi32>], vector<16xf32>,
        %mul3A_213 = arith.mulf %gather3A_212, %get3A_182 : vector<16xf32>
        tpu.vector_store_idx %arg17[%add3A_179, %broadcast_in_dim3A_211], %mul3A_213 : memref<640x32xf32, #tpu.memory_space<vmem>>[vector<16xi32>, vector<16xi32>], vector<16xf32>,
        %broadcast_in_dim3A_214 = arith.constant 8 : i32
        %broadcast_in_dim3A_215 = vector.broadcast %broadcast_in_dim3A_214 : i32 to vector<16xi32>
        %gather3A_216 = tpu.vector_load_idx %arg17[%add3A_179, %broadcast_in_dim3A_215] : memref<640x32xf32, #tpu.memory_space<vmem>>[vector<16xi32>, vector<16xi32>], vector<16xf32>,
        %mul3A_217 = arith.mulf %gather3A_216, %get3A_182 : vector<16xf32>
        tpu.vector_store_idx %arg17[%add3A_179, %broadcast_in_dim3A_215], %mul3A_217 : memref<640x32xf32, #tpu.memory_space<vmem>>[vector<16xi32>, vector<16xi32>], vector<16xf32>,
        %broadcast_in_dim3A_218 = arith.constant 9 : i32
        %broadcast_in_dim3A_219 = vector.broadcast %broadcast_in_dim3A_218 : i32 to vector<16xi32>
        %gather3A_220 = tpu.vector_load_idx %arg17[%add3A_179, %broadcast_in_dim3A_219] : memref<640x32xf32, #tpu.memory_space<vmem>>[vector<16xi32>, vector<16xi32>], vector<16xf32>,
        %mul3A_221 = arith.mulf %gather3A_220, %get3A_182 : vector<16xf32>
        tpu.vector_store_idx %arg17[%add3A_179, %broadcast_in_dim3A_219], %mul3A_221 : memref<640x32xf32, #tpu.memory_space<vmem>>[vector<16xi32>, vector<16xi32>], vector<16xf32>,
        %broadcast_in_dim3A_222 = arith.constant 10 : i32
        %broadcast_in_dim3A_223 = vector.broadcast %broadcast_in_dim3A_222 : i32 to vector<16xi32>
        %gather3A_224 = tpu.vector_load_idx %arg17[%add3A_179, %broadcast_in_dim3A_223] : memref<640x32xf32, #tpu.memory_space<vmem>>[vector<16xi32>, vector<16xi32>], vector<16xf32>,
        %mul3A_225 = arith.mulf %gather3A_224, %get3A_182 : vector<16xf32>
        tpu.vector_store_idx %arg17[%add3A_179, %broadcast_in_dim3A_223], %mul3A_225 : memref<640x32xf32, #tpu.memory_space<vmem>>[vector<16xi32>, vector<16xi32>], vector<16xf32>,
        %broadcast_in_dim3A_226 = arith.constant 11 : i32
        %broadcast_in_dim3A_227 = vector.broadcast %broadcast_in_dim3A_226 : i32 to vector<16xi32>
        %gather3A_228 = tpu.vector_load_idx %arg17[%add3A_179, %broadcast_in_dim3A_227] : memref<640x32xf32, #tpu.memory_space<vmem>>[vector<16xi32>, vector<16xi32>], vector<16xf32>,
        %mul3A_229 = arith.mulf %gather3A_228, %get3A_182 : vector<16xf32>
        tpu.vector_store_idx %arg17[%add3A_179, %broadcast_in_dim3A_227], %mul3A_229 : memref<640x32xf32, #tpu.memory_space<vmem>>[vector<16xi32>, vector<16xi32>], vector<16xf32>,
        %broadcast_in_dim3A_230 = arith.constant 12 : i32
        %broadcast_in_dim3A_231 = vector.broadcast %broadcast_in_dim3A_230 : i32 to vector<16xi32>
        %gather3A_232 = tpu.vector_load_idx %arg17[%add3A_179, %broadcast_in_dim3A_231] : memref<640x32xf32, #tpu.memory_space<vmem>>[vector<16xi32>, vector<16xi32>], vector<16xf32>,
        %mul3A_233 = arith.mulf %gather3A_232, %get3A_182 : vector<16xf32>
        tpu.vector_store_idx %arg17[%add3A_179, %broadcast_in_dim3A_231], %mul3A_233 : memref<640x32xf32, #tpu.memory_space<vmem>>[vector<16xi32>, vector<16xi32>], vector<16xf32>,
        %broadcast_in_dim3A_234 = arith.constant 13 : i32
        %broadcast_in_dim3A_235 = vector.broadcast %broadcast_in_dim3A_234 : i32 to vector<16xi32>
        %gather3A_236 = tpu.vector_load_idx %arg17[%add3A_179, %broadcast_in_dim3A_235] : memref<640x32xf32, #tpu.memory_space<vmem>>[vector<16xi32>, vector<16xi32>], vector<16xf32>,
        %mul3A_237 = arith.mulf %gather3A_236, %get3A_182 : vector<16xf32>
        tpu.vector_store_idx %arg17[%add3A_179, %broadcast_in_dim3A_235], %mul3A_237 : memref<640x32xf32, #tpu.memory_space<vmem>>[vector<16xi32>, vector<16xi32>], vector<16xf32>,
        %broadcast_in_dim3A_238 = arith.constant 14 : i32
        %broadcast_in_dim3A_239 = vector.broadcast %broadcast_in_dim3A_238 : i32 to vector<16xi32>
        %gather3A_240 = tpu.vector_load_idx %arg17[%add3A_179, %broadcast_in_dim3A_239] : memref<640x32xf32, #tpu.memory_space<vmem>>[vector<16xi32>, vector<16xi32>], vector<16xf32>,
        %mul3A_241 = arith.mulf %gather3A_240, %get3A_182 : vector<16xf32>
        tpu.vector_store_idx %arg17[%add3A_179, %broadcast_in_dim3A_239], %mul3A_241 : memref<640x32xf32, #tpu.memory_space<vmem>>[vector<16xi32>, vector<16xi32>], vector<16xf32>,
        %broadcast_in_dim3A_242 = arith.constant 15 : i32
        %broadcast_in_dim3A_243 = vector.broadcast %broadcast_in_dim3A_242 : i32 to vector<16xi32>
        %gather3A_244 = tpu.vector_load_idx %arg17[%add3A_179, %broadcast_in_dim3A_243] : memref<640x32xf32, #tpu.memory_space<vmem>>[vector<16xi32>, vector<16xi32>], vector<16xf32>,
        %mul3A_245 = arith.mulf %gather3A_244, %get3A_182 : vector<16xf32>
        tpu.vector_store_idx %arg17[%add3A_179, %broadcast_in_dim3A_243], %mul3A_245 : memref<640x32xf32, #tpu.memory_space<vmem>>[vector<16xi32>, vector<16xi32>], vector<16xf32>,
        %broadcast_in_dim3A_246 = arith.constant 16 : i32
        %broadcast_in_dim3A_247 = vector.broadcast %broadcast_in_dim3A_246 : i32 to vector<16xi32>
        %gather3A_248 = tpu.vector_load_idx %arg17[%add3A_179, %broadcast_in_dim3A_247] : memref<640x32xf32, #tpu.memory_space<vmem>>[vector<16xi32>, vector<16xi32>], vector<16xf32>,
        %mul3A_249 = arith.mulf %gather3A_248, %get3A_182 : vector<16xf32>
        tpu.vector_store_idx %arg17[%add3A_179, %broadcast_in_dim3A_247], %mul3A_249 : memref<640x32xf32, #tpu.memory_space<vmem>>[vector<16xi32>, vector<16xi32>], vector<16xf32>,
        %broadcast_in_dim3A_250 = arith.constant 17 : i32
        %broadcast_in_dim3A_251 = vector.broadcast %broadcast_in_dim3A_250 : i32 to vector<16xi32>
        %gather3A_252 = tpu.vector_load_idx %arg17[%add3A_179, %broadcast_in_dim3A_251] : memref<640x32xf32, #tpu.memory_space<vmem>>[vector<16xi32>, vector<16xi32>], vector<16xf32>,
        %mul3A_253 = arith.mulf %gather3A_252, %get3A_182 : vector<16xf32>
        tpu.vector_store_idx %arg17[%add3A_179, %broadcast_in_dim3A_251], %mul3A_253 : memref<640x32xf32, #tpu.memory_space<vmem>>[vector<16xi32>, vector<16xi32>], vector<16xf32>,
        %broadcast_in_dim3A_254 = arith.constant 18 : i32
        %broadcast_in_dim3A_255 = vector.broadcast %broadcast_in_dim3A_254 : i32 to vector<16xi32>
        %gather3A_256 = tpu.vector_load_idx %arg17[%add3A_179, %broadcast_in_dim3A_255] : memref<640x32xf32, #tpu.memory_space<vmem>>[vector<16xi32>, vector<16xi32>], vector<16xf32>,
        %mul3A_257 = arith.mulf %gather3A_256, %get3A_182 : vector<16xf32>
        tpu.vector_store_idx %arg17[%add3A_179, %broadcast_in_dim3A_255], %mul3A_257 : memref<640x32xf32, #tpu.memory_space<vmem>>[vector<16xi32>, vector<16xi32>], vector<16xf32>,
        %broadcast_in_dim3A_258 = arith.constant 19 : i32
        %broadcast_in_dim3A_259 = vector.broadcast %broadcast_in_dim3A_258 : i32 to vector<16xi32>
        %gather3A_260 = tpu.vector_load_idx %arg17[%add3A_179, %broadcast_in_dim3A_259] : memref<640x32xf32, #tpu.memory_space<vmem>>[vector<16xi32>, vector<16xi32>], vector<16xf32>,
        %mul3A_261 = arith.mulf %gather3A_260, %get3A_182 : vector<16xf32>
        tpu.vector_store_idx %arg17[%add3A_179, %broadcast_in_dim3A_259], %mul3A_261 : memref<640x32xf32, #tpu.memory_space<vmem>>[vector<16xi32>, vector<16xi32>], vector<16xf32>,
        %broadcast_in_dim3A_262 = arith.constant 20 : i32
        %broadcast_in_dim3A_263 = vector.broadcast %broadcast_in_dim3A_262 : i32 to vector<16xi32>
        %gather3A_264 = tpu.vector_load_idx %arg17[%add3A_179, %broadcast_in_dim3A_263] : memref<640x32xf32, #tpu.memory_space<vmem>>[vector<16xi32>, vector<16xi32>], vector<16xf32>,
        %mul3A_265 = arith.mulf %gather3A_264, %get3A_182 : vector<16xf32>
        tpu.vector_store_idx %arg17[%add3A_179, %broadcast_in_dim3A_263], %mul3A_265 : memref<640x32xf32, #tpu.memory_space<vmem>>[vector<16xi32>, vector<16xi32>], vector<16xf32>,
        %broadcast_in_dim3A_266 = arith.constant 21 : i32
        %broadcast_in_dim3A_267 = vector.broadcast %broadcast_in_dim3A_266 : i32 to vector<16xi32>
        %gather3A_268 = tpu.vector_load_idx %arg17[%add3A_179, %broadcast_in_dim3A_267] : memref<640x32xf32, #tpu.memory_space<vmem>>[vector<16xi32>, vector<16xi32>], vector<16xf32>,
        %mul3A_269 = arith.mulf %gather3A_268, %get3A_182 : vector<16xf32>
        tpu.vector_store_idx %arg17[%add3A_179, %broadcast_in_dim3A_267], %mul3A_269 : memref<640x32xf32, #tpu.memory_space<vmem>>[vector<16xi32>, vector<16xi32>], vector<16xf32>,
        %broadcast_in_dim3A_270 = arith.constant 22 : i32
        %broadcast_in_dim3A_271 = vector.broadcast %broadcast_in_dim3A_270 : i32 to vector<16xi32>
        %gather3A_272 = tpu.vector_load_idx %arg17[%add3A_179, %broadcast_in_dim3A_271] : memref<640x32xf32, #tpu.memory_space<vmem>>[vector<16xi32>, vector<16xi32>], vector<16xf32>,
        %mul3A_273 = arith.mulf %gather3A_272, %get3A_182 : vector<16xf32>
        tpu.vector_store_idx %arg17[%add3A_179, %broadcast_in_dim3A_271], %mul3A_273 : memref<640x32xf32, #tpu.memory_space<vmem>>[vector<16xi32>, vector<16xi32>], vector<16xf32>,
        %broadcast_in_dim3A_274 = arith.constant 23 : i32
        %broadcast_in_dim3A_275 = vector.broadcast %broadcast_in_dim3A_274 : i32 to vector<16xi32>
        %gather3A_276 = tpu.vector_load_idx %arg17[%add3A_179, %broadcast_in_dim3A_275] : memref<640x32xf32, #tpu.memory_space<vmem>>[vector<16xi32>, vector<16xi32>], vector<16xf32>,
        %mul3A_277 = arith.mulf %gather3A_276, %get3A_182 : vector<16xf32>
        tpu.vector_store_idx %arg17[%add3A_179, %broadcast_in_dim3A_275], %mul3A_277 : memref<640x32xf32, #tpu.memory_space<vmem>>[vector<16xi32>, vector<16xi32>], vector<16xf32>,
        %broadcast_in_dim3A_278 = arith.constant 24 : i32
        %broadcast_in_dim3A_279 = vector.broadcast %broadcast_in_dim3A_278 : i32 to vector<16xi32>
        %gather3A_280 = tpu.vector_load_idx %arg17[%add3A_179, %broadcast_in_dim3A_279] : memref<640x32xf32, #tpu.memory_space<vmem>>[vector<16xi32>, vector<16xi32>], vector<16xf32>,
        %mul3A_281 = arith.mulf %gather3A_280, %get3A_182 : vector<16xf32>
        tpu.vector_store_idx %arg17[%add3A_179, %broadcast_in_dim3A_279], %mul3A_281 : memref<640x32xf32, #tpu.memory_space<vmem>>[vector<16xi32>, vector<16xi32>], vector<16xf32>,
        %broadcast_in_dim3A_282 = arith.constant 25 : i32
        %broadcast_in_dim3A_283 = vector.broadcast %broadcast_in_dim3A_282 : i32 to vector<16xi32>
        %gather3A_284 = tpu.vector_load_idx %arg17[%add3A_179, %broadcast_in_dim3A_283] : memref<640x32xf32, #tpu.memory_space<vmem>>[vector<16xi32>, vector<16xi32>], vector<16xf32>,
        %mul3A_285 = arith.mulf %gather3A_284, %get3A_182 : vector<16xf32>
        tpu.vector_store_idx %arg17[%add3A_179, %broadcast_in_dim3A_283], %mul3A_285 : memref<640x32xf32, #tpu.memory_space<vmem>>[vector<16xi32>, vector<16xi32>], vector<16xf32>,
        %broadcast_in_dim3A_286 = arith.constant 26 : i32
        %broadcast_in_dim3A_287 = vector.broadcast %broadcast_in_dim3A_286 : i32 to vector<16xi32>
        %gather3A_288 = tpu.vector_load_idx %arg17[%add3A_179, %broadcast_in_dim3A_287] : memref<640x32xf32, #tpu.memory_space<vmem>>[vector<16xi32>, vector<16xi32>], vector<16xf32>,
        %mul3A_289 = arith.mulf %gather3A_288, %get3A_182 : vector<16xf32>
        tpu.vector_store_idx %arg17[%add3A_179, %broadcast_in_dim3A_287], %mul3A_289 : memref<640x32xf32, #tpu.memory_space<vmem>>[vector<16xi32>, vector<16xi32>], vector<16xf32>,
        %broadcast_in_dim3A_290 = arith.constant 27 : i32
        %broadcast_in_dim3A_291 = vector.broadcast %broadcast_in_dim3A_290 : i32 to vector<16xi32>
        %gather3A_292 = tpu.vector_load_idx %arg17[%add3A_179, %broadcast_in_dim3A_291] : memref<640x32xf32, #tpu.memory_space<vmem>>[vector<16xi32>, vector<16xi32>], vector<16xf32>,
        %mul3A_293 = arith.mulf %gather3A_292, %get3A_182 : vector<16xf32>
        tpu.vector_store_idx %arg17[%add3A_179, %broadcast_in_dim3A_291], %mul3A_293 : memref<640x32xf32, #tpu.memory_space<vmem>>[vector<16xi32>, vector<16xi32>], vector<16xf32>,
        %broadcast_in_dim3A_294 = arith.constant 28 : i32
        %broadcast_in_dim3A_295 = vector.broadcast %broadcast_in_dim3A_294 : i32 to vector<16xi32>
        %gather3A_296 = tpu.vector_load_idx %arg17[%add3A_179, %broadcast_in_dim3A_295] : memref<640x32xf32, #tpu.memory_space<vmem>>[vector<16xi32>, vector<16xi32>], vector<16xf32>,
        %mul3A_297 = arith.mulf %gather3A_296, %get3A_182 : vector<16xf32>
        tpu.vector_store_idx %arg17[%add3A_179, %broadcast_in_dim3A_295], %mul3A_297 : memref<640x32xf32, #tpu.memory_space<vmem>>[vector<16xi32>, vector<16xi32>], vector<16xf32>,
        %broadcast_in_dim3A_298 = arith.constant 29 : i32
        %broadcast_in_dim3A_299 = vector.broadcast %broadcast_in_dim3A_298 : i32 to vector<16xi32>
        %gather3A_300 = tpu.vector_load_idx %arg17[%add3A_179, %broadcast_in_dim3A_299] : memref<640x32xf32, #tpu.memory_space<vmem>>[vector<16xi32>, vector<16xi32>], vector<16xf32>,
        %mul3A_301 = arith.mulf %gather3A_300, %get3A_182 : vector<16xf32>
        tpu.vector_store_idx %arg17[%add3A_179, %broadcast_in_dim3A_299], %mul3A_301 : memref<640x32xf32, #tpu.memory_space<vmem>>[vector<16xi32>, vector<16xi32>], vector<16xf32>,
        %broadcast_in_dim3A_302 = arith.constant 30 : i32
        %broadcast_in_dim3A_303 = vector.broadcast %broadcast_in_dim3A_302 : i32 to vector<16xi32>
        %gather3A_304 = tpu.vector_load_idx %arg17[%add3A_179, %broadcast_in_dim3A_303] : memref<640x32xf32, #tpu.memory_space<vmem>>[vector<16xi32>, vector<16xi32>], vector<16xf32>,
        %mul3A_305 = arith.mulf %gather3A_304, %get3A_182 : vector<16xf32>
        tpu.vector_store_idx %arg17[%add3A_179, %broadcast_in_dim3A_303], %mul3A_305 : memref<640x32xf32, #tpu.memory_space<vmem>>[vector<16xi32>, vector<16xi32>], vector<16xf32>,
        %broadcast_in_dim3A_306 = arith.constant 31 : i32
        %broadcast_in_dim3A_307 = vector.broadcast %broadcast_in_dim3A_306 : i32 to vector<16xi32>
        %gather3A_308 = tpu.vector_load_idx %arg17[%add3A_179, %broadcast_in_dim3A_307] : memref<640x32xf32, #tpu.memory_space<vmem>>[vector<16xi32>, vector<16xi32>], vector<16xf32>,
        %mul3A_309 = arith.mulf %gather3A_308, %get3A_182 : vector<16xf32>
        tpu.vector_store_idx %arg17[%add3A_179, %broadcast_in_dim3A_307], %mul3A_309 : memref<640x32xf32, #tpu.memory_space<vmem>>[vector<16xi32>, vector<16xi32>], vector<16xf32>,
        %scan3A_310 = arith.constant 0 : i32
        scf.yield %scan3A_310 : i32
      }
      %scan3A_162 = arith.constant 40 : i32
      %dma_start3A_163 = arith.constant 0 : i32
      %dma_start3A_164 = tpu.memref_slice %arg10[%dma_start3A_163] : memref<50000xf32, #tpu.memory_space<vmem_shared>> -> memref<50000xf32, #tpu.memory_space<vmem_shared>>
      tpu.enqueue_indirect_dma source(%arg16 : memref<640xf32, #tpu.memory_space<vmem>>) target(%dma_start3A_164 : memref<50000xf32, #tpu.memory_space<vmem_shared>>) offsets(%arg12 : memref<640xi32, #tpu.memory_space<vmem>>) semaphore(%arg18 : memref<!tpu.dma_semaphore, #tpu.memory_space<semaphore_mem>>) {add = true}
      %dma_start3A_165 = arith.constant 0 : i32
      %dma_start3A_166 = arith.constant 0 : i32
      %dma_start3A_167 = tpu.memref_slice %arg9[%dma_start3A_165, %dma_start3A_166] : memref<50000x32xf32, #tpu.memory_space<vmem_shared>> -> memref<50000x32xf32, #tpu.memory_space<vmem_shared>>
      tpu.enqueue_indirect_dma source(%arg17 : memref<640x32xf32, #tpu.memory_space<vmem>>) target(%dma_start3A_167 : memref<50000x32xf32, #tpu.memory_space<vmem_shared>>) offsets(%arg12 : memref<640xi32, #tpu.memory_space<vmem>>) semaphore(%arg19 : memref<!tpu.dma_semaphore, #tpu.memory_space<semaphore_mem>>) {add = true}
      %dma_wait3A_168 = arith.constant 0 : i32
      %dma_wait3A_169 = tpu.memref_slice %arg10[%dma_wait3A_168] : memref<50000xf32, #tpu.memory_space<vmem_shared>> -> memref<50000xf32, #tpu.memory_space<vmem_shared>>
      tpu.wait_indirect_dma semaphore(%arg18 : memref<!tpu.dma_semaphore, #tpu.memory_space<semaphore_mem>>) src(%arg16 : memref<640xf32, #tpu.memory_space<vmem>>) dst(%dma_wait3A_169 : memref<50000xf32, #tpu.memory_space<vmem_shared>>)
      %dma_wait3A_170 = arith.constant 0 : i32
      %dma_wait3A_171 = arith.constant 0 : i32
      %dma_wait3A_172 = tpu.memref_slice %arg9[%dma_wait3A_170, %dma_wait3A_171] : memref<50000x32xf32, #tpu.memory_space<vmem_shared>> -> memref<50000x32xf32, #tpu.memory_space<vmem_shared>>
      tpu.wait_indirect_dma semaphore(%arg19 : memref<!tpu.dma_semaphore, #tpu.memory_space<semaphore_mem>>) src(%arg17 : memref<640x32xf32, #tpu.memory_space<vmem>>) dst(%dma_wait3A_172 : memref<50000x32xf32, #tpu.memory_space<vmem_shared>>)
      %while3A_173 = arith.constant 0 : i32
      scf.yield %while3A_173 : i32
    }
    %barrier3A_88 = arith.constant 0 : index
    tpu.barrier barrier_id(%barrier3A_88)
    %while3A_89 = arith.constant 0 : i32
    %while3A_90 = arith.constant 0 : i32
    %while3A_91 = arith.subi %add3A_34, %while3A_89 : i32
    %while3A_92 = arith.addi %while3A_89, %while3A_91 : i32
    %while3A_93 = arith.constant 1 : i32
    %while3A_94 = arith.divsi %while3A_91, %while3A_93 : i32
    %while3A_95 = arith.muli %while3A_94, %while3A_93 : i32
    %while3A_96 = arith.addi %while3A_89, %while3A_95 : i32
    %while3A_97 = arith.constant 1 : i32
    %while3A_98 = scf.for %while3A_106 = %while3A_89 to %while3A_96 step %while3A_97 iter_args(%while3A_107 = %while3A_90) -> (i32)  : i32 {
      %mul3A_108 = arith.constant 16 : i32
      %mul3A_109 = arith.muli %while3A_106, %mul3A_108 : i32
      %add3A_110 = arith.addi %arg1, %mul3A_109 : i32
      %mul3A_111 = arith.constant 640 : i32
      %mul3A_112 = arith.muli %add3A_110, %mul3A_111 : i32
      "tpu.region"() ({
        %run_scoped3A = tpu.sem_alloc : memref<!tpu.dma_semaphore, #tpu.memory_space<semaphore_mem>>
        %dma_start3A = arith.constant 0 : i32
        %dma_start3A_114 = tpu.memref_slice %arg7[%arg0, %mul3A_112, %dma_start3A] : memref<2x50000x32xf32, #tpu.memory_space<hbm>> -> memref<1x640x32xf32, #tpu.memory_space<hbm>>
        %dma_start3A_115 = tpu.memref_squeeze %dma_start3A_114 : memref<1x640x32xf32, #tpu.memory_space<hbm>> -> memref<640x32xf32, #tpu.memory_space<hbm>>
        %dma_start3A_116 = arith.constant 0 : i32
        %dma_start3A_117 = tpu.memref_slice %arg9[%mul3A_112, %dma_start3A_116] : memref<50000x32xf32, #tpu.memory_space<vmem_shared>> -> memref<640x32xf32, #tpu.memory_space<vmem_shared>>
        tpu.enqueue_dma source(%dma_start3A_117 : memref<640x32xf32, #tpu.memory_space<vmem_shared>>) target(%dma_start3A_115 : memref<640x32xf32, #tpu.memory_space<hbm>>) target_semaphore(%run_scoped3A : memref<!tpu.dma_semaphore, #tpu.memory_space<semaphore_mem>>)
        %dma_wait3A = arith.constant 0 : i32
        %dma_wait3A_118 = tpu.memref_slice %arg7[%arg0, %mul3A_112, %dma_wait3A] : memref<2x50000x32xf32, #tpu.memory_space<hbm>> -> memref<1x640x32xf32, #tpu.memory_space<hbm>>
        %dma_wait3A_119 = tpu.memref_squeeze %dma_wait3A_118 : memref<1x640x32xf32, #tpu.memory_space<hbm>> -> memref<640x32xf32, #tpu.memory_space<hbm>>
        %dma_wait3A_120 = arith.constant 0 : i32
        %dma_wait3A_121 = tpu.memref_slice %arg9[%mul3A_112, %dma_wait3A_120] : memref<50000x32xf32, #tpu.memory_space<vmem_shared>> -> memref<640x32xf32, #tpu.memory_space<vmem_shared>>
        tpu.wait_dma2 semaphore(%run_scoped3A : memref<!tpu.dma_semaphore, #tpu.memory_space<semaphore_mem>>) src(%dma_wait3A_121 : memref<640x32xf32, #tpu.memory_space<vmem_shared>>) dst(%dma_wait3A_119 : memref<640x32xf32, #tpu.memory_space<hbm>>)
        tpu.yield
      }) : () -> ()
      "tpu.region"() ({
        %run_scoped3A = tpu.sem_alloc : memref<!tpu.dma_semaphore, #tpu.memory_space<semaphore_mem>>
        %dma_start3A = tpu.memref_slice %arg8[%arg0, %mul3A_112] : memref<2x50000xf32, #tpu.memory_space<hbm>> -> memref<1x640xf32, #tpu.memory_space<hbm>>
        %dma_start3A_114 = tpu.memref_squeeze %dma_start3A : memref<1x640xf32, #tpu.memory_space<hbm>> -> memref<640xf32, #tpu.memory_space<hbm>>
        %dma_start3A_115 = tpu.memref_slice %arg10[%mul3A_112] : memref<50000xf32, #tpu.memory_space<vmem_shared>> -> memref<640xf32, #tpu.memory_space<vmem_shared>>
        tpu.enqueue_dma source(%dma_start3A_115 : memref<640xf32, #tpu.memory_space<vmem_shared>>) target(%dma_start3A_114 : memref<640xf32, #tpu.memory_space<hbm>>) target_semaphore(%run_scoped3A : memref<!tpu.dma_semaphore, #tpu.memory_space<semaphore_mem>>)
        %dma_wait3A = tpu.memref_slice %arg8[%arg0, %mul3A_112] : memref<2x50000xf32, #tpu.memory_space<hbm>> -> memref<1x640xf32, #tpu.memory_space<hbm>>
        %dma_wait3A_116 = tpu.memref_squeeze %dma_wait3A : memref<1x640xf32, #tpu.memory_space<hbm>> -> memref<640xf32, #tpu.memory_space<hbm>>
        %dma_wait3A_117 = tpu.memref_slice %arg10[%mul3A_112] : memref<50000xf32, #tpu.memory_space<vmem_shared>> -> memref<640xf32, #tpu.memory_space<vmem_shared>>
        tpu.wait_dma2 semaphore(%run_scoped3A : memref<!tpu.dma_semaphore, #tpu.memory_space<semaphore_mem>>) src(%dma_wait3A_117 : memref<640xf32, #tpu.memory_space<vmem_shared>>) dst(%dma_wait3A_116 : memref<640xf32, #tpu.memory_space<hbm>>)
        tpu.yield
      }) : () -> ()
      %while3A_113 = arith.constant 0 : i32
      scf.yield %while3A_113 : i32
    }
    %while3A_99 = arith.constant 1 : i32
    %while3A_100 = scf.for %while3A_106 = %while3A_96 to %while3A_92 step %while3A_99 iter_args(%while3A_107 = %while3A_98) -> (i32)  : i32 {
      %mul3A_108 = arith.constant 16 : i32
      %mul3A_109 = arith.muli %while3A_106, %mul3A_108 : i32
      %add3A_110 = arith.addi %arg1, %mul3A_109 : i32
      %mul3A_111 = arith.constant 640 : i32
      %mul3A_112 = arith.muli %add3A_110, %mul3A_111 : i32
      "tpu.region"() ({
        %run_scoped3A = tpu.sem_alloc : memref<!tpu.dma_semaphore, #tpu.memory_space<semaphore_mem>>
        %dma_start3A = arith.constant 0 : i32
        %dma_start3A_114 = tpu.memref_slice %arg7[%arg0, %mul3A_112, %dma_start3A] : memref<2x50000x32xf32, #tpu.memory_space<hbm>> -> memref<1x640x32xf32, #tpu.memory_space<hbm>>
        %dma_start3A_115 = tpu.memref_squeeze %dma_start3A_114 : memref<1x640x32xf32, #tpu.memory_space<hbm>> -> memref<640x32xf32, #tpu.memory_space<hbm>>
        %dma_start3A_116 = arith.constant 0 : i32
        %dma_start3A_117 = tpu.memref_slice %arg9[%mul3A_112, %dma_start3A_116] : memref<50000x32xf32, #tpu.memory_space<vmem_shared>> -> memref<640x32xf32, #tpu.memory_space<vmem_shared>>
        tpu.enqueue_dma source(%dma_start3A_117 : memref<640x32xf32, #tpu.memory_space<vmem_shared>>) target(%dma_start3A_115 : memref<640x32xf32, #tpu.memory_space<hbm>>) target_semaphore(%run_scoped3A : memref<!tpu.dma_semaphore, #tpu.memory_space<semaphore_mem>>)
        %dma_wait3A = arith.constant 0 : i32
        %dma_wait3A_118 = tpu.memref_slice %arg7[%arg0, %mul3A_112, %dma_wait3A] : memref<2x50000x32xf32, #tpu.memory_space<hbm>> -> memref<1x640x32xf32, #tpu.memory_space<hbm>>
        %dma_wait3A_119 = tpu.memref_squeeze %dma_wait3A_118 : memref<1x640x32xf32, #tpu.memory_space<hbm>> -> memref<640x32xf32, #tpu.memory_space<hbm>>
        %dma_wait3A_120 = arith.constant 0 : i32
        %dma_wait3A_121 = tpu.memref_slice %arg9[%mul3A_112, %dma_wait3A_120] : memref<50000x32xf32, #tpu.memory_space<vmem_shared>> -> memref<640x32xf32, #tpu.memory_space<vmem_shared>>
        tpu.wait_dma2 semaphore(%run_scoped3A : memref<!tpu.dma_semaphore, #tpu.memory_space<semaphore_mem>>) src(%dma_wait3A_121 : memref<640x32xf32, #tpu.memory_space<vmem_shared>>) dst(%dma_wait3A_119 : memref<640x32xf32, #tpu.memory_space<hbm>>)
        tpu.yield
      }) : () -> ()
      "tpu.region"() ({
        %run_scoped3A = tpu.sem_alloc : memref<!tpu.dma_semaphore, #tpu.memory_space<semaphore_mem>>
        %dma_start3A = tpu.memref_slice %arg8[%arg0, %mul3A_112] : memref<2x50000xf32, #tpu.memory_space<hbm>> -> memref<1x640xf32, #tpu.memory_space<hbm>>
        %dma_start3A_114 = tpu.memref_squeeze %dma_start3A : memref<1x640xf32, #tpu.memory_space<hbm>> -> memref<640xf32, #tpu.memory_space<hbm>>
        %dma_start3A_115 = tpu.memref_slice %arg10[%mul3A_112] : memref<50000xf32, #tpu.memory_space<vmem_shared>> -> memref<640xf32, #tpu.memory_space<vmem_shared>>
        tpu.enqueue_dma source(%dma_start3A_115 : memref<640xf32, #tpu.memory_space<vmem_shared>>) target(%dma_start3A_114 : memref<640xf32, #tpu.memory_space<hbm>>) target_semaphore(%run_scoped3A : memref<!tpu.dma_semaphore, #tpu.memory_space<semaphore_mem>>)
        %dma_wait3A = tpu.memref_slice %arg8[%arg0, %mul3A_112] : memref<2x50000xf32, #tpu.memory_space<hbm>> -> memref<1x640xf32, #tpu.memory_space<hbm>>
        %dma_wait3A_116 = tpu.memref_squeeze %dma_wait3A : memref<1x640xf32, #tpu.memory_space<hbm>> -> memref<640xf32, #tpu.memory_space<hbm>>
        %dma_wait3A_117 = tpu.memref_slice %arg10[%mul3A_112] : memref<50000xf32, #tpu.memory_space<vmem_shared>> -> memref<640xf32, #tpu.memory_space<vmem_shared>>
        tpu.wait_dma2 semaphore(%run_scoped3A : memref<!tpu.dma_semaphore, #tpu.memory_space<semaphore_mem>>) src(%dma_wait3A_117 : memref<640xf32, #tpu.memory_space<vmem_shared>>) dst(%dma_wait3A_116 : memref<640xf32, #tpu.memory_space<hbm>>)
        tpu.yield
      }) : () -> ()
      %while3A_113 = arith.constant 0 : i32
      scf.yield %while3A_113 : i32
    }
    %eq3A_101 = arith.constant 1 : i32
    %eq3A_102 = arith.cmpi eq, %arg1, %eq3A_101 : i32
    %convert_element_type3A_103 = arith.extui %eq3A_102 : i1 to i32
    %cond3A_104 = arith.constant 0 : i32
    %cond3A_105 = arith.cmpi ne, %convert_element_type3A_103, %cond3A_104 : i32
    scf.if %cond3A_105 {
      "tpu.region"() ({
        %run_scoped3A = tpu.sem_alloc : memref<!tpu.dma_semaphore, #tpu.memory_space<semaphore_mem>>
        %dma_start3A = arith.constant 49920 : i32
        %dma_start3A_106 = arith.constant 0 : i32
        %dma_start3A_107 = tpu.memref_slice %arg7[%arg0, %dma_start3A, %dma_start3A_106] : memref<2x50000x32xf32, #tpu.memory_space<hbm>> -> memref<1x80x32xf32, #tpu.memory_space<hbm>>
        %dma_start3A_108 = tpu.memref_squeeze %dma_start3A_107 : memref<1x80x32xf32, #tpu.memory_space<hbm>> -> memref<80x32xf32, #tpu.memory_space<hbm>>
        %dma_start3A_109 = arith.constant 49920 : i32
        %dma_start3A_110 = arith.constant 0 : i32
        %dma_start3A_111 = tpu.memref_slice %arg9[%dma_start3A_109, %dma_start3A_110] : memref<50000x32xf32, #tpu.memory_space<vmem_shared>> -> memref<80x32xf32, #tpu.memory_space<vmem_shared>>
        tpu.enqueue_dma source(%dma_start3A_111 : memref<80x32xf32, #tpu.memory_space<vmem_shared>>) target(%dma_start3A_108 : memref<80x32xf32, #tpu.memory_space<hbm>>) target_semaphore(%run_scoped3A : memref<!tpu.dma_semaphore, #tpu.memory_space<semaphore_mem>>)
        %dma_wait3A = arith.constant 49920 : i32
        %dma_wait3A_112 = arith.constant 0 : i32
        %dma_wait3A_113 = tpu.memref_slice %arg7[%arg0, %dma_wait3A, %dma_wait3A_112] : memref<2x50000x32xf32, #tpu.memory_space<hbm>> -> memref<1x80x32xf32, #tpu.memory_space<hbm>>
        %dma_wait3A_114 = tpu.memref_squeeze %dma_wait3A_113 : memref<1x80x32xf32, #tpu.memory_space<hbm>> -> memref<80x32xf32, #tpu.memory_space<hbm>>
        %dma_wait3A_115 = arith.constant 49920 : i32
        %dma_wait3A_116 = arith.constant 0 : i32
        %dma_wait3A_117 = tpu.memref_slice %arg9[%dma_wait3A_115, %dma_wait3A_116] : memref<50000x32xf32, #tpu.memory_space<vmem_shared>> -> memref<80x32xf32, #tpu.memory_space<vmem_shared>>
        tpu.wait_dma2 semaphore(%run_scoped3A : memref<!tpu.dma_semaphore, #tpu.memory_space<semaphore_mem>>) src(%dma_wait3A_117 : memref<80x32xf32, #tpu.memory_space<vmem_shared>>) dst(%dma_wait3A_114 : memref<80x32xf32, #tpu.memory_space<hbm>>)
        tpu.yield
      }) : () -> ()
      "tpu.region"() ({
        %run_scoped3A = tpu.sem_alloc : memref<!tpu.dma_semaphore, #tpu.memory_space<semaphore_mem>>
        %dma_start3A = arith.constant 49920 : i32
        %dma_start3A_106 = tpu.memref_slice %arg8[%arg0, %dma_start3A] : memref<2x50000xf32, #tpu.memory_space<hbm>> -> memref<1x80xf32, #tpu.memory_space<hbm>>
        %dma_start3A_107 = tpu.memref_squeeze %dma_start3A_106 : memref<1x80xf32, #tpu.memory_space<hbm>> -> memref<80xf32, #tpu.memory_space<hbm>>
        %dma_start3A_108 = arith.constant 49920 : i32
        %dma_start3A_109 = tpu.memref_slice %arg10[%dma_start3A_108] : memref<50000xf32, #tpu.memory_space<vmem_shared>> -> memref<80xf32, #tpu.memory_space<vmem_shared>>
        tpu.enqueue_dma source(%dma_start3A_109 : memref<80xf32, #tpu.memory_space<vmem_shared>>) target(%dma_start3A_107 : memref<80xf32, #tpu.memory_space<hbm>>) target_semaphore(%run_scoped3A : memref<!tpu.dma_semaphore, #tpu.memory_space<semaphore_mem>>)
        %dma_wait3A = arith.constant 49920 : i32
        %dma_wait3A_110 = tpu.memref_slice %arg8[%arg0, %dma_wait3A] : memref<2x50000xf32, #tpu.memory_space<hbm>> -> memref<1x80xf32, #tpu.memory_space<hbm>>
        %dma_wait3A_111 = tpu.memref_squeeze %dma_wait3A_110 : memref<1x80xf32, #tpu.memory_space<hbm>> -> memref<80xf32, #tpu.memory_space<hbm>>
        %dma_wait3A_112 = arith.constant 49920 : i32
        %dma_wait3A_113 = tpu.memref_slice %arg10[%dma_wait3A_112] : memref<50000xf32, #tpu.memory_space<vmem_shared>> -> memref<80xf32, #tpu.memory_space<vmem_shared>>
        tpu.wait_dma2 semaphore(%run_scoped3A : memref<!tpu.dma_semaphore, #tpu.memory_space<semaphore_mem>>) src(%dma_wait3A_113 : memref<80xf32, #tpu.memory_space<vmem_shared>>) dst(%dma_wait3A_111 : memref<80xf32, #tpu.memory_space<hbm>>)
        tpu.yield
      }) : () -> ()
    } else {
    }
    return
  }
}

module attributes {stable_mosaic.version = 14 : i64} {
  func.func @_ee_body(%arg0: i32, %arg1: memref<8x12800xf32, #tpu.memory_space<vmem>>, %arg2: memref<3x6x8xf32, #tpu.memory_space<vmem>>, %arg3: memref<3x1x6xf32, #tpu.memory_space<vmem>>, %arg4: memref<3x12800xf32, #tpu.memory_space<vmem>>) attributes {dimension_semantics = [#tpu.dimension_semantics<arbitrary>], iteration_bounds = array<i64: 125>, scalar_prefetch = 0 : i64, scratch_operands = 0 : i64, tpu.core_type = #tpu.core_type<tc>, window_params = [{transform_indices = @transform_0, window_bounds = array<i64: 8, 12800>}, {pipeline_mode = #tpu.pipeline_mode<synchronous>, transform_indices = @transform_1, window_bounds = array<i64: 3, 6, 8>}, {pipeline_mode = #tpu.pipeline_mode<synchronous>, transform_indices = @transform_2, window_bounds = array<i64: 3, 1, 6>}, {transform_indices = @transform_3, window_bounds = array<i64: 3, 12800>}]} {
    %get3A = arith.constant 0 : index
    %get3A_0 = arith.constant 0 : index
    %get3A_1 = vector.load %arg1[%get3A, %get3A_0] : memref<8x12800xf32, #tpu.memory_space<vmem>>, vector<8x12800xf32>
    %get3A_2 = arith.constant 0 : index
    %get3A_3 = arith.constant 0 : index
    %get3A_4 = arith.constant 0 : index
    %get3A_5 = vector.load %arg2[%get3A_2, %get3A_3, %get3A_4] : memref<3x6x8xf32, #tpu.memory_space<vmem>>, vector<1x6x8xf32>
    %get3A_6 = vector.shape_cast %get3A_5 : vector<1x6x8xf32> to vector<6x8xf32>
    %dot_general3A = arith.constant dense<0.000000e+00> : vector<6x12800xf32>
    %dot_general3A_7 = tpu.matmul %get3A_6, %get3A_1, %dot_general3A {dimension_numbers = #tpu.dot_dimension_numbers<[1], [0], [0], [1], [0, 0, 1, 1], [], []>, precision = #tpu.contract_precision<fp32>, transpose_lhs_hint = false} : vector<6x8xf32>, vector<8x12800xf32>, vector<6x12800xf32> -> vector<6x12800xf32>
    %mul3A = arith.constant 0.00999999977 : f32
    %mul3A_8 = vector.broadcast %mul3A : f32 to vector<6x12800xf32>
    %mul3A_9 = arith.mulf %mul3A_8, %dot_general3A_7 : vector<6x12800xf32>
    %max3A = arith.maximumf %dot_general3A_7, %mul3A_9 : vector<6x12800xf32>
    %get3A_10 = arith.constant 0 : index
    %get3A_11 = arith.constant 0 : index
    %get3A_12 = arith.constant 0 : index
    %get3A_13 = vector.load %arg3[%get3A_10, %get3A_11, %get3A_12] : memref<3x1x6xf32, #tpu.memory_space<vmem>>, vector<1x1x6xf32>
    %get3A_14 = vector.shape_cast %get3A_13 : vector<1x1x6xf32> to vector<1x6xf32>
    %dot_general3A_15 = arith.constant dense<0.000000e+00> : vector<1x12800xf32>
    %dot_general3A_16 = tpu.matmul %get3A_14, %max3A, %dot_general3A_15 {dimension_numbers = #tpu.dot_dimension_numbers<[1], [0], [0], [1], [0, 0, 1, 1], [], []>, precision = #tpu.contract_precision<fp32>, transpose_lhs_hint = false} : vector<1x6xf32>, vector<6x12800xf32>, vector<1x12800xf32> -> vector<1x12800xf32>
    %swap3A = arith.constant 0 : index
    %swap3A_17 = arith.constant 0 : index
    %swap3A_18 = vector.load %arg4[%swap3A, %swap3A_17] : memref<3x12800xf32, #tpu.memory_space<vmem>>, vector<1x12800xf32>
    tpu.vector_store %arg4[%swap3A, %swap3A_17], %dot_general3A_16 {strides = array<i32>} : memref<3x12800xf32, #tpu.memory_space<vmem>>, vector<1x12800xf32>,
    %get3A_19 = arith.constant 1 : index
    %get3A_20 = arith.constant 0 : index
    %get3A_21 = arith.constant 0 : index
    %get3A_22 = vector.load %arg2[%get3A_19, %get3A_20, %get3A_21] : memref<3x6x8xf32, #tpu.memory_space<vmem>>, vector<1x6x8xf32>
    %get3A_23 = vector.shape_cast %get3A_22 : vector<1x6x8xf32> to vector<6x8xf32>
    %dot_general3A_24 = arith.constant dense<0.000000e+00> : vector<6x12800xf32>
    %dot_general3A_25 = tpu.matmul %get3A_23, %get3A_1, %dot_general3A_24 {dimension_numbers = #tpu.dot_dimension_numbers<[1], [0], [0], [1], [0, 0, 1, 1], [], []>, precision = #tpu.contract_precision<fp32>, transpose_lhs_hint = false} : vector<6x8xf32>, vector<8x12800xf32>, vector<6x12800xf32> -> vector<6x12800xf32>
    %mul3A_26 = arith.constant 0.00999999977 : f32
    %mul3A_27 = vector.broadcast %mul3A_26 : f32 to vector<6x12800xf32>
    %mul3A_28 = arith.mulf %mul3A_27, %dot_general3A_25 : vector<6x12800xf32>
    %max3A_29 = arith.maximumf %dot_general3A_25, %mul3A_28 : vector<6x12800xf32>
    %get3A_30 = arith.constant 1 : index
    %get3A_31 = arith.constant 0 : index
    %get3A_32 = arith.constant 0 : index
    %get3A_33 = vector.load %arg3[%get3A_30, %get3A_31, %get3A_32] : memref<3x1x6xf32, #tpu.memory_space<vmem>>, vector<1x1x6xf32>
    %get3A_34 = vector.shape_cast %get3A_33 : vector<1x1x6xf32> to vector<1x6xf32>
    %dot_general3A_35 = arith.constant dense<0.000000e+00> : vector<1x12800xf32>
    %dot_general3A_36 = tpu.matmul %get3A_34, %max3A_29, %dot_general3A_35 {dimension_numbers = #tpu.dot_dimension_numbers<[1], [0], [0], [1], [0, 0, 1, 1], [], []>, precision = #tpu.contract_precision<fp32>, transpose_lhs_hint = false} : vector<1x6xf32>, vector<6x12800xf32>, vector<1x12800xf32> -> vector<1x12800xf32>
    %swap3A_37 = arith.constant 1 : index
    %swap3A_38 = arith.constant 0 : index
    %swap3A_39 = vector.load %arg4[%swap3A_37, %swap3A_38] : memref<3x12800xf32, #tpu.memory_space<vmem>>, vector<1x12800xf32>
    tpu.vector_store %arg4[%swap3A_37, %swap3A_38], %dot_general3A_36 {strides = array<i32>} : memref<3x12800xf32, #tpu.memory_space<vmem>>, vector<1x12800xf32>,
    %get3A_40 = arith.constant 2 : index
    %get3A_41 = arith.constant 0 : index
    %get3A_42 = arith.constant 0 : index
    %get3A_43 = vector.load %arg2[%get3A_40, %get3A_41, %get3A_42] : memref<3x6x8xf32, #tpu.memory_space<vmem>>, vector<1x6x8xf32>
    %get3A_44 = vector.shape_cast %get3A_43 : vector<1x6x8xf32> to vector<6x8xf32>
    %dot_general3A_45 = arith.constant dense<0.000000e+00> : vector<6x12800xf32>
    %dot_general3A_46 = tpu.matmul %get3A_44, %get3A_1, %dot_general3A_45 {dimension_numbers = #tpu.dot_dimension_numbers<[1], [0], [0], [1], [0, 0, 1, 1], [], []>, precision = #tpu.contract_precision<fp32>, transpose_lhs_hint = false} : vector<6x8xf32>, vector<8x12800xf32>, vector<6x12800xf32> -> vector<6x12800xf32>
    %mul3A_47 = arith.constant 0.00999999977 : f32
    %mul3A_48 = vector.broadcast %mul3A_47 : f32 to vector<6x12800xf32>
    %mul3A_49 = arith.mulf %mul3A_48, %dot_general3A_46 : vector<6x12800xf32>
    %max3A_50 = arith.maximumf %dot_general3A_46, %mul3A_49 : vector<6x12800xf32>
    %get3A_51 = arith.constant 2 : index
    %get3A_52 = arith.constant 0 : index
    %get3A_53 = arith.constant 0 : index
    %get3A_54 = vector.load %arg3[%get3A_51, %get3A_52, %get3A_53] : memref<3x1x6xf32, #tpu.memory_space<vmem>>, vector<1x1x6xf32>
    %get3A_55 = vector.shape_cast %get3A_54 : vector<1x1x6xf32> to vector<1x6xf32>
    %dot_general3A_56 = arith.constant dense<0.000000e+00> : vector<1x12800xf32>
    %dot_general3A_57 = tpu.matmul %get3A_55, %max3A_50, %dot_general3A_56 {dimension_numbers = #tpu.dot_dimension_numbers<[1], [0], [0], [1], [0, 0, 1, 1], [], []>, precision = #tpu.contract_precision<fp32>, transpose_lhs_hint = false} : vector<1x6xf32>, vector<6x12800xf32>, vector<1x12800xf32> -> vector<1x12800xf32>
    %swap3A_58 = arith.constant 2 : index
    %swap3A_59 = arith.constant 0 : index
    %swap3A_60 = vector.load %arg4[%swap3A_58, %swap3A_59] : memref<3x12800xf32, #tpu.memory_space<vmem>>, vector<1x12800xf32>
    tpu.vector_store %arg4[%swap3A_58, %swap3A_59], %dot_general3A_57 {strides = array<i32>} : memref<3x12800xf32, #tpu.memory_space<vmem>>, vector<1x12800xf32>,
    return
  }
  func.func @transform_0(%arg0: i32) -> (i32, i32) {
    %c0_i32 = arith.constant 0 : i32
    %c0_i32_0 = arith.constant 0 : i32
    return %c0_i32, %arg0 : i32, i32
  }
  func.func @transform_1(%arg0: i32) -> (i32, i32, i32) {
    %c0_i32 = arith.constant 0 : i32
    %c0_i32_0 = arith.constant 0 : i32
    %c0_i32_1 = arith.constant 0 : i32
    %c0_i32_2 = arith.constant 0 : i32
    return %c0_i32, %c0_i32_0, %c0_i32_1 : i32, i32, i32
  }
  func.func @transform_2(%arg0: i32) -> (i32, i32, i32) {
    %c0_i32 = arith.constant 0 : i32
    %c0_i32_0 = arith.constant 0 : i32
    %c0_i32_1 = arith.constant 0 : i32
    %c0_i32_2 = arith.constant 0 : i32
    return %c0_i32, %c0_i32_0, %c0_i32_1 : i32, i32, i32
  }
  func.func @transform_3(%arg0: i32) -> (i32, i32) {
    %c0_i32 = arith.constant 0 : i32
    %c0_i32_0 = arith.constant 0 : i32
    return %c0_i32, %arg0 : i32, i32
  }
}

module attributes {stable_mosaic.version = 14 : i64} {
  func.func @_prep_body(%arg0: i32, %arg1: memref<5000x32xf32, #tpu.memory_space<vmem>>, %arg2: memref<32x32xf32, #tpu.memory_space<vmem>>, %arg3: memref<32x2xf32, #tpu.memory_space<vmem>>, %arg4: memref<5000x32xf32, #tpu.memory_space<vmem>>, %arg5: memref<5000x2xf32, #tpu.memory_space<vmem>>) attributes {dimension_semantics = [#tpu.dimension_semantics<arbitrary>], iteration_bounds = array<i64: 10>, scalar_prefetch = 0 : i64, scratch_operands = 0 : i64, tpu.core_type = #tpu.core_type<tc>, window_params = [{transform_indices = @transform_0, window_bounds = array<i64: 5000, 32>}, {pipeline_mode = #tpu.pipeline_mode<synchronous>, transform_indices = @transform_1, window_bounds = array<i64: 32, 32>}, {pipeline_mode = #tpu.pipeline_mode<synchronous>, transform_indices = @transform_2, window_bounds = array<i64: 32, 2>}, {transform_indices = @transform_3, window_bounds = array<i64: 5000, 32>}, {transform_indices = @transform_4, window_bounds = array<i64: 5000, 2>}]} {
    %get3A = arith.constant 0 : index
    %get3A_0 = arith.constant 0 : index
    %get3A_1 = vector.load %arg1[%get3A, %get3A_0] : memref<5000x32xf32, #tpu.memory_space<vmem>>, vector<5000x32xf32>
    %get3A_2 = arith.constant 0 : index
    %get3A_3 = arith.constant 0 : index
    %get3A_4 = vector.load %arg2[%get3A_2, %get3A_3] : memref<32x32xf32, #tpu.memory_space<vmem>>, vector<32x32xf32>
    %dot_general3A = arith.constant dense<0.000000e+00> : vector<5000x32xf32>
    %dot_general3A_5 = tpu.matmul %get3A_1, %get3A_4, %dot_general3A {dimension_numbers = #tpu.dot_dimension_numbers<[1], [0], [0], [1], [0, 0, 1, 1], [], []>, precision = #tpu.contract_precision<fp32>, transpose_lhs_hint = false} : vector<5000x32xf32>, vector<32x32xf32>, vector<5000x32xf32> -> vector<5000x32xf32>
    %swap3A = arith.constant 0 : index
    %swap3A_6 = arith.constant 0 : index
    %swap3A_7 = vector.load %arg4[%swap3A, %swap3A_6] : memref<5000x32xf32, #tpu.memory_space<vmem>>, vector<5000x32xf32>
    tpu.vector_store %arg4[%swap3A, %swap3A_6], %dot_general3A_5 {strides = array<i32>} : memref<5000x32xf32, #tpu.memory_space<vmem>>, vector<5000x32xf32>,
    %get3A_8 = arith.constant 0 : index
    %get3A_9 = arith.constant 0 : index
    %get3A_10 = vector.load %arg3[%get3A_8, %get3A_9] : memref<32x2xf32, #tpu.memory_space<vmem>>, vector<32x2xf32>
    %dot_general3A_11 = arith.constant dense<0.000000e+00> : vector<5000x2xf32>
    %dot_general3A_12 = tpu.matmul %dot_general3A_5, %get3A_10, %dot_general3A_11 {dimension_numbers = #tpu.dot_dimension_numbers<[1], [0], [0], [1], [0, 0, 1, 1], [], []>, precision = #tpu.contract_precision<fp32>, transpose_lhs_hint = false} : vector<5000x32xf32>, vector<32x2xf32>, vector<5000x2xf32> -> vector<5000x2xf32>
    %swap3A_13 = arith.constant 0 : index
    %swap3A_14 = arith.constant 0 : index
    %swap3A_15 = vector.load %arg5[%swap3A_13, %swap3A_14] : memref<5000x2xf32, #tpu.memory_space<vmem>>, vector<5000x2xf32>
    tpu.vector_store %arg5[%swap3A_13, %swap3A_14], %dot_general3A_12 {strides = array<i32>} : memref<5000x2xf32, #tpu.memory_space<vmem>>, vector<5000x2xf32>,
    return
  }
  func.func @transform_0(%arg0: i32) -> (i32, i32) {
    %c0_i32 = arith.constant 0 : i32
    %c0_i32_0 = arith.constant 0 : i32
    return %arg0, %c0_i32 : i32, i32
  }
  func.func @transform_1(%arg0: i32) -> (i32, i32) {
    %c0_i32 = arith.constant 0 : i32
    %c0_i32_0 = arith.constant 0 : i32
    %c0_i32_1 = arith.constant 0 : i32
    return %c0_i32, %c0_i32_0 : i32, i32
  }
  func.func @transform_2(%arg0: i32) -> (i32, i32) {
    %c0_i32 = arith.constant 0 : i32
    %c0_i32_0 = arith.constant 0 : i32
    %c0_i32_1 = arith.constant 0 : i32
    return %c0_i32, %c0_i32_0 : i32, i32
  }
  func.func @transform_3(%arg0: i32) -> (i32, i32) {
    %c0_i32 = arith.constant 0 : i32
    %c0_i32_0 = arith.constant 0 : i32
    return %arg0, %c0_i32 : i32, i32
  }
  func.func @transform_4(%arg0: i32) -> (i32, i32) {
    %c0_i32 = arith.constant 0 : i32
    %c0_i32_0 = arith.constant 0 : i32
    return %arg0, %c0_i32 : i32, i32
  }
}

module attributes {stable_mosaic.version = 14 : i64} {
  func.func @_post_body(%arg0: i32, %arg1: memref<2x5000x32xf32, #tpu.memory_space<vmem>>, %arg2: memref<5000x2xf32, #tpu.memory_space<vmem>>, %arg3: memref<1x32xf32, #tpu.memory_space<vmem>>, %arg4: memref<5000x32xf32, #tpu.memory_space<vmem>>, %arg5: memref<5000x32xf32, #tpu.memory_space<vmem>>) attributes {dimension_semantics = [#tpu.dimension_semantics<arbitrary>], iteration_bounds = array<i64: 10>, scalar_prefetch = 0 : i64, scratch_operands = 0 : i64, tpu.core_type = #tpu.core_type<tc>, window_params = [{transform_indices = @transform_0, window_bounds = array<i64: 2, 5000, 32>}, {transform_indices = @transform_1, window_bounds = array<i64: 5000, 2>}, {pipeline_mode = #tpu.pipeline_mode<synchronous>, transform_indices = @transform_2, window_bounds = array<i64: 1, 32>}, {transform_indices = @transform_3, window_bounds = array<i64: 5000, 32>}, {transform_indices = @transform_4, window_bounds = array<i64: 5000, 32>}]} {
    %get3A = arith.constant 0 : index
    %get3A_0 = arith.constant 0 : index
    %get3A_1 = vector.load %arg2[%get3A, %get3A_0] : memref<5000x2xf32, #tpu.memory_space<vmem>>, vector<5000x2xf32>
    %reduce_sum3A = arith.constant dense<0.000000e+00> : vector<5000xf32>
    %reduce_sum3A_2 = vector.multi_reduction <add>, %get3A_1, %reduce_sum3A [1] : vector<5000x2xf32> to vector<5000xf32>
    %broadcast_in_dim3A = vector.shape_cast %reduce_sum3A_2 : vector<5000xf32> to vector<5000x1xf32>
    %add3A = arith.constant 1.000000e-16 : f32
    %add3A_3 = vector.broadcast %add3A : f32 to vector<5000x1xf32>
    %add3A_4 = arith.addf %broadcast_in_dim3A, %add3A_3 : vector<5000x1xf32>
    %div3A = arith.constant 1.000000e+00 : f32
    %div3A_5 = vector.broadcast %div3A : f32 to vector<5000x1xf32>
    %div3A_6 = arith.divf %div3A_5, %add3A_4 : vector<5000x1xf32>
    %get3A_7 = arith.constant 0 : index
    %get3A_8 = arith.constant 0 : index
    %get3A_9 = arith.constant 0 : index
    %get3A_10 = vector.load %arg1[%get3A_7, %get3A_8, %get3A_9] : memref<2x5000x32xf32, #tpu.memory_space<vmem>>, vector<1x5000x32xf32>
    %get3A_11 = vector.shape_cast %get3A_10 : vector<1x5000x32xf32> to vector<5000x32xf32>
    %get3A_12 = arith.constant 1 : index
    %get3A_13 = arith.constant 0 : index
    %get3A_14 = arith.constant 0 : index
    %get3A_15 = vector.load %arg1[%get3A_12, %get3A_13, %get3A_14] : memref<2x5000x32xf32, #tpu.memory_space<vmem>>, vector<1x5000x32xf32>
    %get3A_16 = vector.shape_cast %get3A_15 : vector<1x5000x32xf32> to vector<5000x32xf32>
    %add3A_17 = arith.addf %get3A_11, %get3A_16 : vector<5000x32xf32>
    %mul3A = vector.broadcast %div3A_6 : vector<5000x1xf32> to vector<5000x32xf32>
    %mul3A_18 = arith.mulf %add3A_17, %mul3A : vector<5000x32xf32>
    %get3A_19 = arith.constant 0 : index
    %get3A_20 = arith.constant 0 : index
    %get3A_21 = vector.load %arg3[%get3A_19, %get3A_20] : memref<1x32xf32, #tpu.memory_space<vmem>>, vector<1x32xf32>
    %add3A_22 = vector.broadcast %get3A_21 : vector<1x32xf32> to vector<5000x32xf32>
    %add3A_23 = arith.addf %mul3A_18, %add3A_22 : vector<5000x32xf32>
    %gt3A = arith.constant 0.000000e+00 : f32
    %gt3A_24 = vector.broadcast %gt3A : f32 to vector<5000x32xf32>
    %gt3A_25 = arith.cmpf ogt, %add3A_23, %gt3A_24 : vector<5000x32xf32>
    %min3A = arith.constant 0.000000e+00 : f32
    %min3A_26 = vector.broadcast %min3A : f32 to vector<5000x32xf32>
    %min3A_27 = arith.minimumf %add3A_23, %min3A_26 : vector<5000x32xf32>
    %exp3A = math.exp %min3A_27 : vector<5000x32xf32>
    %sub3A = arith.constant 1.000000e+00 : f32
    %sub3A_28 = vector.broadcast %sub3A : f32 to vector<5000x32xf32>
    %sub3A_29 = arith.subf %exp3A, %sub3A_28 : vector<5000x32xf32>
    %select_n3A = arith.select %gt3A_25, %add3A_23, %sub3A_29 : vector<5000x32xi1>, vector<5000x32xf32>
    %get3A_30 = arith.constant 0 : index
    %get3A_31 = arith.constant 0 : index
    %get3A_32 = vector.load %arg4[%get3A_30, %get3A_31] : memref<5000x32xf32, #tpu.memory_space<vmem>>, vector<5000x32xf32>
    %add3A_33 = arith.addf %get3A_32, %select_n3A : vector<5000x32xf32>
    %swap3A = arith.constant 0 : index
    %swap3A_34 = arith.constant 0 : index
    %swap3A_35 = vector.load %arg5[%swap3A, %swap3A_34] : memref<5000x32xf32, #tpu.memory_space<vmem>>, vector<5000x32xf32>
    tpu.vector_store %arg5[%swap3A, %swap3A_34], %add3A_33 {strides = array<i32>} : memref<5000x32xf32, #tpu.memory_space<vmem>>, vector<5000x32xf32>,
    return
  }
  func.func @transform_0(%arg0: i32) -> (i32, i32, i32) {
    %c0_i32 = arith.constant 0 : i32
    %c0_i32_0 = arith.constant 0 : i32
    %c0_i32_1 = arith.constant 0 : i32
    return %c0_i32, %arg0, %c0_i32_0 : i32, i32, i32
  }
  func.func @transform_1(%arg0: i32) -> (i32, i32) {
    %c0_i32 = arith.constant 0 : i32
    %c0_i32_0 = arith.constant 0 : i32
    return %arg0, %c0_i32 : i32, i32
  }
  func.func @transform_2(%arg0: i32) -> (i32, i32) {
    %c0_i32 = arith.constant 0 : i32
    %c0_i32_0 = arith.constant 0 : i32
    %c0_i32_1 = arith.constant 0 : i32
    return %c0_i32, %c0_i32_0 : i32, i32
  }
  func.func @transform_3(%arg0: i32) -> (i32, i32) {
    %c0_i32 = arith.constant 0 : i32
    %c0_i32_0 = arith.constant 0 : i32
    return %arg0, %c0_i32 : i32, i32
  }
  func.func @transform_4(%arg0: i32) -> (i32, i32) {
    %c0_i32 = arith.constant 0 : i32
    %c0_i32_0 = arith.constant 0 : i32
    return %arg0, %c0_i32 : i32, i32
  }
}

</mosaic_0001>

<sc_bundles>
// kernel: kernel.12.cloned.1.call-start
scs
__scs_entry_jumppad:
0x0: {  	(pc) =	sbr.rel $0x88, $3  }
0x1: {  	(tag) =	ssettag $0x0;
	lr =	simm.s32 $0x1  }
0x2: {  	[smem:$0x3F86] =	sst lr;
	_ =	strace $0xD0000000  }
0x3: {  	_ = 	snop  }
0x4: {  	_ = 	snop  }
0x5: {  	_ = 	snop  }
0x6: {  	_ = 	snop  }
0x7: {  	_ = 	snop  }
__scs_overlays_trampoline_lowered:
0x8: {  	[smem:$0x3F95] =	sst s0  }
0x9: {  	[smem:$0x3F96] =	sst s1  }
0xa: {  	[smem:$0x3F97] =	sst s2  }
0xb: {  	[smem:$0x3F98] =	sst s3  }
0xc: {  	[smem:$0x3F99] =	sst s4  }
0xd: {  	[smem:$0x3F9A] =	sst s5  }
0xe: {  	[smem:$0x3F9B] =	sst s6  }
0xf: {  	[smem:$0x3F9C] =	sst s7  }
0x10: {  	[smem:$0x3F9D] =	sst s8  }
0x11: {  	[smem:$0x3F9E] =	sst s9;
	s0 =	simm.s32 @!p0 $0x0  }
0x12: {  	s1 =	sld [smem:$0x3F84];
	s0 =	simm.s32 @p0 $0x1  }
0x13: {  	[smem:$0x3F9F] =	sst s0;
	s0 =	simm.s32 @!p1 $0x0  }
0x14: {  	s2 =	sld [smem:$0x3F83];
	s0 =	simm.s32 @p1 $0x1  }
0x15: {  	[smem:$0x3FA0] =	sst s0;
	s0 =	simm.s32 @!p2 $0x0  }
0x16: {  	s3 =	sld [smem:$0x3FDB];
	s0 =	simm.s32 @p2 $0x1  }
0x17: {  	s4 =	simm.s32 $0x1BF5;
	[smem:$0x3FA2] =	sst s0  }
0x18: {  	s0 =	sld [smem:$0x3F85];
	_ =	swait.ge [sflag:s4], $0x0  }
0x19: {  	s7 =	sld [smem:$0x3F86]  }
0x1a: {  	s8 =	sadd.s32 $0xFFFFE003, lr  }
0x1b: {  	s9 =	sadd.s32 $0xFFFFFEF7, lr;
	s5 =	simm.s32 $0xFFFFFFFF;
	p2 =	slt.u32 s8, $0xFFFFF086  }
0x1c: {  	p1 =	slt.u32 s9, $0xF7A;
	s5 =	simm.s32 @!p2 $0x0  }
0x1d: {  	s5 =	simm.s32 @p1 $0x1;
	p0 =	seq.s32 s7, s2  }
0x1e: {  	s7 =	smul.u32 @!p0 $0xF7A, s2;
	p2 =	seq.s32 @!p0 s5, $0x0  }
0x1f: {  	s9 =	smul.u32 $0xF7A, s1;
	s8 =	simm.s32 @!p0 $0x1BF5;
	p2 =	por !p2, p0  }
0x20: {  	[sflag:s8] =	ssyncset.s32 @!p0 $0xFFFFF086;
	s6 =	sadd.s32 @!p0 s3, s7;
	s7 =	simm.s32 @!p0 $0x108  }
0x21: {  	s3 =	sadd.s32 s3, s9;
	s6 =	sadd.s32 @!p0 $0x88, s6;
	s7 =	simm.s32 @p2 $0x1082  }
0x22: {  	[simem:s7], [sflag:s8] =	dma.local @!p0 [hbm:s6], $0xF7A  }
0x23: {  	s9 =	sor.u32 $0xD0000000, s2;
	s6 =	simm.s32 $0x108;
	_ =	swait.ge @!p0 [sflag:s8], $0x0  }
0x24: {  	s3 =	sadd.s32 $0x88, s3;
	s6 =	simm.s32 @!p1 $0x1082;
	[sflag:s4] =	ssyncset.s32 $0xFFFFF086  }
0x25: {  	[simem:s6], [sflag:s4] =	dma.local [hbm:s3], $0xF7A  }
0x26: {  	[smem:$0x3F86] =	sst s1;
	(tag) =	ssettag s2;
	_ =	strace s9  }
0x27: {  	s1 =	sld [smem:$0x3F96]  }
0x28: {  	s2 =	sld [smem:$0x3F97]  }
0x29: {  	s4 =	sld [smem:$0x3F99]  }
0x2a: {  	p0 =	seq.s32 s5, $0x0;
	s5 =	sld [smem:$0x3F9A]  }
0x2b: {  	s6 =	sld [smem:$0x3F9B]  }
0x2c: {  	s7 =	sld [smem:$0x3F9C]  }
0x2d: {  	s3 =	simm.s32 $0x108;
	s8 =	sld [smem:$0x3F9D]  }
0x2e: {  	s3 =	simm.s32 @!p0 $0x1082;
	s9 =	sld [smem:$0x3F9E]  }
0x2f: {  	lr =	sadd.s32 s0, s3;
	s0 =	sld [smem:$0x3F95]  }
0x30: {  	s3 =	sld [smem:$0x3F98]  }
0x31: {  	[smem:$0x3FA1] =	sst s10  }
0x32: {  	s10 =	sld [smem:$0x3F9F];
	_ =	sdelay $0x3  }
0x33: {  	p0 =	seq.s32 s10, $0x1;
	s10 =	sld [smem:$0x3FA1];
	_ =	sdelay $0x3  }
0x34: {  	[smem:$0x3FA1] =	sst s10  }
0x35: {  	s10 =	sld [smem:$0x3FA0];
	_ =	sdelay $0x3  }
0x36: {  	p1 =	seq.s32 s10, $0x1;
	s10 =	sld [smem:$0x3FA1];
	_ =	sdelay $0x3  }
0x37: {  	[smem:$0x3FA1] =	sst s10  }
0x38: {  	s10 =	sld [smem:$0x3FA2]  }
0x39: {  	_ = 	snop;
	(pc) =	sbr.ind lr, $3  }
0x3a: {  	_ = 	snop  }
0x3b: {  	_ = 	snop  }
0x3c: {  	p2 =	seq.s32 s10, $0x1;
	s10 =	sld [smem:$0x3FA1]  }
0x3d: {  	_ =	shalt  }
0x3e: {  	_ =	shalt  }
0x3f: {  	_ =	shalt  }
0x40: {  	_ =	shalt  }
0x41: {  	_ =	shalt  }
0x42: {  	_ =	shalt  }
0x43: {  	_ =	shalt  }
0x44: {  	_ =	shalt  }
0x45: {  	_ =	shalt  }
0x46: {  	_ =	shalt  }
0x47: {  	_ =	shalt  }
0x48: {  	_ =	shalt  }
0x49: {  	_ =	shalt  }
0x4a: {  	_ =	shalt  }
0x4b: {  	_ =	shalt  }
0x4c: {  	_ =	shalt  }
0x4d: {  	_ =	shalt  }
0x4e: {  	_ =	shalt  }
0x4f: {  	_ =	shalt  }
0x50: {  	_ =	shalt  }
0x51: {  	_ =	shalt  }
0x52: {  	_ =	shalt  }
0x53: {  	_ =	shalt  }
0x54: {  	_ =	shalt  }
0x55: {  	_ =	shalt  }
0x56: {  	_ =	shalt  }
0x57: {  	_ =	shalt  }
0x58: {  	_ =	shalt  }
0x59: {  	_ =	shalt  }
0x5a: {  	_ =	shalt  }
0x5b: {  	_ =	shalt  }
0x5c: {  	_ =	shalt  }
0x5d: {  	_ =	shalt  }
0x5e: {  	_ =	shalt  }
0x5f: {  	_ =	shalt  }
0x60: {  	_ =	shalt  }
0x61: {  	_ =	shalt  }
0x62: {  	_ =	shalt  }
0x63: {  	_ =	shalt  }
0x64: {  	_ =	shalt  }
0x65: {  	_ =	shalt  }
0x66: {  	_ =	shalt  }
0x67: {  	_ =	shalt  }
0x68: {  	_ =	shalt  }
0x69: {  	_ =	shalt  }
0x6a: {  	_ =	shalt  }
0x6b: {  	_ =	shalt  }
0x6c: {  	_ =	shalt  }
0x6d: {  	_ =	shalt  }
0x6e: {  	_ =	shalt  }
0x6f: {  	_ =	shalt  }
0x70: {  	_ =	shalt  }
0x71: {  	_ =	shalt  }
0x72: {  	_ =	shalt  }
0x73: {  	_ =	shalt  }
0x74: {  	_ =	shalt  }
0x75: {  	_ =	shalt  }
0x76: {  	_ =	shalt  }
0x77: {  	_ =	shalt  }
0x78: {  	_ =	shalt  }
0x79: {  	_ =	shalt  }
0x7a: {  	_ =	shalt  }
0x7b: {  	_ =	shalt  }
0x7c: {  	_ =	shalt  }
0x7d: {  	_ =	shalt  }
0x7e: {  	_ =	shalt  }
0x7f: {  	_ =	shalt  }
0x80: {  	_ =	shalt  }
0x81: {  	_ =	shalt  }
0x82: {  	_ =	shalt  }
0x83: {  	_ =	shalt  }
0x84: {  	_ =	shalt  }
0x85: {  	_ =	shalt  }
0x86: {  	_ =	shalt  }
0x87: {  	_ =	shalt  }
.Lfunc_end0:
.L_simem_size_0:
called_computation_lowered:
.L_overlay_start_0:
0x88: {  	s2 =	sld [smem:$0x3FD9]  }
0x89: {  	s3 =	sld [smem:$0x3FFE];
	_ =	sdelay $0x1  }
0x8a: {  	s1 =	srdreg.scid  }
0x8b: {  	s0 =	sand.u32 $0x1, s1  }
0x8c: {  	s17 =	sshll.u32 s0, $0xA;
	s2 =	sadd.s32 s3, s2  }
0x8d: {  	s2 =	sadd.s32 s2, s17  }
0x8e: {  	[smem:$0x3FAD] =	sst s2  }
0x8f: {  	_ = 	snop  }
0x90: {  	s2 =	sld [smem:$0x3FD0];
	(tm) =	ssettm $0x1  }
0x91: {  	s18 =	sld [smem:$0x3FFB];
	_ =	sdelay $0x3  }
0x92: {  	_ =	strace s18  }
0x93: {  	s3 =	sld [smem:$0x3FFC];
	_ =	sdelay $0x3  }
0x94: {  	_ =	strace s3  }
0x95: {  	s3 =	sld [smem:$0x3FFD];
	_ =	sdelay $0x3  }
0x96: {  	_ =	strace s3  }
0x97: {  	_ =	strace $0x8FFFFFFF  }
0x98: {  	s19 =	sld [smem:$0x3FDB];
	_ =	sdelay $0x1  }
0x99: {  	s4 =	simm.s32 $_scs_section_size  }
0x9a: {  	s5 =	simm.s32 $_size__tile_overlayer_lowered;
	s6 =	simm.s32 $_tile_overlayer_lowered  }
0x9b: {  	s22 =	simm.s32 $0x1BFF;
	s21 =	sshll.u32 s6, $0x1;
	s3 =	sadd.s32 s4, s19  }
0x9c: {  	s7 =	simm.s32 $0x0;
	s20 =	sshll.u32 s5, $0x1;
	s5 =	sadd.s32 s21, s3  }
0x9d: {  	[timem:s7], [sflag:s22] =	dma.local [hbm:s5], s20  }
0x9e: {  	_ =	swait.ge [sflag:s22], s20  }
0x9f: {  	s4 =	ssub.s32 $0x0, s20;
	[sflag:s22] =	ssyncset.done $0x0  }
0xa0: {  	[sflag:s22] =	ssyncadd.s32 s4;
	_ =	sdelay $0x1  }
0xa1: {  	s23 =	simm.s32 $0x1B8B  }
0xa2: {  	_ =	swait.ge [sflag:s23], $0x1  }
0xa3: {  	[sflag:s23] =	ssyncset.done $0x0  }
0xa4: {  	s25 =	simm.s32 $0x1B8E;
	s24 =	sld [smem:$0x3FFE];
	[sflag:s23] =	ssyncadd.s32 $0xFFFFFFFF  }
0xa5: {  	s26 =	simm.s32 $execute0_lowered;
	[smem:$0x3FD2] =	sst s25  }
0xa6: {  	s5 =	sshll.u32 s26, $0x1;
	_ =	strace $0x80000046;
	[dreg:$0x1] =	wrdreg $0xFFFFFFFF  }
0xa7: {  	s28 =	simm.s32 $_size_execute0_lowered;
	s3 =	sadd.s32 s3, s5;
	[dreg:$0x0] =	wrdreg $0x0  }
0xa8: {  	s5 =	sshll.u32 s28, $0x1;
	[dreg:$0x2] =	wrdreg s3  }
0xa9: {  	[dreg:$0x3] =	wrdreg s5  }
0xaa: {  	[dreg:$0x4] =	wrdreg $0xC0  }
0xab: {  	_ =	task [dreg:s7], $0x5FFFF  }
0xac: {  	[dreg:$0x1] =	wrdreg $0xFFFFFFFF  }
0xad: {  	[dreg:$0x0] =	wrdreg $0x60  }
0xae: {  	[dreg:$0x2] =	wrdreg s24  }
0xaf: {  	[dreg:$0x3] =	wrdreg s2  }
0xb0: {  	[dreg:$0x4] =	wrdreg $0x0  }
0xb1: {  	[dreg:$0x5] =	wrdreg $0x186A00  }
0xb2: {  	[dreg:$0x6] =	wrdreg $0x9  }
0xb3: {  	_ =	task.clear_ibuf [dreg:s7], $0x7FFFF;
	_ =	strace $0x90000046  }
0xb4: {  	s29 =	simm.s32 $0x9;
	_ =	strace $0x80000048  }
0xb5: {  	_ =	swait.ge [sflag:s29], $0x1  }
0xb6: {  	[sflag:s29] =	ssyncadd.s32 $0xFFFFFFFF  }
0xb7: {  	_ =	strace $0x90000048  }
0xb8: {  	_ =	sfence  }
0xb9: {  	s30 =	sld [smem:$0x0];
	_ =	sdelay $0x2  }
0xba: {  	s31 =	sshll.u32 s1, $0xD;
	s1 =	sshrl.u32 s1, $0x2  }
0xbb: {  	s3 =	sand.u32 $0x4000, s31;
	s1 =	sadd.s32 s1, s30  }
0xbc: {  	s0 =	sor.u32 s3, s0;
	s1 =	sshll.u32 s1, $0x11  }
0xbd: {  	s0 =	sor.u32 s1, s0  }
0xbe: {  	s0 =	sadd.s32 $0x8F2B, s0  }
0xbf: {  	[sflag:s0] =	ssyncadd.remote.s32 $0x1  }
0xc0: {  	_ =	sfence.sel $0xFFFF  }
0xc1: {  	[dreg:$0x0] =	wrdreg $0xFFFFFFFF;
	(pc) =	sbr.abs _section_cstart, $3  }
0xc2: {  	[dreg:$0x1] =	wrdreg $0xFFFFFFFF  }
0xc3: {  	_ =	task.clear_ibuf [dreg:s7], $0x2FFFF;
	_ =	strace $0x9FFFFFFF  }
0xc4: {  	(tm) =	ssettm $0x7FFFFFFF  }
0xc5: {  	_ =	shalt  }
tec
execute0_lowered:
.L_overlay_start_1:
0x0: {  	(tag) =	ssettag $0x1  }
0x1: {  	s0 =	rddreg [dreg:$0x0]  }
0x2: {  	s1 =	rddreg [dreg:$0x1]  }
0x3: {  	s2 =	rddreg [dreg:$0x2]  }
0x4: {  	s3 =	rddreg [dreg:$0x3];
	s4 =	simm.s32 $0x0;
	s8 =	srdreg.scid  }
0x5: {  	s18 =	stileid.u32;
	s28 =	simm.s32 $0x197D8;
	s30 =	simm.s32 $0x280  }
0x6: {  	s31 =	simm.s32 $0x19A58;
	[smem:$0x7FF] =	sst s4;
	s5 =	sadd.s32 $0x3800, s0  }
0x7: {  	s29 =	simm.s32 $0x1;
	s6 =	sadd.s32 $0x312C00, s0;
	s7 =	sadd.s32 $0x311200, s0  }
0x8: {  	s8 =	sand.u32 $0x1, s8;
	s9 =	sadd.s32 $0x18A600, s0;
	s10 =	sadd.s32 $0x1BB400, s0  }
0x9: {  	s0 =	sadd.s32 $0x21D000, s0;
	s19 =	sshll.u32 s18, $0x1;
	s13 =	ssub.s32 $0x4D, s18  }
0xa: {  	s20 =	sadd.s32 $0x186000, s2;
	s21 =	sadd.s32 $0xC300, s3;
	s25 =	smul.u32 $0x14000, s18  }
0xb: {  	p0 =	sne.s32 s18, $0x1;
	_ =	strace $0x80000047;
	s14 =	smul.u32 $0x186A00, s8  }
0xc: {  	s11 =	ssub.s32 $0x2, s8;
	s16 =	smul.u32 $0xC350, s8;
	[dreg:$0x5] =	wrdreg s20  }
0xd: {  	s17 =	sshrl.u32 s13, $0x4;
	[dreg:$0x6] =	wrdreg s21;
	s12 =	sshrl.u32 s11, $0x1  }
0xe: {  	s11 =	ssub.s32 s11, s12;
	s15 =	sshrl.u32 s14, $0x3;
	s23 =	sshrl.u32 s16, $0x3  }
0xf: {  	s22 =	sadd.s32 s10, s15;
	s24 =	sadd.s32 s0, s23;
	s11 =	smax.u32 s11, $0x1  }
0x10: {  	s23 =	sadd.s32 $0x1, s17;
	s13 =	sadd.s32 $0x30C00, s22;
	[dreg:$0x9] =	wrdreg s11  }
0x11: {  	s26 =	sadd.s32 $0x1860, s24;
	s22 =	smul.u32 $0x5000, s18;
	[dreg:$0xa] =	wrdreg s23  }
0x12: {  	s24 =	smul.u32 $0xA00, s18;
	s23 =	simm.s32 $0x3;
	[dreg:$0x7] =	wrdreg s13  }
0x13: {  	s13 =	sor.u32 s19, s8;
	[dreg:$0x8] =	wrdreg s26;
	s8 =	sshrl.u32 s25, $0x2  }
0x14: {  	s19 =	smul.u32 $0x280, s18;
	s15 =	ssub.s32 $0x9C3, s13;
	s8 =	sadd.s32 s8, s2  }
0x15: {  	s11 =	sadd.s32 s22, s14;
	s12 =	sshrl.u32 s24, $0x2;
	s22 =	simm.s32 $0x1A1D8  }
0x16: {  	s24 =	simm.s32 $0x19F58;
	s15 =	sshrl.u32 s15, $0x5;
	[dreg:$0xb] =	wrdreg s8  }
0x17: {  	s25 =	sadd.s32 s19, s16;
	s11 =	sshrl.u32 s11, $0x3;
	s19 =	sadd.s32 s12, s3  }
0x18: {  	s8 =	sshrl.u32 s25, $0x3;
	s26 =	sadd.s32 s11, s10;
	s25 =	simm.s32 $0x192D8  }
0x19: {  	v1 =	vlaneseq.u32;
	s0 =	sadd.s32 s8, s0;
	[dreg:$0xd] =	wrdreg s26;
	s26 =	simm.s32 $0x19558  }
0x1a: {  	v0 =	vimm.f32 $0.0e+00;
	v1 =	vmul.u32 $0x20, v1;
	s8 =	simm.s32 $0x2;
	[dreg:$0xc] =	wrdreg s0;
	s0 =	simm.s32 $0x19CD8  }
.LBB2_1:
0x1b: {  	s10 =	simm.s32 $0x80;
	s11 =	simm.s32 $0x0  }
.LBB2_2:
0x1c: {  	p1 =	sne.s32 s10, $0x13F80;
	[tilespmem:s11+$0x1A1D8] =	vst v0;
	s12 =	smov.u32 s10;
	s10 =	sadd.s32 $0x80, s10  }
.Ltmp0:
0x1d: {  	[tilespmem:s11+$0x1A1E8] =	vst v0;
	(pc) =	sbr.rel @p1 .LBB2_2-.Ltmp0, $2  }
0x1e: {  	_ =	sdelay $0x2  }
0x1f: {  	s11 =	sshra.s32 s12, $0x2  }
0x20: {  	[tilespmem:s11+$0x1A1D8] =	vst v0  }
0x21: {  	[tilespmem:s11+$0x1A1E8] =	vst v0  }
0x22: {  	[tilespmem:$0x19F58] =	vst v0  }
0x23: {  	[tilespmem:$0x19F68] =	vst v0  }
0x24: {  	[tilespmem:$0x19F78] =	vst v0  }
0x25: {  	[tilespmem:$0x19F88] =	vst v0  }
0x26: {  	[tilespmem:$0x19F98] =	vst v0  }
0x27: {  	[tilespmem:$0x19FA8] =	vst v0  }
0x28: {  	[tilespmem:$0x19FB8] =	vst v0  }
0x29: {  	[tilespmem:$0x19FC8] =	vst v0  }
0x2a: {  	[tilespmem:$0x19FD8] =	vst v0  }
0x2b: {  	[tilespmem:$0x19FE8] =	vst v0  }
0x2c: {  	[tilespmem:$0x19FF8] =	vst v0  }
0x2d: {  	[tilespmem:$0x1A008] =	vst v0  }
0x2e: {  	[tilespmem:$0x1A018] =	vst v0  }
0x2f: {  	[tilespmem:$0x1A028] =	vst v0  }
0x30: {  	[tilespmem:$0x1A038] =	vst v0  }
0x31: {  	[tilespmem:$0x1A048] =	vst v0  }
0x32: {  	[tilespmem:$0x1A058] =	vst v0  }
0x33: {  	[tilespmem:$0x1A068] =	vst v0  }
0x34: {  	[tilespmem:$0x1A078] =	vst v0  }
0x35: {  	[tilespmem:$0x1A088] =	vst v0  }
0x36: {  	[tilespmem:$0x1A098] =	vst v0  }
0x37: {  	[tilespmem:$0x1A0A8] =	vst v0  }
0x38: {  	[tilespmem:$0x1A0B8] =	vst v0  }
0x39: {  	[tilespmem:$0x1A0C8] =	vst v0  }
0x3a: {  	[tilespmem:$0x1A0D8] =	vst v0  }
0x3b: {  	[tilespmem:$0x1A0E8] =	vst v0  }
0x3c: {  	[tilespmem:$0x1A0F8] =	vst v0  }
0x3d: {  	[tilespmem:$0x1A108] =	vst v0  }
0x3e: {  	[tilespmem:$0x1A118] =	vst v0  }
0x3f: {  	[tilespmem:$0x1A128] =	vst v0  }
0x40: {  	[tilespmem:$0x1A138] =	vst v0  }
0x41: {  	[tilespmem:$0x1A148] =	vst v0  }
0x42: {  	[tilespmem:$0x1A158] =	vst v0  }
0x43: {  	[tilespmem:$0x1A168] =	vst v0  }
0x44: {  	[tilespmem:$0x1A178] =	vst v0  }
0x45: {  	[tilespmem:$0x1A188] =	vst v0  }
0x46: {  	[tilespmem:$0x1A198] =	vst v0  }
0x47: {  	[tilespmem:$0x1A1A8] =	vst v0  }
0x48: {  	[tilespmem:$0x1A1B8] =	vst v0  }
0x49: {  	s11 =	rddreg [dreg:$0xb];
	[tilespmem:$0x1A1C8] =	vst v0  }
0x4a: {  	[spmem:s11] =	stream.linear.scatter [tilespmem:s22], [sflag:$0x3], $0x5000, $0x38;
	[tilespmem:$0x1F1D8] =	vst v63  }
0x4b: {  	_ =	swait.ge [sflag:s23], $0x5000  }
0x4c: {  	s10 =	rddreg [dreg:$0xa]  }
0x4d: {  	p1 =	sne.s32 s10, $0x1  }
.Ltmp1:
0x4e: {  	[sflag:s23] =	ssyncset.done $0x0;
	(pc) =	sbr.rel @!p1 .LBB2_5-.Ltmp1, $4  }
0x4f: {  	[sflag:s23] =	ssyncadd.s32 $0xFFFFB000  }
0x50: {  	[spmem:s19] =	stream.linear.scatter [tilespmem:s24], [sflag:$0x3], $0x280, $0x38;
	[tilespmem:$0x1F1D8] =	vst v63  }
0x51: {  	_ =	swait.ge [sflag:s23], $0x280  }
0x52: {  	s12 =	smov.u32 s19;
	s10 =	sadd.s32 $0xFFFFFFFF, s10;
	[sflag:s23] =	ssyncset.done $0x0  }
.LBB2_4:
0x53: {  	[sflag:s23] =	ssyncadd.s32 $0xFFFFFD80;
	s11 =	sadd.s32 $0x50000, s11;
	s12 =	sadd.s32 $0x2800, s12  }
0x54: {  	[spmem:s11] =	stream.linear.scatter [tilespmem:s22], [sflag:$0x3], $0x5000, $0x38;
	[tilespmem:$0x1F1D8] =	vst v63  }
0x55: {  	p2 =	sne.s32 s10, $0x1;
	s10 =	sadd.s32 $0xFFFFFFFF, s10;
	_ =	swait.ge [sflag:s23], $0x5000  }
.Ltmp2:
0x56: {  	[sflag:s23] =	ssyncset.done $0x0;
	(pc) =	sbr.rel @p2 .LBB2_4-.Ltmp2, $4  }
0x57: {  	[sflag:s23] =	ssyncadd.s32 $0xFFFFB000  }
0x58: {  	[spmem:s12] =	stream.linear.scatter [tilespmem:s24], [sflag:$0x3], $0x280, $0x38;
	[tilespmem:$0x1F1D8] =	vst v63  }
0x59: {  	_ =	swait.ge [sflag:s23], $0x280  }
0x5a: {  	[sflag:s23] =	ssyncset.done $0x0  }
.LBB2_5:
0x5b: {  	[sflag:s23] =	ssyncadd.s32 $0xFFFFFD80;
	s10 =	simm.s32 @!p0 $0x1A1D8  }
0x5c: {  	[spmem:s20] =	stream.linear.scatter @!p0 [tilespmem:s10], [sflag:$0x3], $0xA00, $0x38;
	[tilespmem:$0x1F1D8] =	vst v63  }
0x5d: {  	s10 =	simm.s32 @!p0 $0x3  }
0x5e: {  	_ =	swait.ge @!p0 [sflag:s10], $0xA00  }
0x5f: {  	[sflag:s10] =	ssyncset.done @!p0 $0x0  }
0x60: {  	s11 =	simm.s32 @!p0 $0x19F58;
	[sflag:s10] =	ssyncadd.s32 @!p0 $0xFFFFF600  }
0x61: {  	[spmem:s21] =	stream.linear.scatter @!p0 [tilespmem:s11], [sflag:$0x3], $0x50, $0x38;
	[tilespmem:$0x1F1D8] =	vst v63  }
0x62: {  	_ =	swait.ge @!p0 [sflag:s10], $0x50  }
0x63: {  	[sflag:s10] =	ssyncset.done @!p0 $0x0  }
0x64: {  	[sflag:s10] =	ssyncadd.s32 @!p0 $0xFFFFFFB0  }
0x65: {  	s12 =	simm.s32 $0x0;
	s14 =	simm.s32 $0x0;
	[bflag:$0x0] =	sbarrier.arrive $0xFFFF  }
.LBB2_6:
0x66: {  	s10 =	sshll.u32 s14, $0x5  }
0x67: {  	s10 =	sor.u32 s13, s10  }
0x68: {  	s10 =	smul.u32 $0x280, s10;
	_ =	sdelay $0x1  }
0x69: {  	s11 =	sshrl.u32 s10, $0x3;
	s10 =	sadd.s32 $0x186A00, s10  }
0x6a: {  	s16 =	sadd.s32 s5, s11;
	s10 =	sshrl.u32 s10, $0x3  }
0x6b: {  	[tilespmem:s25], [sflag:$0x1] =	stream.linear.gather [hbm4b:s16+s12], $0x280, $0x38;
	[tilespmem:$0x1F1D8] =	vst v63  }
0x6c: {  	s10 =	sadd.s32 s5, s10  }
0x6d: {  	[tilespmem:s26], [sflag:$0x1] =	stream.linear.gather [hbm4b:s10+s12], $0x280, $0x38;
	[tilespmem:$0x1F1D8] =	vst v63  }
0x6e: {  	s21 =	sadd.s32 s1, s11  }
0x6f: {  	[tilespmem:s28], [sflag:$0x1] =	stream.linear.gather [hbm4b:s21+s12], $0x280, $0x38;
	[tilespmem:$0x1F1D8] =	vst v63  }
0x70: {  	_ =	swait.ge [sflag:s29], $0x280  }
0x71: {  	[sflag:s29] =	ssyncset.done $0x0  }
0x72: {  	[sflag:s29] =	ssyncadd.s32 $0xFFFFFD80  }
0x73: {  	_ =	swait.ge [sflag:s29], $0x280  }
0x74: {  	[sflag:s29] =	ssyncset.done $0x0  }
0x75: {  	[sflag:s29] =	ssyncadd.s32 $0xFFFFFD80  }
0x76: {  	_ =	swait.ge [sflag:s29], $0x280  }
0x77: {  	[sflag:s29] =	ssyncset.done $0x0  }
0x78: {  	[sflag:s29] =	ssyncadd.s32 $0xFFFFFD80  }
0x79: {  	[tilespmem:s22], [sflag:$0x2] =	stream.indirect.gather [hbm4b:s9+s30], $0x20, s25, s30, $0xb8;
	[tilespmem:$0x1F1D8] =	vst v63  }
0x7a: {  	_ = 	snop  }
0x7b: {  	[tilespmem:s31], [sflag:$0x1] =	stream.indirect.gather [hbm4b:s6+s30], $0x1, s25, s30, $0xb8;
	[tilespmem:$0x1F1D8] =	vst v63  }
0x7c: {  	_ = 	snop  }
0x7d: {  	[tilespmem:s0], [sflag:$0x1] =	stream.indirect.gather [hbm4b:s7+s30], $0x1, s26, s30, $0xb8;
	[tilespmem:$0x1F1D8] =	vst v63  }
0x7e: {  	_ =	swait.ge [sflag:s29], $0x280  }
0x7f: {  	[sflag:s29] =	ssyncset.done $0x0  }
0x80: {  	[sflag:s29] =	ssyncadd.s32 $0xFFFFFD80  }
0x81: {  	_ =	swait.ge [sflag:s29], $0x280  }
0x82: {  	[sflag:s29] =	ssyncset.done $0x0  }
0x83: {  	s10 =	simm.s32 $0x0;
	[sflag:s29] =	ssyncadd.s32 $0xFFFFFD80  }
0x84: {  	v2 =	vld [tilespmem:s10+$0x19A58]  }
0x85: {  	s11 =	simm.s32 $0x10;
	v3 =	vld [tilespmem:s10+$0x19CD8]  }
0x86: {  	v4 =	vld [tilespmem:s11+$0x19A58]  }
0x87: {  	v5 =	vld [tilespmem:s11+$0x19CD8]  }
0x88: {  	v6 =	vld [tilespmem:s10+$0x197D8];
	_ =	sdelay $0x1  }
0x89: {  	v7 =	vld [tilespmem:s11+$0x197D8]  }
0x8a: {  	v2 =	vadd.f32 v3, v2;
	_ =	sdelay $0x1  }
0x8b: {  	v4 =	vadd.f32 v5, v4;
	v2 =	vadd.f32 v6, v2;
	_ =	sdelay $0x1  }
0x8c: {  	v4 =	vadd.f32 v7, v4;
	v7 =	vmul.f32 $2.000000030e-01, v2  }
0x8d: {  	s16 =	simm.s32 $0x20  }
0x8e: {  	v3 =	vld [tilespmem:s16+$0x19A58];
	v2 =	vmax.f32 v2, v7  }
0x8f: {  	v5 =	vld [tilespmem:s16+$0x19CD8];
	v7 =	vmul.f32 $1.442695020e+00, v2  }
0x90: {  	v8 =	vmul.f32 $2.000000030e-01, v4  }
0x91: {  	v6 =	vld [tilespmem:s16+$0x197D8];
	(erf) = vpow2.f32 v7  }
0x92: {  	v4 =	vmax.f32 v4, v8  }
0x93: {  	s20 =	simm.s32 $0x30;
	v8 =	vmul.f32 $1.442695020e+00, v4  }
0x94: {  	v3 =	vadd.f32 v5, v3;
	v2 =	vld [tilespmem:s20+$0x19A58]  }
0x95: {  	v4 =	vld [tilespmem:s20+$0x19CD8];
	(erf) = vpow2.f32 v8  }
0x96: {  	v5 =	vadd.f32 v6, v3  }
0x97: {  	v3 =	vld [tilespmem:s20+$0x197D8]  }
0x98: {  	s21 =	simm.s32 $0x100;
	v6 =	vmul.f32 $2.000000030e-01, v5  }
.LBB2_7:
0x99: {  	s17 =	sshra.s32 s21, $0x2;
	p2 =	sne.s32 s21, $0x9C0  }
.Ltmp3:
0x9a: {  	s21 =	sadd.s32 $0x40, s21;
	v7 =	vadd.f32 v4, v2;
	v2 =	vld [tilespmem:s17+$0x19A58];
	v5 =	vmax.f32 v5, v6;
	v6 =	vpop (erf);
	(pc) =	sbr.rel @p2 .LBB2_7-.Ltmp3, $4  }
0x9b: {  	v4 =	vld [tilespmem:s17+$0x19CD8];
	v8 =	vmul.f32 $1.442695020e+00, v5;
	[tilespmem:s10+$0x19F58] =	vst v6;
	s10 =	smov.u32 s11;
	s11 =	smov.u32 s16;
	s16 =	smov.u32 s20  }
0x9c: {  	s20 =	smov.u32 s17;
	v5 =	vadd.f32 v3, v7  }
0x9d: {  	v3 =	vld [tilespmem:s20+$0x197D8];
	(erf) = vpow2.f32 v8  }
0x9e: {  	v6 =	vmul.f32 $2.000000030e-01, v5  }
0x9f: {  	_ = 	snop  }
0xa0: {  	v2 =	vadd.f32 v4, v2;
	_ =	sdelay $0x1  }
0xa1: {  	v2 =	vadd.f32 v3, v2;
	_ =	sdelay $0x1  }
0xa2: {  	v3 =	vmul.f32 $2.000000030e-01, v2  }
0xa3: {  	v4 =	vmax.f32 v5, v6  }
0xa4: {  	v4 =	vmul.f32 $1.442695020e+00, v4;
	v2 =	vmax.f32 v2, v3  }
0xa5: {  	v2 =	vmul.f32 $1.442695020e+00, v2  }
0xa6: {  	(erf) = vpow2.f32 v4  }
0xa7: {  	(erf) = vpow2.f32 v2;
	_ =	sdelay $0x5  }
0xa8: {  	s17 =	simm.s32 $0x0;
	v2 =	vpop (erf)  }
0xa9: {  	v3 =	vmov s17;
	[tilespmem:s10+$0x19F58] =	vst v2;
	v2 =	vpop (erf)  }
0xaa: {  	v3 =	vshll.u32 v3, $0x5;
	[tilespmem:s11+$0x19F58] =	vst v2;
	v2 =	vpop (erf)  }
0xab: {  	v4 =	vor.u32 v1, v3;
	[tilespmem:s16+$0x19F58] =	vst v2;
	v2 =	vpop (erf)  }
0xac: {  	[tilespmem:s20+$0x19F58] =	vst v2  }
0xad: {  	_ =	swait.ge [sflag:s8], $0x5000  }
0xae: {  	[sflag:s8] =	ssyncset.done $0x0  }
0xaf: {  	[sflag:s8] =	ssyncadd.s32 $0xFFFFB000  }
0xb0: {  	s16 =	simm.s32 $0x19F58;
	v2 =	vld.idx.msk [tilespmem:v4+s22+$0x0], $0xffff  }
0xb1: {  	v3 =	vld [tilespmem:s16+$0x0];
	_ =	sdelay $0x2  }
0xb2: {  	v5 =	vor.u32 $0x1, v4;
	_ =	sdelay $0x1  }
0xb3: {  	v2 =	vmul.f32 v2, v3;
	_ =	sdelay $0x1  }
0xb4: {  	[tilespmem:v4+s22+$0x0] =	vst.idx.msk $0xffff, v2  }
0xb5: {  	v2 =	vld.idx.msk [tilespmem:v5+s22+$0x0], $0xffff;
	_ =	sdelay $0x2  }
0xb6: {  	v6 =	vor.u32 $0x2, v4;
	_ =	sdelay $0x1  }
0xb7: {  	v2 =	vmul.f32 v2, v3;
	_ =	sdelay $0x1  }
0xb8: {  	[tilespmem:v5+s22+$0x0] =	vst.idx.msk $0xffff, v2  }
0xb9: {  	v2 =	vld.idx.msk [tilespmem:v6+s22+$0x0], $0xffff;
	_ =	sdelay $0x2  }
0xba: {  	v5 =	vor.u32 $0x3, v4;
	_ =	sdelay $0x1  }
0xbb: {  	v2 =	vmul.f32 v2, v3;
	_ =	sdelay $0x1  }
0xbc: {  	[tilespmem:v6+s22+$0x0] =	vst.idx.msk $0xffff, v2  }
0xbd: {  	v2 =	vld.idx.msk [tilespmem:v5+s22+$0x0], $0xffff;
	_ =	sdelay $0x2  }
0xbe: {  	v6 =	vor.u32 $0x4, v4;
	_ =	sdelay $0x1  }
0xbf: {  	v2 =	vmul.f32 v2, v3;
	_ =	sdelay $0x1  }
0xc0: {  	[tilespmem:v5+s22+$0x0] =	vst.idx.msk $0xffff, v2  }
0xc1: {  	v2 =	vld.idx.msk [tilespmem:v6+s22+$0x0], $0xffff;
	_ =	sdelay $0x2  }
0xc2: {  	v5 =	vor.u32 $0x5, v4;
	_ =	sdelay $0x1  }
0xc3: {  	v2 =	vmul.f32 v2, v3;
	_ =	sdelay $0x1  }
0xc4: {  	[tilespmem:v6+s22+$0x0] =	vst.idx.msk $0xffff, v2  }
0xc5: {  	v2 =	vld.idx.msk [tilespmem:v5+s22+$0x0], $0xffff;
	_ =	sdelay $0x2  }
0xc6: {  	v6 =	vor.u32 $0x6, v4;
	_ =	sdelay $0x1  }
0xc7: {  	v2 =	vmul.f32 v2, v3;
	_ =	sdelay $0x1  }
0xc8: {  	[tilespmem:v5+s22+$0x0] =	vst.idx.msk $0xffff, v2  }
0xc9: {  	v2 =	vld.idx.msk [tilespmem:v6+s22+$0x0], $0xffff;
	_ =	sdelay $0x2  }
0xca: {  	v5 =	vor.u32 $0x7, v4;
	_ =	sdelay $0x1  }
0xcb: {  	v2 =	vmul.f32 v2, v3;
	_ =	sdelay $0x1  }
0xcc: {  	[tilespmem:v6+s22+$0x0] =	vst.idx.msk $0xffff, v2  }
0xcd: {  	v2 =	vld.idx.msk [tilespmem:v5+s22+$0x0], $0xffff;
	_ =	sdelay $0x2  }
0xce: {  	v6 =	vor.u32 $0x8, v4;
	_ =	sdelay $0x1  }
0xcf: {  	v2 =	vmul.f32 v2, v3;
	_ =	sdelay $0x1  }
0xd0: {  	[tilespmem:v5+s22+$0x0] =	vst.idx.msk $0xffff, v2  }
0xd1: {  	v2 =	vld.idx.msk [tilespmem:v6+s22+$0x0], $0xffff;
	_ =	sdelay $0x2  }
0xd2: {  	v5 =	vor.u32 $0x9, v4;
	_ =	sdelay $0x1  }
0xd3: {  	v2 =	vmul.f32 v2, v3;
	_ =	sdelay $0x1  }
0xd4: {  	[tilespmem:v6+s22+$0x0] =	vst.idx.msk $0xffff, v2  }
0xd5: {  	v2 =	vld.idx.msk [tilespmem:v5+s22+$0x0], $0xffff;
	_ =	sdelay $0x2  }
0xd6: {  	v6 =	vor.u32 $0xA, v4;
	_ =	sdelay $0x1  }
0xd7: {  	v2 =	vmul.f32 v2, v3;
	_ =	sdelay $0x1  }
0xd8: {  	[tilespmem:v5+s22+$0x0] =	vst.idx.msk $0xffff, v2  }
0xd9: {  	v2 =	vld.idx.msk [tilespmem:v6+s22+$0x0], $0xffff;
	_ =	sdelay $0x2  }
0xda: {  	v5 =	vor.u32 $0xB, v4;
	_ =	sdelay $0x1  }
0xdb: {  	v2 =	vmul.f32 v2, v3;
	_ =	sdelay $0x1  }
0xdc: {  	[tilespmem:v6+s22+$0x0] =	vst.idx.msk $0xffff, v2  }
0xdd: {  	v2 =	vld.idx.msk [tilespmem:v5+s22+$0x0], $0xffff;
	_ =	sdelay $0x2  }
0xde: {  	v6 =	vor.u32 $0xC, v4;
	_ =	sdelay $0x1  }
0xdf: {  	v2 =	vmul.f32 v2, v3;
	_ =	sdelay $0x1  }
0xe0: {  	[tilespmem:v5+s22+$0x0] =	vst.idx.msk $0xffff, v2  }
0xe1: {  	v2 =	vld.idx.msk [tilespmem:v6+s22+$0x0], $0xffff;
	_ =	sdelay $0x2  }
0xe2: {  	v5 =	vor.u32 $0xD, v4;
	_ =	sdelay $0x1  }
0xe3: {  	v2 =	vmul.f32 v2, v3;
	_ =	sdelay $0x1  }
0xe4: {  	[tilespmem:v6+s22+$0x0] =	vst.idx.msk $0xffff, v2  }
0xe5: {  	v2 =	vld.idx.msk [tilespmem:v5+s22+$0x0], $0xffff;
	_ =	sdelay $0x2  }
0xe6: {  	v6 =	vor.u32 $0xE, v4;
	_ =	sdelay $0x1  }
0xe7: {  	v2 =	vmul.f32 v2, v3;
	_ =	sdelay $0x1  }
0xe8: {  	[tilespmem:v5+s22+$0x0] =	vst.idx.msk $0xffff, v2  }
0xe9: {  	v2 =	vld.idx.msk [tilespmem:v6+s22+$0x0], $0xffff;
	_ =	sdelay $0x2  }
0xea: {  	v5 =	vor.u32 $0xF, v4;
	_ =	sdelay $0x1  }
0xeb: {  	v2 =	vmul.f32 v2, v3;
	_ =	sdelay $0x1  }
0xec: {  	[tilespmem:v6+s22+$0x0] =	vst.idx.msk $0xffff, v2  }
0xed: {  	v2 =	vld.idx.msk [tilespmem:v5+s22+$0x0], $0xffff;
	_ =	sdelay $0x2  }
0xee: {  	v6 =	vor.u32 $0x10, v4;
	_ =	sdelay $0x1  }
0xef: {  	v2 =	vmul.f32 v2, v3;
	_ =	sdelay $0x1  }
0xf0: {  	[tilespmem:v5+s22+$0x0] =	vst.idx.msk $0xffff, v2  }
0xf1: {  	v2 =	vld.idx.msk [tilespmem:v6+s22+$0x0], $0xffff;
	_ =	sdelay $0x2  }
0xf2: {  	v5 =	vor.u32 $0x11, v4;
	_ =	sdelay $0x1  }
0xf3: {  	v2 =	vmul.f32 v2, v3;
	_ =	sdelay $0x1  }
0xf4: {  	[tilespmem:v6+s22+$0x0] =	vst.idx.msk $0xffff, v2  }
0xf5: {  	v2 =	vld.idx.msk [tilespmem:v5+s22+$0x0], $0xffff;
	_ =	sdelay $0x2  }
0xf6: {  	v6 =	vor.u32 $0x12, v4;
	_ =	sdelay $0x1  }
0xf7: {  	v2 =	vmul.f32 v2, v3;
	_ =	sdelay $0x1  }
0xf8: {  	[tilespmem:v5+s22+$0x0] =	vst.idx.msk $0xffff, v2  }
0xf9: {  	v2 =	vld.idx.msk [tilespmem:v6+s22+$0x0], $0xffff;
	_ =	sdelay $0x2  }
0xfa: {  	v5 =	vor.u32 $0x13, v4;
	_ =	sdelay $0x1  }
0xfb: {  	v2 =	vmul.f32 v2, v3;
	_ =	sdelay $0x1  }
0xfc: {  	[tilespmem:v6+s22+$0x0] =	vst.idx.msk $0xffff, v2  }
0xfd: {  	v2 =	vld.idx.msk [tilespmem:v5+s22+$0x0], $0xffff;
	_ =	sdelay $0x2  }
0xfe: {  	v6 =	vor.u32 $0x14, v4;
	_ =	sdelay $0x1  }
0xff: {  	v2 =	vmul.f32 v2, v3;
	_ =	sdelay $0x1  }
0x100: {  	[tilespmem:v5+s22+$0x0] =	vst.idx.msk $0xffff, v2  }
0x101: {  	v2 =	vld.idx.msk [tilespmem:v6+s22+$0x0], $0xffff;
	_ =	sdelay $0x2  }
0x102: {  	v5 =	vor.u32 $0x15, v4;
	_ =	sdelay $0x1  }
0x103: {  	v2 =	vmul.f32 v2, v3;
	_ =	sdelay $0x1  }
0x104: {  	[tilespmem:v6+s22+$0x0] =	vst.idx.msk $0xffff, v2  }
0x105: {  	v2 =	vld.idx.msk [tilespmem:v5+s22+$0x0], $0xffff;
	_ =	sdelay $0x2  }
0x106: {  	v6 =	vor.u32 $0x16, v4;
	_ =	sdelay $0x1  }
0x107: {  	v2 =	vmul.f32 v2, v3;
	_ =	sdelay $0x1  }
0x108: {  	[tilespmem:v5+s22+$0x0] =	vst.idx.msk $0xffff, v2  }
0x109: {  	v2 =	vld.idx.msk [tilespmem:v6+s22+$0x0], $0xffff;
	_ =	sdelay $0x2  }
0x10a: {  	v5 =	vor.u32 $0x17, v4;
	_ =	sdelay $0x1  }
0x10b: {  	v2 =	vmul.f32 v2, v3;
	_ =	sdelay $0x1  }
0x10c: {  	[tilespmem:v6+s22+$0x0] =	vst.idx.msk $0xffff, v2  }
0x10d: {  	v2 =	vld.idx.msk [tilespmem:v5+s22+$0x0], $0xffff;
	_ =	sdelay $0x2  }
0x10e: {  	v6 =	vor.u32 $0x18, v4;
	_ =	sdelay $0x1  }
0x10f: {  	v2 =	vmul.f32 v2, v3;
	_ =	sdelay $0x1  }
0x110: {  	[tilespmem:v5+s22+$0x0] =	vst.idx.msk $0xffff, v2  }
0x111: {  	v2 =	vld.idx.msk [tilespmem:v6+s22+$0x0], $0xffff;
	_ =	sdelay $0x2  }
0x112: {  	v5 =	vor.u32 $0x19, v4;
	_ =	sdelay $0x1  }
0x113: {  	v2 =	vmul.f32 v2, v3;
	_ =	sdelay $0x1  }
0x114: {  	[tilespmem:v6+s22+$0x0] =	vst.idx.msk $0xffff, v2  }
0x115: {  	v2 =	vld.idx.msk [tilespmem:v5+s22+$0x0], $0xffff;
	_ =	sdelay $0x2  }
0x116: {  	v6 =	vor.u32 $0x1A, v4;
	_ =	sdelay $0x1  }
0x117: {  	v2 =	vmul.f32 v2, v3;
	_ =	sdelay $0x1  }
0x118: {  	[tilespmem:v5+s22+$0x0] =	vst.idx.msk $0xffff, v2  }
0x119: {  	v2 =	vld.idx.msk [tilespmem:v6+s22+$0x0], $0xffff;
	_ =	sdelay $0x2  }
0x11a: {  	v5 =	vor.u32 $0x1B, v4;
	_ =	sdelay $0x1  }
0x11b: {  	v2 =	vmul.f32 v2, v3;
	_ =	sdelay $0x1  }
0x11c: {  	[tilespmem:v6+s22+$0x0] =	vst.idx.msk $0xffff, v2  }
0x11d: {  	v2 =	vld.idx.msk [tilespmem:v5+s22+$0x0], $0xffff;
	_ =	sdelay $0x2  }
0x11e: {  	v6 =	vor.u32 $0x1C, v4;
	_ =	sdelay $0x1  }
0x11f: {  	v2 =	vmul.f32 v2, v3;
	_ =	sdelay $0x1  }
0x120: {  	[tilespmem:v5+s22+$0x0] =	vst.idx.msk $0xffff, v2  }
0x121: {  	v2 =	vld.idx.msk [tilespmem:v6+s22+$0x0], $0xffff;
	_ =	sdelay $0x2  }
0x122: {  	v5 =	vor.u32 $0x1D, v4;
	_ =	sdelay $0x1  }
0x123: {  	v2 =	vmul.f32 v2, v3;
	_ =	sdelay $0x1  }
0x124: {  	[tilespmem:v6+s22+$0x0] =	vst.idx.msk $0xffff, v2  }
0x125: {  	v2 =	vld.idx.msk [tilespmem:v5+s22+$0x0], $0xffff;
	_ =	sdelay $0x2  }
0x126: {  	v6 =	vor.u32 $0x1E, v4;
	_ =	sdelay $0x1  }
0x127: {  	v2 =	vmul.f32 v2, v3;
	_ =	sdelay $0x1  }
0x128: {  	[tilespmem:v5+s22+$0x0] =	vst.idx.msk $0xffff, v2  }
0x129: {  	v2 =	vld.idx.msk [tilespmem:v6+s22+$0x0], $0xffff;
	_ =	sdelay $0x2  }
0x12a: {  	v4 =	vor.u32 $0x1F, v4;
	_ =	sdelay $0x1  }
0x12b: {  	v2 =	vmul.f32 v2, v3;
	_ =	sdelay $0x1  }
0x12c: {  	[tilespmem:v6+s22+$0x0] =	vst.idx.msk $0xffff, v2  }
0x12d: {  	s21 =	simm.s32 $0x10;
	v5 =	vld.idx.msk [tilespmem:v4+s22+$0x0], $0xffff  }
0x12e: {  	v2 =	vmov s21  }
0x12f: {  	v2 =	vshll.u32 v2, $0x5  }
0x130: {  	v2 =	vor.u32 v1, v2;
	_ =	sdelay $0x1  }
0x131: {  	s10 =	simm.s32 $0x20;
	v3 =	vmul.f32 v5, v3  }
.LBB2_9:
0x132: {  	p2 =	sne.s32 s10, $0x270  }
0x133: {  	s16 =	sadd.s32 $0x10, s16;
	s11 =	smov.u32 s10;
	s10 =	sadd.s32 $0x10, s10;
	[tilespmem:v4+s22+$0x0] =	vst.idx.msk $0xffff, v3  }
0x134: {  	v4 =	vld.idx.msk [tilespmem:v2+s22+$0x0], $0xffff  }
0x135: {  	v3 =	vld [tilespmem:s16+$0x0];
	_ =	sdelay $0x2  }
0x136: {  	v5 =	vor.u32 $0x1, v2;
	_ =	sdelay $0x1  }
0x137: {  	v4 =	vmul.f32 v4, v3;
	_ =	sdelay $0x1  }
0x138: {  	[tilespmem:v2+s22+$0x0] =	vst.idx.msk $0xffff, v4  }
0x139: {  	v4 =	vld.idx.msk [tilespmem:v5+s22+$0x0], $0xffff;
	_ =	sdelay $0x3  }
0x13a: {  	v6 =	vor.u32 $0x2, v2;
	_ =	sdelay $0x1  }
0x13b: {  	v4 =	vmul.f32 v4, v3;
	_ =	sdelay $0x1  }
0x13c: {  	[tilespmem:v5+s22+$0x0] =	vst.idx.msk $0xffff, v4  }
0x13d: {  	v4 =	vld.idx.msk [tilespmem:v6+s22+$0x0], $0xffff;
	_ =	sdelay $0x3  }
0x13e: {  	v5 =	vor.u32 $0x3, v2;
	_ =	sdelay $0x1  }
0x13f: {  	v4 =	vmul.f32 v4, v3;
	_ =	sdelay $0x1  }
0x140: {  	[tilespmem:v6+s22+$0x0] =	vst.idx.msk $0xffff, v4  }
0x141: {  	v4 =	vld.idx.msk [tilespmem:v5+s22+$0x0], $0xffff;
	_ =	sdelay $0x3  }
0x142: {  	v6 =	vor.u32 $0x4, v2;
	_ =	sdelay $0x1  }
0x143: {  	v4 =	vmul.f32 v4, v3;
	_ =	sdelay $0x1  }
0x144: {  	[tilespmem:v5+s22+$0x0] =	vst.idx.msk $0xffff, v4  }
0x145: {  	v4 =	vld.idx.msk [tilespmem:v6+s22+$0x0], $0xffff;
	_ =	sdelay $0x3  }
0x146: {  	v5 =	vor.u32 $0x5, v2;
	_ =	sdelay $0x1  }
0x147: {  	v4 =	vmul.f32 v4, v3;
	_ =	sdelay $0x1  }
0x148: {  	[tilespmem:v6+s22+$0x0] =	vst.idx.msk $0xffff, v4  }
0x149: {  	v4 =	vld.idx.msk [tilespmem:v5+s22+$0x0], $0xffff;
	_ =	sdelay $0x3  }
0x14a: {  	v6 =	vor.u32 $0x6, v2;
	_ =	sdelay $0x1  }
0x14b: {  	v4 =	vmul.f32 v4, v3;
	_ =	sdelay $0x1  }
0x14c: {  	[tilespmem:v5+s22+$0x0] =	vst.idx.msk $0xffff, v4  }
0x14d: {  	v4 =	vld.idx.msk [tilespmem:v6+s22+$0x0], $0xffff;
	_ =	sdelay $0x3  }
0x14e: {  	v5 =	vor.u32 $0x7, v2;
	_ =	sdelay $0x1  }
0x14f: {  	v4 =	vmul.f32 v4, v3;
	_ =	sdelay $0x1  }
0x150: {  	[tilespmem:v6+s22+$0x0] =	vst.idx.msk $0xffff, v4  }
0x151: {  	v4 =	vld.idx.msk [tilespmem:v5+s22+$0x0], $0xffff;
	_ =	sdelay $0x3  }
0x152: {  	v6 =	vor.u32 $0x8, v2;
	_ =	sdelay $0x1  }
0x153: {  	v4 =	vmul.f32 v4, v3;
	_ =	sdelay $0x1  }
0x154: {  	[tilespmem:v5+s22+$0x0] =	vst.idx.msk $0xffff, v4  }
0x155: {  	v4 =	vld.idx.msk [tilespmem:v6+s22+$0x0], $0xffff;
	_ =	sdelay $0x3  }
0x156: {  	v5 =	vor.u32 $0x9, v2;
	_ =	sdelay $0x1  }
0x157: {  	v4 =	vmul.f32 v4, v3;
	_ =	sdelay $0x1  }
0x158: {  	[tilespmem:v6+s22+$0x0] =	vst.idx.msk $0xffff, v4  }
0x159: {  	v4 =	vld.idx.msk [tilespmem:v5+s22+$0x0], $0xffff;
	_ =	sdelay $0x3  }
0x15a: {  	v6 =	vor.u32 $0xA, v2;
	_ =	sdelay $0x1  }
0x15b: {  	v4 =	vmul.f32 v4, v3;
	_ =	sdelay $0x1  }
0x15c: {  	[tilespmem:v5+s22+$0x0] =	vst.idx.msk $0xffff, v4  }
0x15d: {  	v4 =	vld.idx.msk [tilespmem:v6+s22+$0x0], $0xffff;
	_ =	sdelay $0x3  }
0x15e: {  	v5 =	vor.u32 $0xB, v2;
	_ =	sdelay $0x1  }
0x15f: {  	v4 =	vmul.f32 v4, v3;
	_ =	sdelay $0x1  }
0x160: {  	[tilespmem:v6+s22+$0x0] =	vst.idx.msk $0xffff, v4  }
0x161: {  	v4 =	vld.idx.msk [tilespmem:v5+s22+$0x0], $0xffff;
	_ =	sdelay $0x3  }
0x162: {  	v6 =	vor.u32 $0xC, v2;
	_ =	sdelay $0x1  }
0x163: {  	v4 =	vmul.f32 v4, v3;
	_ =	sdelay $0x1  }
0x164: {  	[tilespmem:v5+s22+$0x0] =	vst.idx.msk $0xffff, v4  }
0x165: {  	v4 =	vld.idx.msk [tilespmem:v6+s22+$0x0], $0xffff;
	_ =	sdelay $0x3  }
0x166: {  	v5 =	vor.u32 $0xD, v2;
	_ =	sdelay $0x1  }
0x167: {  	v4 =	vmul.f32 v4, v3;
	_ =	sdelay $0x1  }
0x168: {  	[tilespmem:v6+s22+$0x0] =	vst.idx.msk $0xffff, v4  }
0x169: {  	v4 =	vld.idx.msk [tilespmem:v5+s22+$0x0], $0xffff;
	_ =	sdelay $0x3  }
0x16a: {  	v6 =	vor.u32 $0xE, v2;
	_ =	sdelay $0x1  }
0x16b: {  	v4 =	vmul.f32 v4, v3;
	_ =	sdelay $0x1  }
0x16c: {  	[tilespmem:v5+s22+$0x0] =	vst.idx.msk $0xffff, v4  }
0x16d: {  	v4 =	vld.idx.msk [tilespmem:v6+s22+$0x0], $0xffff;
	_ =	sdelay $0x3  }
0x16e: {  	v5 =	vor.u32 $0xF, v2;
	_ =	sdelay $0x1  }
0x16f: {  	v4 =	vmul.f32 v4, v3;
	_ =	sdelay $0x1  }
0x170: {  	[tilespmem:v6+s22+$0x0] =	vst.idx.msk $0xffff, v4  }
0x171: {  	v4 =	vld.idx.msk [tilespmem:v5+s22+$0x0], $0xffff;
	_ =	sdelay $0x3  }
0x172: {  	v6 =	vor.u32 $0x10, v2;
	_ =	sdelay $0x1  }
0x173: {  	v4 =	vmul.f32 v4, v3;
	_ =	sdelay $0x1  }
0x174: {  	[tilespmem:v5+s22+$0x0] =	vst.idx.msk $0xffff, v4  }
0x175: {  	v4 =	vld.idx.msk [tilespmem:v6+s22+$0x0], $0xffff;
	_ =	sdelay $0x3  }
0x176: {  	v5 =	vor.u32 $0x11, v2;
	_ =	sdelay $0x1  }
0x177: {  	v4 =	vmul.f32 v4, v3;
	_ =	sdelay $0x1  }
0x178: {  	[tilespmem:v6+s22+$0x0] =	vst.idx.msk $0xffff, v4  }
0x179: {  	v4 =	vld.idx.msk [tilespmem:v5+s22+$0x0], $0xffff;
	_ =	sdelay $0x3  }
0x17a: {  	v6 =	vor.u32 $0x12, v2;
	_ =	sdelay $0x1  }
0x17b: {  	v4 =	vmul.f32 v4, v3;
	_ =	sdelay $0x1  }
0x17c: {  	[tilespmem:v5+s22+$0x0] =	vst.idx.msk $0xffff, v4  }
0x17d: {  	v4 =	vld.idx.msk [tilespmem:v6+s22+$0x0], $0xffff;
	_ =	sdelay $0x3  }
0x17e: {  	v5 =	vor.u32 $0x13, v2;
	_ =	sdelay $0x1  }
0x17f: {  	v4 =	vmul.f32 v4, v3;
	_ =	sdelay $0x1  }
0x180: {  	[tilespmem:v6+s22+$0x0] =	vst.idx.msk $0xffff, v4  }
0x181: {  	v4 =	vld.idx.msk [tilespmem:v5+s22+$0x0], $0xffff;
	_ =	sdelay $0x3  }
0x182: {  	v6 =	vor.u32 $0x14, v2;
	_ =	sdelay $0x1  }
0x183: {  	v4 =	vmul.f32 v4, v3;
	_ =	sdelay $0x1  }
0x184: {  	[tilespmem:v5+s22+$0x0] =	vst.idx.msk $0xffff, v4  }
0x185: {  	v4 =	vld.idx.msk [tilespmem:v6+s22+$0x0], $0xffff;
	_ =	sdelay $0x3  }
0x186: {  	v5 =	vor.u32 $0x15, v2;
	_ =	sdelay $0x1  }
0x187: {  	v4 =	vmul.f32 v4, v3;
	_ =	sdelay $0x1  }
0x188: {  	[tilespmem:v6+s22+$0x0] =	vst.idx.msk $0xffff, v4  }
0x189: {  	v4 =	vld.idx.msk [tilespmem:v5+s22+$0x0], $0xffff;
	_ =	sdelay $0x3  }
0x18a: {  	v6 =	vor.u32 $0x16, v2;
	_ =	sdelay $0x1  }
0x18b: {  	v4 =	vmul.f32 v4, v3;
	_ =	sdelay $0x1  }
0x18c: {  	[tilespmem:v5+s22+$0x0] =	vst.idx.msk $0xffff, v4  }
0x18d: {  	v4 =	vld.idx.msk [tilespmem:v6+s22+$0x0], $0xffff;
	_ =	sdelay $0x3  }
0x18e: {  	v5 =	vor.u32 $0x17, v2;
	_ =	sdelay $0x1  }
0x18f: {  	v4 =	vmul.f32 v4, v3;
	_ =	sdelay $0x1  }
0x190: {  	[tilespmem:v6+s22+$0x0] =	vst.idx.msk $0xffff, v4  }
0x191: {  	v4 =	vld.idx.msk [tilespmem:v5+s22+$0x0], $0xffff;
	_ =	sdelay $0x3  }
0x192: {  	v6 =	vor.u32 $0x18, v2;
	_ =	sdelay $0x1  }
0x193: {  	v4 =	vmul.f32 v4, v3;
	_ =	sdelay $0x1  }
0x194: {  	[tilespmem:v5+s22+$0x0] =	vst.idx.msk $0xffff, v4  }
0x195: {  	v4 =	vld.idx.msk [tilespmem:v6+s22+$0x0], $0xffff;
	_ =	sdelay $0x3  }
0x196: {  	v5 =	vor.u32 $0x19, v2;
	_ =	sdelay $0x1  }
0x197: {  	v4 =	vmul.f32 v4, v3;
	_ =	sdelay $0x1  }
0x198: {  	[tilespmem:v6+s22+$0x0] =	vst.idx.msk $0xffff, v4  }
0x199: {  	v4 =	vld.idx.msk [tilespmem:v5+s22+$0x0], $0xffff;
	_ =	sdelay $0x3  }
0x19a: {  	v6 =	vor.u32 $0x1A, v2;
	_ =	sdelay $0x1  }
0x19b: {  	v4 =	vmul.f32 v4, v3;
	_ =	sdelay $0x1  }
0x19c: {  	[tilespmem:v5+s22+$0x0] =	vst.idx.msk $0xffff, v4  }
0x19d: {  	v4 =	vld.idx.msk [tilespmem:v6+s22+$0x0], $0xffff;
	_ =	sdelay $0x3  }
0x19e: {  	v5 =	vor.u32 $0x1B, v2;
	_ =	sdelay $0x1  }
0x19f: {  	v4 =	vmul.f32 v4, v3;
	_ =	sdelay $0x1  }
0x1a0: {  	[tilespmem:v6+s22+$0x0] =	vst.idx.msk $0xffff, v4  }
0x1a1: {  	v4 =	vld.idx.msk [tilespmem:v5+s22+$0x0], $0xffff;
	_ =	sdelay $0x3  }
0x1a2: {  	v6 =	vor.u32 $0x1C, v2;
	_ =	sdelay $0x1  }
0x1a3: {  	v4 =	vmul.f32 v4, v3;
	_ =	sdelay $0x1  }
0x1a4: {  	[tilespmem:v5+s22+$0x0] =	vst.idx.msk $0xffff, v4  }
0x1a5: {  	v4 =	vld.idx.msk [tilespmem:v6+s22+$0x0], $0xffff;
	_ =	sdelay $0x3  }
0x1a6: {  	v5 =	vor.u32 $0x1D, v2;
	_ =	sdelay $0x1  }
0x1a7: {  	v4 =	vmul.f32 v4, v3;
	_ =	sdelay $0x1  }
0x1a8: {  	[tilespmem:v6+s22+$0x0] =	vst.idx.msk $0xffff, v4  }
0x1a9: {  	v4 =	vld.idx.msk [tilespmem:v5+s22+$0x0], $0xffff;
	_ =	sdelay $0x3  }
0x1aa: {  	v6 =	vor.u32 $0x1E, v2;
	_ =	sdelay $0x1  }
0x1ab: {  	v4 =	vmul.f32 v4, v3;
	_ =	sdelay $0x1  }
0x1ac: {  	[tilespmem:v5+s22+$0x0] =	vst.idx.msk $0xffff, v4  }
0x1ad: {  	v5 =	vld.idx.msk [tilespmem:v6+s22+$0x0], $0xffff;
	_ =	sdelay $0x3  }
0x1ae: {  	v4 =	vor.u32 $0x1F, v2;
	_ =	sdelay $0x1  }
0x1af: {  	v2 =	vmul.f32 v5, v3;
	_ =	sdelay $0x1  }
0x1b0: {  	[tilespmem:v6+s22+$0x0] =	vst.idx.msk $0xffff, v2  }
0x1b1: {  	v5 =	vld.idx.msk [tilespmem:v4+s22+$0x0], $0xffff;
	_ =	sdelay $0x1  }
.Ltmp4:
0x1b2: {  	v2 =	vmov s11;
	(pc) =	sbr.rel @p2 .LBB2_9-.Ltmp4, $3  }
0x1b3: {  	v2 =	vshll.u32 v2, $0x5  }
0x1b4: {  	v2 =	vor.u32 v1, v2;
	_ =	sdelay $0x1  }
0x1b5: {  	v3 =	vmul.f32 v5, v3  }
0x1b6: {  	_ =	sdelay $0x3  }
0x1b7: {  	[tilespmem:v4+s22+$0x0] =	vst.idx.msk $0xffff, v3  }
0x1b8: {  	s10 =	sadd.s32 $0x10, s16;
	v3 =	vld.idx.msk [tilespmem:v2+s22+$0x0], $0xffff  }
0x1b9: {  	v4 =	vld [tilespmem:s10+$0x0];
	_ =	sdelay $0x2  }
0x1ba: {  	v5 =	vor.u32 $0x1, v2;
	_ =	sdelay $0x1  }
0x1bb: {  	v3 =	vmul.f32 v3, v4;
	_ =	sdelay $0x1  }
0x1bc: {  	[tilespmem:v2+s22+$0x0] =	vst.idx.msk $0xffff, v3  }
0x1bd: {  	v3 =	vld.idx.msk [tilespmem:v5+s22+$0x0], $0xffff;
	_ =	sdelay $0x2  }
0x1be: {  	v6 =	vor.u32 $0x2, v2;
	_ =	sdelay $0x1  }
0x1bf: {  	v3 =	vmul.f32 v3, v4;
	_ =	sdelay $0x1  }
0x1c0: {  	[tilespmem:v5+s22+$0x0] =	vst.idx.msk $0xffff, v3  }
0x1c1: {  	v3 =	vld.idx.msk [tilespmem:v6+s22+$0x0], $0xffff;
	_ =	sdelay $0x2  }
0x1c2: {  	v36 =	vor.u32 $0x3, v2;
	_ =	sdelay $0x1  }
0x1c3: {  	v3 =	vmul.f32 v3, v4;
	_ =	sdelay $0x1  }
0x1c4: {  	[tilespmem:v6+s22+$0x0] =	vst.idx.msk $0xffff, v3  }
0x1c5: {  	v3 =	vld.idx.msk [tilespmem:v36+s22+$0x0], $0xffff;
	_ =	sdelay $0x2  }
0x1c6: {  	v37 =	vor.u32 $0x4, v2;
	_ =	sdelay $0x1  }
0x1c7: {  	v3 =	vmul.f32 v3, v4;
	_ =	sdelay $0x1  }
0x1c8: {  	[tilespmem:v36+s22+$0x0] =	vst.idx.msk $0xffff, v3  }
0x1c9: {  	v3 =	vld.idx.msk [tilespmem:v37+s22+$0x0], $0xffff;
	_ =	sdelay $0x2  }
0x1ca: {  	v38 =	vor.u32 $0x5, v2;
	_ =	sdelay $0x1  }
0x1cb: {  	v3 =	vmul.f32 v3, v4;
	_ =	sdelay $0x1  }
0x1cc: {  	[tilespmem:v37+s22+$0x0] =	vst.idx.msk $0xffff, v3  }
0x1cd: {  	v3 =	vld.idx.msk [tilespmem:v38+s22+$0x0], $0xffff;
	_ =	sdelay $0x2  }
0x1ce: {  	v39 =	vor.u32 $0x6, v2;
	_ =	sdelay $0x1  }
0x1cf: {  	v3 =	vmul.f32 v3, v4;
	_ =	sdelay $0x1  }
0x1d0: {  	[tilespmem:v38+s22+$0x0] =	vst.idx.msk $0xffff, v3  }
0x1d1: {  	v3 =	vld.idx.msk [tilespmem:v39+s22+$0x0], $0xffff;
	_ =	sdelay $0x2  }
0x1d2: {  	v40 =	vor.u32 $0x7, v2;
	_ =	sdelay $0x1  }
0x1d3: {  	v3 =	vmul.f32 v3, v4;
	_ =	sdelay $0x1  }
0x1d4: {  	[tilespmem:v39+s22+$0x0] =	vst.idx.msk $0xffff, v3  }
0x1d5: {  	v3 =	vld.idx.msk [tilespmem:v40+s22+$0x0], $0xffff;
	_ =	sdelay $0x2  }
0x1d6: {  	v41 =	vor.u32 $0x8, v2;
	_ =	sdelay $0x1  }
0x1d7: {  	v3 =	vmul.f32 v3, v4;
	_ =	sdelay $0x1  }
0x1d8: {  	[tilespmem:v40+s22+$0x0] =	vst.idx.msk $0xffff, v3  }
0x1d9: {  	v3 =	vld.idx.msk [tilespmem:v41+s22+$0x0], $0xffff;
	_ =	sdelay $0x2  }
0x1da: {  	v42 =	vor.u32 $0x9, v2;
	_ =	sdelay $0x1  }
0x1db: {  	v3 =	vmul.f32 v3, v4;
	_ =	sdelay $0x1  }
0x1dc: {  	[tilespmem:v41+s22+$0x0] =	vst.idx.msk $0xffff, v3  }
0x1dd: {  	v3 =	vld.idx.msk [tilespmem:v42+s22+$0x0], $0xffff;
	_ =	sdelay $0x2  }
0x1de: {  	v43 =	vor.u32 $0xA, v2;
	_ =	sdelay $0x1  }
0x1df: {  	v3 =	vmul.f32 v3, v4;
	_ =	sdelay $0x1  }
0x1e0: {  	[tilespmem:v42+s22+$0x0] =	vst.idx.msk $0xffff, v3  }
0x1e1: {  	v3 =	vld.idx.msk [tilespmem:v43+s22+$0x0], $0xffff;
	_ =	sdelay $0x2  }
0x1e2: {  	v44 =	vor.u32 $0xB, v2;
	_ =	sdelay $0x1  }
0x1e3: {  	v3 =	vmul.f32 v3, v4;
	_ =	sdelay $0x1  }
0x1e4: {  	[tilespmem:v43+s22+$0x0] =	vst.idx.msk $0xffff, v3  }
0x1e5: {  	v3 =	vld.idx.msk [tilespmem:v44+s22+$0x0], $0xffff;
	_ =	sdelay $0x2  }
0x1e6: {  	v45 =	vor.u32 $0xC, v2;
	_ =	sdelay $0x1  }
0x1e7: {  	v3 =	vmul.f32 v3, v4;
	_ =	sdelay $0x1  }
0x1e8: {  	[tilespmem:v44+s22+$0x0] =	vst.idx.msk $0xffff, v3  }
0x1e9: {  	v3 =	vld.idx.msk [tilespmem:v45+s22+$0x0], $0xffff;
	_ =	sdelay $0x2  }
0x1ea: {  	v46 =	vor.u32 $0xD, v2;
	_ =	sdelay $0x1  }
0x1eb: {  	v3 =	vmul.f32 v3, v4;
	_ =	sdelay $0x1  }
0x1ec: {  	[tilespmem:v45+s22+$0x0] =	vst.idx.msk $0xffff, v3  }
0x1ed: {  	v3 =	vld.idx.msk [tilespmem:v46+s22+$0x0], $0xffff;
	_ =	sdelay $0x2  }
0x1ee: {  	v47 =	vor.u32 $0xE, v2;
	_ =	sdelay $0x1  }
0x1ef: {  	v3 =	vmul.f32 v3, v4;
	_ =	sdelay $0x1  }
0x1f0: {  	[tilespmem:v46+s22+$0x0] =	vst.idx.msk $0xffff, v3  }
0x1f1: {  	v3 =	vld.idx.msk [tilespmem:v47+s22+$0x0], $0xffff;
	_ =	sdelay $0x2  }
0x1f2: {  	v48 =	vor.u32 $0xF, v2;
	_ =	sdelay $0x1  }
0x1f3: {  	v3 =	vmul.f32 v3, v4;
	_ =	sdelay $0x1  }
0x1f4: {  	[tilespmem:v47+s22+$0x0] =	vst.idx.msk $0xffff, v3  }
0x1f5: {  	v3 =	vld.idx.msk [tilespmem:v48+s22+$0x0], $0xffff;
	_ =	sdelay $0x2  }
0x1f6: {  	v49 =	vor.u32 $0x10, v2;
	_ =	sdelay $0x1  }
0x1f7: {  	v3 =	vmul.f32 v3, v4;
	_ =	sdelay $0x1  }
0x1f8: {  	[tilespmem:v48+s22+$0x0] =	vst.idx.msk $0xffff, v3  }
0x1f9: {  	v3 =	vld.idx.msk [tilespmem:v49+s22+$0x0], $0xffff;
	_ =	sdelay $0x2  }
0x1fa: {  	v50 =	vor.u32 $0x11, v2;
	_ =	sdelay $0x1  }
0x1fb: {  	v3 =	vmul.f32 v3, v4;
	_ =	sdelay $0x1  }
0x1fc: {  	[tilespmem:v49+s22+$0x0] =	vst.idx.msk $0xffff, v3  }
0x1fd: {  	v3 =	vld.idx.msk [tilespmem:v50+s22+$0x0], $0xffff;
	_ =	sdelay $0x2  }
0x1fe: {  	v51 =	vor.u32 $0x12, v2;
	_ =	sdelay $0x1  }
0x1ff: {  	v3 =	vmul.f32 v3, v4;
	_ =	sdelay $0x1  }
0x200: {  	[tilespmem:v50+s22+$0x0] =	vst.idx.msk $0xffff, v3  }
0x201: {  	v3 =	vld.idx.msk [tilespmem:v51+s22+$0x0], $0xffff;
	_ =	sdelay $0x2  }
0x202: {  	v52 =	vor.u32 $0x13, v2;
	_ =	sdelay $0x1  }
0x203: {  	v3 =	vmul.f32 v3, v4;
	_ =	sdelay $0x1  }
0x204: {  	[tilespmem:v51+s22+$0x0] =	vst.idx.msk $0xffff, v3  }
0x205: {  	v3 =	vld.idx.msk [tilespmem:v52+s22+$0x0], $0xffff;
	_ =	sdelay $0x2  }
0x206: {  	v53 =	vor.u32 $0x14, v2;
	_ =	sdelay $0x1  }
0x207: {  	v3 =	vmul.f32 v3, v4;
	_ =	sdelay $0x1  }
0x208: {  	[tilespmem:v52+s22+$0x0] =	vst.idx.msk $0xffff, v3  }
0x209: {  	v3 =	vld.idx.msk [tilespmem:v53+s22+$0x0], $0xffff;
	_ =	sdelay $0x2  }
0x20a: {  	v54 =	vor.u32 $0x15, v2;
	_ =	sdelay $0x1  }
0x20b: {  	v3 =	vmul.f32 v3, v4;
	_ =	sdelay $0x1  }
0x20c: {  	[tilespmem:v53+s22+$0x0] =	vst.idx.msk $0xffff, v3  }
0x20d: {  	v3 =	vld.idx.msk [tilespmem:v54+s22+$0x0], $0xffff;
	_ =	sdelay $0x2  }
0x20e: {  	v55 =	vor.u32 $0x16, v2;
	_ =	sdelay $0x1  }
0x20f: {  	v3 =	vmul.f32 v3, v4;
	_ =	sdelay $0x1  }
0x210: {  	[tilespmem:v54+s22+$0x0] =	vst.idx.msk $0xffff, v3  }
0x211: {  	v3 =	vld.idx.msk [tilespmem:v55+s22+$0x0], $0xffff;
	_ =	sdelay $0x2  }
0x212: {  	v56 =	vor.u32 $0x17, v2;
	_ =	sdelay $0x1  }
0x213: {  	v3 =	vmul.f32 v3, v4;
	_ =	sdelay $0x1  }
0x214: {  	[tilespmem:v55+s22+$0x0] =	vst.idx.msk $0xffff, v3  }
0x215: {  	v3 =	vld.idx.msk [tilespmem:v56+s22+$0x0], $0xffff;
	_ =	sdelay $0x2  }
0x216: {  	v57 =	vor.u32 $0x18, v2;
	_ =	sdelay $0x1  }
0x217: {  	v3 =	vmul.f32 v3, v4;
	_ =	sdelay $0x1  }
0x218: {  	[tilespmem:v56+s22+$0x0] =	vst.idx.msk $0xffff, v3  }
0x219: {  	v3 =	vld.idx.msk [tilespmem:v57+s22+$0x0], $0xffff;
	_ =	sdelay $0x2  }
0x21a: {  	v58 =	vor.u32 $0x19, v2;
	_ =	sdelay $0x1  }
0x21b: {  	v3 =	vmul.f32 v3, v4;
	_ =	sdelay $0x1  }
0x21c: {  	[tilespmem:v57+s22+$0x0] =	vst.idx.msk $0xffff, v3  }
0x21d: {  	v3 =	vld.idx.msk [tilespmem:v58+s22+$0x0], $0xffff;
	_ =	sdelay $0x2  }
0x21e: {  	v59 =	vor.u32 $0x1A, v2;
	_ =	sdelay $0x1  }
0x21f: {  	v3 =	vmul.f32 v3, v4;
	_ =	sdelay $0x1  }
0x220: {  	[tilespmem:v58+s22+$0x0] =	vst.idx.msk $0xffff, v3  }
0x221: {  	v3 =	vld.idx.msk [tilespmem:v59+s22+$0x0], $0xffff;
	_ =	sdelay $0x2  }
0x222: {  	v60 =	vor.u32 $0x1B, v2;
	_ =	sdelay $0x1  }
0x223: {  	v3 =	vmul.f32 v3, v4;
	_ =	sdelay $0x1  }
0x224: {  	[tilespmem:v59+s22+$0x0] =	vst.idx.msk $0xffff, v3  }
0x225: {  	v3 =	vld.idx.msk [tilespmem:v60+s22+$0x0], $0xffff;
	_ =	sdelay $0x2  }
0x226: {  	v61 =	vor.u32 $0x1C, v2;
	_ =	sdelay $0x1  }
0x227: {  	v3 =	vmul.f32 v3, v4;
	_ =	sdelay $0x1  }
0x228: {  	[tilespmem:v60+s22+$0x0] =	vst.idx.msk $0xffff, v3  }
0x229: {  	v3 =	vld.idx.msk [tilespmem:v61+s22+$0x0], $0xffff;
	_ =	sdelay $0x2  }
0x22a: {  	v62 =	vor.u32 $0x1D, v2;
	_ =	sdelay $0x1  }
0x22b: {  	v3 =	vmul.f32 v3, v4;
	_ =	sdelay $0x1  }
0x22c: {  	[tilespmem:v61+s22+$0x0] =	vst.idx.msk $0xffff, v3  }
0x22d: {  	v3 =	vld.idx.msk [tilespmem:v62+s22+$0x0], $0xffff;
	_ =	sdelay $0x2  }
0x22e: {  	v63 =	vor.u32 $0x1E, v2;
	_ =	sdelay $0x1  }
0x22f: {  	v3 =	vmul.f32 v3, v4;
	_ =	sdelay $0x1  }
0x230: {  	[tilespmem:v62+s22+$0x0] =	vst.idx.msk $0xffff, v3  }
0x231: {  	v3 =	vld.idx.msk [tilespmem:v63+s22+$0x0], $0xffff;
	_ =	sdelay $0x2  }
0x232: {  	v2 =	vor.u32 $0x1F, v2;
	_ =	sdelay $0x1  }
0x233: {  	v3 =	vmul.f32 v3, v4;
	_ =	sdelay $0x1  }
0x234: {  	[tilespmem:v63+s22+$0x0] =	vst.idx.msk $0xffff, v3  }
0x235: {  	v3 =	vld.idx.msk [tilespmem:v2+s22+$0x0], $0xffff;
	_ =	sdelay $0x4  }
0x236: {  	v3 =	vmul.f32 v3, v4;
	_ =	sdelay $0x1  }
0x237: {  	[tilespmem:v2+s22+$0x0] =	vst.idx.msk $0xffff, v3  }
0x238: {  	[spmem:s3] =	stream.indirect.scatter.add.f32 [tilespmem:s24], [sflag:$0x1], $0x1, s26, s30, $0xb8;
	[tilespmem:$0x1F1D8] =	vst v63  }
0x239: {  	_ = 	snop  }
0x23a: {  	[spmem:s2] =	stream.indirect.scatter.add.f32 [tilespmem:s22], [sflag:$0x2], $0x20, s26, s30, $0xb8;
	[tilespmem:$0x1F1D8] =	vst v63  }
0x23b: {  	p2 =	sne.s32 s14, s15;
	_ =	swait.ge [sflag:s29], $0x280  }
.Ltmp5:
0x23c: {  	[sflag:s29] =	ssyncset.done $0x0;
	(pc) =	sbr.rel @p2 .LBB2_6-.Ltmp5, $4  }
0x23d: {  	[sflag:s29] =	ssyncadd.s32 $0xFFFFFD80  }
0x23e: {  	_ =	swait.ge [sflag:s8], $0x5000  }
0x23f: {  	s21 =	sadd.s32 $0x1, s14;
	[sflag:s8] =	ssyncset.done $0x0  }
0x240: {  	s14 =	smov.u32 s21;
	[sflag:s8] =	ssyncadd.s32 $0xFFFFB000  }
.Ltmp6:
0x241: {  	(pc) =	sbr.rel @!p1 .LBB2_12-.Ltmp6, $4  }
0x242: {  	[bflag:$0x0] =	sbarrier.arrive $0xFFFF  }
0x243: {  	s21 =	stileid.u32;
	s14 =	rddreg [dreg:$0xb]  }
0x244: {  	p2 =	por $0x0, $0x0;
	s10 =	rddreg [dreg:$0xa];
	s12 =	sshrl.u32 s14, $0x3  }
0x245: {  	s11 =	sadd.s32 $0xFFFFFFFF, s10;
	s10 =	sshll.u32 s21, $0x6;
	s21 =	sadd.s32 $0x50000, s14  }
0x246: {  	s14 =	sor.u32 $0x1C03, s10;
	s17 =	rddreg [dreg:$0xd];
	p1 =	sne.s32 s11, $0x1  }
0x247: {  	[hbm:s17], [sflag:s14] =	dma.local [spmem:s12], $0xA00  }
0x248: {  	s20 =	sadd.s32 $0xFFFFFFFF, s11;
	s16 =	sshrl.u32 s19, $0x3;
	_ =	swait.ge [sflag:s23], $0xA00  }
.Ltmp7:
0x249: {  	p2 =	por $0x1, $0x1;
	[sflag:s23] =	ssyncset.done $0x0;
	(pc) =	sbr.rel @!p1 .LBB2_15-.Ltmp7, $4  }
0x24a: {  	s12 =	sshrl.u32 s21, $0x3;
	s18 =	rddreg [dreg:$0xc];
	[sflag:s23] =	ssyncadd.s32 $0xFFFFF600  }
0x24b: {  	[hbm:s18], [sflag:s14] =	dma.local [spmem:s16], $0x50  }
0x24c: {  	s11 =	sadd.s32 $0xA000, s17;
	s21 =	sadd.s32 $0x50000, s21;
	_ =	swait.ge [sflag:s23], $0x50  }
0x24d: {  	s14 =	sadd.s32 $0x2800, s19;
	s16 =	sadd.s32 $0x500, s18;
	[sflag:s23] =	ssyncset.done $0x0  }
.LBB2_14:
0x24e: {  	s17 =	sshrl.u32 s21, $0x3;
	s18 =	sor.u32 $0x1C03, s10;
	[sflag:s23] =	ssyncadd.s32 $0xFFFFFFB0  }
0x24f: {  	[hbm:s11], [sflag:s18] =	dma.local [spmem:s12], $0xA00  }
0x250: {  	p1 =	sne.s32 s20, $0x1;
	s20 =	sadd.s32 $0xFFFFFFFF, s20;
	_ =	swait.ge [sflag:s23], $0xA00  }
.Ltmp8:
0x251: {  	s12 =	smov.u32 s17;
	[sflag:s23] =	ssyncset.done $0x0;
	(pc) =	sbr.rel @p1 .LBB2_14-.Ltmp8, $4  }
0x252: {  	s17 =	sshrl.u32 s14, $0x3;
	s11 =	sadd.s32 $0xA000, s11;
	[sflag:s23] =	ssyncadd.s32 $0xFFFFF600  }
0x253: {  	[hbm:s16], [sflag:s18] =	dma.local [spmem:s17], $0x50  }
0x254: {  	s14 =	sadd.s32 $0x2800, s14;
	s16 =	sadd.s32 $0x500, s16;
	_ =	swait.ge [sflag:s23], $0x50  }
0x255: {  	s21 =	sadd.s32 $0x50000, s21;
	[sflag:s23] =	ssyncset.done $0x0  }
.LBB2_15:
0x256: {  	s10 =	sor.u32 $0x1C03, s10;
	[sflag:s23] =	ssyncadd.s32 @p2 $0xFFFFFFB0  }
0x257: {  	[hbm:s11], [sflag:s10] =	dma.local [spmem:s12], $0xA00  }
0x258: {  	_ =	swait.ge [sflag:s23], $0xA00  }
0x259: {  	[sflag:s23] =	ssyncset.done $0x0  }
0x25a: {  	s17 =	sshrl.u32 s14, $0x3;
	[sflag:s23] =	ssyncadd.s32 $0xFFFFF600  }
0x25b: {  	[hbm:s16], [sflag:s10] =	dma.local [spmem:s17], $0x50  }
0x25c: {  	_ =	swait.ge [sflag:s23], $0x50  }
0x25d: {  	s11 =	simm.s32 @!p0 $0x1C43;
	[sflag:s23] =	ssyncset.done $0x0;
	s20 =	rddreg [dreg:$0x5]  }
0x25e: {  	s12 =	rddreg [dreg:$0x7];
	[sflag:s23] =	ssyncadd.s32 $0xFFFFFFB0;
	s10 =	sshrl.u32 @!p0 s20, $0x3  }
0x25f: {  	[hbm:s12], [sflag:s11] =	dma.local @!p0 [spmem:s10], $0x140  }
0x260: {  	s10 =	simm.s32 @!p0 $0x3  }
0x261: {  	_ =	swait.ge @!p0 [sflag:s10], $0x140  }
0x262: {  	[sflag:s10] =	ssyncset.done @!p0 $0x0;
	s21 =	rddreg [dreg:$0x6]  }
0x263: {  	s14 =	rddreg [dreg:$0x8];
	[sflag:s10] =	ssyncadd.s32 @!p0 $0xFFFFFEC0;
	s12 =	sshrl.u32 @!p0 s21, $0x3  }
0x264: {  	[hbm:s14], [sflag:s11] =	dma.local @!p0 [spmem:s12], $0xA  }
0x265: {  	_ =	swait.ge @!p0 [sflag:s10], $0xA  }
0x266: {  	s4 =	sadd.s32 $0x1, s4;
	s18 =	rddreg [dreg:$0x9]  }
0x267: {  	p1 =	sne.s32 s4, s18  }
.Ltmp9:
0x268: {  	_ = 	snop;
	(pc) =	sbr.rel @p1 .LBB2_1-.Ltmp9, $4  }
.Ltmp10:
0x269: {  	_ = 	snop;
	(pc) =	sbr.rel @!p1 .LBB2_16-.Ltmp10, $4  }
0x26a: {  	_ = 	snop  }
0x26b: {  	[sflag:s10] =	ssyncset.done @!p0 $0x0  }
0x26c: {  	[sflag:s10] =	ssyncadd.s32 @!p0 $0xFFFFFFF6  }
0x26d: {  	_ = 	snop  }
.LBB2_12:
.Ltmp11:
0x26e: {  	(pc) =	sbr.rel .LBB2_15-.Ltmp11, $3  }
0x26f: {  	_ =	sdelay $0x1  }
0x270: {  	s11 =	rddreg [dreg:$0xd]  }
0x271: {  	s14 =	smov.u32 s19;
	s16 =	rddreg [dreg:$0xc]  }
.LBB2_16:
0x272: {  	_ =	sfence.sel $0x180000  }
0x273: {  	[bflag:$0x0] =	sbarrier.arrive $0xFFFF  }
0x274: {  	_ =	strace $0x90000047  }
0x275: {  	s0 =	stileid.u32;
	[bflag:$0x2] =	sbarrier.arrive $0xFFFF  }
0x276: {  	p0 =	sne.s32 s0, $0x0;
	s0 =	rddreg [dreg:$0x4]  }
0x277: {  	s0 =	sadd.s32 @!p0 $0x100000, s0  }
0x278: {  	[sflag:s0] =	ssyncadd.tile.s32 @!p0 $0x1;
	_ =	shalt  }
.Lfunc_end2:
_tile_overlayer_lowered:
.L_overlay_start_2:
0x279: {  	(tag) =	ssettag $0x2  }
0x27a: {  	s0 =	rddreg [dreg:$0x0];
	s2 =	stileid.u32  }
0x27b: {  	s1 =	rddreg [dreg:$0x1];
	p0 =	sne.s32 s2, $0x0  }
0x27c: {  	s3 =	rddreg [dreg:$0x2];
	[bflag:$0x3] =	sbarrier.arrive $0xFFFF;
	s2 =	simm.s32 @!p0 $0x1C03  }
0x27d: {  	[timem:s3], [sflag:s2] =	dma.local @!p0 [hbm:s0], s1  }
0x27e: {  	s0 =	simm.s32 @!p0 $0x3  }
0x27f: {  	_ =	swait.ge @!p0 [sflag:s0], s1  }
0x280: {  	s1 =	ssub.s32 @!p0 $0x0, s1;
	[sflag:s0] =	ssyncset.done @!p0 $0x0  }
0x281: {  	[sflag:s0] =	ssyncadd.s32 @!p0 s1  }
0x282: {  	[bflag:$0x3] =	sbarrier.arrive $0xFFFF  }
0x283: {  	_ =	shalt  }

// kernel: kernel.15.cloned.1.call-start
scs
__scs_entry_jumppad:
0x0: {  	(pc) =	sbr.rel $0x88, $3  }
0x1: {  	(tag) =	ssettag $0x0;
	lr =	simm.s32 $0x1  }
0x2: {  	[smem:$0x3F86] =	sst lr;
	_ =	strace $0xD0000000  }
0x3: {  	_ = 	snop  }
0x4: {  	_ = 	snop  }
0x5: {  	_ = 	snop  }
0x6: {  	_ = 	snop  }
0x7: {  	_ = 	snop  }
__scs_overlays_trampoline_lowered:
0x8: {  	[smem:$0x3F95] =	sst s0  }
0x9: {  	[smem:$0x3F96] =	sst s1  }
0xa: {  	[smem:$0x3F97] =	sst s2  }
0xb: {  	[smem:$0x3F98] =	sst s3  }
0xc: {  	[smem:$0x3F99] =	sst s4  }
0xd: {  	[smem:$0x3F9A] =	sst s5  }
0xe: {  	[smem:$0x3F9B] =	sst s6  }
0xf: {  	[smem:$0x3F9C] =	sst s7  }
0x10: {  	[smem:$0x3F9D] =	sst s8  }
0x11: {  	[smem:$0x3F9E] =	sst s9;
	s0 =	simm.s32 @!p0 $0x0  }
0x12: {  	s1 =	sld [smem:$0x3F84];
	s0 =	simm.s32 @p0 $0x1  }
0x13: {  	[smem:$0x3F9F] =	sst s0;
	s0 =	simm.s32 @!p1 $0x0  }
0x14: {  	s2 =	sld [smem:$0x3F83];
	s0 =	simm.s32 @p1 $0x1  }
0x15: {  	[smem:$0x3FA0] =	sst s0;
	s0 =	simm.s32 @!p2 $0x0  }
0x16: {  	s3 =	sld [smem:$0x3FDB];
	s0 =	simm.s32 @p2 $0x1  }
0x17: {  	s4 =	simm.s32 $0x1BF5;
	[smem:$0x3FA2] =	sst s0  }
0x18: {  	s0 =	sld [smem:$0x3F85];
	_ =	swait.ge [sflag:s4], $0x0  }
0x19: {  	s7 =	sld [smem:$0x3F86]  }
0x1a: {  	s8 =	sadd.s32 $0xFFFFE003, lr  }
0x1b: {  	s9 =	sadd.s32 $0xFFFFFEF7, lr;
	s5 =	simm.s32 $0xFFFFFFFF;
	p2 =	slt.u32 s8, $0xFFFFF086  }
0x1c: {  	p1 =	slt.u32 s9, $0xF7A;
	s5 =	simm.s32 @!p2 $0x0  }
0x1d: {  	s5 =	simm.s32 @p1 $0x1;
	p0 =	seq.s32 s7, s2  }
0x1e: {  	s7 =	smul.u32 @!p0 $0xF7A, s2;
	p2 =	seq.s32 @!p0 s5, $0x0  }
0x1f: {  	s9 =	smul.u32 $0xF7A, s1;
	s8 =	simm.s32 @!p0 $0x1BF5;
	p2 =	por !p2, p0  }
0x20: {  	[sflag:s8] =	ssyncset.s32 @!p0 $0xFFFFF086;
	s6 =	sadd.s32 @!p0 s3, s7;
	s7 =	simm.s32 @!p0 $0x108  }
0x21: {  	s3 =	sadd.s32 s3, s9;
	s6 =	sadd.s32 @!p0 $0x88, s6;
	s7 =	simm.s32 @p2 $0x1082  }
0x22: {  	[simem:s7], [sflag:s8] =	dma.local @!p0 [hbm:s6], $0xF7A  }
0x23: {  	s9 =	sor.u32 $0xD0000000, s2;
	s6 =	simm.s32 $0x108;
	_ =	swait.ge @!p0 [sflag:s8], $0x0  }
0x24: {  	s3 =	sadd.s32 $0x88, s3;
	s6 =	simm.s32 @!p1 $0x1082;
	[sflag:s4] =	ssyncset.s32 $0xFFFFF086  }
0x25: {  	[simem:s6], [sflag:s4] =	dma.local [hbm:s3], $0xF7A  }
0x26: {  	[smem:$0x3F86] =	sst s1;
	(tag) =	ssettag s2;
	_ =	strace s9  }
0x27: {  	s1 =	sld [smem:$0x3F96]  }
0x28: {  	s2 =	sld [smem:$0x3F97]  }
0x29: {  	s4 =	sld [smem:$0x3F99]  }
0x2a: {  	p0 =	seq.s32 s5, $0x0;
	s5 =	sld [smem:$0x3F9A]  }
0x2b: {  	s6 =	sld [smem:$0x3F9B]  }
0x2c: {  	s7 =	sld [smem:$0x3F9C]  }
0x2d: {  	s3 =	simm.s32 $0x108;
	s8 =	sld [smem:$0x3F9D]  }
0x2e: {  	s3 =	simm.s32 @!p0 $0x1082;
	s9 =	sld [smem:$0x3F9E]  }
0x2f: {  	lr =	sadd.s32 s0, s3;
	s0 =	sld [smem:$0x3F95]  }
0x30: {  	s3 =	sld [smem:$0x3F98]  }
0x31: {  	[smem:$0x3FA1] =	sst s10  }
0x32: {  	s10 =	sld [smem:$0x3F9F];
	_ =	sdelay $0x3  }
0x33: {  	p0 =	seq.s32 s10, $0x1;
	s10 =	sld [smem:$0x3FA1];
	_ =	sdelay $0x3  }
0x34: {  	[smem:$0x3FA1] =	sst s10  }
0x35: {  	s10 =	sld [smem:$0x3FA0];
	_ =	sdelay $0x3  }
0x36: {  	p1 =	seq.s32 s10, $0x1;
	s10 =	sld [smem:$0x3FA1];
	_ =	sdelay $0x3  }
0x37: {  	[smem:$0x3FA1] =	sst s10  }
0x38: {  	s10 =	sld [smem:$0x3FA2]  }
0x39: {  	_ = 	snop;
	(pc) =	sbr.ind lr, $3  }
0x3a: {  	_ = 	snop  }
0x3b: {  	_ = 	snop  }
0x3c: {  	p2 =	seq.s32 s10, $0x1;
	s10 =	sld [smem:$0x3FA1]  }
0x3d: {  	_ =	shalt  }
0x3e: {  	_ =	shalt  }
0x3f: {  	_ =	shalt  }
0x40: {  	_ =	shalt  }
0x41: {  	_ =	shalt  }
0x42: {  	_ =	shalt  }
0x43: {  	_ =	shalt  }
0x44: {  	_ =	shalt  }
0x45: {  	_ =	shalt  }
0x46: {  	_ =	shalt  }
0x47: {  	_ =	shalt  }
0x48: {  	_ =	shalt  }
0x49: {  	_ =	shalt  }
0x4a: {  	_ =	shalt  }
0x4b: {  	_ =	shalt  }
0x4c: {  	_ =	shalt  }
0x4d: {  	_ =	shalt  }
0x4e: {  	_ =	shalt  }
0x4f: {  	_ =	shalt  }
0x50: {  	_ =	shalt  }
0x51: {  	_ =	shalt  }
0x52: {  	_ =	shalt  }
0x53: {  	_ =	shalt  }
0x54: {  	_ =	shalt  }
0x55: {  	_ =	shalt  }
0x56: {  	_ =	shalt  }
0x57: {  	_ =	shalt  }
0x58: {  	_ =	shalt  }
0x59: {  	_ =	shalt  }
0x5a: {  	_ =	shalt  }
0x5b: {  	_ =	shalt  }
0x5c: {  	_ =	shalt  }
0x5d: {  	_ =	shalt  }
0x5e: {  	_ =	shalt  }
0x5f: {  	_ =	shalt  }
0x60: {  	_ =	shalt  }
0x61: {  	_ =	shalt  }
0x62: {  	_ =	shalt  }
0x63: {  	_ =	shalt  }
0x64: {  	_ =	shalt  }
0x65: {  	_ =	shalt  }
0x66: {  	_ =	shalt  }
0x67: {  	_ =	shalt  }
0x68: {  	_ =	shalt  }
0x69: {  	_ =	shalt  }
0x6a: {  	_ =	shalt  }
0x6b: {  	_ =	shalt  }
0x6c: {  	_ =	shalt  }
0x6d: {  	_ =	shalt  }
0x6e: {  	_ =	shalt  }
0x6f: {  	_ =	shalt  }
0x70: {  	_ =	shalt  }
0x71: {  	_ =	shalt  }
0x72: {  	_ =	shalt  }
0x73: {  	_ =	shalt  }
0x74: {  	_ =	shalt  }
0x75: {  	_ =	shalt  }
0x76: {  	_ =	shalt  }
0x77: {  	_ =	shalt  }
0x78: {  	_ =	shalt  }
0x79: {  	_ =	shalt  }
0x7a: {  	_ =	shalt  }
0x7b: {  	_ =	shalt  }
0x7c: {  	_ =	shalt  }
0x7d: {  	_ =	shalt  }
0x7e: {  	_ =	shalt  }
0x7f: {  	_ =	shalt  }
0x80: {  	_ =	shalt  }
0x81: {  	_ =	shalt  }
0x82: {  	_ =	shalt  }
0x83: {  	_ =	shalt  }
0x84: {  	_ =	shalt  }
0x85: {  	_ =	shalt  }
0x86: {  	_ =	shalt  }
0x87: {  	_ =	shalt  }
.Lfunc_end0:
.L_simem_size_0:
called_computation.1_lowered:
.L_overlay_start_0:
0x88: {  	s2 =	sld [smem:$0x3FD9]  }
0x89: {  	s3 =	sld [smem:$0x3FFE];
	_ =	sdelay $0x1  }
0x8a: {  	s1 =	srdreg.scid  }
0x8b: {  	s0 =	sand.u32 $0x1, s1  }
0x8c: {  	s17 =	sshll.u32 s0, $0xA;
	s2 =	sadd.s32 s3, s2  }
0x8d: {  	s2 =	sadd.s32 s2, s17  }
0x8e: {  	[smem:$0x3FAD] =	sst s2  }
0x8f: {  	_ = 	snop  }
0x90: {  	s2 =	sld [smem:$0x3FD0];
	(tm) =	ssettm $0x1  }
0x91: {  	s18 =	sld [smem:$0x3FFB];
	_ =	sdelay $0x3  }
0x92: {  	_ =	strace s18  }
0x93: {  	s3 =	sld [smem:$0x3FFC];
	_ =	sdelay $0x3  }
0x94: {  	_ =	strace s3  }
0x95: {  	s3 =	sld [smem:$0x3FFD];
	_ =	sdelay $0x3  }
0x96: {  	_ =	strace s3  }
0x97: {  	_ =	strace $0x8FFFFFFF  }
0x98: {  	s19 =	sld [smem:$0x3FDB];
	_ =	sdelay $0x1  }
0x99: {  	s4 =	simm.s32 $_scs_section_size  }
0x9a: {  	s5 =	simm.s32 $_size__tile_overlayer_lowered;
	s6 =	simm.s32 $_tile_overlayer_lowered  }
0x9b: {  	s22 =	simm.s32 $0x1BFF;
	s21 =	sshll.u32 s6, $0x1;
	s3 =	sadd.s32 s4, s19  }
0x9c: {  	s7 =	simm.s32 $0x0;
	s20 =	sshll.u32 s5, $0x1;
	s5 =	sadd.s32 s21, s3  }
0x9d: {  	[timem:s7], [sflag:s22] =	dma.local [hbm:s5], s20  }
0x9e: {  	_ =	swait.ge [sflag:s22], s20  }
0x9f: {  	s4 =	ssub.s32 $0x0, s20;
	[sflag:s22] =	ssyncset.done $0x0  }
0xa0: {  	[sflag:s22] =	ssyncadd.s32 s4;
	_ =	sdelay $0x1  }
0xa1: {  	s23 =	simm.s32 $0x1B8B  }
0xa2: {  	_ =	swait.ge [sflag:s23], $0x1  }
0xa3: {  	[sflag:s23] =	ssyncset.done $0x0  }
0xa4: {  	s25 =	simm.s32 $0x1B8E;
	s24 =	sld [smem:$0x3FFE];
	[sflag:s23] =	ssyncadd.s32 $0xFFFFFFFF  }
0xa5: {  	s26 =	simm.s32 $execute0_lowered;
	[smem:$0x3FD2] =	sst s25  }
0xa6: {  	s5 =	sshll.u32 s26, $0x1;
	_ =	strace $0x80000049;
	[dreg:$0x1] =	wrdreg $0xFFFFFFFF  }
0xa7: {  	s28 =	simm.s32 $_size_execute0_lowered;
	s3 =	sadd.s32 s3, s5;
	[dreg:$0x0] =	wrdreg $0x0  }
0xa8: {  	s5 =	sshll.u32 s28, $0x1;
	[dreg:$0x2] =	wrdreg s3  }
0xa9: {  	[dreg:$0x3] =	wrdreg s5  }
0xaa: {  	[dreg:$0x4] =	wrdreg $0xC0  }
0xab: {  	_ =	task [dreg:s7], $0x5FFFF  }
0xac: {  	[dreg:$0x1] =	wrdreg $0xFFFFFFFF  }
0xad: {  	[dreg:$0x0] =	wrdreg $0x60  }
0xae: {  	[dreg:$0x2] =	wrdreg s24  }
0xaf: {  	[dreg:$0x3] =	wrdreg s2  }
0xb0: {  	[dreg:$0x4] =	wrdreg $0x0  }
0xb1: {  	[dreg:$0x5] =	wrdreg $0x186A00  }
0xb2: {  	[dreg:$0x6] =	wrdreg $0x9  }
0xb3: {  	_ =	task.clear_ibuf [dreg:s7], $0x7FFFF;
	_ =	strace $0x90000049  }
0xb4: {  	s29 =	simm.s32 $0x9;
	_ =	strace $0x8000004B  }
0xb5: {  	_ =	swait.ge [sflag:s29], $0x1  }
0xb6: {  	[sflag:s29] =	ssyncadd.s32 $0xFFFFFFFF  }
0xb7: {  	_ =	strace $0x9000004B  }
0xb8: {  	_ =	sfence  }
0xb9: {  	s30 =	sld [smem:$0x0];
	_ =	sdelay $0x2  }
0xba: {  	s31 =	sshll.u32 s1, $0xD;
	s1 =	sshrl.u32 s1, $0x2  }
0xbb: {  	s3 =	sand.u32 $0x4000, s31;
	s1 =	sadd.s32 s1, s30  }
0xbc: {  	s0 =	sor.u32 s3, s0;
	s1 =	sshll.u32 s1, $0x11  }
0xbd: {  	s0 =	sor.u32 s1, s0  }
0xbe: {  	s0 =	sadd.s32 $0x8F2B, s0  }
0xbf: {  	[sflag:s0] =	ssyncadd.remote.s32 $0x1  }
0xc0: {  	_ =	sfence.sel $0xFFFF  }
0xc1: {  	[dreg:$0x0] =	wrdreg $0xFFFFFFFF;
	(pc) =	sbr.abs _section_cstart, $3  }
0xc2: {  	[dreg:$0x1] =	wrdreg $0xFFFFFFFF  }
0xc3: {  	_ =	task.clear_ibuf [dreg:s7], $0x2FFFF;
	_ =	strace $0x9FFFFFFF  }
0xc4: {  	(tm) =	ssettm $0x7FFFFFFF  }
0xc5: {  	_ =	shalt  }
tec
execute0_lowered:
.L_overlay_start_1:
0x0: {  	(tag) =	ssettag $0x1  }
0x1: {  	s0 =	rddreg [dreg:$0x0]  }
0x2: {  	s1 =	rddreg [dreg:$0x1]  }
0x3: {  	s2 =	rddreg [dreg:$0x2]  }
0x4: {  	s3 =	rddreg [dreg:$0x3];
	s4 =	simm.s32 $0x0;
	s8 =	srdreg.scid  }
0x5: {  	s18 =	stileid.u32;
	s28 =	simm.s32 $0x197D8;
	s30 =	simm.s32 $0x280  }
0x6: {  	s31 =	simm.s32 $0x19A58;
	[smem:$0x7FF] =	sst s4;
	s5 =	sadd.s32 $0x3800, s0  }
0x7: {  	s29 =	simm.s32 $0x1;
	s6 =	sadd.s32 $0x128A00, s0;
	s7 =	sadd.s32 $0x24F600, s0  }
0x8: {  	s8 =	sand.u32 $0x1, s8;
	s9 =	sadd.s32 $0x24DC00, s0;
	s10 =	sadd.s32 $0x65400, s0  }
0x9: {  	s0 =	sadd.s32 $0xC7000, s0;
	s19 =	sshll.u32 s18, $0x1;
	s13 =	ssub.s32 $0x4D, s18  }
0xa: {  	s20 =	sadd.s32 $0x186000, s2;
	s21 =	sadd.s32 $0xC300, s3;
	s25 =	smul.u32 $0x14000, s18  }
0xb: {  	p0 =	sne.s32 s18, $0x1;
	_ =	strace $0x8000004A;
	s14 =	smul.u32 $0x186A00, s8  }
0xc: {  	s11 =	ssub.s32 $0x2, s8;
	s16 =	smul.u32 $0xC350, s8;
	[dreg:$0x5] =	wrdreg s20  }
0xd: {  	s17 =	sshrl.u32 s13, $0x4;
	[dreg:$0x6] =	wrdreg s21;
	s12 =	sshrl.u32 s11, $0x1  }
0xe: {  	s11 =	ssub.s32 s11, s12;
	s15 =	sshrl.u32 s14, $0x3;
	s23 =	sshrl.u32 s16, $0x3  }
0xf: {  	s22 =	sadd.s32 s10, s15;
	s24 =	sadd.s32 s0, s23;
	s11 =	smax.u32 s11, $0x1  }
0x10: {  	s23 =	sadd.s32 $0x1, s17;
	s13 =	sadd.s32 $0x30C00, s22;
	[dreg:$0x9] =	wrdreg s11  }
0x11: {  	s26 =	sadd.s32 $0x1860, s24;
	s22 =	smul.u32 $0x5000, s18;
	[dreg:$0xa] =	wrdreg s23  }
0x12: {  	s24 =	smul.u32 $0xA00, s18;
	s23 =	simm.s32 $0x3;
	[dreg:$0x7] =	wrdreg s13  }
0x13: {  	s13 =	sor.u32 s19, s8;
	[dreg:$0x8] =	wrdreg s26;
	s8 =	sshrl.u32 s25, $0x2  }
0x14: {  	s19 =	smul.u32 $0x280, s18;
	s15 =	ssub.s32 $0x9C3, s13;
	s8 =	sadd.s32 s8, s2  }
0x15: {  	s11 =	sadd.s32 s22, s14;
	s12 =	sshrl.u32 s24, $0x2;
	s22 =	simm.s32 $0x1A1D8  }
0x16: {  	s24 =	simm.s32 $0x19F58;
	s15 =	sshrl.u32 s15, $0x5;
	[dreg:$0xb] =	wrdreg s8  }
0x17: {  	s25 =	sadd.s32 s19, s16;
	s11 =	sshrl.u32 s11, $0x3;
	s19 =	sadd.s32 s12, s3  }
0x18: {  	s8 =	sshrl.u32 s25, $0x3;
	s26 =	sadd.s32 s11, s10;
	s25 =	simm.s32 $0x192D8  }
0x19: {  	v1 =	vlaneseq.u32;
	s0 =	sadd.s32 s8, s0;
	[dreg:$0xd] =	wrdreg s26;
	s26 =	simm.s32 $0x19558  }
0x1a: {  	v0 =	vimm.f32 $0.0e+00;
	v1 =	vmul.u32 $0x20, v1;
	s8 =	simm.s32 $0x2;
	[dreg:$0xc] =	wrdreg s0;
	s0 =	simm.s32 $0x19CD8  }
.LBB2_1:
0x1b: {  	s10 =	simm.s32 $0x80;
	s11 =	simm.s32 $0x0  }
.LBB2_2:
0x1c: {  	p1 =	sne.s32 s10, $0x13F80;
	[tilespmem:s11+$0x1A1D8] =	vst v0;
	s12 =	smov.u32 s10;
	s10 =	sadd.s32 $0x80, s10  }
.Ltmp0:
0x1d: {  	[tilespmem:s11+$0x1A1E8] =	vst v0;
	(pc) =	sbr.rel @p1 .LBB2_2-.Ltmp0, $2  }
0x1e: {  	_ =	sdelay $0x2  }
0x1f: {  	s11 =	sshra.s32 s12, $0x2  }
0x20: {  	[tilespmem:s11+$0x1A1D8] =	vst v0  }
0x21: {  	[tilespmem:s11+$0x1A1E8] =	vst v0  }
0x22: {  	[tilespmem:$0x19F58] =	vst v0  }
0x23: {  	[tilespmem:$0x19F68] =	vst v0  }
0x24: {  	[tilespmem:$0x19F78] =	vst v0  }
0x25: {  	[tilespmem:$0x19F88] =	vst v0  }
0x26: {  	[tilespmem:$0x19F98] =	vst v0  }
0x27: {  	[tilespmem:$0x19FA8] =	vst v0  }
0x28: {  	[tilespmem:$0x19FB8] =	vst v0  }
0x29: {  	[tilespmem:$0x19FC8] =	vst v0  }
0x2a: {  	[tilespmem:$0x19FD8] =	vst v0  }
0x2b: {  	[tilespmem:$0x19FE8] =	vst v0  }
0x2c: {  	[tilespmem:$0x19FF8] =	vst v0  }
0x2d: {  	[tilespmem:$0x1A008] =	vst v0  }
0x2e: {  	[tilespmem:$0x1A018] =	vst v0  }
0x2f: {  	[tilespmem:$0x1A028] =	vst v0  }
0x30: {  	[tilespmem:$0x1A038] =	vst v0  }
0x31: {  	[tilespmem:$0x1A048] =	vst v0  }
0x32: {  	[tilespmem:$0x1A058] =	vst v0  }
0x33: {  	[tilespmem:$0x1A068] =	vst v0  }
0x34: {  	[tilespmem:$0x1A078] =	vst v0  }
0x35: {  	[tilespmem:$0x1A088] =	vst v0  }
0x36: {  	[tilespmem:$0x1A098] =	vst v0  }
0x37: {  	[tilespmem:$0x1A0A8] =	vst v0  }
0x38: {  	[tilespmem:$0x1A0B8] =	vst v0  }
0x39: {  	[tilespmem:$0x1A0C8] =	vst v0  }
0x3a: {  	[tilespmem:$0x1A0D8] =	vst v0  }
0x3b: {  	[tilespmem:$0x1A0E8] =	vst v0  }
0x3c: {  	[tilespmem:$0x1A0F8] =	vst v0  }
0x3d: {  	[tilespmem:$0x1A108] =	vst v0  }
0x3e: {  	[tilespmem:$0x1A118] =	vst v0  }
0x3f: {  	[tilespmem:$0x1A128] =	vst v0  }
0x40: {  	[tilespmem:$0x1A138] =	vst v0  }
0x41: {  	[tilespmem:$0x1A148] =	vst v0  }
0x42: {  	[tilespmem:$0x1A158] =	vst v0  }
0x43: {  	[tilespmem:$0x1A168] =	vst v0  }
0x44: {  	[tilespmem:$0x1A178] =	vst v0  }
0x45: {  	[tilespmem:$0x1A188] =	vst v0  }
0x46: {  	[tilespmem:$0x1A198] =	vst v0  }
0x47: {  	[tilespmem:$0x1A1A8] =	vst v0  }
0x48: {  	[tilespmem:$0x1A1B8] =	vst v0  }
0x49: {  	s11 =	rddreg [dreg:$0xb];
	[tilespmem:$0x1A1C8] =	vst v0  }
0x4a: {  	[spmem:s11] =	stream.linear.scatter [tilespmem:s22], [sflag:$0x3], $0x5000, $0x38;
	[tilespmem:$0x1F1D8] =	vst v63  }
0x4b: {  	_ =	swait.ge [sflag:s23], $0x5000  }
0x4c: {  	s10 =	rddreg [dreg:$0xa]  }
0x4d: {  	p1 =	sne.s32 s10, $0x1  }
.Ltmp1:
0x4e: {  	[sflag:s23] =	ssyncset.done $0x0;
	(pc) =	sbr.rel @!p1 .LBB2_5-.Ltmp1, $4  }
0x4f: {  	[sflag:s23] =	ssyncadd.s32 $0xFFFFB000  }
0x50: {  	[spmem:s19] =	stream.linear.scatter [tilespmem:s24], [sflag:$0x3], $0x280, $0x38;
	[tilespmem:$0x1F1D8] =	vst v63  }
0x51: {  	_ =	swait.ge [sflag:s23], $0x280  }
0x52: {  	s12 =	smov.u32 s19;
	s10 =	sadd.s32 $0xFFFFFFFF, s10;
	[sflag:s23] =	ssyncset.done $0x0  }
.LBB2_4:
0x53: {  	[sflag:s23] =	ssyncadd.s32 $0xFFFFFD80;
	s11 =	sadd.s32 $0x50000, s11;
	s12 =	sadd.s32 $0x2800, s12  }
0x54: {  	[spmem:s11] =	stream.linear.scatter [tilespmem:s22], [sflag:$0x3], $0x5000, $0x38;
	[tilespmem:$0x1F1D8] =	vst v63  }
0x55: {  	p2 =	sne.s32 s10, $0x1;
	s10 =	sadd.s32 $0xFFFFFFFF, s10;
	_ =	swait.ge [sflag:s23], $0x5000  }
.Ltmp2:
0x56: {  	[sflag:s23] =	ssyncset.done $0x0;
	(pc) =	sbr.rel @p2 .LBB2_4-.Ltmp2, $4  }
0x57: {  	[sflag:s23] =	ssyncadd.s32 $0xFFFFB000  }
0x58: {  	[spmem:s12] =	stream.linear.scatter [tilespmem:s24], [sflag:$0x3], $0x280, $0x38;
	[tilespmem:$0x1F1D8] =	vst v63  }
0x59: {  	_ =	swait.ge [sflag:s23], $0x280  }
0x5a: {  	[sflag:s23] =	ssyncset.done $0x0  }
.LBB2_5:
0x5b: {  	[sflag:s23] =	ssyncadd.s32 $0xFFFFFD80;
	s10 =	simm.s32 @!p0 $0x1A1D8  }
0x5c: {  	[spmem:s20] =	stream.linear.scatter @!p0 [tilespmem:s10], [sflag:$0x3], $0xA00, $0x38;
	[tilespmem:$0x1F1D8] =	vst v63  }
0x5d: {  	s10 =	simm.s32 @!p0 $0x3  }
0x5e: {  	_ =	swait.ge @!p0 [sflag:s10], $0xA00  }
0x5f: {  	[sflag:s10] =	ssyncset.done @!p0 $0x0  }
0x60: {  	s11 =	simm.s32 @!p0 $0x19F58;
	[sflag:s10] =	ssyncadd.s32 @!p0 $0xFFFFF600  }
0x61: {  	[spmem:s21] =	stream.linear.scatter @!p0 [tilespmem:s11], [sflag:$0x3], $0x50, $0x38;
	[tilespmem:$0x1F1D8] =	vst v63  }
0x62: {  	_ =	swait.ge @!p0 [sflag:s10], $0x50  }
0x63: {  	[sflag:s10] =	ssyncset.done @!p0 $0x0  }
0x64: {  	[sflag:s10] =	ssyncadd.s32 @!p0 $0xFFFFFFB0  }
0x65: {  	s12 =	simm.s32 $0x0;
	s14 =	simm.s32 $0x0;
	[bflag:$0x0] =	sbarrier.arrive $0xFFFF  }
.LBB2_6:
0x66: {  	s10 =	sshll.u32 s14, $0x5  }
0x67: {  	s10 =	sor.u32 s13, s10  }
0x68: {  	s10 =	smul.u32 $0x280, s10;
	_ =	sdelay $0x1  }
0x69: {  	s11 =	sshrl.u32 s10, $0x3;
	s10 =	sadd.s32 $0x186A00, s10  }
0x6a: {  	s16 =	sadd.s32 s5, s11;
	s10 =	sshrl.u32 s10, $0x3  }
0x6b: {  	[tilespmem:s25], [sflag:$0x1] =	stream.linear.gather [hbm4b:s16+s12], $0x280, $0x38;
	[tilespmem:$0x1F1D8] =	vst v63  }
0x6c: {  	s10 =	sadd.s32 s5, s10  }
0x6d: {  	[tilespmem:s26], [sflag:$0x1] =	stream.linear.gather [hbm4b:s10+s12], $0x280, $0x38;
	[tilespmem:$0x1F1D8] =	vst v63  }
0x6e: {  	s21 =	sadd.s32 s6, s11  }
0x6f: {  	[tilespmem:s28], [sflag:$0x1] =	stream.linear.gather [hbm4b:s21+s12], $0x280, $0x38;
	[tilespmem:$0x1F1D8] =	vst v63  }
0x70: {  	_ =	swait.ge [sflag:s29], $0x280  }
0x71: {  	[sflag:s29] =	ssyncset.done $0x0  }
0x72: {  	[sflag:s29] =	ssyncadd.s32 $0xFFFFFD80  }
0x73: {  	_ =	swait.ge [sflag:s29], $0x280  }
0x74: {  	[sflag:s29] =	ssyncset.done $0x0  }
0x75: {  	[sflag:s29] =	ssyncadd.s32 $0xFFFFFD80  }
0x76: {  	_ =	swait.ge [sflag:s29], $0x280  }
0x77: {  	[sflag:s29] =	ssyncset.done $0x0  }
0x78: {  	[sflag:s29] =	ssyncadd.s32 $0xFFFFFD80  }
0x79: {  	[tilespmem:s22], [sflag:$0x2] =	stream.indirect.gather [hbm4b:s1+s30], $0x20, s25, s30, $0xb8;
	[tilespmem:$0x1F1D8] =	vst v63  }
0x7a: {  	_ = 	snop  }
0x7b: {  	[tilespmem:s31], [sflag:$0x1] =	stream.indirect.gather [hbm4b:s7+s30], $0x1, s25, s30, $0xb8;
	[tilespmem:$0x1F1D8] =	vst v63  }
0x7c: {  	_ = 	snop  }
0x7d: {  	[tilespmem:s0], [sflag:$0x1] =	stream.indirect.gather [hbm4b:s9+s30], $0x1, s26, s30, $0xb8;
	[tilespmem:$0x1F1D8] =	vst v63  }
0x7e: {  	_ =	swait.ge [sflag:s29], $0x280  }
0x7f: {  	[sflag:s29] =	ssyncset.done $0x0  }
0x80: {  	[sflag:s29] =	ssyncadd.s32 $0xFFFFFD80  }
0x81: {  	_ =	swait.ge [sflag:s29], $0x280  }
0x82: {  	[sflag:s29] =	ssyncset.done $0x0  }
0x83: {  	s10 =	simm.s32 $0x0;
	[sflag:s29] =	ssyncadd.s32 $0xFFFFFD80  }
0x84: {  	v2 =	vld [tilespmem:s10+$0x19A58]  }
0x85: {  	s11 =	simm.s32 $0x10;
	v3 =	vld [tilespmem:s10+$0x19CD8]  }
0x86: {  	v4 =	vld [tilespmem:s11+$0x19A58]  }
0x87: {  	v5 =	vld [tilespmem:s11+$0x19CD8]  }
0x88: {  	v6 =	vld [tilespmem:s10+$0x197D8];
	_ =	sdelay $0x1  }
0x89: {  	v7 =	vld [tilespmem:s11+$0x197D8]  }
0x8a: {  	v2 =	vadd.f32 v3, v2;
	_ =	sdelay $0x1  }
0x8b: {  	v4 =	vadd.f32 v5, v4;
	v2 =	vadd.f32 v6, v2;
	_ =	sdelay $0x1  }
0x8c: {  	v4 =	vadd.f32 v7, v4;
	v7 =	vmul.f32 $2.000000030e-01, v2  }
0x8d: {  	s16 =	simm.s32 $0x20  }
0x8e: {  	v3 =	vld [tilespmem:s16+$0x19A58];
	v2 =	vmax.f32 v2, v7  }
0x8f: {  	v5 =	vld [tilespmem:s16+$0x19CD8];
	v7 =	vmul.f32 $1.442695020e+00, v2  }
0x90: {  	v8 =	vmul.f32 $2.000000030e-01, v4  }
0x91: {  	v6 =	vld [tilespmem:s16+$0x197D8];
	(erf) = vpow2.f32 v7  }
0x92: {  	v4 =	vmax.f32 v4, v8  }
0x93: {  	s20 =	simm.s32 $0x30;
	v8 =	vmul.f32 $1.442695020e+00, v4  }
0x94: {  	v3 =	vadd.f32 v5, v3;
	v2 =	vld [tilespmem:s20+$0x19A58]  }
0x95: {  	v4 =	vld [tilespmem:s20+$0x19CD8];
	(erf) = vpow2.f32 v8  }
0x96: {  	v5 =	vadd.f32 v6, v3  }
0x97: {  	v3 =	vld [tilespmem:s20+$0x197D8]  }
0x98: {  	s21 =	simm.s32 $0x100;
	v6 =	vmul.f32 $2.000000030e-01, v5  }
.LBB2_7:
0x99: {  	s17 =	sshra.s32 s21, $0x2;
	p2 =	sne.s32 s21, $0x9C0  }
.Ltmp3:
0x9a: {  	s21 =	sadd.s32 $0x40, s21;
	v7 =	vadd.f32 v4, v2;
	v2 =	vld [tilespmem:s17+$0x19A58];
	v5 =	vmax.f32 v5, v6;
	v6 =	vpop (erf);
	(pc) =	sbr.rel @p2 .LBB2_7-.Ltmp3, $4  }
0x9b: {  	v4 =	vld [tilespmem:s17+$0x19CD8];
	v8 =	vmul.f32 $1.442695020e+00, v5;
	[tilespmem:s10+$0x19F58] =	vst v6;
	s10 =	smov.u32 s11;
	s11 =	smov.u32 s16;
	s16 =	smov.u32 s20  }
0x9c: {  	s20 =	smov.u32 s17;
	v5 =	vadd.f32 v3, v7  }
0x9d: {  	v3 =	vld [tilespmem:s20+$0x197D8];
	(erf) = vpow2.f32 v8  }
0x9e: {  	v6 =	vmul.f32 $2.000000030e-01, v5  }
0x9f: {  	_ = 	snop  }
0xa0: {  	v2 =	vadd.f32 v4, v2;
	_ =	sdelay $0x1  }
0xa1: {  	v2 =	vadd.f32 v3, v2;
	_ =	sdelay $0x1  }
0xa2: {  	v3 =	vmul.f32 $2.000000030e-01, v2  }
0xa3: {  	v4 =	vmax.f32 v5, v6  }
0xa4: {  	v4 =	vmul.f32 $1.442695020e+00, v4;
	v2 =	vmax.f32 v2, v3  }
0xa5: {  	v2 =	vmul.f32 $1.442695020e+00, v2  }
0xa6: {  	(erf) = vpow2.f32 v4  }
0xa7: {  	(erf) = vpow2.f32 v2;
	_ =	sdelay $0x5  }
0xa8: {  	s17 =	simm.s32 $0x0;
	v2 =	vpop (erf)  }
0xa9: {  	v3 =	vmov s17;
	[tilespmem:s10+$0x19F58] =	vst v2;
	v2 =	vpop (erf)  }
0xaa: {  	v3 =	vshll.u32 v3, $0x5;
	[tilespmem:s11+$0x19F58] =	vst v2;
	v2 =	vpop (erf)  }
0xab: {  	v4 =	vor.u32 v1, v3;
	[tilespmem:s16+$0x19F58] =	vst v2;
	v2 =	vpop (erf)  }
0xac: {  	[tilespmem:s20+$0x19F58] =	vst v2  }
0xad: {  	_ =	swait.ge [sflag:s8], $0x5000  }
0xae: {  	[sflag:s8] =	ssyncset.done $0x0  }
0xaf: {  	[sflag:s8] =	ssyncadd.s32 $0xFFFFB000  }
0xb0: {  	s16 =	simm.s32 $0x19F58;
	v2 =	vld.idx.msk [tilespmem:v4+s22+$0x0], $0xffff  }
0xb1: {  	v3 =	vld [tilespmem:s16+$0x0];
	_ =	sdelay $0x2  }
0xb2: {  	v5 =	vor.u32 $0x1, v4;
	_ =	sdelay $0x1  }
0xb3: {  	v2 =	vmul.f32 v2, v3;
	_ =	sdelay $0x1  }
0xb4: {  	[tilespmem:v4+s22+$0x0] =	vst.idx.msk $0xffff, v2  }
0xb5: {  	v2 =	vld.idx.msk [tilespmem:v5+s22+$0x0], $0xffff;
	_ =	sdelay $0x2  }
0xb6: {  	v6 =	vor.u32 $0x2, v4;
	_ =	sdelay $0x1  }
0xb7: {  	v2 =	vmul.f32 v2, v3;
	_ =	sdelay $0x1  }
0xb8: {  	[tilespmem:v5+s22+$0x0] =	vst.idx.msk $0xffff, v2  }
0xb9: {  	v2 =	vld.idx.msk [tilespmem:v6+s22+$0x0], $0xffff;
	_ =	sdelay $0x2  }
0xba: {  	v5 =	vor.u32 $0x3, v4;
	_ =	sdelay $0x1  }
0xbb: {  	v2 =	vmul.f32 v2, v3;
	_ =	sdelay $0x1  }
0xbc: {  	[tilespmem:v6+s22+$0x0] =	vst.idx.msk $0xffff, v2  }
0xbd: {  	v2 =	vld.idx.msk [tilespmem:v5+s22+$0x0], $0xffff;
	_ =	sdelay $0x2  }
0xbe: {  	v6 =	vor.u32 $0x4, v4;
	_ =	sdelay $0x1  }
0xbf: {  	v2 =	vmul.f32 v2, v3;
	_ =	sdelay $0x1  }
0xc0: {  	[tilespmem:v5+s22+$0x0] =	vst.idx.msk $0xffff, v2  }
0xc1: {  	v2 =	vld.idx.msk [tilespmem:v6+s22+$0x0], $0xffff;
	_ =	sdelay $0x2  }
0xc2: {  	v5 =	vor.u32 $0x5, v4;
	_ =	sdelay $0x1  }
0xc3: {  	v2 =	vmul.f32 v2, v3;
	_ =	sdelay $0x1  }
0xc4: {  	[tilespmem:v6+s22+$0x0] =	vst.idx.msk $0xffff, v2  }
0xc5: {  	v2 =	vld.idx.msk [tilespmem:v5+s22+$0x0], $0xffff;
	_ =	sdelay $0x2  }
0xc6: {  	v6 =	vor.u32 $0x6, v4;
	_ =	sdelay $0x1  }
0xc7: {  	v2 =	vmul.f32 v2, v3;
	_ =	sdelay $0x1  }
0xc8: {  	[tilespmem:v5+s22+$0x0] =	vst.idx.msk $0xffff, v2  }
0xc9: {  	v2 =	vld.idx.msk [tilespmem:v6+s22+$0x0], $0xffff;
	_ =	sdelay $0x2  }
0xca: {  	v5 =	vor.u32 $0x7, v4;
	_ =	sdelay $0x1  }
0xcb: {  	v2 =	vmul.f32 v2, v3;
	_ =	sdelay $0x1  }
0xcc: {  	[tilespmem:v6+s22+$0x0] =	vst.idx.msk $0xffff, v2  }
0xcd: {  	v2 =	vld.idx.msk [tilespmem:v5+s22+$0x0], $0xffff;
	_ =	sdelay $0x2  }
0xce: {  	v6 =	vor.u32 $0x8, v4;
	_ =	sdelay $0x1  }
0xcf: {  	v2 =	vmul.f32 v2, v3;
	_ =	sdelay $0x1  }
0xd0: {  	[tilespmem:v5+s22+$0x0] =	vst.idx.msk $0xffff, v2  }
0xd1: {  	v2 =	vld.idx.msk [tilespmem:v6+s22+$0x0], $0xffff;
	_ =	sdelay $0x2  }
0xd2: {  	v5 =	vor.u32 $0x9, v4;
	_ =	sdelay $0x1  }
0xd3: {  	v2 =	vmul.f32 v2, v3;
	_ =	sdelay $0x1  }
0xd4: {  	[tilespmem:v6+s22+$0x0] =	vst.idx.msk $0xffff, v2  }
0xd5: {  	v2 =	vld.idx.msk [tilespmem:v5+s22+$0x0], $0xffff;
	_ =	sdelay $0x2  }
0xd6: {  	v6 =	vor.u32 $0xA, v4;
	_ =	sdelay $0x1  }
0xd7: {  	v2 =	vmul.f32 v2, v3;
	_ =	sdelay $0x1  }
0xd8: {  	[tilespmem:v5+s22+$0x0] =	vst.idx.msk $0xffff, v2  }
0xd9: {  	v2 =	vld.idx.msk [tilespmem:v6+s22+$0x0], $0xffff;
	_ =	sdelay $0x2  }
0xda: {  	v5 =	vor.u32 $0xB, v4;
	_ =	sdelay $0x1  }
0xdb: {  	v2 =	vmul.f32 v2, v3;
	_ =	sdelay $0x1  }
0xdc: {  	[tilespmem:v6+s22+$0x0] =	vst.idx.msk $0xffff, v2  }
0xdd: {  	v2 =	vld.idx.msk [tilespmem:v5+s22+$0x0], $0xffff;
	_ =	sdelay $0x2  }
0xde: {  	v6 =	vor.u32 $0xC, v4;
	_ =	sdelay $0x1  }
0xdf: {  	v2 =	vmul.f32 v2, v3;
	_ =	sdelay $0x1  }
0xe0: {  	[tilespmem:v5+s22+$0x0] =	vst.idx.msk $0xffff, v2  }
0xe1: {  	v2 =	vld.idx.msk [tilespmem:v6+s22+$0x0], $0xffff;
	_ =	sdelay $0x2  }
0xe2: {  	v5 =	vor.u32 $0xD, v4;
	_ =	sdelay $0x1  }
0xe3: {  	v2 =	vmul.f32 v2, v3;
	_ =	sdelay $0x1  }
0xe4: {  	[tilespmem:v6+s22+$0x0] =	vst.idx.msk $0xffff, v2  }
0xe5: {  	v2 =	vld.idx.msk [tilespmem:v5+s22+$0x0], $0xffff;
	_ =	sdelay $0x2  }
0xe6: {  	v6 =	vor.u32 $0xE, v4;
	_ =	sdelay $0x1  }
0xe7: {  	v2 =	vmul.f32 v2, v3;
	_ =	sdelay $0x1  }
0xe8: {  	[tilespmem:v5+s22+$0x0] =	vst.idx.msk $0xffff, v2  }
0xe9: {  	v2 =	vld.idx.msk [tilespmem:v6+s22+$0x0], $0xffff;
	_ =	sdelay $0x2  }
0xea: {  	v5 =	vor.u32 $0xF, v4;
	_ =	sdelay $0x1  }
0xeb: {  	v2 =	vmul.f32 v2, v3;
	_ =	sdelay $0x1  }
0xec: {  	[tilespmem:v6+s22+$0x0] =	vst.idx.msk $0xffff, v2  }
0xed: {  	v2 =	vld.idx.msk [tilespmem:v5+s22+$0x0], $0xffff;
	_ =	sdelay $0x2  }
0xee: {  	v6 =	vor.u32 $0x10, v4;
	_ =	sdelay $0x1  }
0xef: {  	v2 =	vmul.f32 v2, v3;
	_ =	sdelay $0x1  }
0xf0: {  	[tilespmem:v5+s22+$0x0] =	vst.idx.msk $0xffff, v2  }
0xf1: {  	v2 =	vld.idx.msk [tilespmem:v6+s22+$0x0], $0xffff;
	_ =	sdelay $0x2  }
0xf2: {  	v5 =	vor.u32 $0x11, v4;
	_ =	sdelay $0x1  }
0xf3: {  	v2 =	vmul.f32 v2, v3;
	_ =	sdelay $0x1  }
0xf4: {  	[tilespmem:v6+s22+$0x0] =	vst.idx.msk $0xffff, v2  }
0xf5: {  	v2 =	vld.idx.msk [tilespmem:v5+s22+$0x0], $0xffff;
	_ =	sdelay $0x2  }
0xf6: {  	v6 =	vor.u32 $0x12, v4;
	_ =	sdelay $0x1  }
0xf7: {  	v2 =	vmul.f32 v2, v3;
	_ =	sdelay $0x1  }
0xf8: {  	[tilespmem:v5+s22+$0x0] =	vst.idx.msk $0xffff, v2  }
0xf9: {  	v2 =	vld.idx.msk [tilespmem:v6+s22+$0x0], $0xffff;
	_ =	sdelay $0x2  }
0xfa: {  	v5 =	vor.u32 $0x13, v4;
	_ =	sdelay $0x1  }
0xfb: {  	v2 =	vmul.f32 v2, v3;
	_ =	sdelay $0x1  }
0xfc: {  	[tilespmem:v6+s22+$0x0] =	vst.idx.msk $0xffff, v2  }
0xfd: {  	v2 =	vld.idx.msk [tilespmem:v5+s22+$0x0], $0xffff;
	_ =	sdelay $0x2  }
0xfe: {  	v6 =	vor.u32 $0x14, v4;
	_ =	sdelay $0x1  }
0xff: {  	v2 =	vmul.f32 v2, v3;
	_ =	sdelay $0x1  }
0x100: {  	[tilespmem:v5+s22+$0x0] =	vst.idx.msk $0xffff, v2  }
0x101: {  	v2 =	vld.idx.msk [tilespmem:v6+s22+$0x0], $0xffff;
	_ =	sdelay $0x2  }
0x102: {  	v5 =	vor.u32 $0x15, v4;
	_ =	sdelay $0x1  }
0x103: {  	v2 =	vmul.f32 v2, v3;
	_ =	sdelay $0x1  }
0x104: {  	[tilespmem:v6+s22+$0x0] =	vst.idx.msk $0xffff, v2  }
0x105: {  	v2 =	vld.idx.msk [tilespmem:v5+s22+$0x0], $0xffff;
	_ =	sdelay $0x2  }
0x106: {  	v6 =	vor.u32 $0x16, v4;
	_ =	sdelay $0x1  }
0x107: {  	v2 =	vmul.f32 v2, v3;
	_ =	sdelay $0x1  }
0x108: {  	[tilespmem:v5+s22+$0x0] =	vst.idx.msk $0xffff, v2  }
0x109: {  	v2 =	vld.idx.msk [tilespmem:v6+s22+$0x0], $0xffff;
	_ =	sdelay $0x2  }
0x10a: {  	v5 =	vor.u32 $0x17, v4;
	_ =	sdelay $0x1  }
0x10b: {  	v2 =	vmul.f32 v2, v3;
	_ =	sdelay $0x1  }
0x10c: {  	[tilespmem:v6+s22+$0x0] =	vst.idx.msk $0xffff, v2  }
0x10d: {  	v2 =	vld.idx.msk [tilespmem:v5+s22+$0x0], $0xffff;
	_ =	sdelay $0x2  }
0x10e: {  	v6 =	vor.u32 $0x18, v4;
	_ =	sdelay $0x1  }
0x10f: {  	v2 =	vmul.f32 v2, v3;
	_ =	sdelay $0x1  }
0x110: {  	[tilespmem:v5+s22+$0x0] =	vst.idx.msk $0xffff, v2  }
0x111: {  	v2 =	vld.idx.msk [tilespmem:v6+s22+$0x0], $0xffff;
	_ =	sdelay $0x2  }
0x112: {  	v5 =	vor.u32 $0x19, v4;
	_ =	sdelay $0x1  }
0x113: {  	v2 =	vmul.f32 v2, v3;
	_ =	sdelay $0x1  }
0x114: {  	[tilespmem:v6+s22+$0x0] =	vst.idx.msk $0xffff, v2  }
0x115: {  	v2 =	vld.idx.msk [tilespmem:v5+s22+$0x0], $0xffff;
	_ =	sdelay $0x2  }
0x116: {  	v6 =	vor.u32 $0x1A, v4;
	_ =	sdelay $0x1  }
0x117: {  	v2 =	vmul.f32 v2, v3;
	_ =	sdelay $0x1  }
0x118: {  	[tilespmem:v5+s22+$0x0] =	vst.idx.msk $0xffff, v2  }
0x119: {  	v2 =	vld.idx.msk [tilespmem:v6+s22+$0x0], $0xffff;
	_ =	sdelay $0x2  }
0x11a: {  	v5 =	vor.u32 $0x1B, v4;
	_ =	sdelay $0x1  }
0x11b: {  	v2 =	vmul.f32 v2, v3;
	_ =	sdelay $0x1  }
0x11c: {  	[tilespmem:v6+s22+$0x0] =	vst.idx.msk $0xffff, v2  }
0x11d: {  	v2 =	vld.idx.msk [tilespmem:v5+s22+$0x0], $0xffff;
	_ =	sdelay $0x2  }
0x11e: {  	v6 =	vor.u32 $0x1C, v4;
	_ =	sdelay $0x1  }
0x11f: {  	v2 =	vmul.f32 v2, v3;
	_ =	sdelay $0x1  }
0x120: {  	[tilespmem:v5+s22+$0x0] =	vst.idx.msk $0xffff, v2  }
0x121: {  	v2 =	vld.idx.msk [tilespmem:v6+s22+$0x0], $0xffff;
	_ =	sdelay $0x2  }
0x122: {  	v5 =	vor.u32 $0x1D, v4;
	_ =	sdelay $0x1  }
0x123: {  	v2 =	vmul.f32 v2, v3;
	_ =	sdelay $0x1  }
0x124: {  	[tilespmem:v6+s22+$0x0] =	vst.idx.msk $0xffff, v2  }
0x125: {  	v2 =	vld.idx.msk [tilespmem:v5+s22+$0x0], $0xffff;
	_ =	sdelay $0x2  }
0x126: {  	v6 =	vor.u32 $0x1E, v4;
	_ =	sdelay $0x1  }
0x127: {  	v2 =	vmul.f32 v2, v3;
	_ =	sdelay $0x1  }
0x128: {  	[tilespmem:v5+s22+$0x0] =	vst.idx.msk $0xffff, v2  }
0x129: {  	v2 =	vld.idx.msk [tilespmem:v6+s22+$0x0], $0xffff;
	_ =	sdelay $0x2  }
0x12a: {  	v4 =	vor.u32 $0x1F, v4;
	_ =	sdelay $0x1  }
0x12b: {  	v2 =	vmul.f32 v2, v3;
	_ =	sdelay $0x1  }
0x12c: {  	[tilespmem:v6+s22+$0x0] =	vst.idx.msk $0xffff, v2  }
0x12d: {  	s21 =	simm.s32 $0x10;
	v5 =	vld.idx.msk [tilespmem:v4+s22+$0x0], $0xffff  }
0x12e: {  	v2 =	vmov s21  }
0x12f: {  	v2 =	vshll.u32 v2, $0x5  }
0x130: {  	v2 =	vor.u32 v1, v2;
	_ =	sdelay $0x1  }
0x131: {  	s10 =	simm.s32 $0x20;
	v3 =	vmul.f32 v5, v3  }
.LBB2_9:
0x132: {  	p2 =	sne.s32 s10, $0x270  }
0x133: {  	s16 =	sadd.s32 $0x10, s16;
	s11 =	smov.u32 s10;
	s10 =	sadd.s32 $0x10, s10;
	[tilespmem:v4+s22+$0x0] =	vst.idx.msk $0xffff, v3  }
0x134: {  	v4 =	vld.idx.msk [tilespmem:v2+s22+$0x0], $0xffff  }
0x135: {  	v3 =	vld [tilespmem:s16+$0x0];
	_ =	sdelay $0x2  }
0x136: {  	v5 =	vor.u32 $0x1, v2;
	_ =	sdelay $0x1  }
0x137: {  	v4 =	vmul.f32 v4, v3;
	_ =	sdelay $0x1  }
0x138: {  	[tilespmem:v2+s22+$0x0] =	vst.idx.msk $0xffff, v4  }
0x139: {  	v4 =	vld.idx.msk [tilespmem:v5+s22+$0x0], $0xffff;
	_ =	sdelay $0x3  }
0x13a: {  	v6 =	vor.u32 $0x2, v2;
	_ =	sdelay $0x1  }
0x13b: {  	v4 =	vmul.f32 v4, v3;
	_ =	sdelay $0x1  }
0x13c: {  	[tilespmem:v5+s22+$0x0] =	vst.idx.msk $0xffff, v4  }
0x13d: {  	v4 =	vld.idx.msk [tilespmem:v6+s22+$0x0], $0xffff;
	_ =	sdelay $0x3  }
0x13e: {  	v5 =	vor.u32 $0x3, v2;
	_ =	sdelay $0x1  }
0x13f: {  	v4 =	vmul.f32 v4, v3;
	_ =	sdelay $0x1  }
0x140: {  	[tilespmem:v6+s22+$0x0] =	vst.idx.msk $0xffff, v4  }
0x141: {  	v4 =	vld.idx.msk [tilespmem:v5+s22+$0x0], $0xffff;
	_ =	sdelay $0x3  }
0x142: {  	v6 =	vor.u32 $0x4, v2;
	_ =	sdelay $0x1  }
0x143: {  	v4 =	vmul.f32 v4, v3;
	_ =	sdelay $0x1  }
0x144: {  	[tilespmem:v5+s22+$0x0] =	vst.idx.msk $0xffff, v4  }
0x145: {  	v4 =	vld.idx.msk [tilespmem:v6+s22+$0x0], $0xffff;
	_ =	sdelay $0x3  }
0x146: {  	v5 =	vor.u32 $0x5, v2;
	_ =	sdelay $0x1  }
0x147: {  	v4 =	vmul.f32 v4, v3;
	_ =	sdelay $0x1  }
0x148: {  	[tilespmem:v6+s22+$0x0] =	vst.idx.msk $0xffff, v4  }
0x149: {  	v4 =	vld.idx.msk [tilespmem:v5+s22+$0x0], $0xffff;
	_ =	sdelay $0x3  }
0x14a: {  	v6 =	vor.u32 $0x6, v2;
	_ =	sdelay $0x1  }
0x14b: {  	v4 =	vmul.f32 v4, v3;
	_ =	sdelay $0x1  }
0x14c: {  	[tilespmem:v5+s22+$0x0] =	vst.idx.msk $0xffff, v4  }
0x14d: {  	v4 =	vld.idx.msk [tilespmem:v6+s22+$0x0], $0xffff;
	_ =	sdelay $0x3  }
0x14e: {  	v5 =	vor.u32 $0x7, v2;
	_ =	sdelay $0x1  }
0x14f: {  	v4 =	vmul.f32 v4, v3;
	_ =	sdelay $0x1  }
0x150: {  	[tilespmem:v6+s22+$0x0] =	vst.idx.msk $0xffff, v4  }
0x151: {  	v4 =	vld.idx.msk [tilespmem:v5+s22+$0x0], $0xffff;
	_ =	sdelay $0x3  }
0x152: {  	v6 =	vor.u32 $0x8, v2;
	_ =	sdelay $0x1  }
0x153: {  	v4 =	vmul.f32 v4, v3;
	_ =	sdelay $0x1  }
0x154: {  	[tilespmem:v5+s22+$0x0] =	vst.idx.msk $0xffff, v4  }
0x155: {  	v4 =	vld.idx.msk [tilespmem:v6+s22+$0x0], $0xffff;
	_ =	sdelay $0x3  }
0x156: {  	v5 =	vor.u32 $0x9, v2;
	_ =	sdelay $0x1  }
0x157: {  	v4 =	vmul.f32 v4, v3;
	_ =	sdelay $0x1  }
0x158: {  	[tilespmem:v6+s22+$0x0] =	vst.idx.msk $0xffff, v4  }
0x159: {  	v4 =	vld.idx.msk [tilespmem:v5+s22+$0x0], $0xffff;
	_ =	sdelay $0x3  }
0x15a: {  	v6 =	vor.u32 $0xA, v2;
	_ =	sdelay $0x1  }
0x15b: {  	v4 =	vmul.f32 v4, v3;
	_ =	sdelay $0x1  }
0x15c: {  	[tilespmem:v5+s22+$0x0] =	vst.idx.msk $0xffff, v4  }
0x15d: {  	v4 =	vld.idx.msk [tilespmem:v6+s22+$0x0], $0xffff;
	_ =	sdelay $0x3  }
0x15e: {  	v5 =	vor.u32 $0xB, v2;
	_ =	sdelay $0x1  }
0x15f: {  	v4 =	vmul.f32 v4, v3;
	_ =	sdelay $0x1  }
0x160: {  	[tilespmem:v6+s22+$0x0] =	vst.idx.msk $0xffff, v4  }
0x161: {  	v4 =	vld.idx.msk [tilespmem:v5+s22+$0x0], $0xffff;
	_ =	sdelay $0x3  }
0x162: {  	v6 =	vor.u32 $0xC, v2;
	_ =	sdelay $0x1  }
0x163: {  	v4 =	vmul.f32 v4, v3;
	_ =	sdelay $0x1  }
0x164: {  	[tilespmem:v5+s22+$0x0] =	vst.idx.msk $0xffff, v4  }
0x165: {  	v4 =	vld.idx.msk [tilespmem:v6+s22+$0x0], $0xffff;
	_ =	sdelay $0x3  }
0x166: {  	v5 =	vor.u32 $0xD, v2;
	_ =	sdelay $0x1  }
0x167: {  	v4 =	vmul.f32 v4, v3;
	_ =	sdelay $0x1  }
0x168: {  	[tilespmem:v6+s22+$0x0] =	vst.idx.msk $0xffff, v4  }
0x169: {  	v4 =	vld.idx.msk [tilespmem:v5+s22+$0x0], $0xffff;
	_ =	sdelay $0x3  }
0x16a: {  	v6 =	vor.u32 $0xE, v2;
	_ =	sdelay $0x1  }
0x16b: {  	v4 =	vmul.f32 v4, v3;
	_ =	sdelay $0x1  }
0x16c: {  	[tilespmem:v5+s22+$0x0] =	vst.idx.msk $0xffff, v4  }
0x16d: {  	v4 =	vld.idx.msk [tilespmem:v6+s22+$0x0], $0xffff;
	_ =	sdelay $0x3  }
0x16e: {  	v5 =	vor.u32 $0xF, v2;
	_ =	sdelay $0x1  }
0x16f: {  	v4 =	vmul.f32 v4, v3;
	_ =	sdelay $0x1  }
0x170: {  	[tilespmem:v6+s22+$0x0] =	vst.idx.msk $0xffff, v4  }
0x171: {  	v4 =	vld.idx.msk [tilespmem:v5+s22+$0x0], $0xffff;
	_ =	sdelay $0x3  }
0x172: {  	v6 =	vor.u32 $0x10, v2;
	_ =	sdelay $0x1  }
0x173: {  	v4 =	vmul.f32 v4, v3;
	_ =	sdelay $0x1  }
0x174: {  	[tilespmem:v5+s22+$0x0] =	vst.idx.msk $0xffff, v4  }
0x175: {  	v4 =	vld.idx.msk [tilespmem:v6+s22+$0x0], $0xffff;
	_ =	sdelay $0x3  }
0x176: {  	v5 =	vor.u32 $0x11, v2;
	_ =	sdelay $0x1  }
0x177: {  	v4 =	vmul.f32 v4, v3;
	_ =	sdelay $0x1  }
0x178: {  	[tilespmem:v6+s22+$0x0] =	vst.idx.msk $0xffff, v4  }
0x179: {  	v4 =	vld.idx.msk [tilespmem:v5+s22+$0x0], $0xffff;
	_ =	sdelay $0x3  }
0x17a: {  	v6 =	vor.u32 $0x12, v2;
	_ =	sdelay $0x1  }
0x17b: {  	v4 =	vmul.f32 v4, v3;
	_ =	sdelay $0x1  }
0x17c: {  	[tilespmem:v5+s22+$0x0] =	vst.idx.msk $0xffff, v4  }
0x17d: {  	v4 =	vld.idx.msk [tilespmem:v6+s22+$0x0], $0xffff;
	_ =	sdelay $0x3  }
0x17e: {  	v5 =	vor.u32 $0x13, v2;
	_ =	sdelay $0x1  }
0x17f: {  	v4 =	vmul.f32 v4, v3;
	_ =	sdelay $0x1  }
0x180: {  	[tilespmem:v6+s22+$0x0] =	vst.idx.msk $0xffff, v4  }
0x181: {  	v4 =	vld.idx.msk [tilespmem:v5+s22+$0x0], $0xffff;
	_ =	sdelay $0x3  }
0x182: {  	v6 =	vor.u32 $0x14, v2;
	_ =	sdelay $0x1  }
0x183: {  	v4 =	vmul.f32 v4, v3;
	_ =	sdelay $0x1  }
0x184: {  	[tilespmem:v5+s22+$0x0] =	vst.idx.msk $0xffff, v4  }
0x185: {  	v4 =	vld.idx.msk [tilespmem:v6+s22+$0x0], $0xffff;
	_ =	sdelay $0x3  }
0x186: {  	v5 =	vor.u32 $0x15, v2;
	_ =	sdelay $0x1  }
0x187: {  	v4 =	vmul.f32 v4, v3;
	_ =	sdelay $0x1  }
0x188: {  	[tilespmem:v6+s22+$0x0] =	vst.idx.msk $0xffff, v4  }
0x189: {  	v4 =	vld.idx.msk [tilespmem:v5+s22+$0x0], $0xffff;
	_ =	sdelay $0x3  }
0x18a: {  	v6 =	vor.u32 $0x16, v2;
	_ =	sdelay $0x1  }
0x18b: {  	v4 =	vmul.f32 v4, v3;
	_ =	sdelay $0x1  }
0x18c: {  	[tilespmem:v5+s22+$0x0] =	vst.idx.msk $0xffff, v4  }
0x18d: {  	v4 =	vld.idx.msk [tilespmem:v6+s22+$0x0], $0xffff;
	_ =	sdelay $0x3  }
0x18e: {  	v5 =	vor.u32 $0x17, v2;
	_ =	sdelay $0x1  }
0x18f: {  	v4 =	vmul.f32 v4, v3;
	_ =	sdelay $0x1  }
0x190: {  	[tilespmem:v6+s22+$0x0] =	vst.idx.msk $0xffff, v4  }
0x191: {  	v4 =	vld.idx.msk [tilespmem:v5+s22+$0x0], $0xffff;
	_ =	sdelay $0x3  }
0x192: {  	v6 =	vor.u32 $0x18, v2;
	_ =	sdelay $0x1  }
0x193: {  	v4 =	vmul.f32 v4, v3;
	_ =	sdelay $0x1  }
0x194: {  	[tilespmem:v5+s22+$0x0] =	vst.idx.msk $0xffff, v4  }
0x195: {  	v4 =	vld.idx.msk [tilespmem:v6+s22+$0x0], $0xffff;
	_ =	sdelay $0x3  }
0x196: {  	v5 =	vor.u32 $0x19, v2;
	_ =	sdelay $0x1  }
0x197: {  	v4 =	vmul.f32 v4, v3;
	_ =	sdelay $0x1  }
0x198: {  	[tilespmem:v6+s22+$0x0] =	vst.idx.msk $0xffff, v4  }
0x199: {  	v4 =	vld.idx.msk [tilespmem:v5+s22+$0x0], $0xffff;
	_ =	sdelay $0x3  }
0x19a: {  	v6 =	vor.u32 $0x1A, v2;
	_ =	sdelay $0x1  }
0x19b: {  	v4 =	vmul.f32 v4, v3;
	_ =	sdelay $0x1  }
0x19c: {  	[tilespmem:v5+s22+$0x0] =	vst.idx.msk $0xffff, v4  }
0x19d: {  	v4 =	vld.idx.msk [tilespmem:v6+s22+$0x0], $0xffff;
	_ =	sdelay $0x3  }
0x19e: {  	v5 =	vor.u32 $0x1B, v2;
	_ =	sdelay $0x1  }
0x19f: {  	v4 =	vmul.f32 v4, v3;
	_ =	sdelay $0x1  }
0x1a0: {  	[tilespmem:v6+s22+$0x0] =	vst.idx.msk $0xffff, v4  }
0x1a1: {  	v4 =	vld.idx.msk [tilespmem:v5+s22+$0x0], $0xffff;
	_ =	sdelay $0x3  }
0x1a2: {  	v6 =	vor.u32 $0x1C, v2;
	_ =	sdelay $0x1  }
0x1a3: {  	v4 =	vmul.f32 v4, v3;
	_ =	sdelay $0x1  }
0x1a4: {  	[tilespmem:v5+s22+$0x0] =	vst.idx.msk $0xffff, v4  }
0x1a5: {  	v4 =	vld.idx.msk [tilespmem:v6+s22+$0x0], $0xffff;
	_ =	sdelay $0x3  }
0x1a6: {  	v5 =	vor.u32 $0x1D, v2;
	_ =	sdelay $0x1  }
0x1a7: {  	v4 =	vmul.f32 v4, v3;
	_ =	sdelay $0x1  }
0x1a8: {  	[tilespmem:v6+s22+$0x0] =	vst.idx.msk $0xffff, v4  }
0x1a9: {  	v4 =	vld.idx.msk [tilespmem:v5+s22+$0x0], $0xffff;
	_ =	sdelay $0x3  }
0x1aa: {  	v6 =	vor.u32 $0x1E, v2;
	_ =	sdelay $0x1  }
0x1ab: {  	v4 =	vmul.f32 v4, v3;
	_ =	sdelay $0x1  }
0x1ac: {  	[tilespmem:v5+s22+$0x0] =	vst.idx.msk $0xffff, v4  }
0x1ad: {  	v5 =	vld.idx.msk [tilespmem:v6+s22+$0x0], $0xffff;
	_ =	sdelay $0x3  }
0x1ae: {  	v4 =	vor.u32 $0x1F, v2;
	_ =	sdelay $0x1  }
0x1af: {  	v2 =	vmul.f32 v5, v3;
	_ =	sdelay $0x1  }
0x1b0: {  	[tilespmem:v6+s22+$0x0] =	vst.idx.msk $0xffff, v2  }
0x1b1: {  	v5 =	vld.idx.msk [tilespmem:v4+s22+$0x0], $0xffff;
	_ =	sdelay $0x1  }
.Ltmp4:
0x1b2: {  	v2 =	vmov s11;
	(pc) =	sbr.rel @p2 .LBB2_9-.Ltmp4, $3  }
0x1b3: {  	v2 =	vshll.u32 v2, $0x5  }
0x1b4: {  	v2 =	vor.u32 v1, v2;
	_ =	sdelay $0x1  }
0x1b5: {  	v3 =	vmul.f32 v5, v3  }
0x1b6: {  	_ =	sdelay $0x3  }
0x1b7: {  	[tilespmem:v4+s22+$0x0] =	vst.idx.msk $0xffff, v3  }
0x1b8: {  	s10 =	sadd.s32 $0x10, s16;
	v3 =	vld.idx.msk [tilespmem:v2+s22+$0x0], $0xffff  }
0x1b9: {  	v4 =	vld [tilespmem:s10+$0x0];
	_ =	sdelay $0x2  }
0x1ba: {  	v5 =	vor.u32 $0x1, v2;
	_ =	sdelay $0x1  }
0x1bb: {  	v3 =	vmul.f32 v3, v4;
	_ =	sdelay $0x1  }
0x1bc: {  	[tilespmem:v2+s22+$0x0] =	vst.idx.msk $0xffff, v3  }
0x1bd: {  	v3 =	vld.idx.msk [tilespmem:v5+s22+$0x0], $0xffff;
	_ =	sdelay $0x2  }
0x1be: {  	v6 =	vor.u32 $0x2, v2;
	_ =	sdelay $0x1  }
0x1bf: {  	v3 =	vmul.f32 v3, v4;
	_ =	sdelay $0x1  }
0x1c0: {  	[tilespmem:v5+s22+$0x0] =	vst.idx.msk $0xffff, v3  }
0x1c1: {  	v3 =	vld.idx.msk [tilespmem:v6+s22+$0x0], $0xffff;
	_ =	sdelay $0x2  }
0x1c2: {  	v36 =	vor.u32 $0x3, v2;
	_ =	sdelay $0x1  }
0x1c3: {  	v3 =	vmul.f32 v3, v4;
	_ =	sdelay $0x1  }
0x1c4: {  	[tilespmem:v6+s22+$0x0] =	vst.idx.msk $0xffff, v3  }
0x1c5: {  	v3 =	vld.idx.msk [tilespmem:v36+s22+$0x0], $0xffff;
	_ =	sdelay $0x2  }
0x1c6: {  	v37 =	vor.u32 $0x4, v2;
	_ =	sdelay $0x1  }
0x1c7: {  	v3 =	vmul.f32 v3, v4;
	_ =	sdelay $0x1  }
0x1c8: {  	[tilespmem:v36+s22+$0x0] =	vst.idx.msk $0xffff, v3  }
0x1c9: {  	v3 =	vld.idx.msk [tilespmem:v37+s22+$0x0], $0xffff;
	_ =	sdelay $0x2  }
0x1ca: {  	v38 =	vor.u32 $0x5, v2;
	_ =	sdelay $0x1  }
0x1cb: {  	v3 =	vmul.f32 v3, v4;
	_ =	sdelay $0x1  }
0x1cc: {  	[tilespmem:v37+s22+$0x0] =	vst.idx.msk $0xffff, v3  }
0x1cd: {  	v3 =	vld.idx.msk [tilespmem:v38+s22+$0x0], $0xffff;
	_ =	sdelay $0x2  }
0x1ce: {  	v39 =	vor.u32 $0x6, v2;
	_ =	sdelay $0x1  }
0x1cf: {  	v3 =	vmul.f32 v3, v4;
	_ =	sdelay $0x1  }
0x1d0: {  	[tilespmem:v38+s22+$0x0] =	vst.idx.msk $0xffff, v3  }
0x1d1: {  	v3 =	vld.idx.msk [tilespmem:v39+s22+$0x0], $0xffff;
	_ =	sdelay $0x2  }
0x1d2: {  	v40 =	vor.u32 $0x7, v2;
	_ =	sdelay $0x1  }
0x1d3: {  	v3 =	vmul.f32 v3, v4;
	_ =	sdelay $0x1  }
0x1d4: {  	[tilespmem:v39+s22+$0x0] =	vst.idx.msk $0xffff, v3  }
0x1d5: {  	v3 =	vld.idx.msk [tilespmem:v40+s22+$0x0], $0xffff;
	_ =	sdelay $0x2  }
0x1d6: {  	v41 =	vor.u32 $0x8, v2;
	_ =	sdelay $0x1  }
0x1d7: {  	v3 =	vmul.f32 v3, v4;
	_ =	sdelay $0x1  }
0x1d8: {  	[tilespmem:v40+s22+$0x0] =	vst.idx.msk $0xffff, v3  }
0x1d9: {  	v3 =	vld.idx.msk [tilespmem:v41+s22+$0x0], $0xffff;
	_ =	sdelay $0x2  }
0x1da: {  	v42 =	vor.u32 $0x9, v2;
	_ =	sdelay $0x1  }
0x1db: {  	v3 =	vmul.f32 v3, v4;
	_ =	sdelay $0x1  }
0x1dc: {  	[tilespmem:v41+s22+$0x0] =	vst.idx.msk $0xffff, v3  }
0x1dd: {  	v3 =	vld.idx.msk [tilespmem:v42+s22+$0x0], $0xffff;
	_ =	sdelay $0x2  }
0x1de: {  	v43 =	vor.u32 $0xA, v2;
	_ =	sdelay $0x1  }
0x1df: {  	v3 =	vmul.f32 v3, v4;
	_ =	sdelay $0x1  }
0x1e0: {  	[tilespmem:v42+s22+$0x0] =	vst.idx.msk $0xffff, v3  }
0x1e1: {  	v3 =	vld.idx.msk [tilespmem:v43+s22+$0x0], $0xffff;
	_ =	sdelay $0x2  }
0x1e2: {  	v44 =	vor.u32 $0xB, v2;
	_ =	sdelay $0x1  }
0x1e3: {  	v3 =	vmul.f32 v3, v4;
	_ =	sdelay $0x1  }
0x1e4: {  	[tilespmem:v43+s22+$0x0] =	vst.idx.msk $0xffff, v3  }
0x1e5: {  	v3 =	vld.idx.msk [tilespmem:v44+s22+$0x0], $0xffff;
	_ =	sdelay $0x2  }
0x1e6: {  	v45 =	vor.u32 $0xC, v2;
	_ =	sdelay $0x1  }
0x1e7: {  	v3 =	vmul.f32 v3, v4;
	_ =	sdelay $0x1  }
0x1e8: {  	[tilespmem:v44+s22+$0x0] =	vst.idx.msk $0xffff, v3  }
0x1e9: {  	v3 =	vld.idx.msk [tilespmem:v45+s22+$0x0], $0xffff;
	_ =	sdelay $0x2  }
0x1ea: {  	v46 =	vor.u32 $0xD, v2;
	_ =	sdelay $0x1  }
0x1eb: {  	v3 =	vmul.f32 v3, v4;
	_ =	sdelay $0x1  }
0x1ec: {  	[tilespmem:v45+s22+$0x0] =	vst.idx.msk $0xffff, v3  }
0x1ed: {  	v3 =	vld.idx.msk [tilespmem:v46+s22+$0x0], $0xffff;
	_ =	sdelay $0x2  }
0x1ee: {  	v47 =	vor.u32 $0xE, v2;
	_ =	sdelay $0x1  }
0x1ef: {  	v3 =	vmul.f32 v3, v4;
	_ =	sdelay $0x1  }
0x1f0: {  	[tilespmem:v46+s22+$0x0] =	vst.idx.msk $0xffff, v3  }
0x1f1: {  	v3 =	vld.idx.msk [tilespmem:v47+s22+$0x0], $0xffff;
	_ =	sdelay $0x2  }
0x1f2: {  	v48 =	vor.u32 $0xF, v2;
	_ =	sdelay $0x1  }
0x1f3: {  	v3 =	vmul.f32 v3, v4;
	_ =	sdelay $0x1  }
0x1f4: {  	[tilespmem:v47+s22+$0x0] =	vst.idx.msk $0xffff, v3  }
0x1f5: {  	v3 =	vld.idx.msk [tilespmem:v48+s22+$0x0], $0xffff;
	_ =	sdelay $0x2  }
0x1f6: {  	v49 =	vor.u32 $0x10, v2;
	_ =	sdelay $0x1  }
0x1f7: {  	v3 =	vmul.f32 v3, v4;
	_ =	sdelay $0x1  }
0x1f8: {  	[tilespmem:v48+s22+$0x0] =	vst.idx.msk $0xffff, v3  }
0x1f9: {  	v3 =	vld.idx.msk [tilespmem:v49+s22+$0x0], $0xffff;
	_ =	sdelay $0x2  }
0x1fa: {  	v50 =	vor.u32 $0x11, v2;
	_ =	sdelay $0x1  }
0x1fb: {  	v3 =	vmul.f32 v3, v4;
	_ =	sdelay $0x1  }
0x1fc: {  	[tilespmem:v49+s22+$0x0] =	vst.idx.msk $0xffff, v3  }
0x1fd: {  	v3 =	vld.idx.msk [tilespmem:v50+s22+$0x0], $0xffff;
	_ =	sdelay $0x2  }
0x1fe: {  	v51 =	vor.u32 $0x12, v2;
	_ =	sdelay $0x1  }
0x1ff: {  	v3 =	vmul.f32 v3, v4;
	_ =	sdelay $0x1  }
0x200: {  	[tilespmem:v50+s22+$0x0] =	vst.idx.msk $0xffff, v3  }
0x201: {  	v3 =	vld.idx.msk [tilespmem:v51+s22+$0x0], $0xffff;
	_ =	sdelay $0x2  }
0x202: {  	v52 =	vor.u32 $0x13, v2;
	_ =	sdelay $0x1  }
0x203: {  	v3 =	vmul.f32 v3, v4;
	_ =	sdelay $0x1  }
0x204: {  	[tilespmem:v51+s22+$0x0] =	vst.idx.msk $0xffff, v3  }
0x205: {  	v3 =	vld.idx.msk [tilespmem:v52+s22+$0x0], $0xffff;
	_ =	sdelay $0x2  }
0x206: {  	v53 =	vor.u32 $0x14, v2;
	_ =	sdelay $0x1  }
0x207: {  	v3 =	vmul.f32 v3, v4;
	_ =	sdelay $0x1  }
0x208: {  	[tilespmem:v52+s22+$0x0] =	vst.idx.msk $0xffff, v3  }
0x209: {  	v3 =	vld.idx.msk [tilespmem:v53+s22+$0x0], $0xffff;
	_ =	sdelay $0x2  }
0x20a: {  	v54 =	vor.u32 $0x15, v2;
	_ =	sdelay $0x1  }
0x20b: {  	v3 =	vmul.f32 v3, v4;
	_ =	sdelay $0x1  }
0x20c: {  	[tilespmem:v53+s22+$0x0] =	vst.idx.msk $0xffff, v3  }
0x20d: {  	v3 =	vld.idx.msk [tilespmem:v54+s22+$0x0], $0xffff;
	_ =	sdelay $0x2  }
0x20e: {  	v55 =	vor.u32 $0x16, v2;
	_ =	sdelay $0x1  }
0x20f: {  	v3 =	vmul.f32 v3, v4;
	_ =	sdelay $0x1  }
0x210: {  	[tilespmem:v54+s22+$0x0] =	vst.idx.msk $0xffff, v3  }
0x211: {  	v3 =	vld.idx.msk [tilespmem:v55+s22+$0x0], $0xffff;
	_ =	sdelay $0x2  }
0x212: {  	v56 =	vor.u32 $0x17, v2;
	_ =	sdelay $0x1  }
0x213: {  	v3 =	vmul.f32 v3, v4;
	_ =	sdelay $0x1  }
0x214: {  	[tilespmem:v55+s22+$0x0] =	vst.idx.msk $0xffff, v3  }
0x215: {  	v3 =	vld.idx.msk [tilespmem:v56+s22+$0x0], $0xffff;
	_ =	sdelay $0x2  }
0x216: {  	v57 =	vor.u32 $0x18, v2;
	_ =	sdelay $0x1  }
0x217: {  	v3 =	vmul.f32 v3, v4;
	_ =	sdelay $0x1  }
0x218: {  	[tilespmem:v56+s22+$0x0] =	vst.idx.msk $0xffff, v3  }
0x219: {  	v3 =	vld.idx.msk [tilespmem:v57+s22+$0x0], $0xffff;
	_ =	sdelay $0x2  }
0x21a: {  	v58 =	vor.u32 $0x19, v2;
	_ =	sdelay $0x1  }
0x21b: {  	v3 =	vmul.f32 v3, v4;
	_ =	sdelay $0x1  }
0x21c: {  	[tilespmem:v57+s22+$0x0] =	vst.idx.msk $0xffff, v3  }
0x21d: {  	v3 =	vld.idx.msk [tilespmem:v58+s22+$0x0], $0xffff;
	_ =	sdelay $0x2  }
0x21e: {  	v59 =	vor.u32 $0x1A, v2;
	_ =	sdelay $0x1  }
0x21f: {  	v3 =	vmul.f32 v3, v4;
	_ =	sdelay $0x1  }
0x220: {  	[tilespmem:v58+s22+$0x0] =	vst.idx.msk $0xffff, v3  }
0x221: {  	v3 =	vld.idx.msk [tilespmem:v59+s22+$0x0], $0xffff;
	_ =	sdelay $0x2  }
0x222: {  	v60 =	vor.u32 $0x1B, v2;
	_ =	sdelay $0x1  }
0x223: {  	v3 =	vmul.f32 v3, v4;
	_ =	sdelay $0x1  }
0x224: {  	[tilespmem:v59+s22+$0x0] =	vst.idx.msk $0xffff, v3  }
0x225: {  	v3 =	vld.idx.msk [tilespmem:v60+s22+$0x0], $0xffff;
	_ =	sdelay $0x2  }
0x226: {  	v61 =	vor.u32 $0x1C, v2;
	_ =	sdelay $0x1  }
0x227: {  	v3 =	vmul.f32 v3, v4;
	_ =	sdelay $0x1  }
0x228: {  	[tilespmem:v60+s22+$0x0] =	vst.idx.msk $0xffff, v3  }
0x229: {  	v3 =	vld.idx.msk [tilespmem:v61+s22+$0x0], $0xffff;
	_ =	sdelay $0x2  }
0x22a: {  	v62 =	vor.u32 $0x1D, v2;
	_ =	sdelay $0x1  }
0x22b: {  	v3 =	vmul.f32 v3, v4;
	_ =	sdelay $0x1  }
0x22c: {  	[tilespmem:v61+s22+$0x0] =	vst.idx.msk $0xffff, v3  }
0x22d: {  	v3 =	vld.idx.msk [tilespmem:v62+s22+$0x0], $0xffff;
	_ =	sdelay $0x2  }
0x22e: {  	v63 =	vor.u32 $0x1E, v2;
	_ =	sdelay $0x1  }
0x22f: {  	v3 =	vmul.f32 v3, v4;
	_ =	sdelay $0x1  }
0x230: {  	[tilespmem:v62+s22+$0x0] =	vst.idx.msk $0xffff, v3  }
0x231: {  	v3 =	vld.idx.msk [tilespmem:v63+s22+$0x0], $0xffff;
	_ =	sdelay $0x2  }
0x232: {  	v2 =	vor.u32 $0x1F, v2;
	_ =	sdelay $0x1  }
0x233: {  	v3 =	vmul.f32 v3, v4;
	_ =	sdelay $0x1  }
0x234: {  	[tilespmem:v63+s22+$0x0] =	vst.idx.msk $0xffff, v3  }
0x235: {  	v3 =	vld.idx.msk [tilespmem:v2+s22+$0x0], $0xffff;
	_ =	sdelay $0x4  }
0x236: {  	v3 =	vmul.f32 v3, v4;
	_ =	sdelay $0x1  }
0x237: {  	[tilespmem:v2+s22+$0x0] =	vst.idx.msk $0xffff, v3  }
0x238: {  	[spmem:s3] =	stream.indirect.scatter.add.f32 [tilespmem:s24], [sflag:$0x1], $0x1, s26, s30, $0xb8;
	[tilespmem:$0x1F1D8] =	vst v63  }
0x239: {  	_ = 	snop  }
0x23a: {  	[spmem:s2] =	stream.indirect.scatter.add.f32 [tilespmem:s22], [sflag:$0x2], $0x20, s26, s30, $0xb8;
	[tilespmem:$0x1F1D8] =	vst v63  }
0x23b: {  	p2 =	sne.s32 s14, s15;
	_ =	swait.ge [sflag:s29], $0x280  }
.Ltmp5:
0x23c: {  	[sflag:s29] =	ssyncset.done $0x0;
	(pc) =	sbr.rel @p2 .LBB2_6-.Ltmp5, $4  }
0x23d: {  	[sflag:s29] =	ssyncadd.s32 $0xFFFFFD80  }
0x23e: {  	_ =	swait.ge [sflag:s8], $0x5000  }
0x23f: {  	s21 =	sadd.s32 $0x1, s14;
	[sflag:s8] =	ssyncset.done $0x0  }
0x240: {  	s14 =	smov.u32 s21;
	[sflag:s8] =	ssyncadd.s32 $0xFFFFB000  }
.Ltmp6:
0x241: {  	(pc) =	sbr.rel @!p1 .LBB2_12-.Ltmp6, $4  }
0x242: {  	[bflag:$0x0] =	sbarrier.arrive $0xFFFF  }
0x243: {  	s21 =	stileid.u32;
	s14 =	rddreg [dreg:$0xb]  }
0x244: {  	p2 =	por $0x0, $0x0;
	s10 =	rddreg [dreg:$0xa];
	s12 =	sshrl.u32 s14, $0x3  }
0x245: {  	s11 =	sadd.s32 $0xFFFFFFFF, s10;
	s10 =	sshll.u32 s21, $0x6;
	s21 =	sadd.s32 $0x50000, s14  }
0x246: {  	s14 =	sor.u32 $0x1C03, s10;
	s17 =	rddreg [dreg:$0xd];
	p1 =	sne.s32 s11, $0x1  }
0x247: {  	[hbm:s17], [sflag:s14] =	dma.local [spmem:s12], $0xA00  }
0x248: {  	s20 =	sadd.s32 $0xFFFFFFFF, s11;
	s16 =	sshrl.u32 s19, $0x3;
	_ =	swait.ge [sflag:s23], $0xA00  }
.Ltmp7:
0x249: {  	p2 =	por $0x1, $0x1;
	[sflag:s23] =	ssyncset.done $0x0;
	(pc) =	sbr.rel @!p1 .LBB2_15-.Ltmp7, $4  }
0x24a: {  	s12 =	sshrl.u32 s21, $0x3;
	s18 =	rddreg [dreg:$0xc];
	[sflag:s23] =	ssyncadd.s32 $0xFFFFF600  }
0x24b: {  	[hbm:s18], [sflag:s14] =	dma.local [spmem:s16], $0x50  }
0x24c: {  	s11 =	sadd.s32 $0xA000, s17;
	s21 =	sadd.s32 $0x50000, s21;
	_ =	swait.ge [sflag:s23], $0x50  }
0x24d: {  	s14 =	sadd.s32 $0x2800, s19;
	s16 =	sadd.s32 $0x500, s18;
	[sflag:s23] =	ssyncset.done $0x0  }
.LBB2_14:
0x24e: {  	s17 =	sshrl.u32 s21, $0x3;
	s18 =	sor.u32 $0x1C03, s10;
	[sflag:s23] =	ssyncadd.s32 $0xFFFFFFB0  }
0x24f: {  	[hbm:s11], [sflag:s18] =	dma.local [spmem:s12], $0xA00  }
0x250: {  	p1 =	sne.s32 s20, $0x1;
	s20 =	sadd.s32 $0xFFFFFFFF, s20;
	_ =	swait.ge [sflag:s23], $0xA00  }
.Ltmp8:
0x251: {  	s12 =	smov.u32 s17;
	[sflag:s23] =	ssyncset.done $0x0;
	(pc) =	sbr.rel @p1 .LBB2_14-.Ltmp8, $4  }
0x252: {  	s17 =	sshrl.u32 s14, $0x3;
	s11 =	sadd.s32 $0xA000, s11;
	[sflag:s23] =	ssyncadd.s32 $0xFFFFF600  }
0x253: {  	[hbm:s16], [sflag:s18] =	dma.local [spmem:s17], $0x50  }
0x254: {  	s14 =	sadd.s32 $0x2800, s14;
	s16 =	sadd.s32 $0x500, s16;
	_ =	swait.ge [sflag:s23], $0x50  }
0x255: {  	s21 =	sadd.s32 $0x50000, s21;
	[sflag:s23] =	ssyncset.done $0x0  }
.LBB2_15:
0x256: {  	s10 =	sor.u32 $0x1C03, s10;
	[sflag:s23] =	ssyncadd.s32 @p2 $0xFFFFFFB0  }
0x257: {  	[hbm:s11], [sflag:s10] =	dma.local [spmem:s12], $0xA00  }
0x258: {  	_ =	swait.ge [sflag:s23], $0xA00  }
0x259: {  	[sflag:s23] =	ssyncset.done $0x0  }
0x25a: {  	s17 =	sshrl.u32 s14, $0x3;
	[sflag:s23] =	ssyncadd.s32 $0xFFFFF600  }
0x25b: {  	[hbm:s16], [sflag:s10] =	dma.local [spmem:s17], $0x50  }
0x25c: {  	_ =	swait.ge [sflag:s23], $0x50  }
0x25d: {  	s11 =	simm.s32 @!p0 $0x1C43;
	[sflag:s23] =	ssyncset.done $0x0;
	s20 =	rddreg [dreg:$0x5]  }
0x25e: {  	s12 =	rddreg [dreg:$0x7];
	[sflag:s23] =	ssyncadd.s32 $0xFFFFFFB0;
	s10 =	sshrl.u32 @!p0 s20, $0x3  }
0x25f: {  	[hbm:s12], [sflag:s11] =	dma.local @!p0 [spmem:s10], $0x140  }
0x260: {  	s10 =	simm.s32 @!p0 $0x3  }
0x261: {  	_ =	swait.ge @!p0 [sflag:s10], $0x140  }
0x262: {  	[sflag:s10] =	ssyncset.done @!p0 $0x0;
	s21 =	rddreg [dreg:$0x6]  }
0x263: {  	s14 =	rddreg [dreg:$0x8];
	[sflag:s10] =	ssyncadd.s32 @!p0 $0xFFFFFEC0;
	s12 =	sshrl.u32 @!p0 s21, $0x3  }
0x264: {  	[hbm:s14], [sflag:s11] =	dma.local @!p0 [spmem:s12], $0xA  }
0x265: {  	_ =	swait.ge @!p0 [sflag:s10], $0xA  }
0x266: {  	s4 =	sadd.s32 $0x1, s4;
	s18 =	rddreg [dreg:$0x9]  }
0x267: {  	p1 =	sne.s32 s4, s18  }
.Ltmp9:
0x268: {  	_ = 	snop;
	(pc) =	sbr.rel @p1 .LBB2_1-.Ltmp9, $4  }
.Ltmp10:
0x269: {  	_ = 	snop;
	(pc) =	sbr.rel @!p1 .LBB2_16-.Ltmp10, $4  }
0x26a: {  	_ = 	snop  }
0x26b: {  	[sflag:s10] =	ssyncset.done @!p0 $0x0  }
0x26c: {  	[sflag:s10] =	ssyncadd.s32 @!p0 $0xFFFFFFF6  }
0x26d: {  	_ = 	snop  }
.LBB2_12:
.Ltmp11:
0x26e: {  	(pc) =	sbr.rel .LBB2_15-.Ltmp11, $3  }
0x26f: {  	_ =	sdelay $0x1  }
0x270: {  	s11 =	rddreg [dreg:$0xd]  }
0x271: {  	s14 =	smov.u32 s19;
	s16 =	rddreg [dreg:$0xc]  }
.LBB2_16:
0x272: {  	_ =	sfence.sel $0x180000  }
0x273: {  	[bflag:$0x0] =	sbarrier.arrive $0xFFFF  }
0x274: {  	_ =	strace $0x9000004A  }
0x275: {  	s0 =	stileid.u32;
	[bflag:$0x2] =	sbarrier.arrive $0xFFFF  }
0x276: {  	p0 =	sne.s32 s0, $0x0;
	s0 =	rddreg [dreg:$0x4]  }
0x277: {  	s0 =	sadd.s32 @!p0 $0x100000, s0  }
0x278: {  	[sflag:s0] =	ssyncadd.tile.s32 @!p0 $0x1;
	_ =	shalt  }
.Lfunc_end2:
_tile_overlayer_lowered:
.L_overlay_start_2:
0x279: {  	(tag) =	ssettag $0x2  }
0x27a: {  	s0 =	rddreg [dreg:$0x0];
	s2 =	stileid.u32  }
0x27b: {  	s1 =	rddreg [dreg:$0x1];
	p0 =	sne.s32 s2, $0x0  }
0x27c: {  	s3 =	rddreg [dreg:$0x2];
	[bflag:$0x3] =	sbarrier.arrive $0xFFFF;
	s2 =	simm.s32 @!p0 $0x1C03  }
0x27d: {  	[timem:s3], [sflag:s2] =	dma.local @!p0 [hbm:s0], s1  }
0x27e: {  	s0 =	simm.s32 @!p0 $0x3  }
0x27f: {  	_ =	swait.ge @!p0 [sflag:s0], s1  }
0x280: {  	s1 =	ssub.s32 @!p0 $0x0, s1;
	[sflag:s0] =	ssyncset.done @!p0 $0x0  }
0x281: {  	[sflag:s0] =	ssyncadd.s32 @!p0 s1  }
0x282: {  	[bflag:$0x3] =	sbarrier.arrive $0xFFFF  }
0x283: {  	_ =	shalt  }

// kernel: kernel.18.cloned.1.call-start
scs
__scs_entry_jumppad:
0x0: {  	(pc) =	sbr.rel $0x88, $3  }
0x1: {  	(tag) =	ssettag $0x0;
	lr =	simm.s32 $0x1  }
0x2: {  	[smem:$0x3F86] =	sst lr;
	_ =	strace $0xD0000000  }
0x3: {  	_ = 	snop  }
0x4: {  	_ = 	snop  }
0x5: {  	_ = 	snop  }
0x6: {  	_ = 	snop  }
0x7: {  	_ = 	snop  }
__scs_overlays_trampoline_lowered:
0x8: {  	[smem:$0x3F95] =	sst s0  }
0x9: {  	[smem:$0x3F96] =	sst s1  }
0xa: {  	[smem:$0x3F97] =	sst s2  }
0xb: {  	[smem:$0x3F98] =	sst s3  }
0xc: {  	[smem:$0x3F99] =	sst s4  }
0xd: {  	[smem:$0x3F9A] =	sst s5  }
0xe: {  	[smem:$0x3F9B] =	sst s6  }
0xf: {  	[smem:$0x3F9C] =	sst s7  }
0x10: {  	[smem:$0x3F9D] =	sst s8  }
0x11: {  	[smem:$0x3F9E] =	sst s9;
	s0 =	simm.s32 @!p0 $0x0  }
0x12: {  	s1 =	sld [smem:$0x3F84];
	s0 =	simm.s32 @p0 $0x1  }
0x13: {  	[smem:$0x3F9F] =	sst s0;
	s0 =	simm.s32 @!p1 $0x0  }
0x14: {  	s2 =	sld [smem:$0x3F83];
	s0 =	simm.s32 @p1 $0x1  }
0x15: {  	[smem:$0x3FA0] =	sst s0;
	s0 =	simm.s32 @!p2 $0x0  }
0x16: {  	s3 =	sld [smem:$0x3FDB];
	s0 =	simm.s32 @p2 $0x1  }
0x17: {  	s4 =	simm.s32 $0x1BF5;
	[smem:$0x3FA2] =	sst s0  }
0x18: {  	s0 =	sld [smem:$0x3F85];
	_ =	swait.ge [sflag:s4], $0x0  }
0x19: {  	s7 =	sld [smem:$0x3F86]  }
0x1a: {  	s8 =	sadd.s32 $0xFFFFE003, lr  }
0x1b: {  	s9 =	sadd.s32 $0xFFFFFEF7, lr;
	s5 =	simm.s32 $0xFFFFFFFF;
	p2 =	slt.u32 s8, $0xFFFFF086  }
0x1c: {  	p1 =	slt.u32 s9, $0xF7A;
	s5 =	simm.s32 @!p2 $0x0  }
0x1d: {  	s5 =	simm.s32 @p1 $0x1;
	p0 =	seq.s32 s7, s2  }
0x1e: {  	s7 =	smul.u32 @!p0 $0xF7A, s2;
	p2 =	seq.s32 @!p0 s5, $0x0  }
0x1f: {  	s9 =	smul.u32 $0xF7A, s1;
	s8 =	simm.s32 @!p0 $0x1BF5;
	p2 =	por !p2, p0  }
0x20: {  	[sflag:s8] =	ssyncset.s32 @!p0 $0xFFFFF086;
	s6 =	sadd.s32 @!p0 s3, s7;
	s7 =	simm.s32 @!p0 $0x108  }
0x21: {  	s3 =	sadd.s32 s3, s9;
	s6 =	sadd.s32 @!p0 $0x88, s6;
	s7 =	simm.s32 @p2 $0x1082  }
0x22: {  	[simem:s7], [sflag:s8] =	dma.local @!p0 [hbm:s6], $0xF7A  }
0x23: {  	s9 =	sor.u32 $0xD0000000, s2;
	s6 =	simm.s32 $0x108;
	_ =	swait.ge @!p0 [sflag:s8], $0x0  }
0x24: {  	s3 =	sadd.s32 $0x88, s3;
	s6 =	simm.s32 @!p1 $0x1082;
	[sflag:s4] =	ssyncset.s32 $0xFFFFF086  }
0x25: {  	[simem:s6], [sflag:s4] =	dma.local [hbm:s3], $0xF7A  }
0x26: {  	[smem:$0x3F86] =	sst s1;
	(tag) =	ssettag s2;
	_ =	strace s9  }
0x27: {  	s1 =	sld [smem:$0x3F96]  }
0x28: {  	s2 =	sld [smem:$0x3F97]  }
0x29: {  	s4 =	sld [smem:$0x3F99]  }
0x2a: {  	p0 =	seq.s32 s5, $0x0;
	s5 =	sld [smem:$0x3F9A]  }
0x2b: {  	s6 =	sld [smem:$0x3F9B]  }
0x2c: {  	s7 =	sld [smem:$0x3F9C]  }
0x2d: {  	s3 =	simm.s32 $0x108;
	s8 =	sld [smem:$0x3F9D]  }
0x2e: {  	s3 =	simm.s32 @!p0 $0x1082;
	s9 =	sld [smem:$0x3F9E]  }
0x2f: {  	lr =	sadd.s32 s0, s3;
	s0 =	sld [smem:$0x3F95]  }
0x30: {  	s3 =	sld [smem:$0x3F98]  }
0x31: {  	[smem:$0x3FA1] =	sst s10  }
0x32: {  	s10 =	sld [smem:$0x3F9F];
	_ =	sdelay $0x3  }
0x33: {  	p0 =	seq.s32 s10, $0x1;
	s10 =	sld [smem:$0x3FA1];
	_ =	sdelay $0x3  }
0x34: {  	[smem:$0x3FA1] =	sst s10  }
0x35: {  	s10 =	sld [smem:$0x3FA0];
	_ =	sdelay $0x3  }
0x36: {  	p1 =	seq.s32 s10, $0x1;
	s10 =	sld [smem:$0x3FA1];
	_ =	sdelay $0x3  }
0x37: {  	[smem:$0x3FA1] =	sst s10  }
0x38: {  	s10 =	sld [smem:$0x3FA2]  }
0x39: {  	_ = 	snop;
	(pc) =	sbr.ind lr, $3  }
0x3a: {  	_ = 	snop  }
0x3b: {  	_ = 	snop  }
0x3c: {  	p2 =	seq.s32 s10, $0x1;
	s10 =	sld [smem:$0x3FA1]  }
0x3d: {  	_ =	shalt  }
0x3e: {  	_ =	shalt  }
0x3f: {  	_ =	shalt  }
0x40: {  	_ =	shalt  }
0x41: {  	_ =	shalt  }
0x42: {  	_ =	shalt  }
0x43: {  	_ =	shalt  }
0x44: {  	_ =	shalt  }
0x45: {  	_ =	shalt  }
0x46: {  	_ =	shalt  }
0x47: {  	_ =	shalt  }
0x48: {  	_ =	shalt  }
0x49: {  	_ =	shalt  }
0x4a: {  	_ =	shalt  }
0x4b: {  	_ =	shalt  }
0x4c: {  	_ =	shalt  }
0x4d: {  	_ =	shalt  }
0x4e: {  	_ =	shalt  }
0x4f: {  	_ =	shalt  }
0x50: {  	_ =	shalt  }
0x51: {  	_ =	shalt  }
0x52: {  	_ =	shalt  }
0x53: {  	_ =	shalt  }
0x54: {  	_ =	shalt  }
0x55: {  	_ =	shalt  }
0x56: {  	_ =	shalt  }
0x57: {  	_ =	shalt  }
0x58: {  	_ =	shalt  }
0x59: {  	_ =	shalt  }
0x5a: {  	_ =	shalt  }
0x5b: {  	_ =	shalt  }
0x5c: {  	_ =	shalt  }
0x5d: {  	_ =	shalt  }
0x5e: {  	_ =	shalt  }
0x5f: {  	_ =	shalt  }
0x60: {  	_ =	shalt  }
0x61: {  	_ =	shalt  }
0x62: {  	_ =	shalt  }
0x63: {  	_ =	shalt  }
0x64: {  	_ =	shalt  }
0x65: {  	_ =	shalt  }
0x66: {  	_ =	shalt  }
0x67: {  	_ =	shalt  }
0x68: {  	_ =	shalt  }
0x69: {  	_ =	shalt  }
0x6a: {  	_ =	shalt  }
0x6b: {  	_ =	shalt  }
0x6c: {  	_ =	shalt  }
0x6d: {  	_ =	shalt  }
0x6e: {  	_ =	shalt  }
0x6f: {  	_ =	shalt  }
0x70: {  	_ =	shalt  }
0x71: {  	_ =	shalt  }
0x72: {  	_ =	shalt  }
0x73: {  	_ =	shalt  }
0x74: {  	_ =	shalt  }
0x75: {  	_ =	shalt  }
0x76: {  	_ =	shalt  }
0x77: {  	_ =	shalt  }
0x78: {  	_ =	shalt  }
0x79: {  	_ =	shalt  }
0x7a: {  	_ =	shalt  }
0x7b: {  	_ =	shalt  }
0x7c: {  	_ =	shalt  }
0x7d: {  	_ =	shalt  }
0x7e: {  	_ =	shalt  }
0x7f: {  	_ =	shalt  }
0x80: {  	_ =	shalt  }
0x81: {  	_ =	shalt  }
0x82: {  	_ =	shalt  }
0x83: {  	_ =	shalt  }
0x84: {  	_ =	shalt  }
0x85: {  	_ =	shalt  }
0x86: {  	_ =	shalt  }
0x87: {  	_ =	shalt  }
.Lfunc_end0:
.L_simem_size_0:
called_computation.2_lowered:
.L_overlay_start_0:
0x88: {  	s2 =	sld [smem:$0x3FD9]  }
0x89: {  	s3 =	sld [smem:$0x3FFE];
	_ =	sdelay $0x1  }
0x8a: {  	s1 =	srdreg.scid  }
0x8b: {  	s0 =	sand.u32 $0x1, s1  }
0x8c: {  	s17 =	sshll.u32 s0, $0xA;
	s2 =	sadd.s32 s3, s2  }
0x8d: {  	s2 =	sadd.s32 s2, s17  }
0x8e: {  	[smem:$0x3FAD] =	sst s2  }
0x8f: {  	_ = 	snop  }
0x90: {  	s2 =	sld [smem:$0x3FD0];
	(tm) =	ssettm $0x1  }
0x91: {  	s18 =	sld [smem:$0x3FFB];
	_ =	sdelay $0x3  }
0x92: {  	_ =	strace s18  }
0x93: {  	s3 =	sld [smem:$0x3FFC];
	_ =	sdelay $0x3  }
0x94: {  	_ =	strace s3  }
0x95: {  	s3 =	sld [smem:$0x3FFD];
	_ =	sdelay $0x3  }
0x96: {  	_ =	strace s3  }
0x97: {  	_ =	strace $0x8FFFFFFF  }
0x98: {  	s19 =	sld [smem:$0x3FDB];
	_ =	sdelay $0x1  }
0x99: {  	s4 =	simm.s32 $_scs_section_size  }
0x9a: {  	s5 =	simm.s32 $_size__tile_overlayer_lowered;
	s6 =	simm.s32 $_tile_overlayer_lowered  }
0x9b: {  	s22 =	simm.s32 $0x1BFF;
	s21 =	sshll.u32 s6, $0x1;
	s3 =	sadd.s32 s4, s19  }
0x9c: {  	s7 =	simm.s32 $0x0;
	s20 =	sshll.u32 s5, $0x1;
	s5 =	sadd.s32 s21, s3  }
0x9d: {  	[timem:s7], [sflag:s22] =	dma.local [hbm:s5], s20  }
0x9e: {  	_ =	swait.ge [sflag:s22], s20  }
0x9f: {  	s4 =	ssub.s32 $0x0, s20;
	[sflag:s22] =	ssyncset.done $0x0  }
0xa0: {  	[sflag:s22] =	ssyncadd.s32 s4;
	_ =	sdelay $0x1  }
0xa1: {  	s23 =	simm.s32 $0x1B8B  }
0xa2: {  	_ =	swait.ge [sflag:s23], $0x1  }
0xa3: {  	[sflag:s23] =	ssyncset.done $0x0  }
0xa4: {  	s25 =	simm.s32 $0x1B8E;
	s24 =	sld [smem:$0x3FFE];
	[sflag:s23] =	ssyncadd.s32 $0xFFFFFFFF  }
0xa5: {  	s26 =	simm.s32 $execute0_lowered;
	[smem:$0x3FD2] =	sst s25  }
0xa6: {  	s5 =	sshll.u32 s26, $0x1;
	_ =	strace $0x8000004C;
	[dreg:$0x1] =	wrdreg $0xFFFFFFFF  }
0xa7: {  	s28 =	simm.s32 $_size_execute0_lowered;
	s3 =	sadd.s32 s3, s5;
	[dreg:$0x0] =	wrdreg $0x0  }
0xa8: {  	s5 =	sshll.u32 s28, $0x1;
	[dreg:$0x2] =	wrdreg s3  }
0xa9: {  	[dreg:$0x3] =	wrdreg s5  }
0xaa: {  	[dreg:$0x4] =	wrdreg $0xC0  }
0xab: {  	_ =	task [dreg:s7], $0x5FFFF  }
0xac: {  	[dreg:$0x1] =	wrdreg $0xFFFFFFFF  }
0xad: {  	[dreg:$0x0] =	wrdreg $0x60  }
0xae: {  	[dreg:$0x2] =	wrdreg s24  }
0xaf: {  	[dreg:$0x3] =	wrdreg s2  }
0xb0: {  	[dreg:$0x4] =	wrdreg $0x0  }
0xb1: {  	[dreg:$0x5] =	wrdreg $0x186A00  }
0xb2: {  	[dreg:$0x6] =	wrdreg $0x9  }
0xb3: {  	_ =	task.clear_ibuf [dreg:s7], $0x7FFFF;
	_ =	strace $0x9000004C  }
0xb4: {  	s29 =	simm.s32 $0x9;
	_ =	strace $0x8000004E  }
0xb5: {  	_ =	swait.ge [sflag:s29], $0x1  }
0xb6: {  	[sflag:s29] =	ssyncadd.s32 $0xFFFFFFFF  }
0xb7: {  	_ =	strace $0x9000004E  }
0xb8: {  	_ =	sfence  }
0xb9: {  	s30 =	sld [smem:$0x0];
	_ =	sdelay $0x2  }
0xba: {  	s31 =	sshll.u32 s1, $0xD;
	s1 =	sshrl.u32 s1, $0x2  }
0xbb: {  	s3 =	sand.u32 $0x4000, s31;
	s1 =	sadd.s32 s1, s30  }
0xbc: {  	s0 =	sor.u32 s3, s0;
	s1 =	sshll.u32 s1, $0x11  }
0xbd: {  	s0 =	sor.u32 s1, s0  }
0xbe: {  	s0 =	sadd.s32 $0x8F2B, s0  }
0xbf: {  	[sflag:s0] =	ssyncadd.remote.s32 $0x1  }
0xc0: {  	_ =	sfence.sel $0xFFFF  }
0xc1: {  	[dreg:$0x0] =	wrdreg $0xFFFFFFFF;
	(pc) =	sbr.abs _section_cstart, $3  }
0xc2: {  	[dreg:$0x1] =	wrdreg $0xFFFFFFFF  }
0xc3: {  	_ =	task.clear_ibuf [dreg:s7], $0x2FFFF;
	_ =	strace $0x9FFFFFFF  }
0xc4: {  	(tm) =	ssettm $0x7FFFFFFF  }
0xc5: {  	_ =	shalt  }
tec
execute0_lowered:
.L_overlay_start_1:
0x0: {  	(tag) =	ssettag $0x1  }
0x1: {  	s0 =	rddreg [dreg:$0x0]  }
0x2: {  	s1 =	rddreg [dreg:$0x1]  }
0x3: {  	s2 =	rddreg [dreg:$0x2]  }
0x4: {  	s3 =	rddreg [dreg:$0x3];
	s4 =	simm.s32 $0x0;
	s8 =	srdreg.scid  }
0x5: {  	s18 =	stileid.u32;
	s28 =	simm.s32 $0x197D8;
	s30 =	simm.s32 $0x280  }
0x6: {  	s31 =	simm.s32 $0x19A58;
	[smem:$0x7FF] =	sst s4;
	s5 =	sadd.s32 $0x3800, s0  }
0x7: {  	s29 =	simm.s32 $0x1;
	s6 =	sadd.s32 $0x159800, s0;
	s7 =	sadd.s32 $0x12A400, s0  }
0x8: {  	s8 =	sand.u32 $0x1, s8;
	s9 =	sadd.s32 $0x128A00, s0;
	s10 =	sadd.s32 $0x65400, s0  }
0x9: {  	s0 =	sadd.s32 $0x12BE00, s0;
	s19 =	sshll.u32 s18, $0x1;
	s13 =	ssub.s32 $0x4D, s18  }
0xa: {  	s20 =	sadd.s32 $0x186000, s2;
	s21 =	sadd.s32 $0xC300, s3;
	s25 =	smul.u32 $0x14000, s18  }
0xb: {  	p0 =	sne.s32 s18, $0x1;
	_ =	strace $0x8000004D;
	s14 =	smul.u32 $0x186A00, s8  }
0xc: {  	s11 =	ssub.s32 $0x2, s8;
	s16 =	smul.u32 $0xC350, s8;
	[dreg:$0x5] =	wrdreg s20  }
0xd: {  	s17 =	sshrl.u32 s13, $0x4;
	[dreg:$0x6] =	wrdreg s21;
	s12 =	sshrl.u32 s11, $0x1  }
0xe: {  	s11 =	ssub.s32 s11, s12;
	s15 =	sshrl.u32 s14, $0x3;
	s23 =	sshrl.u32 s16, $0x3  }
0xf: {  	s22 =	sadd.s32 s10, s15;
	s24 =	sadd.s32 s0, s23;
	s11 =	smax.u32 s11, $0x1  }
0x10: {  	s23 =	sadd.s32 $0x1, s17;
	s13 =	sadd.s32 $0x30C00, s22;
	[dreg:$0x9] =	wrdreg s11  }
0x11: {  	s26 =	sadd.s32 $0x1860, s24;
	s22 =	smul.u32 $0x5000, s18;
	[dreg:$0xa] =	wrdreg s23  }
0x12: {  	s24 =	smul.u32 $0xA00, s18;
	s23 =	simm.s32 $0x3;
	[dreg:$0x7] =	wrdreg s13  }
0x13: {  	s13 =	sor.u32 s19, s8;
	[dreg:$0x8] =	wrdreg s26;
	s8 =	sshrl.u32 s25, $0x2  }
0x14: {  	s19 =	smul.u32 $0x280, s18;
	s15 =	ssub.s32 $0x9C3, s13;
	s8 =	sadd.s32 s8, s2  }
0x15: {  	s11 =	sadd.s32 s22, s14;
	s12 =	sshrl.u32 s24, $0x2;
	s22 =	simm.s32 $0x1A1D8  }
0x16: {  	s24 =	simm.s32 $0x19F58;
	s15 =	sshrl.u32 s15, $0x5;
	[dreg:$0xb] =	wrdreg s8  }
0x17: {  	s25 =	sadd.s32 s19, s16;
	s11 =	sshrl.u32 s11, $0x3;
	s19 =	sadd.s32 s12, s3  }
0x18: {  	s8 =	sshrl.u32 s25, $0x3;
	s26 =	sadd.s32 s11, s10;
	s25 =	simm.s32 $0x192D8  }
0x19: {  	v1 =	vlaneseq.u32;
	s0 =	sadd.s32 s8, s0;
	[dreg:$0xd] =	wrdreg s26;
	s26 =	simm.s32 $0x19558  }
0x1a: {  	v0 =	vimm.f32 $0.0e+00;
	v1 =	vmul.u32 $0x20, v1;
	s8 =	simm.s32 $0x2;
	[dreg:$0xc] =	wrdreg s0;
	s0 =	simm.s32 $0x19CD8  }
.LBB2_1:
0x1b: {  	s10 =	simm.s32 $0x80;
	s11 =	simm.s32 $0x0  }
.LBB2_2:
0x1c: {  	p1 =	sne.s32 s10, $0x13F80;
	[tilespmem:s11+$0x1A1D8] =	vst v0;
	s12 =	smov.u32 s10;
	s10 =	sadd.s32 $0x80, s10  }
.Ltmp0:
0x1d: {  	[tilespmem:s11+$0x1A1E8] =	vst v0;
	(pc) =	sbr.rel @p1 .LBB2_2-.Ltmp0, $2  }
0x1e: {  	_ =	sdelay $0x2  }
0x1f: {  	s11 =	sshra.s32 s12, $0x2  }
0x20: {  	[tilespmem:s11+$0x1A1D8] =	vst v0  }
0x21: {  	[tilespmem:s11+$0x1A1E8] =	vst v0  }
0x22: {  	[tilespmem:$0x19F58] =	vst v0  }
0x23: {  	[tilespmem:$0x19F68] =	vst v0  }
0x24: {  	[tilespmem:$0x19F78] =	vst v0  }
0x25: {  	[tilespmem:$0x19F88] =	vst v0  }
0x26: {  	[tilespmem:$0x19F98] =	vst v0  }
0x27: {  	[tilespmem:$0x19FA8] =	vst v0  }
0x28: {  	[tilespmem:$0x19FB8] =	vst v0  }
0x29: {  	[tilespmem:$0x19FC8] =	vst v0  }
0x2a: {  	[tilespmem:$0x19FD8] =	vst v0  }
0x2b: {  	[tilespmem:$0x19FE8] =	vst v0  }
0x2c: {  	[tilespmem:$0x19FF8] =	vst v0  }
0x2d: {  	[tilespmem:$0x1A008] =	vst v0  }
0x2e: {  	[tilespmem:$0x1A018] =	vst v0  }
0x2f: {  	[tilespmem:$0x1A028] =	vst v0  }
0x30: {  	[tilespmem:$0x1A038] =	vst v0  }
0x31: {  	[tilespmem:$0x1A048] =	vst v0  }
0x32: {  	[tilespmem:$0x1A058] =	vst v0  }
0x33: {  	[tilespmem:$0x1A068] =	vst v0  }
0x34: {  	[tilespmem:$0x1A078] =	vst v0  }
0x35: {  	[tilespmem:$0x1A088] =	vst v0  }
0x36: {  	[tilespmem:$0x1A098] =	vst v0  }
0x37: {  	[tilespmem:$0x1A0A8] =	vst v0  }
0x38: {  	[tilespmem:$0x1A0B8] =	vst v0  }
0x39: {  	[tilespmem:$0x1A0C8] =	vst v0  }
0x3a: {  	[tilespmem:$0x1A0D8] =	vst v0  }
0x3b: {  	[tilespmem:$0x1A0E8] =	vst v0  }
0x3c: {  	[tilespmem:$0x1A0F8] =	vst v0  }
0x3d: {  	[tilespmem:$0x1A108] =	vst v0  }
0x3e: {  	[tilespmem:$0x1A118] =	vst v0  }
0x3f: {  	[tilespmem:$0x1A128] =	vst v0  }
0x40: {  	[tilespmem:$0x1A138] =	vst v0  }
0x41: {  	[tilespmem:$0x1A148] =	vst v0  }
0x42: {  	[tilespmem:$0x1A158] =	vst v0  }
0x43: {  	[tilespmem:$0x1A168] =	vst v0  }
0x44: {  	[tilespmem:$0x1A178] =	vst v0  }
0x45: {  	[tilespmem:$0x1A188] =	vst v0  }
0x46: {  	[tilespmem:$0x1A198] =	vst v0  }
0x47: {  	[tilespmem:$0x1A1A8] =	vst v0  }
0x48: {  	[tilespmem:$0x1A1B8] =	vst v0  }
0x49: {  	s11 =	rddreg [dreg:$0xb];
	[tilespmem:$0x1A1C8] =	vst v0  }
0x4a: {  	[spmem:s11] =	stream.linear.scatter [tilespmem:s22], [sflag:$0x3], $0x5000, $0x38;
	[tilespmem:$0x1F1D8] =	vst v63  }
0x4b: {  	_ =	swait.ge [sflag:s23], $0x5000  }
0x4c: {  	s10 =	rddreg [dreg:$0xa]  }
0x4d: {  	p1 =	sne.s32 s10, $0x1  }
.Ltmp1:
0x4e: {  	[sflag:s23] =	ssyncset.done $0x0;
	(pc) =	sbr.rel @!p1 .LBB2_5-.Ltmp1, $4  }
0x4f: {  	[sflag:s23] =	ssyncadd.s32 $0xFFFFB000  }
0x50: {  	[spmem:s19] =	stream.linear.scatter [tilespmem:s24], [sflag:$0x3], $0x280, $0x38;
	[tilespmem:$0x1F1D8] =	vst v63  }
0x51: {  	_ =	swait.ge [sflag:s23], $0x280  }
0x52: {  	s12 =	smov.u32 s19;
	s10 =	sadd.s32 $0xFFFFFFFF, s10;
	[sflag:s23] =	ssyncset.done $0x0  }
.LBB2_4:
0x53: {  	[sflag:s23] =	ssyncadd.s32 $0xFFFFFD80;
	s11 =	sadd.s32 $0x50000, s11;
	s12 =	sadd.s32 $0x2800, s12  }
0x54: {  	[spmem:s11] =	stream.linear.scatter [tilespmem:s22], [sflag:$0x3], $0x5000, $0x38;
	[tilespmem:$0x1F1D8] =	vst v63  }
0x55: {  	p2 =	sne.s32 s10, $0x1;
	s10 =	sadd.s32 $0xFFFFFFFF, s10;
	_ =	swait.ge [sflag:s23], $0x5000  }
.Ltmp2:
0x56: {  	[sflag:s23] =	ssyncset.done $0x0;
	(pc) =	sbr.rel @p2 .LBB2_4-.Ltmp2, $4  }
0x57: {  	[sflag:s23] =	ssyncadd.s32 $0xFFFFB000  }
0x58: {  	[spmem:s12] =	stream.linear.scatter [tilespmem:s24], [sflag:$0x3], $0x280, $0x38;
	[tilespmem:$0x1F1D8] =	vst v63  }
0x59: {  	_ =	swait.ge [sflag:s23], $0x280  }
0x5a: {  	[sflag:s23] =	ssyncset.done $0x0  }
.LBB2_5:
0x5b: {  	[sflag:s23] =	ssyncadd.s32 $0xFFFFFD80;
	s10 =	simm.s32 @!p0 $0x1A1D8  }
0x5c: {  	[spmem:s20] =	stream.linear.scatter @!p0 [tilespmem:s10], [sflag:$0x3], $0xA00, $0x38;
	[tilespmem:$0x1F1D8] =	vst v63  }
0x5d: {  	s10 =	simm.s32 @!p0 $0x3  }
0x5e: {  	_ =	swait.ge @!p0 [sflag:s10], $0xA00  }
0x5f: {  	[sflag:s10] =	ssyncset.done @!p0 $0x0  }
0x60: {  	s11 =	simm.s32 @!p0 $0x19F58;
	[sflag:s10] =	ssyncadd.s32 @!p0 $0xFFFFF600  }
0x61: {  	[spmem:s21] =	stream.linear.scatter @!p0 [tilespmem:s11], [sflag:$0x3], $0x50, $0x38;
	[tilespmem:$0x1F1D8] =	vst v63  }
0x62: {  	_ =	swait.ge @!p0 [sflag:s10], $0x50  }
0x63: {  	[sflag:s10] =	ssyncset.done @!p0 $0x0  }
0x64: {  	[sflag:s10] =	ssyncadd.s32 @!p0 $0xFFFFFFB0  }
0x65: {  	s12 =	simm.s32 $0x0;
	s14 =	simm.s32 $0x0;
	[bflag:$0x0] =	sbarrier.arrive $0xFFFF  }
.LBB2_6:
0x66: {  	s10 =	sshll.u32 s14, $0x5  }
0x67: {  	s10 =	sor.u32 s13, s10  }
0x68: {  	s10 =	smul.u32 $0x280, s10;
	_ =	sdelay $0x1  }
0x69: {  	s11 =	sshrl.u32 s10, $0x3;
	s10 =	sadd.s32 $0x186A00, s10  }
0x6a: {  	s16 =	sadd.s32 s5, s11;
	s10 =	sshrl.u32 s10, $0x3  }
0x6b: {  	[tilespmem:s25], [sflag:$0x1] =	stream.linear.gather [hbm4b:s16+s12], $0x280, $0x38;
	[tilespmem:$0x1F1D8] =	vst v63  }
0x6c: {  	s10 =	sadd.s32 s5, s10  }
0x6d: {  	[tilespmem:s26], [sflag:$0x1] =	stream.linear.gather [hbm4b:s10+s12], $0x280, $0x38;
	[tilespmem:$0x1F1D8] =	vst v63  }
0x6e: {  	s21 =	sadd.s32 s6, s11  }
0x6f: {  	[tilespmem:s28], [sflag:$0x1] =	stream.linear.gather [hbm4b:s21+s12], $0x280, $0x38;
	[tilespmem:$0x1F1D8] =	vst v63  }
0x70: {  	_ =	swait.ge [sflag:s29], $0x280  }
0x71: {  	[sflag:s29] =	ssyncset.done $0x0  }
0x72: {  	[sflag:s29] =	ssyncadd.s32 $0xFFFFFD80  }
0x73: {  	_ =	swait.ge [sflag:s29], $0x280  }
0x74: {  	[sflag:s29] =	ssyncset.done $0x0  }
0x75: {  	[sflag:s29] =	ssyncadd.s32 $0xFFFFFD80  }
0x76: {  	_ =	swait.ge [sflag:s29], $0x280  }
0x77: {  	[sflag:s29] =	ssyncset.done $0x0  }
0x78: {  	[sflag:s29] =	ssyncadd.s32 $0xFFFFFD80  }
0x79: {  	[tilespmem:s22], [sflag:$0x2] =	stream.indirect.gather [hbm4b:s1+s30], $0x20, s25, s30, $0xb8;
	[tilespmem:$0x1F1D8] =	vst v63  }
0x7a: {  	_ = 	snop  }
0x7b: {  	[tilespmem:s31], [sflag:$0x1] =	stream.indirect.gather [hbm4b:s7+s30], $0x1, s25, s30, $0xb8;
	[tilespmem:$0x1F1D8] =	vst v63  }
0x7c: {  	_ = 	snop  }
0x7d: {  	[tilespmem:s0], [sflag:$0x1] =	stream.indirect.gather [hbm4b:s9+s30], $0x1, s26, s30, $0xb8;
	[tilespmem:$0x1F1D8] =	vst v63  }
0x7e: {  	_ =	swait.ge [sflag:s29], $0x280  }
0x7f: {  	[sflag:s29] =	ssyncset.done $0x0  }
0x80: {  	[sflag:s29] =	ssyncadd.s32 $0xFFFFFD80  }
0x81: {  	_ =	swait.ge [sflag:s29], $0x280  }
0x82: {  	[sflag:s29] =	ssyncset.done $0x0  }
0x83: {  	s10 =	simm.s32 $0x0;
	[sflag:s29] =	ssyncadd.s32 $0xFFFFFD80  }
0x84: {  	v2 =	vld [tilespmem:s10+$0x19A58]  }
0x85: {  	s11 =	simm.s32 $0x10;
	v3 =	vld [tilespmem:s10+$0x19CD8]  }
0x86: {  	v4 =	vld [tilespmem:s11+$0x19A58]  }
0x87: {  	v5 =	vld [tilespmem:s11+$0x19CD8]  }
0x88: {  	v6 =	vld [tilespmem:s10+$0x197D8];
	_ =	sdelay $0x1  }
0x89: {  	v7 =	vld [tilespmem:s11+$0x197D8]  }
0x8a: {  	v2 =	vadd.f32 v3, v2;
	_ =	sdelay $0x1  }
0x8b: {  	v4 =	vadd.f32 v5, v4;
	v2 =	vadd.f32 v6, v2;
	_ =	sdelay $0x1  }
0x8c: {  	v4 =	vadd.f32 v7, v4;
	v7 =	vmul.f32 $2.000000030e-01, v2  }
0x8d: {  	s16 =	simm.s32 $0x20  }
0x8e: {  	v3 =	vld [tilespmem:s16+$0x19A58];
	v2 =	vmax.f32 v2, v7  }
0x8f: {  	v5 =	vld [tilespmem:s16+$0x19CD8];
	v7 =	vmul.f32 $1.442695020e+00, v2  }
0x90: {  	v8 =	vmul.f32 $2.000000030e-01, v4  }
0x91: {  	v6 =	vld [tilespmem:s16+$0x197D8];
	(erf) = vpow2.f32 v7  }
0x92: {  	v4 =	vmax.f32 v4, v8  }
0x93: {  	s20 =	simm.s32 $0x30;
	v8 =	vmul.f32 $1.442695020e+00, v4  }
0x94: {  	v3 =	vadd.f32 v5, v3;
	v2 =	vld [tilespmem:s20+$0x19A58]  }
0x95: {  	v4 =	vld [tilespmem:s20+$0x19CD8];
	(erf) = vpow2.f32 v8  }
0x96: {  	v5 =	vadd.f32 v6, v3  }
0x97: {  	v3 =	vld [tilespmem:s20+$0x197D8]  }
0x98: {  	s21 =	simm.s32 $0x100;
	v6 =	vmul.f32 $2.000000030e-01, v5  }
.LBB2_7:
0x99: {  	s17 =	sshra.s32 s21, $0x2;
	p2 =	sne.s32 s21, $0x9C0  }
.Ltmp3:
0x9a: {  	s21 =	sadd.s32 $0x40, s21;
	v7 =	vadd.f32 v4, v2;
	v2 =	vld [tilespmem:s17+$0x19A58];
	v5 =	vmax.f32 v5, v6;
	v6 =	vpop (erf);
	(pc) =	sbr.rel @p2 .LBB2_7-.Ltmp3, $4  }
0x9b: {  	v4 =	vld [tilespmem:s17+$0x19CD8];
	v8 =	vmul.f32 $1.442695020e+00, v5;
	[tilespmem:s10+$0x19F58] =	vst v6;
	s10 =	smov.u32 s11;
	s11 =	smov.u32 s16;
	s16 =	smov.u32 s20  }
0x9c: {  	s20 =	smov.u32 s17;
	v5 =	vadd.f32 v3, v7  }
0x9d: {  	v3 =	vld [tilespmem:s20+$0x197D8];
	(erf) = vpow2.f32 v8  }
0x9e: {  	v6 =	vmul.f32 $2.000000030e-01, v5  }
0x9f: {  	_ = 	snop  }
0xa0: {  	v2 =	vadd.f32 v4, v2;
	_ =	sdelay $0x1  }
0xa1: {  	v2 =	vadd.f32 v3, v2;
	_ =	sdelay $0x1  }
0xa2: {  	v3 =	vmul.f32 $2.000000030e-01, v2  }
0xa3: {  	v4 =	vmax.f32 v5, v6  }
0xa4: {  	v4 =	vmul.f32 $1.442695020e+00, v4;
	v2 =	vmax.f32 v2, v3  }
0xa5: {  	v2 =	vmul.f32 $1.442695020e+00, v2  }
0xa6: {  	(erf) = vpow2.f32 v4  }
0xa7: {  	(erf) = vpow2.f32 v2;
	_ =	sdelay $0x5  }
0xa8: {  	s17 =	simm.s32 $0x0;
	v2 =	vpop (erf)  }
0xa9: {  	v3 =	vmov s17;
	[tilespmem:s10+$0x19F58] =	vst v2;
	v2 =	vpop (erf)  }
0xaa: {  	v3 =	vshll.u32 v3, $0x5;
	[tilespmem:s11+$0x19F58] =	vst v2;
	v2 =	vpop (erf)  }
0xab: {  	v4 =	vor.u32 v1, v3;
	[tilespmem:s16+$0x19F58] =	vst v2;
	v2 =	vpop (erf)  }
0xac: {  	[tilespmem:s20+$0x19F58] =	vst v2  }
0xad: {  	_ =	swait.ge [sflag:s8], $0x5000  }
0xae: {  	[sflag:s8] =	ssyncset.done $0x0  }
0xaf: {  	[sflag:s8] =	ssyncadd.s32 $0xFFFFB000  }
0xb0: {  	s16 =	simm.s32 $0x19F58;
	v2 =	vld.idx.msk [tilespmem:v4+s22+$0x0], $0xffff  }
0xb1: {  	v3 =	vld [tilespmem:s16+$0x0];
	_ =	sdelay $0x2  }
0xb2: {  	v5 =	vor.u32 $0x1, v4;
	_ =	sdelay $0x1  }
0xb3: {  	v2 =	vmul.f32 v2, v3;
	_ =	sdelay $0x1  }
0xb4: {  	[tilespmem:v4+s22+$0x0] =	vst.idx.msk $0xffff, v2  }
0xb5: {  	v2 =	vld.idx.msk [tilespmem:v5+s22+$0x0], $0xffff;
	_ =	sdelay $0x2  }
0xb6: {  	v6 =	vor.u32 $0x2, v4;
	_ =	sdelay $0x1  }
0xb7: {  	v2 =	vmul.f32 v2, v3;
	_ =	sdelay $0x1  }
0xb8: {  	[tilespmem:v5+s22+$0x0] =	vst.idx.msk $0xffff, v2  }
0xb9: {  	v2 =	vld.idx.msk [tilespmem:v6+s22+$0x0], $0xffff;
	_ =	sdelay $0x2  }
0xba: {  	v5 =	vor.u32 $0x3, v4;
	_ =	sdelay $0x1  }
0xbb: {  	v2 =	vmul.f32 v2, v3;
	_ =	sdelay $0x1  }
0xbc: {  	[tilespmem:v6+s22+$0x0] =	vst.idx.msk $0xffff, v2  }
0xbd: {  	v2 =	vld.idx.msk [tilespmem:v5+s22+$0x0], $0xffff;
	_ =	sdelay $0x2  }
0xbe: {  	v6 =	vor.u32 $0x4, v4;
	_ =	sdelay $0x1  }
0xbf: {  	v2 =	vmul.f32 v2, v3;
	_ =	sdelay $0x1  }
0xc0: {  	[tilespmem:v5+s22+$0x0] =	vst.idx.msk $0xffff, v2  }
0xc1: {  	v2 =	vld.idx.msk [tilespmem:v6+s22+$0x0], $0xffff;
	_ =	sdelay $0x2  }
0xc2: {  	v5 =	vor.u32 $0x5, v4;
	_ =	sdelay $0x1  }
0xc3: {  	v2 =	vmul.f32 v2, v3;
	_ =	sdelay $0x1  }
0xc4: {  	[tilespmem:v6+s22+$0x0] =	vst.idx.msk $0xffff, v2  }
0xc5: {  	v2 =	vld.idx.msk [tilespmem:v5+s22+$0x0], $0xffff;
	_ =	sdelay $0x2  }
0xc6: {  	v6 =	vor.u32 $0x6, v4;
	_ =	sdelay $0x1  }
0xc7: {  	v2 =	vmul.f32 v2, v3;
	_ =	sdelay $0x1  }
0xc8: {  	[tilespmem:v5+s22+$0x0] =	vst.idx.msk $0xffff, v2  }
0xc9: {  	v2 =	vld.idx.msk [tilespmem:v6+s22+$0x0], $0xffff;
	_ =	sdelay $0x2  }
0xca: {  	v5 =	vor.u32 $0x7, v4;
	_ =	sdelay $0x1  }
0xcb: {  	v2 =	vmul.f32 v2, v3;
	_ =	sdelay $0x1  }
0xcc: {  	[tilespmem:v6+s22+$0x0] =	vst.idx.msk $0xffff, v2  }
0xcd: {  	v2 =	vld.idx.msk [tilespmem:v5+s22+$0x0], $0xffff;
	_ =	sdelay $0x2  }
0xce: {  	v6 =	vor.u32 $0x8, v4;
	_ =	sdelay $0x1  }
0xcf: {  	v2 =	vmul.f32 v2, v3;
	_ =	sdelay $0x1  }
0xd0: {  	[tilespmem:v5+s22+$0x0] =	vst.idx.msk $0xffff, v2  }
0xd1: {  	v2 =	vld.idx.msk [tilespmem:v6+s22+$0x0], $0xffff;
	_ =	sdelay $0x2  }
0xd2: {  	v5 =	vor.u32 $0x9, v4;
	_ =	sdelay $0x1  }
0xd3: {  	v2 =	vmul.f32 v2, v3;
	_ =	sdelay $0x1  }
0xd4: {  	[tilespmem:v6+s22+$0x0] =	vst.idx.msk $0xffff, v2  }
0xd5: {  	v2 =	vld.idx.msk [tilespmem:v5+s22+$0x0], $0xffff;
	_ =	sdelay $0x2  }
0xd6: {  	v6 =	vor.u32 $0xA, v4;
	_ =	sdelay $0x1  }
0xd7: {  	v2 =	vmul.f32 v2, v3;
	_ =	sdelay $0x1  }
0xd8: {  	[tilespmem:v5+s22+$0x0] =	vst.idx.msk $0xffff, v2  }
0xd9: {  	v2 =	vld.idx.msk [tilespmem:v6+s22+$0x0], $0xffff;
	_ =	sdelay $0x2  }
0xda: {  	v5 =	vor.u32 $0xB, v4;
	_ =	sdelay $0x1  }
0xdb: {  	v2 =	vmul.f32 v2, v3;
	_ =	sdelay $0x1  }
0xdc: {  	[tilespmem:v6+s22+$0x0] =	vst.idx.msk $0xffff, v2  }
0xdd: {  	v2 =	vld.idx.msk [tilespmem:v5+s22+$0x0], $0xffff;
	_ =	sdelay $0x2  }
0xde: {  	v6 =	vor.u32 $0xC, v4;
	_ =	sdelay $0x1  }
0xdf: {  	v2 =	vmul.f32 v2, v3;
	_ =	sdelay $0x1  }
0xe0: {  	[tilespmem:v5+s22+$0x0] =	vst.idx.msk $0xffff, v2  }
0xe1: {  	v2 =	vld.idx.msk [tilespmem:v6+s22+$0x0], $0xffff;
	_ =	sdelay $0x2  }
0xe2: {  	v5 =	vor.u32 $0xD, v4;
	_ =	sdelay $0x1  }
0xe3: {  	v2 =	vmul.f32 v2, v3;
	_ =	sdelay $0x1  }
0xe4: {  	[tilespmem:v6+s22+$0x0] =	vst.idx.msk $0xffff, v2  }
0xe5: {  	v2 =	vld.idx.msk [tilespmem:v5+s22+$0x0], $0xffff;
	_ =	sdelay $0x2  }
0xe6: {  	v6 =	vor.u32 $0xE, v4;
	_ =	sdelay $0x1  }
0xe7: {  	v2 =	vmul.f32 v2, v3;
	_ =	sdelay $0x1  }
0xe8: {  	[tilespmem:v5+s22+$0x0] =	vst.idx.msk $0xffff, v2  }
0xe9: {  	v2 =	vld.idx.msk [tilespmem:v6+s22+$0x0], $0xffff;
	_ =	sdelay $0x2  }
0xea: {  	v5 =	vor.u32 $0xF, v4;
	_ =	sdelay $0x1  }
0xeb: {  	v2 =	vmul.f32 v2, v3;
	_ =	sdelay $0x1  }
0xec: {  	[tilespmem:v6+s22+$0x0] =	vst.idx.msk $0xffff, v2  }
0xed: {  	v2 =	vld.idx.msk [tilespmem:v5+s22+$0x0], $0xffff;
	_ =	sdelay $0x2  }
0xee: {  	v6 =	vor.u32 $0x10, v4;
	_ =	sdelay $0x1  }
0xef: {  	v2 =	vmul.f32 v2, v3;
	_ =	sdelay $0x1  }
0xf0: {  	[tilespmem:v5+s22+$0x0] =	vst.idx.msk $0xffff, v2  }
0xf1: {  	v2 =	vld.idx.msk [tilespmem:v6+s22+$0x0], $0xffff;
	_ =	sdelay $0x2  }
0xf2: {  	v5 =	vor.u32 $0x11, v4;
	_ =	sdelay $0x1  }
0xf3: {  	v2 =	vmul.f32 v2, v3;
	_ =	sdelay $0x1  }
0xf4: {  	[tilespmem:v6+s22+$0x0] =	vst.idx.msk $0xffff, v2  }
0xf5: {  	v2 =	vld.idx.msk [tilespmem:v5+s22+$0x0], $0xffff;
	_ =	sdelay $0x2  }
0xf6: {  	v6 =	vor.u32 $0x12, v4;
	_ =	sdelay $0x1  }
0xf7: {  	v2 =	vmul.f32 v2, v3;
	_ =	sdelay $0x1  }
0xf8: {  	[tilespmem:v5+s22+$0x0] =	vst.idx.msk $0xffff, v2  }
0xf9: {  	v2 =	vld.idx.msk [tilespmem:v6+s22+$0x0], $0xffff;
	_ =	sdelay $0x2  }
0xfa: {  	v5 =	vor.u32 $0x13, v4;
	_ =	sdelay $0x1  }
0xfb: {  	v2 =	vmul.f32 v2, v3;
	_ =	sdelay $0x1  }
0xfc: {  	[tilespmem:v6+s22+$0x0] =	vst.idx.msk $0xffff, v2  }
0xfd: {  	v2 =	vld.idx.msk [tilespmem:v5+s22+$0x0], $0xffff;
	_ =	sdelay $0x2  }
0xfe: {  	v6 =	vor.u32 $0x14, v4;
	_ =	sdelay $0x1  }
0xff: {  	v2 =	vmul.f32 v2, v3;
	_ =	sdelay $0x1  }
0x100: {  	[tilespmem:v5+s22+$0x0] =	vst.idx.msk $0xffff, v2  }
0x101: {  	v2 =	vld.idx.msk [tilespmem:v6+s22+$0x0], $0xffff;
	_ =	sdelay $0x2  }
0x102: {  	v5 =	vor.u32 $0x15, v4;
	_ =	sdelay $0x1  }
0x103: {  	v2 =	vmul.f32 v2, v3;
	_ =	sdelay $0x1  }
0x104: {  	[tilespmem:v6+s22+$0x0] =	vst.idx.msk $0xffff, v2  }
0x105: {  	v2 =	vld.idx.msk [tilespmem:v5+s22+$0x0], $0xffff;
	_ =	sdelay $0x2  }
0x106: {  	v6 =	vor.u32 $0x16, v4;
	_ =	sdelay $0x1  }
0x107: {  	v2 =	vmul.f32 v2, v3;
	_ =	sdelay $0x1  }
0x108: {  	[tilespmem:v5+s22+$0x0] =	vst.idx.msk $0xffff, v2  }
0x109: {  	v2 =	vld.idx.msk [tilespmem:v6+s22+$0x0], $0xffff;
	_ =	sdelay $0x2  }
0x10a: {  	v5 =	vor.u32 $0x17, v4;
	_ =	sdelay $0x1  }
0x10b: {  	v2 =	vmul.f32 v2, v3;
	_ =	sdelay $0x1  }
0x10c: {  	[tilespmem:v6+s22+$0x0] =	vst.idx.msk $0xffff, v2  }
0x10d: {  	v2 =	vld.idx.msk [tilespmem:v5+s22+$0x0], $0xffff;
	_ =	sdelay $0x2  }
0x10e: {  	v6 =	vor.u32 $0x18, v4;
	_ =	sdelay $0x1  }
0x10f: {  	v2 =	vmul.f32 v2, v3;
	_ =	sdelay $0x1  }
0x110: {  	[tilespmem:v5+s22+$0x0] =	vst.idx.msk $0xffff, v2  }
0x111: {  	v2 =	vld.idx.msk [tilespmem:v6+s22+$0x0], $0xffff;
	_ =	sdelay $0x2  }
0x112: {  	v5 =	vor.u32 $0x19, v4;
	_ =	sdelay $0x1  }
0x113: {  	v2 =	vmul.f32 v2, v3;
	_ =	sdelay $0x1  }
0x114: {  	[tilespmem:v6+s22+$0x0] =	vst.idx.msk $0xffff, v2  }
0x115: {  	v2 =	vld.idx.msk [tilespmem:v5+s22+$0x0], $0xffff;
	_ =	sdelay $0x2  }
0x116: {  	v6 =	vor.u32 $0x1A, v4;
	_ =	sdelay $0x1  }
0x117: {  	v2 =	vmul.f32 v2, v3;
	_ =	sdelay $0x1  }
0x118: {  	[tilespmem:v5+s22+$0x0] =	vst.idx.msk $0xffff, v2  }
0x119: {  	v2 =	vld.idx.msk [tilespmem:v6+s22+$0x0], $0xffff;
	_ =	sdelay $0x2  }
0x11a: {  	v5 =	vor.u32 $0x1B, v4;
	_ =	sdelay $0x1  }
0x11b: {  	v2 =	vmul.f32 v2, v3;
	_ =	sdelay $0x1  }
0x11c: {  	[tilespmem:v6+s22+$0x0] =	vst.idx.msk $0xffff, v2  }
0x11d: {  	v2 =	vld.idx.msk [tilespmem:v5+s22+$0x0], $0xffff;
	_ =	sdelay $0x2  }
0x11e: {  	v6 =	vor.u32 $0x1C, v4;
	_ =	sdelay $0x1  }
0x11f: {  	v2 =	vmul.f32 v2, v3;
	_ =	sdelay $0x1  }
0x120: {  	[tilespmem:v5+s22+$0x0] =	vst.idx.msk $0xffff, v2  }
0x121: {  	v2 =	vld.idx.msk [tilespmem:v6+s22+$0x0], $0xffff;
	_ =	sdelay $0x2  }
0x122: {  	v5 =	vor.u32 $0x1D, v4;
	_ =	sdelay $0x1  }
0x123: {  	v2 =	vmul.f32 v2, v3;
	_ =	sdelay $0x1  }
0x124: {  	[tilespmem:v6+s22+$0x0] =	vst.idx.msk $0xffff, v2  }
0x125: {  	v2 =	vld.idx.msk [tilespmem:v5+s22+$0x0], $0xffff;
	_ =	sdelay $0x2  }
0x126: {  	v6 =	vor.u32 $0x1E, v4;
	_ =	sdelay $0x1  }
0x127: {  	v2 =	vmul.f32 v2, v3;
	_ =	sdelay $0x1  }
0x128: {  	[tilespmem:v5+s22+$0x0] =	vst.idx.msk $0xffff, v2  }
0x129: {  	v2 =	vld.idx.msk [tilespmem:v6+s22+$0x0], $0xffff;
	_ =	sdelay $0x2  }
0x12a: {  	v4 =	vor.u32 $0x1F, v4;
	_ =	sdelay $0x1  }
0x12b: {  	v2 =	vmul.f32 v2, v3;
	_ =	sdelay $0x1  }
0x12c: {  	[tilespmem:v6+s22+$0x0] =	vst.idx.msk $0xffff, v2  }
0x12d: {  	s21 =	simm.s32 $0x10;
	v5 =	vld.idx.msk [tilespmem:v4+s22+$0x0], $0xffff  }
0x12e: {  	v2 =	vmov s21  }
0x12f: {  	v2 =	vshll.u32 v2, $0x5  }
0x130: {  	v2 =	vor.u32 v1, v2;
	_ =	sdelay $0x1  }
0x131: {  	s10 =	simm.s32 $0x20;
	v3 =	vmul.f32 v5, v3  }
.LBB2_9:
0x132: {  	p2 =	sne.s32 s10, $0x270  }
0x133: {  	s16 =	sadd.s32 $0x10, s16;
	s11 =	smov.u32 s10;
	s10 =	sadd.s32 $0x10, s10;
	[tilespmem:v4+s22+$0x0] =	vst.idx.msk $0xffff, v3  }
0x134: {  	v4 =	vld.idx.msk [tilespmem:v2+s22+$0x0], $0xffff  }
0x135: {  	v3 =	vld [tilespmem:s16+$0x0];
	_ =	sdelay $0x2  }
0x136: {  	v5 =	vor.u32 $0x1, v2;
	_ =	sdelay $0x1  }
0x137: {  	v4 =	vmul.f32 v4, v3;
	_ =	sdelay $0x1  }
0x138: {  	[tilespmem:v2+s22+$0x0] =	vst.idx.msk $0xffff, v4  }
0x139: {  	v4 =	vld.idx.msk [tilespmem:v5+s22+$0x0], $0xffff;
	_ =	sdelay $0x3  }
0x13a: {  	v6 =	vor.u32 $0x2, v2;
	_ =	sdelay $0x1  }
0x13b: {  	v4 =	vmul.f32 v4, v3;
	_ =	sdelay $0x1  }
0x13c: {  	[tilespmem:v5+s22+$0x0] =	vst.idx.msk $0xffff, v4  }
0x13d: {  	v4 =	vld.idx.msk [tilespmem:v6+s22+$0x0], $0xffff;
	_ =	sdelay $0x3  }
0x13e: {  	v5 =	vor.u32 $0x3, v2;
	_ =	sdelay $0x1  }
0x13f: {  	v4 =	vmul.f32 v4, v3;
	_ =	sdelay $0x1  }
0x140: {  	[tilespmem:v6+s22+$0x0] =	vst.idx.msk $0xffff, v4  }
0x141: {  	v4 =	vld.idx.msk [tilespmem:v5+s22+$0x0], $0xffff;
	_ =	sdelay $0x3  }
0x142: {  	v6 =	vor.u32 $0x4, v2;
	_ =	sdelay $0x1  }
0x143: {  	v4 =	vmul.f32 v4, v3;
	_ =	sdelay $0x1  }
0x144: {  	[tilespmem:v5+s22+$0x0] =	vst.idx.msk $0xffff, v4  }
0x145: {  	v4 =	vld.idx.msk [tilespmem:v6+s22+$0x0], $0xffff;
	_ =	sdelay $0x3  }
0x146: {  	v5 =	vor.u32 $0x5, v2;
	_ =	sdelay $0x1  }
0x147: {  	v4 =	vmul.f32 v4, v3;
	_ =	sdelay $0x1  }
0x148: {  	[tilespmem:v6+s22+$0x0] =	vst.idx.msk $0xffff, v4  }
0x149: {  	v4 =	vld.idx.msk [tilespmem:v5+s22+$0x0], $0xffff;
	_ =	sdelay $0x3  }
0x14a: {  	v6 =	vor.u32 $0x6, v2;
	_ =	sdelay $0x1  }
0x14b: {  	v4 =	vmul.f32 v4, v3;
	_ =	sdelay $0x1  }
0x14c: {  	[tilespmem:v5+s22+$0x0] =	vst.idx.msk $0xffff, v4  }
0x14d: {  	v4 =	vld.idx.msk [tilespmem:v6+s22+$0x0], $0xffff;
	_ =	sdelay $0x3  }
0x14e: {  	v5 =	vor.u32 $0x7, v2;
	_ =	sdelay $0x1  }
0x14f: {  	v4 =	vmul.f32 v4, v3;
	_ =	sdelay $0x1  }
0x150: {  	[tilespmem:v6+s22+$0x0] =	vst.idx.msk $0xffff, v4  }
0x151: {  	v4 =	vld.idx.msk [tilespmem:v5+s22+$0x0], $0xffff;
	_ =	sdelay $0x3  }
0x152: {  	v6 =	vor.u32 $0x8, v2;
	_ =	sdelay $0x1  }
0x153: {  	v4 =	vmul.f32 v4, v3;
	_ =	sdelay $0x1  }
0x154: {  	[tilespmem:v5+s22+$0x0] =	vst.idx.msk $0xffff, v4  }
0x155: {  	v4 =	vld.idx.msk [tilespmem:v6+s22+$0x0], $0xffff;
	_ =	sdelay $0x3  }
0x156: {  	v5 =	vor.u32 $0x9, v2;
	_ =	sdelay $0x1  }
0x157: {  	v4 =	vmul.f32 v4, v3;
	_ =	sdelay $0x1  }
0x158: {  	[tilespmem:v6+s22+$0x0] =	vst.idx.msk $0xffff, v4  }
0x159: {  	v4 =	vld.idx.msk [tilespmem:v5+s22+$0x0], $0xffff;
	_ =	sdelay $0x3  }
0x15a: {  	v6 =	vor.u32 $0xA, v2;
	_ =	sdelay $0x1  }
0x15b: {  	v4 =	vmul.f32 v4, v3;
	_ =	sdelay $0x1  }
0x15c: {  	[tilespmem:v5+s22+$0x0] =	vst.idx.msk $0xffff, v4  }
0x15d: {  	v4 =	vld.idx.msk [tilespmem:v6+s22+$0x0], $0xffff;
	_ =	sdelay $0x3  }
0x15e: {  	v5 =	vor.u32 $0xB, v2;
	_ =	sdelay $0x1  }
0x15f: {  	v4 =	vmul.f32 v4, v3;
	_ =	sdelay $0x1  }
0x160: {  	[tilespmem:v6+s22+$0x0] =	vst.idx.msk $0xffff, v4  }
0x161: {  	v4 =	vld.idx.msk [tilespmem:v5+s22+$0x0], $0xffff;
	_ =	sdelay $0x3  }
0x162: {  	v6 =	vor.u32 $0xC, v2;
	_ =	sdelay $0x1  }
0x163: {  	v4 =	vmul.f32 v4, v3;
	_ =	sdelay $0x1  }
0x164: {  	[tilespmem:v5+s22+$0x0] =	vst.idx.msk $0xffff, v4  }
0x165: {  	v4 =	vld.idx.msk [tilespmem:v6+s22+$0x0], $0xffff;
	_ =	sdelay $0x3  }
0x166: {  	v5 =	vor.u32 $0xD, v2;
	_ =	sdelay $0x1  }
0x167: {  	v4 =	vmul.f32 v4, v3;
	_ =	sdelay $0x1  }
0x168: {  	[tilespmem:v6+s22+$0x0] =	vst.idx.msk $0xffff, v4  }
0x169: {  	v4 =	vld.idx.msk [tilespmem:v5+s22+$0x0], $0xffff;
	_ =	sdelay $0x3  }
0x16a: {  	v6 =	vor.u32 $0xE, v2;
	_ =	sdelay $0x1  }
0x16b: {  	v4 =	vmul.f32 v4, v3;
	_ =	sdelay $0x1  }
0x16c: {  	[tilespmem:v5+s22+$0x0] =	vst.idx.msk $0xffff, v4  }
0x16d: {  	v4 =	vld.idx.msk [tilespmem:v6+s22+$0x0], $0xffff;
	_ =	sdelay $0x3  }
0x16e: {  	v5 =	vor.u32 $0xF, v2;
	_ =	sdelay $0x1  }
0x16f: {  	v4 =	vmul.f32 v4, v3;
	_ =	sdelay $0x1  }
0x170: {  	[tilespmem:v6+s22+$0x0] =	vst.idx.msk $0xffff, v4  }
0x171: {  	v4 =	vld.idx.msk [tilespmem:v5+s22+$0x0], $0xffff;
	_ =	sdelay $0x3  }
0x172: {  	v6 =	vor.u32 $0x10, v2;
	_ =	sdelay $0x1  }
0x173: {  	v4 =	vmul.f32 v4, v3;
	_ =	sdelay $0x1  }
0x174: {  	[tilespmem:v5+s22+$0x0] =	vst.idx.msk $0xffff, v4  }
0x175: {  	v4 =	vld.idx.msk [tilespmem:v6+s22+$0x0], $0xffff;
	_ =	sdelay $0x3  }
0x176: {  	v5 =	vor.u32 $0x11, v2;
	_ =	sdelay $0x1  }
0x177: {  	v4 =	vmul.f32 v4, v3;
	_ =	sdelay $0x1  }
0x178: {  	[tilespmem:v6+s22+$0x0] =	vst.idx.msk $0xffff, v4  }
0x179: {  	v4 =	vld.idx.msk [tilespmem:v5+s22+$0x0], $0xffff;
	_ =	sdelay $0x3  }
0x17a: {  	v6 =	vor.u32 $0x12, v2;
	_ =	sdelay $0x1  }
0x17b: {  	v4 =	vmul.f32 v4, v3;
	_ =	sdelay $0x1  }
0x17c: {  	[tilespmem:v5+s22+$0x0] =	vst.idx.msk $0xffff, v4  }
0x17d: {  	v4 =	vld.idx.msk [tilespmem:v6+s22+$0x0], $0xffff;
	_ =	sdelay $0x3  }
0x17e: {  	v5 =	vor.u32 $0x13, v2;
	_ =	sdelay $0x1  }
0x17f: {  	v4 =	vmul.f32 v4, v3;
	_ =	sdelay $0x1  }
0x180: {  	[tilespmem:v6+s22+$0x0] =	vst.idx.msk $0xffff, v4  }
0x181: {  	v4 =	vld.idx.msk [tilespmem:v5+s22+$0x0], $0xffff;
	_ =	sdelay $0x3  }
0x182: {  	v6 =	vor.u32 $0x14, v2;
	_ =	sdelay $0x1  }
0x183: {  	v4 =	vmul.f32 v4, v3;
	_ =	sdelay $0x1  }
0x184: {  	[tilespmem:v5+s22+$0x0] =	vst.idx.msk $0xffff, v4  }
0x185: {  	v4 =	vld.idx.msk [tilespmem:v6+s22+$0x0], $0xffff;
	_ =	sdelay $0x3  }
0x186: {  	v5 =	vor.u32 $0x15, v2;
	_ =	sdelay $0x1  }
0x187: {  	v4 =	vmul.f32 v4, v3;
	_ =	sdelay $0x1  }
0x188: {  	[tilespmem:v6+s22+$0x0] =	vst.idx.msk $0xffff, v4  }
0x189: {  	v4 =	vld.idx.msk [tilespmem:v5+s22+$0x0], $0xffff;
	_ =	sdelay $0x3  }
0x18a: {  	v6 =	vor.u32 $0x16, v2;
	_ =	sdelay $0x1  }
0x18b: {  	v4 =	vmul.f32 v4, v3;
	_ =	sdelay $0x1  }
0x18c: {  	[tilespmem:v5+s22+$0x0] =	vst.idx.msk $0xffff, v4  }
0x18d: {  	v4 =	vld.idx.msk [tilespmem:v6+s22+$0x0], $0xffff;
	_ =	sdelay $0x3  }
0x18e: {  	v5 =	vor.u32 $0x17, v2;
	_ =	sdelay $0x1  }
0x18f: {  	v4 =	vmul.f32 v4, v3;
	_ =	sdelay $0x1  }
0x190: {  	[tilespmem:v6+s22+$0x0] =	vst.idx.msk $0xffff, v4  }
0x191: {  	v4 =	vld.idx.msk [tilespmem:v5+s22+$0x0], $0xffff;
	_ =	sdelay $0x3  }
0x192: {  	v6 =	vor.u32 $0x18, v2;
	_ =	sdelay $0x1  }
0x193: {  	v4 =	vmul.f32 v4, v3;
	_ =	sdelay $0x1  }
0x194: {  	[tilespmem:v5+s22+$0x0] =	vst.idx.msk $0xffff, v4  }
0x195: {  	v4 =	vld.idx.msk [tilespmem:v6+s22+$0x0], $0xffff;
	_ =	sdelay $0x3  }
0x196: {  	v5 =	vor.u32 $0x19, v2;
	_ =	sdelay $0x1  }
0x197: {  	v4 =	vmul.f32 v4, v3;
	_ =	sdelay $0x1  }
0x198: {  	[tilespmem:v6+s22+$0x0] =	vst.idx.msk $0xffff, v4  }
0x199: {  	v4 =	vld.idx.msk [tilespmem:v5+s22+$0x0], $0xffff;
	_ =	sdelay $0x3  }
0x19a: {  	v6 =	vor.u32 $0x1A, v2;
	_ =	sdelay $0x1  }
0x19b: {  	v4 =	vmul.f32 v4, v3;
	_ =	sdelay $0x1  }
0x19c: {  	[tilespmem:v5+s22+$0x0] =	vst.idx.msk $0xffff, v4  }
0x19d: {  	v4 =	vld.idx.msk [tilespmem:v6+s22+$0x0], $0xffff;
	_ =	sdelay $0x3  }
0x19e: {  	v5 =	vor.u32 $0x1B, v2;
	_ =	sdelay $0x1  }
0x19f: {  	v4 =	vmul.f32 v4, v3;
	_ =	sdelay $0x1  }
0x1a0: {  	[tilespmem:v6+s22+$0x0] =	vst.idx.msk $0xffff, v4  }
0x1a1: {  	v4 =	vld.idx.msk [tilespmem:v5+s22+$0x0], $0xffff;
	_ =	sdelay $0x3  }
0x1a2: {  	v6 =	vor.u32 $0x1C, v2;
	_ =	sdelay $0x1  }
0x1a3: {  	v4 =	vmul.f32 v4, v3;
	_ =	sdelay $0x1  }
0x1a4: {  	[tilespmem:v5+s22+$0x0] =	vst.idx.msk $0xffff, v4  }
0x1a5: {  	v4 =	vld.idx.msk [tilespmem:v6+s22+$0x0], $0xffff;
	_ =	sdelay $0x3  }
0x1a6: {  	v5 =	vor.u32 $0x1D, v2;
	_ =	sdelay $0x1  }
0x1a7: {  	v4 =	vmul.f32 v4, v3;
	_ =	sdelay $0x1  }
0x1a8: {  	[tilespmem:v6+s22+$0x0] =	vst.idx.msk $0xffff, v4  }
0x1a9: {  	v4 =	vld.idx.msk [tilespmem:v5+s22+$0x0], $0xffff;
	_ =	sdelay $0x3  }
0x1aa: {  	v6 =	vor.u32 $0x1E, v2;
	_ =	sdelay $0x1  }
0x1ab: {  	v4 =	vmul.f32 v4, v3;
	_ =	sdelay $0x1  }
0x1ac: {  	[tilespmem:v5+s22+$0x0] =	vst.idx.msk $0xffff, v4  }
0x1ad: {  	v5 =	vld.idx.msk [tilespmem:v6+s22+$0x0], $0xffff;
	_ =	sdelay $0x3  }
0x1ae: {  	v4 =	vor.u32 $0x1F, v2;
	_ =	sdelay $0x1  }
0x1af: {  	v2 =	vmul.f32 v5, v3;
	_ =	sdelay $0x1  }
0x1b0: {  	[tilespmem:v6+s22+$0x0] =	vst.idx.msk $0xffff, v2  }
0x1b1: {  	v5 =	vld.idx.msk [tilespmem:v4+s22+$0x0], $0xffff;
	_ =	sdelay $0x1  }
.Ltmp4:
0x1b2: {  	v2 =	vmov s11;
	(pc) =	sbr.rel @p2 .LBB2_9-.Ltmp4, $3  }
0x1b3: {  	v2 =	vshll.u32 v2, $0x5  }
0x1b4: {  	v2 =	vor.u32 v1, v2;
	_ =	sdelay $0x1  }
0x1b5: {  	v3 =	vmul.f32 v5, v3  }
0x1b6: {  	_ =	sdelay $0x3  }
0x1b7: {  	[tilespmem:v4+s22+$0x0] =	vst.idx.msk $0xffff, v3  }
0x1b8: {  	s10 =	sadd.s32 $0x10, s16;
	v3 =	vld.idx.msk [tilespmem:v2+s22+$0x0], $0xffff  }
0x1b9: {  	v4 =	vld [tilespmem:s10+$0x0];
	_ =	sdelay $0x2  }
0x1ba: {  	v5 =	vor.u32 $0x1, v2;
	_ =	sdelay $0x1  }
0x1bb: {  	v3 =	vmul.f32 v3, v4;
	_ =	sdelay $0x1  }
0x1bc: {  	[tilespmem:v2+s22+$0x0] =	vst.idx.msk $0xffff, v3  }
0x1bd: {  	v3 =	vld.idx.msk [tilespmem:v5+s22+$0x0], $0xffff;
	_ =	sdelay $0x2  }
0x1be: {  	v6 =	vor.u32 $0x2, v2;
	_ =	sdelay $0x1  }
0x1bf: {  	v3 =	vmul.f32 v3, v4;
	_ =	sdelay $0x1  }
0x1c0: {  	[tilespmem:v5+s22+$0x0] =	vst.idx.msk $0xffff, v3  }
0x1c1: {  	v3 =	vld.idx.msk [tilespmem:v6+s22+$0x0], $0xffff;
	_ =	sdelay $0x2  }
0x1c2: {  	v36 =	vor.u32 $0x3, v2;
	_ =	sdelay $0x1  }
0x1c3: {  	v3 =	vmul.f32 v3, v4;
	_ =	sdelay $0x1  }
0x1c4: {  	[tilespmem:v6+s22+$0x0] =	vst.idx.msk $0xffff, v3  }
0x1c5: {  	v3 =	vld.idx.msk [tilespmem:v36+s22+$0x0], $0xffff;
	_ =	sdelay $0x2  }
0x1c6: {  	v37 =	vor.u32 $0x4, v2;
	_ =	sdelay $0x1  }
0x1c7: {  	v3 =	vmul.f32 v3, v4;
	_ =	sdelay $0x1  }
0x1c8: {  	[tilespmem:v36+s22+$0x0] =	vst.idx.msk $0xffff, v3  }
0x1c9: {  	v3 =	vld.idx.msk [tilespmem:v37+s22+$0x0], $0xffff;
	_ =	sdelay $0x2  }
0x1ca: {  	v38 =	vor.u32 $0x5, v2;
	_ =	sdelay $0x1  }
0x1cb: {  	v3 =	vmul.f32 v3, v4;
	_ =	sdelay $0x1  }
0x1cc: {  	[tilespmem:v37+s22+$0x0] =	vst.idx.msk $0xffff, v3  }
0x1cd: {  	v3 =	vld.idx.msk [tilespmem:v38+s22+$0x0], $0xffff;
	_ =	sdelay $0x2  }
0x1ce: {  	v39 =	vor.u32 $0x6, v2;
	_ =	sdelay $0x1  }
0x1cf: {  	v3 =	vmul.f32 v3, v4;
	_ =	sdelay $0x1  }
0x1d0: {  	[tilespmem:v38+s22+$0x0] =	vst.idx.msk $0xffff, v3  }
0x1d1: {  	v3 =	vld.idx.msk [tilespmem:v39+s22+$0x0], $0xffff;
	_ =	sdelay $0x2  }
0x1d2: {  	v40 =	vor.u32 $0x7, v2;
	_ =	sdelay $0x1  }
0x1d3: {  	v3 =	vmul.f32 v3, v4;
	_ =	sdelay $0x1  }
0x1d4: {  	[tilespmem:v39+s22+$0x0] =	vst.idx.msk $0xffff, v3  }
0x1d5: {  	v3 =	vld.idx.msk [tilespmem:v40+s22+$0x0], $0xffff;
	_ =	sdelay $0x2  }
0x1d6: {  	v41 =	vor.u32 $0x8, v2;
	_ =	sdelay $0x1  }
0x1d7: {  	v3 =	vmul.f32 v3, v4;
	_ =	sdelay $0x1  }
0x1d8: {  	[tilespmem:v40+s22+$0x0] =	vst.idx.msk $0xffff, v3  }
0x1d9: {  	v3 =	vld.idx.msk [tilespmem:v41+s22+$0x0], $0xffff;
	_ =	sdelay $0x2  }
0x1da: {  	v42 =	vor.u32 $0x9, v2;
	_ =	sdelay $0x1  }
0x1db: {  	v3 =	vmul.f32 v3, v4;
	_ =	sdelay $0x1  }
0x1dc: {  	[tilespmem:v41+s22+$0x0] =	vst.idx.msk $0xffff, v3  }
0x1dd: {  	v3 =	vld.idx.msk [tilespmem:v42+s22+$0x0], $0xffff;
	_ =	sdelay $0x2  }
0x1de: {  	v43 =	vor.u32 $0xA, v2;
	_ =	sdelay $0x1  }
0x1df: {  	v3 =	vmul.f32 v3, v4;
	_ =	sdelay $0x1  }
0x1e0: {  	[tilespmem:v42+s22+$0x0] =	vst.idx.msk $0xffff, v3  }
0x1e1: {  	v3 =	vld.idx.msk [tilespmem:v43+s22+$0x0], $0xffff;
	_ =	sdelay $0x2  }
0x1e2: {  	v44 =	vor.u32 $0xB, v2;
	_ =	sdelay $0x1  }
0x1e3: {  	v3 =	vmul.f32 v3, v4;
	_ =	sdelay $0x1  }
0x1e4: {  	[tilespmem:v43+s22+$0x0] =	vst.idx.msk $0xffff, v3  }
0x1e5: {  	v3 =	vld.idx.msk [tilespmem:v44+s22+$0x0], $0xffff;
	_ =	sdelay $0x2  }
0x1e6: {  	v45 =	vor.u32 $0xC, v2;
	_ =	sdelay $0x1  }
0x1e7: {  	v3 =	vmul.f32 v3, v4;
	_ =	sdelay $0x1  }
0x1e8: {  	[tilespmem:v44+s22+$0x0] =	vst.idx.msk $0xffff, v3  }
0x1e9: {  	v3 =	vld.idx.msk [tilespmem:v45+s22+$0x0], $0xffff;
	_ =	sdelay $0x2  }
0x1ea: {  	v46 =	vor.u32 $0xD, v2;
	_ =	sdelay $0x1  }
0x1eb: {  	v3 =	vmul.f32 v3, v4;
	_ =	sdelay $0x1  }
0x1ec: {  	[tilespmem:v45+s22+$0x0] =	vst.idx.msk $0xffff, v3  }
0x1ed: {  	v3 =	vld.idx.msk [tilespmem:v46+s22+$0x0], $0xffff;
	_ =	sdelay $0x2  }
0x1ee: {  	v47 =	vor.u32 $0xE, v2;
	_ =	sdelay $0x1  }
0x1ef: {  	v3 =	vmul.f32 v3, v4;
	_ =	sdelay $0x1  }
0x1f0: {  	[tilespmem:v46+s22+$0x0] =	vst.idx.msk $0xffff, v3  }
0x1f1: {  	v3 =	vld.idx.msk [tilespmem:v47+s22+$0x0], $0xffff;
	_ =	sdelay $0x2  }
0x1f2: {  	v48 =	vor.u32 $0xF, v2;
	_ =	sdelay $0x1  }
0x1f3: {  	v3 =	vmul.f32 v3, v4;
	_ =	sdelay $0x1  }
0x1f4: {  	[tilespmem:v47+s22+$0x0] =	vst.idx.msk $0xffff, v3  }
0x1f5: {  	v3 =	vld.idx.msk [tilespmem:v48+s22+$0x0], $0xffff;
	_ =	sdelay $0x2  }
0x1f6: {  	v49 =	vor.u32 $0x10, v2;
	_ =	sdelay $0x1  }
0x1f7: {  	v3 =	vmul.f32 v3, v4;
	_ =	sdelay $0x1  }
0x1f8: {  	[tilespmem:v48+s22+$0x0] =	vst.idx.msk $0xffff, v3  }
0x1f9: {  	v3 =	vld.idx.msk [tilespmem:v49+s22+$0x0], $0xffff;
	_ =	sdelay $0x2  }
0x1fa: {  	v50 =	vor.u32 $0x11, v2;
	_ =	sdelay $0x1  }
0x1fb: {  	v3 =	vmul.f32 v3, v4;
	_ =	sdelay $0x1  }
0x1fc: {  	[tilespmem:v49+s22+$0x0] =	vst.idx.msk $0xffff, v3  }
0x1fd: {  	v3 =	vld.idx.msk [tilespmem:v50+s22+$0x0], $0xffff;
	_ =	sdelay $0x2  }
0x1fe: {  	v51 =	vor.u32 $0x12, v2;
	_ =	sdelay $0x1  }
0x1ff: {  	v3 =	vmul.f32 v3, v4;
	_ =	sdelay $0x1  }
0x200: {  	[tilespmem:v50+s22+$0x0] =	vst.idx.msk $0xffff, v3  }
0x201: {  	v3 =	vld.idx.msk [tilespmem:v51+s22+$0x0], $0xffff;
	_ =	sdelay $0x2  }
0x202: {  	v52 =	vor.u32 $0x13, v2;
	_ =	sdelay $0x1  }
0x203: {  	v3 =	vmul.f32 v3, v4;
	_ =	sdelay $0x1  }
0x204: {  	[tilespmem:v51+s22+$0x0] =	vst.idx.msk $0xffff, v3  }
0x205: {  	v3 =	vld.idx.msk [tilespmem:v52+s22+$0x0], $0xffff;
	_ =	sdelay $0x2  }
0x206: {  	v53 =	vor.u32 $0x14, v2;
	_ =	sdelay $0x1  }
0x207: {  	v3 =	vmul.f32 v3, v4;
	_ =	sdelay $0x1  }
0x208: {  	[tilespmem:v52+s22+$0x0] =	vst.idx.msk $0xffff, v3  }
0x209: {  	v3 =	vld.idx.msk [tilespmem:v53+s22+$0x0], $0xffff;
	_ =	sdelay $0x2  }
0x20a: {  	v54 =	vor.u32 $0x15, v2;
	_ =	sdelay $0x1  }
0x20b: {  	v3 =	vmul.f32 v3, v4;
	_ =	sdelay $0x1  }
0x20c: {  	[tilespmem:v53+s22+$0x0] =	vst.idx.msk $0xffff, v3  }
0x20d: {  	v3 =	vld.idx.msk [tilespmem:v54+s22+$0x0], $0xffff;
	_ =	sdelay $0x2  }
0x20e: {  	v55 =	vor.u32 $0x16, v2;
	_ =	sdelay $0x1  }
0x20f: {  	v3 =	vmul.f32 v3, v4;
	_ =	sdelay $0x1  }
0x210: {  	[tilespmem:v54+s22+$0x0] =	vst.idx.msk $0xffff, v3  }
0x211: {  	v3 =	vld.idx.msk [tilespmem:v55+s22+$0x0], $0xffff;
	_ =	sdelay $0x2  }
0x212: {  	v56 =	vor.u32 $0x17, v2;
	_ =	sdelay $0x1  }
0x213: {  	v3 =	vmul.f32 v3, v4;
	_ =	sdelay $0x1  }
0x214: {  	[tilespmem:v55+s22+$0x0] =	vst.idx.msk $0xffff, v3  }
0x215: {  	v3 =	vld.idx.msk [tilespmem:v56+s22+$0x0], $0xffff;
	_ =	sdelay $0x2  }
0x216: {  	v57 =	vor.u32 $0x18, v2;
	_ =	sdelay $0x1  }
0x217: {  	v3 =	vmul.f32 v3, v4;
	_ =	sdelay $0x1  }
0x218: {  	[tilespmem:v56+s22+$0x0] =	vst.idx.msk $0xffff, v3  }
0x219: {  	v3 =	vld.idx.msk [tilespmem:v57+s22+$0x0], $0xffff;
	_ =	sdelay $0x2  }
0x21a: {  	v58 =	vor.u32 $0x19, v2;
	_ =	sdelay $0x1  }
0x21b: {  	v3 =	vmul.f32 v3, v4;
	_ =	sdelay $0x1  }
0x21c: {  	[tilespmem:v57+s22+$0x0] =	vst.idx.msk $0xffff, v3  }
0x21d: {  	v3 =	vld.idx.msk [tilespmem:v58+s22+$0x0], $0xffff;
	_ =	sdelay $0x2  }
0x21e: {  	v59 =	vor.u32 $0x1A, v2;
	_ =	sdelay $0x1  }
0x21f: {  	v3 =	vmul.f32 v3, v4;
	_ =	sdelay $0x1  }
0x220: {  	[tilespmem:v58+s22+$0x0] =	vst.idx.msk $0xffff, v3  }
0x221: {  	v3 =	vld.idx.msk [tilespmem:v59+s22+$0x0], $0xffff;
	_ =	sdelay $0x2  }
0x222: {  	v60 =	vor.u32 $0x1B, v2;
	_ =	sdelay $0x1  }
0x223: {  	v3 =	vmul.f32 v3, v4;
	_ =	sdelay $0x1  }
0x224: {  	[tilespmem:v59+s22+$0x0] =	vst.idx.msk $0xffff, v3  }
0x225: {  	v3 =	vld.idx.msk [tilespmem:v60+s22+$0x0], $0xffff;
	_ =	sdelay $0x2  }
0x226: {  	v61 =	vor.u32 $0x1C, v2;
	_ =	sdelay $0x1  }
0x227: {  	v3 =	vmul.f32 v3, v4;
	_ =	sdelay $0x1  }
0x228: {  	[tilespmem:v60+s22+$0x0] =	vst.idx.msk $0xffff, v3  }
0x229: {  	v3 =	vld.idx.msk [tilespmem:v61+s22+$0x0], $0xffff;
	_ =	sdelay $0x2  }
0x22a: {  	v62 =	vor.u32 $0x1D, v2;
	_ =	sdelay $0x1  }
0x22b: {  	v3 =	vmul.f32 v3, v4;
	_ =	sdelay $0x1  }
0x22c: {  	[tilespmem:v61+s22+$0x0] =	vst.idx.msk $0xffff, v3  }
0x22d: {  	v3 =	vld.idx.msk [tilespmem:v62+s22+$0x0], $0xffff;
	_ =	sdelay $0x2  }
0x22e: {  	v63 =	vor.u32 $0x1E, v2;
	_ =	sdelay $0x1  }
0x22f: {  	v3 =	vmul.f32 v3, v4;
	_ =	sdelay $0x1  }
0x230: {  	[tilespmem:v62+s22+$0x0] =	vst.idx.msk $0xffff, v3  }
0x231: {  	v3 =	vld.idx.msk [tilespmem:v63+s22+$0x0], $0xffff;
	_ =	sdelay $0x2  }
0x232: {  	v2 =	vor.u32 $0x1F, v2;
	_ =	sdelay $0x1  }
0x233: {  	v3 =	vmul.f32 v3, v4;
	_ =	sdelay $0x1  }
0x234: {  	[tilespmem:v63+s22+$0x0] =	vst.idx.msk $0xffff, v3  }
0x235: {  	v3 =	vld.idx.msk [tilespmem:v2+s22+$0x0], $0xffff;
	_ =	sdelay $0x4  }
0x236: {  	v3 =	vmul.f32 v3, v4;
	_ =	sdelay $0x1  }
0x237: {  	[tilespmem:v2+s22+$0x0] =	vst.idx.msk $0xffff, v3  }
0x238: {  	[spmem:s3] =	stream.indirect.scatter.add.f32 [tilespmem:s24], [sflag:$0x1], $0x1, s26, s30, $0xb8;
	[tilespmem:$0x1F1D8] =	vst v63  }
0x239: {  	_ = 	snop  }
0x23a: {  	[spmem:s2] =	stream.indirect.scatter.add.f32 [tilespmem:s22], [sflag:$0x2], $0x20, s26, s30, $0xb8;
	[tilespmem:$0x1F1D8] =	vst v63  }
0x23b: {  	p2 =	sne.s32 s14, s15;
	_ =	swait.ge [sflag:s29], $0x280  }
.Ltmp5:
0x23c: {  	[sflag:s29] =	ssyncset.done $0x0;
	(pc) =	sbr.rel @p2 .LBB2_6-.Ltmp5, $4  }
0x23d: {  	[sflag:s29] =	ssyncadd.s32 $0xFFFFFD80  }
0x23e: {  	_ =	swait.ge [sflag:s8], $0x5000  }
0x23f: {  	s21 =	sadd.s32 $0x1, s14;
	[sflag:s8] =	ssyncset.done $0x0  }
0x240: {  	s14 =	smov.u32 s21;
	[sflag:s8] =	ssyncadd.s32 $0xFFFFB000  }
.Ltmp6:
0x241: {  	(pc) =	sbr.rel @!p1 .LBB2_12-.Ltmp6, $4  }
0x242: {  	[bflag:$0x0] =	sbarrier.arrive $0xFFFF  }
0x243: {  	s21 =	stileid.u32;
	s14 =	rddreg [dreg:$0xb]  }
0x244: {  	p2 =	por $0x0, $0x0;
	s10 =	rddreg [dreg:$0xa];
	s12 =	sshrl.u32 s14, $0x3  }
0x245: {  	s11 =	sadd.s32 $0xFFFFFFFF, s10;
	s10 =	sshll.u32 s21, $0x6;
	s21 =	sadd.s32 $0x50000, s14  }
0x246: {  	s14 =	sor.u32 $0x1C03, s10;
	s17 =	rddreg [dreg:$0xd];
	p1 =	sne.s32 s11, $0x1  }
0x247: {  	[hbm:s17], [sflag:s14] =	dma.local [spmem:s12], $0xA00  }
0x248: {  	s20 =	sadd.s32 $0xFFFFFFFF, s11;
	s16 =	sshrl.u32 s19, $0x3;
	_ =	swait.ge [sflag:s23], $0xA00  }
.Ltmp7:
0x249: {  	p2 =	por $0x1, $0x1;
	[sflag:s23] =	ssyncset.done $0x0;
	(pc) =	sbr.rel @!p1 .LBB2_15-.Ltmp7, $4  }
0x24a: {  	s12 =	sshrl.u32 s21, $0x3;
	s18 =	rddreg [dreg:$0xc];
	[sflag:s23] =	ssyncadd.s32 $0xFFFFF600  }
0x24b: {  	[hbm:s18], [sflag:s14] =	dma.local [spmem:s16], $0x50  }
0x24c: {  	s11 =	sadd.s32 $0xA000, s17;
	s21 =	sadd.s32 $0x50000, s21;
	_ =	swait.ge [sflag:s23], $0x50  }
0x24d: {  	s14 =	sadd.s32 $0x2800, s19;
	s16 =	sadd.s32 $0x500, s18;
	[sflag:s23] =	ssyncset.done $0x0  }
.LBB2_14:
0x24e: {  	s17 =	sshrl.u32 s21, $0x3;
	s18 =	sor.u32 $0x1C03, s10;
	[sflag:s23] =	ssyncadd.s32 $0xFFFFFFB0  }
0x24f: {  	[hbm:s11], [sflag:s18] =	dma.local [spmem:s12], $0xA00  }
0x250: {  	p1 =	sne.s32 s20, $0x1;
	s20 =	sadd.s32 $0xFFFFFFFF, s20;
	_ =	swait.ge [sflag:s23], $0xA00  }
.Ltmp8:
0x251: {  	s12 =	smov.u32 s17;
	[sflag:s23] =	ssyncset.done $0x0;
	(pc) =	sbr.rel @p1 .LBB2_14-.Ltmp8, $4  }
0x252: {  	s17 =	sshrl.u32 s14, $0x3;
	s11 =	sadd.s32 $0xA000, s11;
	[sflag:s23] =	ssyncadd.s32 $0xFFFFF600  }
0x253: {  	[hbm:s16], [sflag:s18] =	dma.local [spmem:s17], $0x50  }
0x254: {  	s14 =	sadd.s32 $0x2800, s14;
	s16 =	sadd.s32 $0x500, s16;
	_ =	swait.ge [sflag:s23], $0x50  }
0x255: {  	s21 =	sadd.s32 $0x50000, s21;
	[sflag:s23] =	ssyncset.done $0x0  }
.LBB2_15:
0x256: {  	s10 =	sor.u32 $0x1C03, s10;
	[sflag:s23] =	ssyncadd.s32 @p2 $0xFFFFFFB0  }
0x257: {  	[hbm:s11], [sflag:s10] =	dma.local [spmem:s12], $0xA00  }
0x258: {  	_ =	swait.ge [sflag:s23], $0xA00  }
0x259: {  	[sflag:s23] =	ssyncset.done $0x0  }
0x25a: {  	s17 =	sshrl.u32 s14, $0x3;
	[sflag:s23] =	ssyncadd.s32 $0xFFFFF600  }
0x25b: {  	[hbm:s16], [sflag:s10] =	dma.local [spmem:s17], $0x50  }
0x25c: {  	_ =	swait.ge [sflag:s23], $0x50  }
0x25d: {  	s11 =	simm.s32 @!p0 $0x1C43;
	[sflag:s23] =	ssyncset.done $0x0;
	s20 =	rddreg [dreg:$0x5]  }
0x25e: {  	s12 =	rddreg [dreg:$0x7];
	[sflag:s23] =	ssyncadd.s32 $0xFFFFFFB0;
	s10 =	sshrl.u32 @!p0 s20, $0x3  }
0x25f: {  	[hbm:s12], [sflag:s11] =	dma.local @!p0 [spmem:s10], $0x140  }
0x260: {  	s10 =	simm.s32 @!p0 $0x3  }
0x261: {  	_ =	swait.ge @!p0 [sflag:s10], $0x140  }
0x262: {  	[sflag:s10] =	ssyncset.done @!p0 $0x0;
	s21 =	rddreg [dreg:$0x6]  }
0x263: {  	s14 =	rddreg [dreg:$0x8];
	[sflag:s10] =	ssyncadd.s32 @!p0 $0xFFFFFEC0;
	s12 =	sshrl.u32 @!p0 s21, $0x3  }
0x264: {  	[hbm:s14], [sflag:s11] =	dma.local @!p0 [spmem:s12], $0xA  }
0x265: {  	_ =	swait.ge @!p0 [sflag:s10], $0xA  }
0x266: {  	s4 =	sadd.s32 $0x1, s4;
	s18 =	rddreg [dreg:$0x9]  }
0x267: {  	p1 =	sne.s32 s4, s18  }
.Ltmp9:
0x268: {  	_ = 	snop;
	(pc) =	sbr.rel @p1 .LBB2_1-.Ltmp9, $4  }
.Ltmp10:
0x269: {  	_ = 	snop;
	(pc) =	sbr.rel @!p1 .LBB2_16-.Ltmp10, $4  }
0x26a: {  	_ = 	snop  }
0x26b: {  	[sflag:s10] =	ssyncset.done @!p0 $0x0  }
0x26c: {  	[sflag:s10] =	ssyncadd.s32 @!p0 $0xFFFFFFF6  }
0x26d: {  	_ = 	snop  }
.LBB2_12:
.Ltmp11:
0x26e: {  	(pc) =	sbr.rel .LBB2_15-.Ltmp11, $3  }
0x26f: {  	_ =	sdelay $0x1  }
0x270: {  	s11 =	rddreg [dreg:$0xd]  }
0x271: {  	s14 =	smov.u32 s19;
	s16 =	rddreg [dreg:$0xc]  }
.LBB2_16:
0x272: {  	_ =	sfence.sel $0x180000  }
0x273: {  	[bflag:$0x0] =	sbarrier.arrive $0xFFFF  }
0x274: {  	_ =	strace $0x9000004D  }
0x275: {  	s0 =	stileid.u32;
	[bflag:$0x2] =	sbarrier.arrive $0xFFFF  }
0x276: {  	p0 =	sne.s32 s0, $0x0;
	s0 =	rddreg [dreg:$0x4]  }
0x277: {  	s0 =	sadd.s32 @!p0 $0x100000, s0  }
0x278: {  	[sflag:s0] =	ssyncadd.tile.s32 @!p0 $0x1;
	_ =	shalt  }
.Lfunc_end2:
_tile_overlayer_lowered:
.L_overlay_start_2:
0x279: {  	(tag) =	ssettag $0x2  }
0x27a: {  	s0 =	rddreg [dreg:$0x0];
	s2 =	stileid.u32  }
0x27b: {  	s1 =	rddreg [dreg:$0x1];
	p0 =	sne.s32 s2, $0x0  }
0x27c: {  	s3 =	rddreg [dreg:$0x2];
	[bflag:$0x3] =	sbarrier.arrive $0xFFFF;
	s2 =	simm.s32 @!p0 $0x1C03  }
0x27d: {  	[timem:s3], [sflag:s2] =	dma.local @!p0 [hbm:s0], s1  }
0x27e: {  	s0 =	simm.s32 @!p0 $0x3  }
0x27f: {  	_ =	swait.ge @!p0 [sflag:s0], s1  }
0x280: {  	s1 =	ssub.s32 @!p0 $0x0, s1;
	[sflag:s0] =	ssyncset.done @!p0 $0x0  }
0x281: {  	[sflag:s0] =	ssyncadd.s32 @!p0 s1  }
0x282: {  	[bflag:$0x3] =	sbarrier.arrive $0xFFFF  }
0x283: {  	_ =	shalt  }

</sc_bundles>
